<compile_context>
chip_gen: v7x
topology: tpu7x:2x2x1
jax: 0.10.2.dev20260603
libtpu: 0.0.44.dev20260713+nightly
codegen_flags: <defaults>
</compile_context>

<pallas_src>
import functools
import math

import jax
import jax.numpy as jnp
from jax import lax
from jax.experimental import pallas as pl
from jax.experimental.pallas import tpu as pltpu
from jax.experimental.pallas import tpu_sc as plsc

_V = 100000
_N = 1024
_SMOOTH = 0.1
_CONF = 1.0 - _SMOOTH
_S = _SMOOTH / (_V - 2)
_W = _V - 100
_SLOGS = _S * math.log(_S)
_K0 = (_V - 2) * _SLOGS + _CONF * math.log(_CONF)

_RSC = 256
_NW = 32
_RPW = _RSC // _NW
_L = 16
_NACC = 8

_VA = 99968
_CC = 3072
_NCC = 32
_CR = _VA - _NCC * _CC
_BAND = 8
_NBAND = _RPW // _BAND

_WIN = _W - _NCC * _CC
_WBLK = (_WIN // _L) * _L
_WLANE = _WIN - _WBLK
assert 0 <= _WIN < _CR

_BR = 8
_KB = 8
_RTC = _N - _RSC
_NC = _RTC // _BR


@functools.partial(
    pl.kernel,
    mesh=plsc.VectorSubcoreMesh(core_axis_name="c", subcore_axis_name="s"),
    out_type=jax.ShapeDtypeStruct((2 * _NW, _L), jnp.float32),
    scratch_types=[
        pltpu.VMEM((2, _BAND, _CC), jnp.float32),
        pltpu.VMEM((_BAND, _CR), jnp.float32),
        pltpu.VMEM((_L,), jnp.float32),
        pltpu.SemaphoreType.DMA,
        pltpu.SemaphoreType.DMA,
        pltpu.SemaphoreType.DMA,
    ],
)
def _sc_stream_sum(x_hbm, out_hbm, buf, rbuf, part_v, sem0, sem1, sem2):
    wid = lax.axis_index("s") * 2 + lax.axis_index("c")
    base = wid * _RPW
    lane = lax.iota(jnp.int32, _L)
    wmask = lane == _WLANE

    def start(band, cc, b, sem):
        row0 = pl.multiple_of(base + band * _BAND, 8)
        col0 = pl.multiple_of(cc * _CC, 128)
        pltpu.async_copy(
            x_hbm.at[pl.ds(row0, _BAND), pl.ds(col0, _CC)],
            buf.at[b],
            sem,
        ).start()

    def wait(b, sem):
        pltpu.async_copy(
            x_hbm.at[pl.ds(base, _BAND), pl.ds(0, _CC)], buf.at[b], sem
        ).wait()

    def accum(load, nv, accs):
        def row_body(r, accs):
            accs = list(accs)
            for o in range(nv):
                accs[o % _NACC] = accs[o % _NACC] + load(r, o)
            return tuple(accs)

        return lax.fori_loop(0, _BAND, row_body, tuple(accs))

    def band_body(band, carry):
        accs, cw = carry[:_NACC], carry[_NACC]
        start(band, 0, 0, sem0)
        row0 = pl.multiple_of(base + band * _BAND, 8)
        rem_cp = pltpu.async_copy(
            x_hbm.at[pl.ds(row0, _BAND), pl.ds(_NCC * _CC, _CR)], rbuf, sem2
        )
        rem_cp.start()

        def load0(r, o):
            return buf[0, r, pl.ds(o * _L, _L)]

        def load1(r, o):
            return buf[1, r, pl.ds(o * _L, _L)]

        def loadr(r, o):
            return rbuf[r, pl.ds(o * _L, _L)]

        def pair_body(p, accs):
            start(band, 2 * p + 1, 1, sem1)
            wait(0, sem0)
            accs = accum(load0, _CC // _L, accs)

            @pl.when(2 * p + 2 < _NCC)
            def _():
                start(band, 2 * p + 2, 0, sem0)

            wait(1, sem1)
            accs = accum(load1, _CC // _L, accs)
            return accs

        accs = lax.fori_loop(0, _NCC // 2, pair_body, tuple(accs))
        rem_cp.wait()
        accs = accum(loadr, _CR // _L, accs)

        def w_body(r, cw):
            return cw + jnp.where(wmask, rbuf[r, pl.ds(_WBLK, _L)], 0.0)

        cw = lax.fori_loop(0, _BAND, w_body, cw)
        return accs + (cw,)

    z = jnp.zeros((_L,), jnp.float32)
    carry = lax.fori_loop(0, _NBAND, band_body, (z,) * (_NACC + 1))
    acc = carry[0]
    for a in carry[1:_NACC]:
        acc = acc + a
    part_v[...] = acc
    pltpu.sync_copy(part_v, out_hbm.at[wid])
    part_v[...] = carry[_NACC]
    pltpu.sync_copy(part_v, out_hbm.at[_NW + wid])


def _tc_body(x_hbm, t2_ref, w2_ref, m_ref, ms_ref, ast_ref, rbk_ref,
             o_ref, buf, gbuf, sbuf, sems, gsem, ssem):
    strip_cp = pltpu.make_async_copy(
        x_hbm.at[pl.ds(0, _RSC), pl.ds(_VA, _V - _VA)], sbuf, ssem
    )
    strip_cp.start()

    def gloop(i, _):
        rb = pl.multiple_of(rbk_ref[i], 8)
        ast = pl.multiple_of(ast_ref[i], 128)
        pltpu.make_async_copy(
            x_hbm.at[pl.ds(rb, 8), pl.ds(ast, 128)],
            gbuf.at[pl.ds(i * 8, 8)],
            gsem,
        ).start()
        return 0

    lax.fori_loop(0, _RSC, gloop, 0)

    def copy(c, k):
        return pltpu.make_async_copy(
            x_hbm.at[pl.ds(_RSC + c * _BR, _BR)],
            buf.at[pl.ds(pl.multiple_of(k * _BR, 8), _BR)],
            sems.at[k],
        )

    for k in range(_KB):
        copy(k, k).start()

    def step(c, carry):
        tot, colw, ws = carry
        k = lax.rem(c, _KB)
        copy(c, k).wait()
        x = buf[pl.ds(pl.multiple_of(k * _BR, 8), _BR), :]
        tot += jnp.sum(x)
        colw += jnp.sum(x[:, _W])
        row0 = pl.multiple_of(_RSC + c * _BR, 8)
        t_blk = t2_ref[pl.ds(row0, _BR), :]
        w_blk = w2_ref[pl.ds(row0, _BR), :]
        col = lax.broadcasted_iota(jnp.int32, x.shape, 1)
        rowsel = jnp.sum(
            jnp.where(col == t_blk, x, 0.0), axis=1, keepdims=True
        )
        ws += jnp.sum(rowsel * w_blk)

        @pl.when(c + _KB < _NC)
        def _():
            copy(c + _KB, k).start()

        return tot, colw, ws

    z = jnp.float32(0.0)
    tot, colw, ws = lax.fori_loop(0, _NC, step, (z, z, z))

    pltpu.make_async_copy(
        x_hbm.at[pl.ds(0, _RSC * 8), pl.ds(0, 128)], gbuf, gsem
    ).wait()
    ws += jnp.sum(gbuf[...] * m_ref[...])

    strip_cp.wait()
    sb = sbuf[...]
    tot += jnp.sum(sb)
    ws += jnp.sum(sb * ms_ref[...])

    cnt = jnp.sum(jnp.where(t2_ref[...] == _W, 1.0, 0.0))
    o_ref[0, 0] = tot
    o_ref[0, 1] = colw
    o_ref[0, 2] = ws
    o_ref[0, 3] = cnt


def kernel(output, target):
    t = target
    t2 = t.reshape(_N, 1)
    w2 = (_S - _CONF) - _S * (t2 == _W).astype(jnp.float32)

    idx = jnp.arange(_RSC, dtype=jnp.int32)
    tsc = t[:_RSC]
    wsc = w2[:_RSC, 0]
    in_main = tsc < _VA
    astart = jnp.where(in_main, (tsc // 128) * 128, _VA - 128)
    rowblk = (idx // 8) * 8
    grow = 8 * idx + (idx % 8)
    gcol = tsc - astart
    m = jnp.zeros((_RSC * 8, 128), jnp.float32)
    m = m.at[grow, gcol].set(jnp.where(in_main, wsc, 0.0))
    scol = jnp.clip(tsc - _VA, 0, _V - _VA - 1)
    ms = jnp.zeros((_RSC, _V - _VA), jnp.float32)
    ms = ms.at[idx, scol].set(jnp.where(in_main, 0.0, wsc))

    o = pl.pallas_call(
        _tc_body,
        in_specs=[
            pl.BlockSpec(memory_space=pl.ANY),
            pl.BlockSpec(memory_space=pltpu.VMEM),
            pl.BlockSpec(memory_space=pltpu.VMEM),
            pl.BlockSpec(memory_space=pltpu.VMEM),
            pl.BlockSpec(memory_space=pltpu.VMEM),
            pl.BlockSpec(memory_space=pltpu.SMEM),
            pl.BlockSpec(memory_space=pltpu.SMEM),
        ],
        out_specs=pl.BlockSpec(memory_space=pltpu.SMEM),
        out_shape=jax.ShapeDtypeStruct((1, 8), jnp.float32),
        scratch_shapes=[
            pltpu.VMEM((_KB * _BR, _V), jnp.float32),
            pltpu.VMEM((_RSC * 8, 128), jnp.float32),
            pltpu.VMEM((_RSC, _V - _VA), jnp.float32),
            pltpu.SemaphoreType.DMA((_KB,)),
            pltpu.SemaphoreType.DMA,
            pltpu.SemaphoreType.DMA,
        ],
    )(output, t2, w2, m, ms, astart, rowblk)

    parts = _sc_stream_sum(output)

    tot = o[0, 0] + jnp.sum(parts[:_NW])
    colw = o[0, 1] + jnp.sum(parts[_NW:, _WLANE])
    return _N * _K0 + o[0, 3] * _SLOGS - _S * tot + _S * colw + o[0, 2]

# --- scband reference (transcript-rebuilt; emitter-appended) ---
"""Pipeline reference for scband-label-smoothing-loss-75402445849096 (READ-ONLY COPY).

The authoritative reference and input builder live on the scoring server;
editing this copy changes nothing except your own understanding.
"""

import jax, jax.numpy as jnp
import numpy as np
from jax.scipy.special import xlogy

LABEL_SMOOTHING = 0.1
TGT_VOCAB_SIZE = 100000
IGNORE_INDEX = -100
CONFIDENCE = 1.0 - LABEL_SMOOTHING
SMOOTHING_VALUE = LABEL_SMOOTHING / (TGT_VOCAB_SIZE - 2)
BATCH = 1024


def _make_one_hot():
    # buffer 'one_hot' from __init__: full smoothing value, zeroed at ignore_index
    # (negative index wraps, matching torch semantics one_hot[-100] = 0)
    oh = jnp.full((TGT_VOCAB_SIZE,), SMOOTHING_VALUE, dtype=jnp.float32)
    oh = oh.at[IGNORE_INDEX].set(0.0)
    return oh


def setup_inputs(seed: int = 0) -> dict:
    key = jax.random.key(seed)
    k1, k2 = jax.random.split(key)
    logits = jax.random.normal(k1, (BATCH, TGT_VOCAB_SIZE), dtype=jnp.float32)
    # module expects log-probabilities as 'output' (F.kl_div input)
    output = jax.nn.log_softmax(logits, axis=-1)
    target = jax.random.randint(k2, (BATCH,), 0, TGT_VOCAB_SIZE, dtype=jnp.int32)
    return {"output": output, "target": target}


def reference(output, target):
    n = target.shape[0]
    one_hot = _make_one_hot()
    # model_prob = one_hot.repeat(batch, 1)
    model_prob = jnp.tile(one_hot[None, :], (n, 1))
    # model_prob.scatter_(1, target.unsqueeze(1), confidence)
    rows = jnp.arange(n)
    model_prob = model_prob.at[rows, target].set(CONFIDENCE)
    # model_prob.masked_fill_((target == ignore_index).unsqueeze(1), 0)
    mask = (target == IGNORE_INDEX)[:, None]
    model_prob = jnp.where(mask, 0.0, model_prob)
    # F.kl_div(output, model_prob, reduction='sum')
    # pointwise: target*log(target) - target*input, with 0*log(0) := 0
    elem = xlogy(model_prob, model_prob) - model_prob * output
    return jnp.sum(elem)

if __name__ == "__main__":
    import jax
    _d = setup_inputs()
    print(jax.jit(kernel)(*tuple(_d.values())))

</pallas_src>

<mosaic_0001>
#map = affine_map<(d0, d1) -> (0, 0)>
module attributes {stable_mosaic.version = 14 : i64} {
  func.func @_sc_stream_sum(%arg0: i32, %arg1: i32, %arg2: memref<1024x100000xf32, #tpu.memory_space<hbm>>, %arg3: memref<64x16xf32, #tpu.memory_space<hbm>>, %arg4: memref<2x8x3072xf32, #tpu.memory_space<vmem>>, %arg5: memref<8x1664xf32, #tpu.memory_space<vmem>>, %arg6: memref<16xf32, #tpu.memory_space<vmem>>, %arg7: memref<!tpu.dma_semaphore, #tpu.memory_space<semaphore_mem>>, %arg8: memref<!tpu.dma_semaphore, #tpu.memory_space<semaphore_mem>>, %arg9: memref<!tpu.dma_semaphore, #tpu.memory_space<semaphore_mem>>) attributes {dimension_semantics = [#tpu.dimension_semantics<core_parallel>, #tpu.dimension_semantics<subcore_parallel>], iteration_bounds = array<i64: 2, 16>, scalar_prefetch = 0 : i64, scratch_operands = 6 : i64, tpu.core_type = #tpu.core_type<sc_vector_subcore>, window_params = [{transform_indices = #map}, {transform_indices = #map}]} {
    %mul3A = arith.constant 2 : i32
    %mul3A_0 = arith.muli %arg1, %mul3A : i32
    %add3A = arith.addi %mul3A_0, %arg0 : i32
    %mul3A_1 = arith.constant 8 : i32
    %mul3A_2 = arith.muli %add3A, %mul3A_1 : i32
    %iota3A = tpu.iota {dimensions = array<i32: 0>} : vector<16xi32>
    %eq3A = arith.constant 12 : i32
    %eq3A_3 = vector.broadcast %eq3A : i32 to vector<16xi32>
    %eq3A_4 = arith.cmpi eq, %iota3A, %eq3A_3 : vector<16xi32>
    %broadcast_in_dim3A = arith.constant 0.000000e+00 : f32
    %broadcast_in_dim3A_5 = vector.broadcast %broadcast_in_dim3A : f32 to vector<16xf32>
    %scan3A = arith.constant 0 : i32
    %mul3A_6 = arith.constant 8 : i32
    %mul3A_7 = arith.muli %scan3A, %mul3A_6 : i32
    %add3A_8 = arith.addi %mul3A_2, %mul3A_7 : i32
    %multiple_of3A = tpu.assume_multiple %add3A_8, 8 : i32
    %multiple_of3A_9 = arith.constant 0 : i32
    %multiple_of3A_10 = tpu.assume_multiple %multiple_of3A_9, 128 : i32
    %dma_start3A = arith.constant 0 : i32
    %dma_start3A_11 = arith.constant 0 : i32
    %dma_start3A_12 = arith.constant 0 : i32
    %dma_start3A_13 = tpu.memref_slice %arg4[%dma_start3A, %dma_start3A_11, %dma_start3A_12] : memref<2x8x3072xf32, #tpu.memory_space<vmem>> -> memref<1x8x3072xf32, #tpu.memory_space<vmem>>
    %dma_start3A_14 = tpu.memref_squeeze %dma_start3A_13 : memref<1x8x3072xf32, #tpu.memory_space<vmem>> -> memref<8x3072xf32, #tpu.memory_space<vmem>>
    %dma_start3A_15 = tpu.memref_slice %arg2[%multiple_of3A, %multiple_of3A_10] : memref<1024x100000xf32, #tpu.memory_space<hbm>> -> memref<8x3072xf32, #tpu.memory_space<hbm>>
    %dma_start3A_16 = arith.constant 0 : i32
    %dma_start3A_17 = arith.constant 0 : i32
    %dma_start3A_18 = tpu.memref_slice %arg4[%dma_start3A, %dma_start3A_16, %dma_start3A_17] : memref<2x8x3072xf32, #tpu.memory_space<vmem>> -> memref<1x8x3072xf32, #tpu.memory_space<vmem>>
    %dma_start3A_19 = tpu.memref_squeeze %dma_start3A_18 : memref<1x8x3072xf32, #tpu.memory_space<vmem>> -> memref<8x3072xf32, #tpu.memory_space<vmem>>
    %dma_start3A_20 = tpu.memref_slice %arg2[%multiple_of3A, %multiple_of3A_10] : memref<1024x100000xf32, #tpu.memory_space<hbm>> -> memref<8x3072xf32, #tpu.memory_space<hbm>>
    tpu.enqueue_dma source(%dma_start3A_20 : memref<8x3072xf32, #tpu.memory_space<hbm>>) target(%dma_start3A_19 : memref<8x3072xf32, #tpu.memory_space<vmem>>) target_semaphore(%arg7 : memref<!tpu.dma_semaphore, #tpu.memory_space<semaphore_mem>>)
    %dma_start3A_21 = arith.constant 0 : i32
    %dma_start3A_22 = arith.constant 0 : i32
    %dma_start3A_23 = arith.constant 0 : i32
    %dma_start3A_24 = tpu.memref_slice %arg4[%dma_start3A_21, %dma_start3A_22, %dma_start3A_23] : memref<2x8x3072xf32, #tpu.memory_space<vmem>> -> memref<1x8x3072xf32, #tpu.memory_space<vmem>>
    %dma_start3A_25 = tpu.memref_squeeze %dma_start3A_24 : memref<1x8x3072xf32, #tpu.memory_space<vmem>> -> memref<8x3072xf32, #tpu.memory_space<vmem>>
    %dma_start3A_26 = tpu.memref_slice %arg2[%multiple_of3A, %multiple_of3A_10] : memref<1024x100000xf32, #tpu.memory_space<hbm>> -> memref<8x3072xf32, #tpu.memory_space<hbm>>
    %dma_start3A_27 = arith.constant 0 : i32
    %dma_start3A_28 = arith.constant 0 : i32
    %dma_start3A_29 = tpu.memref_slice %arg4[%dma_start3A_21, %dma_start3A_27, %dma_start3A_28] : memref<2x8x3072xf32, #tpu.memory_space<vmem>> -> memref<1x8x3072xf32, #tpu.memory_space<vmem>>
    %dma_start3A_30 = tpu.memref_squeeze %dma_start3A_29 : memref<1x8x3072xf32, #tpu.memory_space<vmem>> -> memref<8x3072xf32, #tpu.memory_space<vmem>>
    %dma_start3A_31 = tpu.memref_slice %arg2[%multiple_of3A, %multiple_of3A_10] : memref<1024x100000xf32, #tpu.memory_space<hbm>> -> memref<8x3072xf32, #tpu.memory_space<hbm>>
    tpu.enqueue_dma source(%dma_start3A_31 : memref<8x3072xf32, #tpu.memory_space<hbm>>) target(%dma_start3A_30 : memref<8x3072xf32, #tpu.memory_space<vmem>>) target_semaphore(%arg7 : memref<!tpu.dma_semaphore, #tpu.memory_space<semaphore_mem>>)
    %mul3A_32 = arith.constant 8 : i32
    %mul3A_33 = arith.muli %scan3A, %mul3A_32 : i32
    %add3A_34 = arith.addi %mul3A_2, %mul3A_33 : i32
    %multiple_of3A_35 = tpu.assume_multiple %add3A_34, 8 : i32
    %dma_start3A_36 = arith.constant 98304 : i32
    %dma_start3A_37 = tpu.memref_slice %arg2[%multiple_of3A_35, %dma_start3A_36] : memref<1024x100000xf32, #tpu.memory_space<hbm>> -> memref<8x1664xf32, #tpu.memory_space<hbm>>
    %dma_start3A_38 = arith.constant 98304 : i32
    %dma_start3A_39 = tpu.memref_slice %arg2[%multiple_of3A_35, %dma_start3A_38] : memref<1024x100000xf32, #tpu.memory_space<hbm>> -> memref<8x1664xf32, #tpu.memory_space<hbm>>
    tpu.enqueue_dma source(%dma_start3A_39 : memref<8x1664xf32, #tpu.memory_space<hbm>>) target(%arg5 : memref<8x1664xf32, #tpu.memory_space<vmem>>) target_semaphore(%arg9 : memref<!tpu.dma_semaphore, #tpu.memory_space<semaphore_mem>>)
    %dma_start3A_40 = arith.constant 98304 : i32
    %dma_start3A_41 = tpu.memref_slice %arg2[%multiple_of3A_35, %dma_start3A_40] : memref<1024x100000xf32, #tpu.memory_space<hbm>> -> memref<8x1664xf32, #tpu.memory_space<hbm>>
    %dma_start3A_42 = arith.constant 98304 : i32
    %dma_start3A_43 = tpu.memref_slice %arg2[%multiple_of3A_35, %dma_start3A_42] : memref<1024x100000xf32, #tpu.memory_space<hbm>> -> memref<8x1664xf32, #tpu.memory_space<hbm>>
    tpu.enqueue_dma source(%dma_start3A_43 : memref<8x1664xf32, #tpu.memory_space<hbm>>) target(%arg5 : memref<8x1664xf32, #tpu.memory_space<vmem>>) target_semaphore(%arg9 : memref<!tpu.dma_semaphore, #tpu.memory_space<semaphore_mem>>)
    %scan3A_44 = arith.constant 0 : i32
    %scan3A_45 = arith.constant 16 : i32
    %scan3A_46 = arith.addi %scan3A_44, %scan3A_45 : i32
    %scan3A_47 = arith.constant 1 : i32
    %scan3A_48:8 = scf.for %scan3A_82 = %scan3A_44 to %scan3A_46 step %scan3A_47 iter_args(%scan3A_83 = %broadcast_in_dim3A_5, %scan3A_84 = %broadcast_in_dim3A_5, %scan3A_85 = %broadcast_in_dim3A_5, %scan3A_86 = %broadcast_in_dim3A_5, %scan3A_87 = %broadcast_in_dim3A_5, %scan3A_88 = %broadcast_in_dim3A_5, %scan3A_89 = %broadcast_in_dim3A_5, %scan3A_90 = %broadcast_in_dim3A_5) -> (vector<16xf32>, vector<16xf32>, vector<16xf32>, vector<16xf32>, vector<16xf32>, vector<16xf32>, vector<16xf32>, vector<16xf32>)  : i32 {
      %mul3A_91 = arith.constant 2 : i32
      %mul3A_92 = arith.muli %mul3A_91, %scan3A_82 : i32
      %add3A_93 = arith.constant 1 : i32
      %add3A_94 = arith.addi %mul3A_92, %add3A_93 : i32
      %mul3A_95 = arith.constant 8 : i32
      %mul3A_96 = arith.muli %scan3A, %mul3A_95 : i32
      %add3A_97 = arith.addi %mul3A_2, %mul3A_96 : i32
      %multiple_of3A_98 = tpu.assume_multiple %add3A_97, 8 : i32
      %mul3A_99 = arith.constant 3072 : i32
      %mul3A_100 = arith.muli %add3A_94, %mul3A_99 : i32
      %multiple_of3A_101 = tpu.assume_multiple %mul3A_100, 128 : i32
      %dma_start3A_102 = arith.constant 1 : i32
      %dma_start3A_103 = arith.constant 0 : i32
      %dma_start3A_104 = arith.constant 0 : i32
      %dma_start3A_105 = tpu.memref_slice %arg4[%dma_start3A_102, %dma_start3A_103, %dma_start3A_104] : memref<2x8x3072xf32, #tpu.memory_space<vmem>> -> memref<1x8x3072xf32, #tpu.memory_space<vmem>>
      %dma_start3A_106 = tpu.memref_squeeze %dma_start3A_105 : memref<1x8x3072xf32, #tpu.memory_space<vmem>> -> memref<8x3072xf32, #tpu.memory_space<vmem>>
      %dma_start3A_107 = tpu.memref_slice %arg2[%multiple_of3A_98, %multiple_of3A_101] : memref<1024x100000xf32, #tpu.memory_space<hbm>> -> memref<8x3072xf32, #tpu.memory_space<hbm>>
      %dma_start3A_108 = arith.constant 0 : i32
      %dma_start3A_109 = arith.constant 0 : i32
      %dma_start3A_110 = tpu.memref_slice %arg4[%dma_start3A_102, %dma_start3A_108, %dma_start3A_109] : memref<2x8x3072xf32, #tpu.memory_space<vmem>> -> memref<1x8x3072xf32, #tpu.memory_space<vmem>>
      %dma_start3A_111 = tpu.memref_squeeze %dma_start3A_110 : memref<1x8x3072xf32, #tpu.memory_space<vmem>> -> memref<8x3072xf32, #tpu.memory_space<vmem>>
      %dma_start3A_112 = tpu.memref_slice %arg2[%multiple_of3A_98, %multiple_of3A_101] : memref<1024x100000xf32, #tpu.memory_space<hbm>> -> memref<8x3072xf32, #tpu.memory_space<hbm>>
      tpu.enqueue_dma source(%dma_start3A_112 : memref<8x3072xf32, #tpu.memory_space<hbm>>) target(%dma_start3A_111 : memref<8x3072xf32, #tpu.memory_space<vmem>>) target_semaphore(%arg8 : memref<!tpu.dma_semaphore, #tpu.memory_space<semaphore_mem>>)
      %dma_start3A_113 = arith.constant 1 : i32
      %dma_start3A_114 = arith.constant 0 : i32
      %dma_start3A_115 = arith.constant 0 : i32
      %dma_start3A_116 = tpu.memref_slice %arg4[%dma_start3A_113, %dma_start3A_114, %dma_start3A_115] : memref<2x8x3072xf32, #tpu.memory_space<vmem>> -> memref<1x8x3072xf32, #tpu.memory_space<vmem>>
      %dma_start3A_117 = tpu.memref_squeeze %dma_start3A_116 : memref<1x8x3072xf32, #tpu.memory_space<vmem>> -> memref<8x3072xf32, #tpu.memory_space<vmem>>
      %dma_start3A_118 = tpu.memref_slice %arg2[%multiple_of3A_98, %multiple_of3A_101] : memref<1024x100000xf32, #tpu.memory_space<hbm>> -> memref<8x3072xf32, #tpu.memory_space<hbm>>
      %dma_start3A_119 = arith.constant 0 : i32
      %dma_start3A_120 = arith.constant 0 : i32
      %dma_start3A_121 = tpu.memref_slice %arg4[%dma_start3A_113, %dma_start3A_119, %dma_start3A_120] : memref<2x8x3072xf32, #tpu.memory_space<vmem>> -> memref<1x8x3072xf32, #tpu.memory_space<vmem>>
      %dma_start3A_122 = tpu.memref_squeeze %dma_start3A_121 : memref<1x8x3072xf32, #tpu.memory_space<vmem>> -> memref<8x3072xf32, #tpu.memory_space<vmem>>
      %dma_start3A_123 = tpu.memref_slice %arg2[%multiple_of3A_98, %multiple_of3A_101] : memref<1024x100000xf32, #tpu.memory_space<hbm>> -> memref<8x3072xf32, #tpu.memory_space<hbm>>
      tpu.enqueue_dma source(%dma_start3A_123 : memref<8x3072xf32, #tpu.memory_space<hbm>>) target(%dma_start3A_122 : memref<8x3072xf32, #tpu.memory_space<vmem>>) target_semaphore(%arg8 : memref<!tpu.dma_semaphore, #tpu.memory_space<semaphore_mem>>)
      %dma_start3A_124 = arith.constant 0 : i32
      %dma_start3A_125 = arith.constant 0 : i32
      %dma_start3A_126 = arith.constant 0 : i32
      %dma_start3A_127 = tpu.memref_slice %arg4[%dma_start3A_124, %dma_start3A_125, %dma_start3A_126] : memref<2x8x3072xf32, #tpu.memory_space<vmem>> -> memref<1x8x3072xf32, #tpu.memory_space<vmem>>
      %dma_start3A_128 = tpu.memref_squeeze %dma_start3A_127 : memref<1x8x3072xf32, #tpu.memory_space<vmem>> -> memref<8x3072xf32, #tpu.memory_space<vmem>>
      %dma_start3A_129 = arith.constant 0 : i32
      %dma_start3A_130 = tpu.memref_slice %arg2[%mul3A_2, %dma_start3A_129] : memref<1024x100000xf32, #tpu.memory_space<hbm>> -> memref<8x3072xf32, #tpu.memory_space<hbm>>
      %dma_start3A_131 = arith.constant 0 : i32
      %dma_start3A_132 = arith.constant 0 : i32
      %dma_start3A_133 = tpu.memref_slice %arg4[%dma_start3A_124, %dma_start3A_131, %dma_start3A_132] : memref<2x8x3072xf32, #tpu.memory_space<vmem>> -> memref<1x8x3072xf32, #tpu.memory_space<vmem>>
      %dma_start3A_134 = tpu.memref_squeeze %dma_start3A_133 : memref<1x8x3072xf32, #tpu.memory_space<vmem>> -> memref<8x3072xf32, #tpu.memory_space<vmem>>
      %dma_start3A_135 = arith.constant 0 : i32
      %dma_start3A_136 = tpu.memref_slice %arg2[%mul3A_2, %dma_start3A_135] : memref<1024x100000xf32, #tpu.memory_space<hbm>> -> memref<8x3072xf32, #tpu.memory_space<hbm>>
      tpu.enqueue_dma source(%dma_start3A_136 : memref<8x3072xf32, #tpu.memory_space<hbm>>) target(%dma_start3A_134 : memref<8x3072xf32, #tpu.memory_space<vmem>>) target_semaphore(%arg7 : memref<!tpu.dma_semaphore, #tpu.memory_space<semaphore_mem>>)
      %dma_wait3A_137 = arith.constant 0 : i32
      %dma_wait3A_138 = arith.constant 0 : i32
      %dma_wait3A_139 = arith.constant 0 : i32
      %dma_wait3A_140 = tpu.memref_slice %arg4[%dma_wait3A_137, %dma_wait3A_138, %dma_wait3A_139] : memref<2x8x3072xf32, #tpu.memory_space<vmem>> -> memref<1x8x3072xf32, #tpu.memory_space<vmem>>
      %dma_wait3A_141 = tpu.memref_squeeze %dma_wait3A_140 : memref<1x8x3072xf32, #tpu.memory_space<vmem>> -> memref<8x3072xf32, #tpu.memory_space<vmem>>
      %dma_wait3A_142 = arith.constant 0 : i32
      %dma_wait3A_143 = tpu.memref_slice %arg2[%mul3A_2, %dma_wait3A_142] : memref<1024x100000xf32, #tpu.memory_space<hbm>> -> memref<8x3072xf32, #tpu.memory_space<hbm>>
      %dma_wait3A_144 = arith.constant 0 : i32
      %dma_wait3A_145 = arith.constant 0 : i32
      %dma_wait3A_146 = tpu.memref_slice %arg4[%dma_wait3A_137, %dma_wait3A_144, %dma_wait3A_145] : memref<2x8x3072xf32, #tpu.memory_space<vmem>> -> memref<1x8x3072xf32, #tpu.memory_space<vmem>>
      %dma_wait3A_147 = tpu.memref_squeeze %dma_wait3A_146 : memref<1x8x3072xf32, #tpu.memory_space<vmem>> -> memref<8x3072xf32, #tpu.memory_space<vmem>>
      %dma_wait3A_148 = arith.constant 0 : i32
      %dma_wait3A_149 = tpu.memref_slice %arg2[%mul3A_2, %dma_wait3A_148] : memref<1024x100000xf32, #tpu.memory_space<hbm>> -> memref<8x3072xf32, #tpu.memory_space<hbm>>
      tpu.wait_dma2 semaphore(%arg7 : memref<!tpu.dma_semaphore, #tpu.memory_space<semaphore_mem>>) src(%dma_wait3A_149 : memref<8x3072xf32, #tpu.memory_space<hbm>>) dst(%dma_wait3A_147 : memref<8x3072xf32, #tpu.memory_space<vmem>>)
      %scan3A_150 = arith.constant 0 : i32
      %scan3A_151 = arith.constant 8 : i32
      %scan3A_152 = arith.addi %scan3A_150, %scan3A_151 : i32
      %scan3A_153 = arith.constant 1 : i32
      %scan3A_154:8 = scf.for %scan3A_194 = %scan3A_150 to %scan3A_152 step %scan3A_153 iter_args(%scan3A_195 = %scan3A_83, %scan3A_196 = %scan3A_84, %scan3A_197 = %scan3A_85, %scan3A_198 = %scan3A_86, %scan3A_199 = %scan3A_87, %scan3A_200 = %scan3A_88, %scan3A_201 = %scan3A_89, %scan3A_202 = %scan3A_90) -> (vector<16xf32>, vector<16xf32>, vector<16xf32>, vector<16xf32>, vector<16xf32>, vector<16xf32>, vector<16xf32>, vector<16xf32>)  : i32 {
        %get3A = arith.constant 0 : i32
        %get3A_203 = arith.index_cast %get3A : i32 to index
        %get3A_204 = arith.index_cast %scan3A_194 : i32 to index
        %get3A_205 = arith.constant 0 : index
        %get3A_206 = tpu.vector_load %arg4[%get3A_203, %get3A_204, %get3A_205] {strides = array<i32>} : memref<2x8x3072xf32, #tpu.memory_space<vmem>>, vector<1x1x16xf32>,
        %get3A_207 = vector.shape_cast %get3A_206 : vector<1x1x16xf32> to vector<16xf32>
        %add3A_208 = arith.addf %scan3A_195, %get3A_207 : vector<16xf32>
        %get3A_209 = arith.constant 0 : i32
        %get3A_210 = arith.index_cast %get3A_209 : i32 to index
        %get3A_211 = arith.index_cast %scan3A_194 : i32 to index
        %get3A_212 = arith.constant 16 : index
        %get3A_213 = tpu.vector_load %arg4[%get3A_210, %get3A_211, %get3A_212] {strides = array<i32>} : memref<2x8x3072xf32, #tpu.memory_space<vmem>>, vector<1x1x16xf32>,
        %get3A_214 = vector.shape_cast %get3A_213 : vector<1x1x16xf32> to vector<16xf32>
        %add3A_215 = arith.addf %scan3A_196, %get3A_214 : vector<16xf32>
        %get3A_216 = arith.constant 0 : i32
        %get3A_217 = arith.index_cast %get3A_216 : i32 to index
        %get3A_218 = arith.index_cast %scan3A_194 : i32 to index
        %get3A_219 = arith.constant 32 : index
        %get3A_220 = tpu.vector_load %arg4[%get3A_217, %get3A_218, %get3A_219] {strides = array<i32>} : memref<2x8x3072xf32, #tpu.memory_space<vmem>>, vector<1x1x16xf32>,
        %get3A_221 = vector.shape_cast %get3A_220 : vector<1x1x16xf32> to vector<16xf32>
        %add3A_222 = arith.addf %scan3A_197, %get3A_221 : vector<16xf32>
        %get3A_223 = arith.constant 0 : i32
        %get3A_224 = arith.index_cast %get3A_223 : i32 to index
        %get3A_225 = arith.index_cast %scan3A_194 : i32 to index
        %get3A_226 = arith.constant 48 : index
        %get3A_227 = tpu.vector_load %arg4[%get3A_224, %get3A_225, %get3A_226] {strides = array<i32>} : memref<2x8x3072xf32, #tpu.memory_space<vmem>>, vector<1x1x16xf32>,
        %get3A_228 = vector.shape_cast %get3A_227 : vector<1x1x16xf32> to vector<16xf32>
        %add3A_229 = arith.addf %scan3A_198, %get3A_228 : vector<16xf32>
        %get3A_230 = arith.constant 0 : i32
        %get3A_231 = arith.index_cast %get3A_230 : i32 to index
        %get3A_232 = arith.index_cast %scan3A_194 : i32 to index
        %get3A_233 = arith.constant 64 : index
        %get3A_234 = tpu.vector_load %arg4[%get3A_231, %get3A_232, %get3A_233] {strides = array<i32>} : memref<2x8x3072xf32, #tpu.memory_space<vmem>>, vector<1x1x16xf32>,
        %get3A_235 = vector.shape_cast %get3A_234 : vector<1x1x16xf32> to vector<16xf32>
        %add3A_236 = arith.addf %scan3A_199, %get3A_235 : vector<16xf32>
        %get3A_237 = arith.constant 0 : i32
        %get3A_238 = arith.index_cast %get3A_237 : i32 to index
        %get3A_239 = arith.index_cast %scan3A_194 : i32 to index
        %get3A_240 = arith.constant 80 : index
        %get3A_241 = tpu.vector_load %arg4[%get3A_238, %get3A_239, %get3A_240] {strides = array<i32>} : memref<2x8x3072xf32, #tpu.memory_space<vmem>>, vector<1x1x16xf32>,
        %get3A_242 = vector.shape_cast %get3A_241 : vector<1x1x16xf32> to vector<16xf32>
        %add3A_243 = arith.addf %scan3A_200, %get3A_242 : vector<16xf32>
        %get3A_244 = arith.constant 0 : i32
        %get3A_245 = arith.index_cast %get3A_244 : i32 to index
        %get3A_246 = arith.index_cast %scan3A_194 : i32 to index
        %get3A_247 = arith.constant 96 : index
        %get3A_248 = tpu.vector_load %arg4[%get3A_245, %get3A_246, %get3A_247] {strides = array<i32>} : memref<2x8x3072xf32, #tpu.memory_space<vmem>>, vector<1x1x16xf32>,
        %get3A_249 = vector.shape_cast %get3A_248 : vector<1x1x16xf32> to vector<16xf32>
        %add3A_250 = arith.addf %scan3A_201, %get3A_249 : vector<16xf32>
        %get3A_251 = arith.constant 0 : i32
        %get3A_252 = arith.index_cast %get3A_251 : i32 to index
        %get3A_253 = arith.index_cast %scan3A_194 : i32 to index
        %get3A_254 = arith.constant 112 : index
        %get3A_255 = tpu.vector_load %arg4[%get3A_252, %get3A_253, %get3A_254] {strides = array<i32>} : memref<2x8x3072xf32, #tpu.memory_space<vmem>>, vector<1x1x16xf32>,
        %get3A_256 = vector.shape_cast %get3A_255 : vector<1x1x16xf32> to vector<16xf32>
        %add3A_257 = arith.addf %scan3A_202, %get3A_256 : vector<16xf32>
        %get3A_258 = arith.constant 0 : i32
        %get3A_259 = arith.index_cast %get3A_258 : i32 to index
        %get3A_260 = arith.index_cast %scan3A_194 : i32 to index
        %get3A_261 = arith.constant 128 : index
        %get3A_262 = tpu.vector_load %arg4[%get3A_259, %get3A_260, %get3A_261] {strides = array<i32>} : memref<2x8x3072xf32, #tpu.memory_space<vmem>>, vector<1x1x16xf32>,
        %get3A_263 = vector.shape_cast %get3A_262 : vector<1x1x16xf32> to vector<16xf32>
        %add3A_264 = arith.addf %add3A_208, %get3A_263 : vector<16xf32>
        %get3A_265 = arith.constant 0 : i32
        %get3A_266 = arith.index_cast %get3A_265 : i32 to index
        %get3A_267 = arith.index_cast %scan3A_194 : i32 to index
        %get3A_268 = arith.constant 144 : index
        %get3A_269 = tpu.vector_load %arg4[%get3A_266, %get3A_267, %get3A_268] {strides = array<i32>} : memref<2x8x3072xf32, #tpu.memory_space<vmem>>, vector<1x1x16xf32>,
        %get3A_270 = vector.shape_cast %get3A_269 : vector<1x1x16xf32> to vector<16xf32>
        %add3A_271 = arith.addf %add3A_215, %get3A_270 : vector<16xf32>
        %get3A_272 = arith.constant 0 : i32
        %get3A_273 = arith.index_cast %get3A_272 : i32 to index
        %get3A_274 = arith.index_cast %scan3A_194 : i32 to index
        %get3A_275 = arith.constant 160 : index
        %get3A_276 = tpu.vector_load %arg4[%get3A_273, %get3A_274, %get3A_275] {strides = array<i32>} : memref<2x8x3072xf32, #tpu.memory_space<vmem>>, vector<1x1x16xf32>,
        %get3A_277 = vector.shape_cast %get3A_276 : vector<1x1x16xf32> to vector<16xf32>
        %add3A_278 = arith.addf %add3A_222, %get3A_277 : vector<16xf32>
        %get3A_279 = arith.constant 0 : i32
        %get3A_280 = arith.index_cast %get3A_279 : i32 to index
        %get3A_281 = arith.index_cast %scan3A_194 : i32 to index
        %get3A_282 = arith.constant 176 : index
        %get3A_283 = tpu.vector_load %arg4[%get3A_280, %get3A_281, %get3A_282] {strides = array<i32>} : memref<2x8x3072xf32, #tpu.memory_space<vmem>>, vector<1x1x16xf32>,
        %get3A_284 = vector.shape_cast %get3A_283 : vector<1x1x16xf32> to vector<16xf32>
        %add3A_285 = arith.addf %add3A_229, %get3A_284 : vector<16xf32>
        %get3A_286 = arith.constant 0 : i32
        %get3A_287 = arith.index_cast %get3A_286 : i32 to index
        %get3A_288 = arith.index_cast %scan3A_194 : i32 to index
        %get3A_289 = arith.constant 192 : index
        %get3A_290 = tpu.vector_load %arg4[%get3A_287, %get3A_288, %get3A_289] {strides = array<i32>} : memref<2x8x3072xf32, #tpu.memory_space<vmem>>, vector<1x1x16xf32>,
        %get3A_291 = vector.shape_cast %get3A_290 : vector<1x1x16xf32> to vector<16xf32>
        %add3A_292 = arith.addf %add3A_236, %get3A_291 : vector<16xf32>
        %get3A_293 = arith.constant 0 : i32
        %get3A_294 = arith.index_cast %get3A_293 : i32 to index
        %get3A_295 = arith.index_cast %scan3A_194 : i32 to index
        %get3A_296 = arith.constant 208 : index
        %get3A_297 = tpu.vector_load %arg4[%get3A_294, %get3A_295, %get3A_296] {strides = array<i32>} : memref<2x8x3072xf32, #tpu.memory_space<vmem>>, vector<1x1x16xf32>,
        %get3A_298 = vector.shape_cast %get3A_297 : vector<1x1x16xf32> to vector<16xf32>
        %add3A_299 = arith.addf %add3A_243, %get3A_298 : vector<16xf32>
        %get3A_300 = arith.constant 0 : i32
        %get3A_301 = arith.index_cast %get3A_300 : i32 to index
        %get3A_302 = arith.index_cast %scan3A_194 : i32 to index
        %get3A_303 = arith.constant 224 : index
        %get3A_304 = tpu.vector_load %arg4[%get3A_301, %get3A_302, %get3A_303] {strides = array<i32>} : memref<2x8x3072xf32, #tpu.memory_space<vmem>>, vector<1x1x16xf32>,
        %get3A_305 = vector.shape_cast %get3A_304 : vector<1x1x16xf32> to vector<16xf32>
        %add3A_306 = arith.addf %add3A_250, %get3A_305 : vector<16xf32>
        %get3A_307 = arith.constant 0 : i32
        %get3A_308 = arith.index_cast %get3A_307 : i32 to index
        %get3A_309 = arith.index_cast %scan3A_194 : i32 to index
        %get3A_310 = arith.constant 240 : index
        %get3A_311 = tpu.vector_load %arg4[%get3A_308, %get3A_309, %get3A_310] {strides = array<i32>} : memref<2x8x3072xf32, #tpu.memory_space<vmem>>, vector<1x1x16xf32>,
        %get3A_312 = vector.shape_cast %get3A_311 : vector<1x1x16xf32> to vector<16xf32>
        %add3A_313 = arith.addf %add3A_257, %get3A_312 : vector<16xf32>
        %get3A_314 = arith.constant 0 : i32
        %get3A_315 = arith.index_cast %get3A_314 : i32 to index
        %get3A_316 = arith.index_cast %scan3A_194 : i32 to index
        %get3A_317 = arith.constant 256 : index
        %get3A_318 = tpu.vector_load %arg4[%get3A_315, %get3A_316, %get3A_317] {strides = array<i32>} : memref<2x8x3072xf32, #tpu.memory_space<vmem>>, vector<1x1x16xf32>,
        %get3A_319 = vector.shape_cast %get3A_318 : vector<1x1x16xf32> to vector<16xf32>
        %add3A_320 = arith.addf %add3A_264, %get3A_319 : vector<16xf32>
        %get3A_321 = arith.constant 0 : i32
        %get3A_322 = arith.index_cast %get3A_321 : i32 to index
        %get3A_323 = arith.index_cast %scan3A_194 : i32 to index
        %get3A_324 = arith.constant 272 : index
        %get3A_325 = tpu.vector_load %arg4[%get3A_322, %get3A_323, %get3A_324] {strides = array<i32>} : memref<2x8x3072xf32, #tpu.memory_space<vmem>>, vector<1x1x16xf32>,
        %get3A_326 = vector.shape_cast %get3A_325 : vector<1x1x16xf32> to vector<16xf32>
        %add3A_327 = arith.addf %add3A_271, %get3A_326 : vector<16xf32>
        %get3A_328 = arith.constant 0 : i32
        %get3A_329 = arith.index_cast %get3A_328 : i32 to index
        %get3A_330 = arith.index_cast %scan3A_194 : i32 to index
        %get3A_331 = arith.constant 288 : index
        %get3A_332 = tpu.vector_load %arg4[%get3A_329, %get3A_330, %get3A_331] {strides = array<i32>} : memref<2x8x3072xf32, #tpu.memory_space<vmem>>, vector<1x1x16xf32>,
        %get3A_333 = vector.shape_cast %get3A_332 : vector<1x1x16xf32> to vector<16xf32>
        %add3A_334 = arith.addf %add3A_278, %get3A_333 : vector<16xf32>
        %get3A_335 = arith.constant 0 : i32
        %get3A_336 = arith.index_cast %get3A_335 : i32 to index
        %get3A_337 = arith.index_cast %scan3A_194 : i32 to index
        %get3A_338 = arith.constant 304 : index
        %get3A_339 = tpu.vector_load %arg4[%get3A_336, %get3A_337, %get3A_338] {strides = array<i32>} : memref<2x8x3072xf32, #tpu.memory_space<vmem>>, vector<1x1x16xf32>,
        %get3A_340 = vector.shape_cast %get3A_339 : vector<1x1x16xf32> to vector<16xf32>
        %add3A_341 = arith.addf %add3A_285, %get3A_340 : vector<16xf32>
        %get3A_342 = arith.constant 0 : i32
        %get3A_343 = arith.index_cast %get3A_342 : i32 to index
        %get3A_344 = arith.index_cast %scan3A_194 : i32 to index
        %get3A_345 = arith.constant 320 : index
        %get3A_346 = tpu.vector_load %arg4[%get3A_343, %get3A_344, %get3A_345] {strides = array<i32>} : memref<2x8x3072xf32, #tpu.memory_space<vmem>>, vector<1x1x16xf32>,
        %get3A_347 = vector.shape_cast %get3A_346 : vector<1x1x16xf32> to vector<16xf32>
        %add3A_348 = arith.addf %add3A_292, %get3A_347 : vector<16xf32>
        %get3A_349 = arith.constant 0 : i32
        %get3A_350 = arith.index_cast %get3A_349 : i32 to index
        %get3A_351 = arith.index_cast %scan3A_194 : i32 to index
        %get3A_352 = arith.constant 336 : index
        %get3A_353 = tpu.vector_load %arg4[%get3A_350, %get3A_351, %get3A_352] {strides = array<i32>} : memref<2x8x3072xf32, #tpu.memory_space<vmem>>, vector<1x1x16xf32>,
        %get3A_354 = vector.shape_cast %get3A_353 : vector<1x1x16xf32> to vector<16xf32>
        %add3A_355 = arith.addf %add3A_299, %get3A_354 : vector<16xf32>
        %get3A_356 = arith.constant 0 : i32
        %get3A_357 = arith.index_cast %get3A_356 : i32 to index
        %get3A_358 = arith.index_cast %scan3A_194 : i32 to index
        %get3A_359 = arith.constant 352 : index
        %get3A_360 = tpu.vector_load %arg4[%get3A_357, %get3A_358, %get3A_359] {strides = array<i32>} : memref<2x8x3072xf32, #tpu.memory_space<vmem>>, vector<1x1x16xf32>,
        %get3A_361 = vector.shape_cast %get3A_360 : vector<1x1x16xf32> to vector<16xf32>
        %add3A_362 = arith.addf %add3A_306, %get3A_361 : vector<16xf32>
        %get3A_363 = arith.constant 0 : i32
        %get3A_364 = arith.index_cast %get3A_363 : i32 to index
        %get3A_365 = arith.index_cast %scan3A_194 : i32 to index
        %get3A_366 = arith.constant 368 : index
        %get3A_367 = tpu.vector_load %arg4[%get3A_364, %get3A_365, %get3A_366] {strides = array<i32>} : memref<2x8x3072xf32, #tpu.memory_space<vmem>>, vector<1x1x16xf32>,
        %get3A_368 = vector.shape_cast %get3A_367 : vector<1x1x16xf32> to vector<16xf32>
        %add3A_369 = arith.addf %add3A_313, %get3A_368 : vector<16xf32>
        %get3A_370 = arith.constant 0 : i32
        %get3A_371 = arith.index_cast %get3A_370 : i32 to index
        %get3A_372 = arith.index_cast %scan3A_194 : i32 to index
        %get3A_373 = arith.constant 384 : index
        %get3A_374 = tpu.vector_load %arg4[%get3A_371, %get3A_372, %get3A_373] {strides = array<i32>} : memref<2x8x3072xf32, #tpu.memory_space<vmem>>, vector<1x1x16xf32>,
        %get3A_375 = vector.shape_cast %get3A_374 : vector<1x1x16xf32> to vector<16xf32>
        %add3A_376 = arith.addf %add3A_320, %get3A_375 : vector<16xf32>
        %get3A_377 = arith.constant 0 : i32
        %get3A_378 = arith.index_cast %get3A_377 : i32 to index
        %get3A_379 = arith.index_cast %scan3A_194 : i32 to index
        %get3A_380 = arith.constant 400 : index
        %get3A_381 = tpu.vector_load %arg4[%get3A_378, %get3A_379, %get3A_380] {strides = array<i32>} : memref<2x8x3072xf32, #tpu.memory_space<vmem>>, vector<1x1x16xf32>,
        %get3A_382 = vector.shape_cast %get3A_381 : vector<1x1x16xf32> to vector<16xf32>
        %add3A_383 = arith.addf %add3A_327, %get3A_382 : vector<16xf32>
        %get3A_384 = arith.constant 0 : i32
        %get3A_385 = arith.index_cast %get3A_384 : i32 to index
        %get3A_386 = arith.index_cast %scan3A_194 : i32 to index
        %get3A_387 = arith.constant 416 : index
        %get3A_388 = tpu.vector_load %arg4[%get3A_385, %get3A_386, %get3A_387] {strides = array<i32>} : memref<2x8x3072xf32, #tpu.memory_space<vmem>>, vector<1x1x16xf32>,
        %get3A_389 = vector.shape_cast %get3A_388 : vector<1x1x16xf32> to vector<16xf32>
        %add3A_390 = arith.addf %add3A_334, %get3A_389 : vector<16xf32>
        %get3A_391 = arith.constant 0 : i32
        %get3A_392 = arith.index_cast %get3A_391 : i32 to index
        %get3A_393 = arith.index_cast %scan3A_194 : i32 to index
        %get3A_394 = arith.constant 432 : index
        %get3A_395 = tpu.vector_load %arg4[%get3A_392, %get3A_393, %get3A_394] {strides = array<i32>} : memref<2x8x3072xf32, #tpu.memory_space<vmem>>, vector<1x1x16xf32>,
        %get3A_396 = vector.shape_cast %get3A_395 : vector<1x1x16xf32> to vector<16xf32>
        %add3A_397 = arith.addf %add3A_341, %get3A_396 : vector<16xf32>
        %get3A_398 = arith.constant 0 : i32
        %get3A_399 = arith.index_cast %get3A_398 : i32 to index
        %get3A_400 = arith.index_cast %scan3A_194 : i32 to index
        %get3A_401 = arith.constant 448 : index
        %get3A_402 = tpu.vector_load %arg4[%get3A_399, %get3A_400, %get3A_401] {strides = array<i32>} : memref<2x8x3072xf32, #tpu.memory_space<vmem>>, vector<1x1x16xf32>,
        %get3A_403 = vector.shape_cast %get3A_402 : vector<1x1x16xf32> to vector<16xf32>
        %add3A_404 = arith.addf %add3A_348, %get3A_403 : vector<16xf32>
        %get3A_405 = arith.constant 0 : i32
        %get3A_406 = arith.index_cast %get3A_405 : i32 to index
        %get3A_407 = arith.index_cast %scan3A_194 : i32 to index
        %get3A_408 = arith.constant 464 : index
        %get3A_409 = tpu.vector_load %arg4[%get3A_406, %get3A_407, %get3A_408] {strides = array<i32>} : memref<2x8x3072xf32, #tpu.memory_space<vmem>>, vector<1x1x16xf32>,
        %get3A_410 = vector.shape_cast %get3A_409 : vector<1x1x16xf32> to vector<16xf32>
        %add3A_411 = arith.addf %add3A_355, %get3A_410 : vector<16xf32>
        %get3A_412 = arith.constant 0 : i32
        %get3A_413 = arith.index_cast %get3A_412 : i32 to index
        %get3A_414 = arith.index_cast %scan3A_194 : i32 to index
        %get3A_415 = arith.constant 480 : index
        %get3A_416 = tpu.vector_load %arg4[%get3A_413, %get3A_414, %get3A_415] {strides = array<i32>} : memref<2x8x3072xf32, #tpu.memory_space<vmem>>, vector<1x1x16xf32>,
        %get3A_417 = vector.shape_cast %get3A_416 : vector<1x1x16xf32> to vector<16xf32>
        %add3A_418 = arith.addf %add3A_362, %get3A_417 : vector<16xf32>
        %get3A_419 = arith.constant 0 : i32
        %get3A_420 = arith.index_cast %get3A_419 : i32 to index
        %get3A_421 = arith.index_cast %scan3A_194 : i32 to index
        %get3A_422 = arith.constant 496 : index
        %get3A_423 = tpu.vector_load %arg4[%get3A_420, %get3A_421, %get3A_422] {strides = array<i32>} : memref<2x8x3072xf32, #tpu.memory_space<vmem>>, vector<1x1x16xf32>,
        %get3A_424 = vector.shape_cast %get3A_423 : vector<1x1x16xf32> to vector<16xf32>
        %add3A_425 = arith.addf %add3A_369, %get3A_424 : vector<16xf32>
        %get3A_426 = arith.constant 0 : i32
        %get3A_427 = arith.index_cast %get3A_426 : i32 to index
        %get3A_428 = arith.index_cast %scan3A_194 : i32 to index
        %get3A_429 = arith.constant 512 : index
        %get3A_430 = tpu.vector_load %arg4[%get3A_427, %get3A_428, %get3A_429] {strides = array<i32>} : memref<2x8x3072xf32, #tpu.memory_space<vmem>>, vector<1x1x16xf32>,
        %get3A_431 = vector.shape_cast %get3A_430 : vector<1x1x16xf32> to vector<16xf32>
        %add3A_432 = arith.addf %add3A_376, %get3A_431 : vector<16xf32>
        %get3A_433 = arith.constant 0 : i32
        %get3A_434 = arith.index_cast %get3A_433 : i32 to index
        %get3A_435 = arith.index_cast %scan3A_194 : i32 to index
        %get3A_436 = arith.constant 528 : index
        %get3A_437 = tpu.vector_load %arg4[%get3A_434, %get3A_435, %get3A_436] {strides = array<i32>} : memref<2x8x3072xf32, #tpu.memory_space<vmem>>, vector<1x1x16xf32>,
        %get3A_438 = vector.shape_cast %get3A_437 : vector<1x1x16xf32> to vector<16xf32>
        %add3A_439 = arith.addf %add3A_383, %get3A_438 : vector<16xf32>
        %get3A_440 = arith.constant 0 : i32
        %get3A_441 = arith.index_cast %get3A_440 : i32 to index
        %get3A_442 = arith.index_cast %scan3A_194 : i32 to index
        %get3A_443 = arith.constant 544 : index
        %get3A_444 = tpu.vector_load %arg4[%get3A_441, %get3A_442, %get3A_443] {strides = array<i32>} : memref<2x8x3072xf32, #tpu.memory_space<vmem>>, vector<1x1x16xf32>,
        %get3A_445 = vector.shape_cast %get3A_444 : vector<1x1x16xf32> to vector<16xf32>
        %add3A_446 = arith.addf %add3A_390, %get3A_445 : vector<16xf32>
        %get3A_447 = arith.constant 0 : i32
        %get3A_448 = arith.index_cast %get3A_447 : i32 to index
        %get3A_449 = arith.index_cast %scan3A_194 : i32 to index
        %get3A_450 = arith.constant 560 : index
        %get3A_451 = tpu.vector_load %arg4[%get3A_448, %get3A_449, %get3A_450] {strides = array<i32>} : memref<2x8x3072xf32, #tpu.memory_space<vmem>>, vector<1x1x16xf32>,
        %get3A_452 = vector.shape_cast %get3A_451 : vector<1x1x16xf32> to vector<16xf32>
        %add3A_453 = arith.addf %add3A_397, %get3A_452 : vector<16xf32>
        %get3A_454 = arith.constant 0 : i32
        %get3A_455 = arith.index_cast %get3A_454 : i32 to index
        %get3A_456 = arith.index_cast %scan3A_194 : i32 to index
        %get3A_457 = arith.constant 576 : index
        %get3A_458 = tpu.vector_load %arg4[%get3A_455, %get3A_456, %get3A_457] {strides = array<i32>} : memref<2x8x3072xf32, #tpu.memory_space<vmem>>, vector<1x1x16xf32>,
        %get3A_459 = vector.shape_cast %get3A_458 : vector<1x1x16xf32> to vector<16xf32>
        %add3A_460 = arith.addf %add3A_404, %get3A_459 : vector<16xf32>
        %get3A_461 = arith.constant 0 : i32
        %get3A_462 = arith.index_cast %get3A_461 : i32 to index
        %get3A_463 = arith.index_cast %scan3A_194 : i32 to index
        %get3A_464 = arith.constant 592 : index
        %get3A_465 = tpu.vector_load %arg4[%get3A_462, %get3A_463, %get3A_464] {strides = array<i32>} : memref<2x8x3072xf32, #tpu.memory_space<vmem>>, vector<1x1x16xf32>,
        %get3A_466 = vector.shape_cast %get3A_465 : vector<1x1x16xf32> to vector<16xf32>
        %add3A_467 = arith.addf %add3A_411, %get3A_466 : vector<16xf32>
        %get3A_468 = arith.constant 0 : i32
        %get3A_469 = arith.index_cast %get3A_468 : i32 to index
        %get3A_470 = arith.index_cast %scan3A_194 : i32 to index
        %get3A_471 = arith.constant 608 : index
        %get3A_472 = tpu.vector_load %arg4[%get3A_469, %get3A_470, %get3A_471] {strides = array<i32>} : memref<2x8x3072xf32, #tpu.memory_space<vmem>>, vector<1x1x16xf32>,
        %get3A_473 = vector.shape_cast %get3A_472 : vector<1x1x16xf32> to vector<16xf32>
        %add3A_474 = arith.addf %add3A_418, %get3A_473 : vector<16xf32>
        %get3A_475 = arith.constant 0 : i32
        %get3A_476 = arith.index_cast %get3A_475 : i32 to index
        %get3A_477 = arith.index_cast %scan3A_194 : i32 to index
        %get3A_478 = arith.constant 624 : index
        %get3A_479 = tpu.vector_load %arg4[%get3A_476, %get3A_477, %get3A_478] {strides = array<i32>} : memref<2x8x3072xf32, #tpu.memory_space<vmem>>, vector<1x1x16xf32>,
        %get3A_480 = vector.shape_cast %get3A_479 : vector<1x1x16xf32> to vector<16xf32>
        %add3A_481 = arith.addf %add3A_425, %get3A_480 : vector<16xf32>
        %get3A_482 = arith.constant 0 : i32
        %get3A_483 = arith.index_cast %get3A_482 : i32 to index
        %get3A_484 = arith.index_cast %scan3A_194 : i32 to index
        %get3A_485 = arith.constant 640 : index
        %get3A_486 = tpu.vector_load %arg4[%get3A_483, %get3A_484, %get3A_485] {strides = array<i32>} : memref<2x8x3072xf32, #tpu.memory_space<vmem>>, vector<1x1x16xf32>,
        %get3A_487 = vector.shape_cast %get3A_486 : vector<1x1x16xf32> to vector<16xf32>
        %add3A_488 = arith.addf %add3A_432, %get3A_487 : vector<16xf32>
        %get3A_489 = arith.constant 0 : i32
        %get3A_490 = arith.index_cast %get3A_489 : i32 to index
        %get3A_491 = arith.index_cast %scan3A_194 : i32 to index
        %get3A_492 = arith.constant 656 : index
        %get3A_493 = tpu.vector_load %arg4[%get3A_490, %get3A_491, %get3A_492] {strides = array<i32>} : memref<2x8x3072xf32, #tpu.memory_space<vmem>>, vector<1x1x16xf32>,
        %get3A_494 = vector.shape_cast %get3A_493 : vector<1x1x16xf32> to vector<16xf32>
        %add3A_495 = arith.addf %add3A_439, %get3A_494 : vector<16xf32>
        %get3A_496 = arith.constant 0 : i32
        %get3A_497 = arith.index_cast %get3A_496 : i32 to index
        %get3A_498 = arith.index_cast %scan3A_194 : i32 to index
        %get3A_499 = arith.constant 672 : index
        %get3A_500 = tpu.vector_load %arg4[%get3A_497, %get3A_498, %get3A_499] {strides = array<i32>} : memref<2x8x3072xf32, #tpu.memory_space<vmem>>, vector<1x1x16xf32>,
        %get3A_501 = vector.shape_cast %get3A_500 : vector<1x1x16xf32> to vector<16xf32>
        %add3A_502 = arith.addf %add3A_446, %get3A_501 : vector<16xf32>
        %get3A_503 = arith.constant 0 : i32
        %get3A_504 = arith.index_cast %get3A_503 : i32 to index
        %get3A_505 = arith.index_cast %scan3A_194 : i32 to index
        %get3A_506 = arith.constant 688 : index
        %get3A_507 = tpu.vector_load %arg4[%get3A_504, %get3A_505, %get3A_506] {strides = array<i32>} : memref<2x8x3072xf32, #tpu.memory_space<vmem>>, vector<1x1x16xf32>,
        %get3A_508 = vector.shape_cast %get3A_507 : vector<1x1x16xf32> to vector<16xf32>
        %add3A_509 = arith.addf %add3A_453, %get3A_508 : vector<16xf32>
        %get3A_510 = arith.constant 0 : i32
        %get3A_511 = arith.index_cast %get3A_510 : i32 to index
        %get3A_512 = arith.index_cast %scan3A_194 : i32 to index
        %get3A_513 = arith.constant 704 : index
        %get3A_514 = tpu.vector_load %arg4[%get3A_511, %get3A_512, %get3A_513] {strides = array<i32>} : memref<2x8x3072xf32, #tpu.memory_space<vmem>>, vector<1x1x16xf32>,
        %get3A_515 = vector.shape_cast %get3A_514 : vector<1x1x16xf32> to vector<16xf32>
        %add3A_516 = arith.addf %add3A_460, %get3A_515 : vector<16xf32>
        %get3A_517 = arith.constant 0 : i32
        %get3A_518 = arith.index_cast %get3A_517 : i32 to index
        %get3A_519 = arith.index_cast %scan3A_194 : i32 to index
        %get3A_520 = arith.constant 720 : index
        %get3A_521 = tpu.vector_load %arg4[%get3A_518, %get3A_519, %get3A_520] {strides = array<i32>} : memref<2x8x3072xf32, #tpu.memory_space<vmem>>, vector<1x1x16xf32>,
        %get3A_522 = vector.shape_cast %get3A_521 : vector<1x1x16xf32> to vector<16xf32>
        %add3A_523 = arith.addf %add3A_467, %get3A_522 : vector<16xf32>
        %get3A_524 = arith.constant 0 : i32
        %get3A_525 = arith.index_cast %get3A_524 : i32 to index
        %get3A_526 = arith.index_cast %scan3A_194 : i32 to index
        %get3A_527 = arith.constant 736 : index
        %get3A_528 = tpu.vector_load %arg4[%get3A_525, %get3A_526, %get3A_527] {strides = array<i32>} : memref<2x8x3072xf32, #tpu.memory_space<vmem>>, vector<1x1x16xf32>,
        %get3A_529 = vector.shape_cast %get3A_528 : vector<1x1x16xf32> to vector<16xf32>
        %add3A_530 = arith.addf %add3A_474, %get3A_529 : vector<16xf32>
        %get3A_531 = arith.constant 0 : i32
        %get3A_532 = arith.index_cast %get3A_531 : i32 to index
        %get3A_533 = arith.index_cast %scan3A_194 : i32 to index
        %get3A_534 = arith.constant 752 : index
        %get3A_535 = tpu.vector_load %arg4[%get3A_532, %get3A_533, %get3A_534] {strides = array<i32>} : memref<2x8x3072xf32, #tpu.memory_space<vmem>>, vector<1x1x16xf32>,
        %get3A_536 = vector.shape_cast %get3A_535 : vector<1x1x16xf32> to vector<16xf32>
        %add3A_537 = arith.addf %add3A_481, %get3A_536 : vector<16xf32>
        %get3A_538 = arith.constant 0 : i32
        %get3A_539 = arith.index_cast %get3A_538 : i32 to index
        %get3A_540 = arith.index_cast %scan3A_194 : i32 to index
        %get3A_541 = arith.constant 768 : index
        %get3A_542 = tpu.vector_load %arg4[%get3A_539, %get3A_540, %get3A_541] {strides = array<i32>} : memref<2x8x3072xf32, #tpu.memory_space<vmem>>, vector<1x1x16xf32>,
        %get3A_543 = vector.shape_cast %get3A_542 : vector<1x1x16xf32> to vector<16xf32>
        %add3A_544 = arith.addf %add3A_488, %get3A_543 : vector<16xf32>
        %get3A_545 = arith.constant 0 : i32
        %get3A_546 = arith.index_cast %get3A_545 : i32 to index
        %get3A_547 = arith.index_cast %scan3A_194 : i32 to index
        %get3A_548 = arith.constant 784 : index
        %get3A_549 = tpu.vector_load %arg4[%get3A_546, %get3A_547, %get3A_548] {strides = array<i32>} : memref<2x8x3072xf32, #tpu.memory_space<vmem>>, vector<1x1x16xf32>,
        %get3A_550 = vector.shape_cast %get3A_549 : vector<1x1x16xf32> to vector<16xf32>
        %add3A_551 = arith.addf %add3A_495, %get3A_550 : vector<16xf32>
        %get3A_552 = arith.constant 0 : i32
        %get3A_553 = arith.index_cast %get3A_552 : i32 to index
        %get3A_554 = arith.index_cast %scan3A_194 : i32 to index
        %get3A_555 = arith.constant 800 : index
        %get3A_556 = tpu.vector_load %arg4[%get3A_553, %get3A_554, %get3A_555] {strides = array<i32>} : memref<2x8x3072xf32, #tpu.memory_space<vmem>>, vector<1x1x16xf32>,
        %get3A_557 = vector.shape_cast %get3A_556 : vector<1x1x16xf32> to vector<16xf32>
        %add3A_558 = arith.addf %add3A_502, %get3A_557 : vector<16xf32>
        %get3A_559 = arith.constant 0 : i32
        %get3A_560 = arith.index_cast %get3A_559 : i32 to index
        %get3A_561 = arith.index_cast %scan3A_194 : i32 to index
        %get3A_562 = arith.constant 816 : index
        %get3A_563 = tpu.vector_load %arg4[%get3A_560, %get3A_561, %get3A_562] {strides = array<i32>} : memref<2x8x3072xf32, #tpu.memory_space<vmem>>, vector<1x1x16xf32>,
        %get3A_564 = vector.shape_cast %get3A_563 : vector<1x1x16xf32> to vector<16xf32>
        %add3A_565 = arith.addf %add3A_509, %get3A_564 : vector<16xf32>
        %get3A_566 = arith.constant 0 : i32
        %get3A_567 = arith.index_cast %get3A_566 : i32 to index
        %get3A_568 = arith.index_cast %scan3A_194 : i32 to index
        %get3A_569 = arith.constant 832 : index
        %get3A_570 = tpu.vector_load %arg4[%get3A_567, %get3A_568, %get3A_569] {strides = array<i32>} : memref<2x8x3072xf32, #tpu.memory_space<vmem>>, vector<1x1x16xf32>,
        %get3A_571 = vector.shape_cast %get3A_570 : vector<1x1x16xf32> to vector<16xf32>
        %add3A_572 = arith.addf %add3A_516, %get3A_571 : vector<16xf32>
        %get3A_573 = arith.constant 0 : i32
        %get3A_574 = arith.index_cast %get3A_573 : i32 to index
        %get3A_575 = arith.index_cast %scan3A_194 : i32 to index
        %get3A_576 = arith.constant 848 : index
        %get3A_577 = tpu.vector_load %arg4[%get3A_574, %get3A_575, %get3A_576] {strides = array<i32>} : memref<2x8x3072xf32, #tpu.memory_space<vmem>>, vector<1x1x16xf32>,
        %get3A_578 = vector.shape_cast %get3A_577 : vector<1x1x16xf32> to vector<16xf32>
        %add3A_579 = arith.addf %add3A_523, %get3A_578 : vector<16xf32>
        %get3A_580 = arith.constant 0 : i32
        %get3A_581 = arith.index_cast %get3A_580 : i32 to index
        %get3A_582 = arith.index_cast %scan3A_194 : i32 to index
        %get3A_583 = arith.constant 864 : index
        %get3A_584 = tpu.vector_load %arg4[%get3A_581, %get3A_582, %get3A_583] {strides = array<i32>} : memref<2x8x3072xf32, #tpu.memory_space<vmem>>, vector<1x1x16xf32>,
        %get3A_585 = vector.shape_cast %get3A_584 : vector<1x1x16xf32> to vector<16xf32>
        %add3A_586 = arith.addf %add3A_530, %get3A_585 : vector<16xf32>
        %get3A_587 = arith.constant 0 : i32
        %get3A_588 = arith.index_cast %get3A_587 : i32 to index
        %get3A_589 = arith.index_cast %scan3A_194 : i32 to index
        %get3A_590 = arith.constant 880 : index
        %get3A_591 = tpu.vector_load %arg4[%get3A_588, %get3A_589, %get3A_590] {strides = array<i32>} : memref<2x8x3072xf32, #tpu.memory_space<vmem>>, vector<1x1x16xf32>,
        %get3A_592 = vector.shape_cast %get3A_591 : vector<1x1x16xf32> to vector<16xf32>
        %add3A_593 = arith.addf %add3A_537, %get3A_592 : vector<16xf32>
        %get3A_594 = arith.constant 0 : i32
        %get3A_595 = arith.index_cast %get3A_594 : i32 to index
        %get3A_596 = arith.index_cast %scan3A_194 : i32 to index
        %get3A_597 = arith.constant 896 : index
        %get3A_598 = tpu.vector_load %arg4[%get3A_595, %get3A_596, %get3A_597] {strides = array<i32>} : memref<2x8x3072xf32, #tpu.memory_space<vmem>>, vector<1x1x16xf32>,
        %get3A_599 = vector.shape_cast %get3A_598 : vector<1x1x16xf32> to vector<16xf32>
        %add3A_600 = arith.addf %add3A_544, %get3A_599 : vector<16xf32>
        %get3A_601 = arith.constant 0 : i32
        %get3A_602 = arith.index_cast %get3A_601 : i32 to index
        %get3A_603 = arith.index_cast %scan3A_194 : i32 to index
        %get3A_604 = arith.constant 912 : index
        %get3A_605 = tpu.vector_load %arg4[%get3A_602, %get3A_603, %get3A_604] {strides = array<i32>} : memref<2x8x3072xf32, #tpu.memory_space<vmem>>, vector<1x1x16xf32>,
        %get3A_606 = vector.shape_cast %get3A_605 : vector<1x1x16xf32> to vector<16xf32>
        %add3A_607 = arith.addf %add3A_551, %get3A_606 : vector<16xf32>
        %get3A_608 = arith.constant 0 : i32
        %get3A_609 = arith.index_cast %get3A_608 : i32 to index
        %get3A_610 = arith.index_cast %scan3A_194 : i32 to index
        %get3A_611 = arith.constant 928 : index
        %get3A_612 = tpu.vector_load %arg4[%get3A_609, %get3A_610, %get3A_611] {strides = array<i32>} : memref<2x8x3072xf32, #tpu.memory_space<vmem>>, vector<1x1x16xf32>,
        %get3A_613 = vector.shape_cast %get3A_612 : vector<1x1x16xf32> to vector<16xf32>
        %add3A_614 = arith.addf %add3A_558, %get3A_613 : vector<16xf32>
        %get3A_615 = arith.constant 0 : i32
        %get3A_616 = arith.index_cast %get3A_615 : i32 to index
        %get3A_617 = arith.index_cast %scan3A_194 : i32 to index
        %get3A_618 = arith.constant 944 : index
        %get3A_619 = tpu.vector_load %arg4[%get3A_616, %get3A_617, %get3A_618] {strides = array<i32>} : memref<2x8x3072xf32, #tpu.memory_space<vmem>>, vector<1x1x16xf32>,
        %get3A_620 = vector.shape_cast %get3A_619 : vector<1x1x16xf32> to vector<16xf32>
        %add3A_621 = arith.addf %add3A_565, %get3A_620 : vector<16xf32>
        %get3A_622 = arith.constant 0 : i32
        %get3A_623 = arith.index_cast %get3A_622 : i32 to index
        %get3A_624 = arith.index_cast %scan3A_194 : i32 to index
        %get3A_625 = arith.constant 960 : index
        %get3A_626 = tpu.vector_load %arg4[%get3A_623, %get3A_624, %get3A_625] {strides = array<i32>} : memref<2x8x3072xf32, #tpu.memory_space<vmem>>, vector<1x1x16xf32>,
        %get3A_627 = vector.shape_cast %get3A_626 : vector<1x1x16xf32> to vector<16xf32>
        %add3A_628 = arith.addf %add3A_572, %get3A_627 : vector<16xf32>
        %get3A_629 = arith.constant 0 : i32
        %get3A_630 = arith.index_cast %get3A_629 : i32 to index
        %get3A_631 = arith.index_cast %scan3A_194 : i32 to index
        %get3A_632 = arith.constant 976 : index
        %get3A_633 = tpu.vector_load %arg4[%get3A_630, %get3A_631, %get3A_632] {strides = array<i32>} : memref<2x8x3072xf32, #tpu.memory_space<vmem>>, vector<1x1x16xf32>,
        %get3A_634 = vector.shape_cast %get3A_633 : vector<1x1x16xf32> to vector<16xf32>
        %add3A_635 = arith.addf %add3A_579, %get3A_634 : vector<16xf32>
        %get3A_636 = arith.constant 0 : i32
        %get3A_637 = arith.index_cast %get3A_636 : i32 to index
        %get3A_638 = arith.index_cast %scan3A_194 : i32 to index
        %get3A_639 = arith.constant 992 : index
        %get3A_640 = tpu.vector_load %arg4[%get3A_637, %get3A_638, %get3A_639] {strides = array<i32>} : memref<2x8x3072xf32, #tpu.memory_space<vmem>>, vector<1x1x16xf32>,
        %get3A_641 = vector.shape_cast %get3A_640 : vector<1x1x16xf32> to vector<16xf32>
        %add3A_642 = arith.addf %add3A_586, %get3A_641 : vector<16xf32>
        %get3A_643 = arith.constant 0 : i32
        %get3A_644 = arith.index_cast %get3A_643 : i32 to index
        %get3A_645 = arith.index_cast %scan3A_194 : i32 to index
        %get3A_646 = arith.constant 1008 : index
        %get3A_647 = tpu.vector_load %arg4[%get3A_644, %get3A_645, %get3A_646] {strides = array<i32>} : memref<2x8x3072xf32, #tpu.memory_space<vmem>>, vector<1x1x16xf32>,
        %get3A_648 = vector.shape_cast %get3A_647 : vector<1x1x16xf32> to vector<16xf32>
        %add3A_649 = arith.addf %add3A_593, %get3A_648 : vector<16xf32>
        %get3A_650 = arith.constant 0 : i32
        %get3A_651 = arith.index_cast %get3A_650 : i32 to index
        %get3A_652 = arith.index_cast %scan3A_194 : i32 to index
        %get3A_653 = arith.constant 1024 : index
        %get3A_654 = tpu.vector_load %arg4[%get3A_651, %get3A_652, %get3A_653] {strides = array<i32>} : memref<2x8x3072xf32, #tpu.memory_space<vmem>>, vector<1x1x16xf32>,
        %get3A_655 = vector.shape_cast %get3A_654 : vector<1x1x16xf32> to vector<16xf32>
        %add3A_656 = arith.addf %add3A_600, %get3A_655 : vector<16xf32>
        %get3A_657 = arith.constant 0 : i32
        %get3A_658 = arith.index_cast %get3A_657 : i32 to index
        %get3A_659 = arith.index_cast %scan3A_194 : i32 to index
        %get3A_660 = arith.constant 1040 : index
        %get3A_661 = tpu.vector_load %arg4[%get3A_658, %get3A_659, %get3A_660] {strides = array<i32>} : memref<2x8x3072xf32, #tpu.memory_space<vmem>>, vector<1x1x16xf32>,
        %get3A_662 = vector.shape_cast %get3A_661 : vector<1x1x16xf32> to vector<16xf32>
        %add3A_663 = arith.addf %add3A_607, %get3A_662 : vector<16xf32>
        %get3A_664 = arith.constant 0 : i32
        %get3A_665 = arith.index_cast %get3A_664 : i32 to index
        %get3A_666 = arith.index_cast %scan3A_194 : i32 to index
        %get3A_667 = arith.constant 1056 : index
        %get3A_668 = tpu.vector_load %arg4[%get3A_665, %get3A_666, %get3A_667] {strides = array<i32>} : memref<2x8x3072xf32, #tpu.memory_space<vmem>>, vector<1x1x16xf32>,
        %get3A_669 = vector.shape_cast %get3A_668 : vector<1x1x16xf32> to vector<16xf32>
        %add3A_670 = arith.addf %add3A_614, %get3A_669 : vector<16xf32>
        %get3A_671 = arith.constant 0 : i32
        %get3A_672 = arith.index_cast %get3A_671 : i32 to index
        %get3A_673 = arith.index_cast %scan3A_194 : i32 to index
        %get3A_674 = arith.constant 1072 : index
        %get3A_675 = tpu.vector_load %arg4[%get3A_672, %get3A_673, %get3A_674] {strides = array<i32>} : memref<2x8x3072xf32, #tpu.memory_space<vmem>>, vector<1x1x16xf32>,
        %get3A_676 = vector.shape_cast %get3A_675 : vector<1x1x16xf32> to vector<16xf32>
        %add3A_677 = arith.addf %add3A_621, %get3A_676 : vector<16xf32>
        %get3A_678 = arith.constant 0 : i32
        %get3A_679 = arith.index_cast %get3A_678 : i32 to index
        %get3A_680 = arith.index_cast %scan3A_194 : i32 to index
        %get3A_681 = arith.constant 1088 : index
        %get3A_682 = tpu.vector_load %arg4[%get3A_679, %get3A_680, %get3A_681] {strides = array<i32>} : memref<2x8x3072xf32, #tpu.memory_space<vmem>>, vector<1x1x16xf32>,
        %get3A_683 = vector.shape_cast %get3A_682 : vector<1x1x16xf32> to vector<16xf32>
        %add3A_684 = arith.addf %add3A_628, %get3A_683 : vector<16xf32>
        %get3A_685 = arith.constant 0 : i32
        %get3A_686 = arith.index_cast %get3A_685 : i32 to index
        %get3A_687 = arith.index_cast %scan3A_194 : i32 to index
        %get3A_688 = arith.constant 1104 : index
        %get3A_689 = tpu.vector_load %arg4[%get3A_686, %get3A_687, %get3A_688] {strides = array<i32>} : memref<2x8x3072xf32, #tpu.memory_space<vmem>>, vector<1x1x16xf32>,
        %get3A_690 = vector.shape_cast %get3A_689 : vector<1x1x16xf32> to vector<16xf32>
        %add3A_691 = arith.addf %add3A_635, %get3A_690 : vector<16xf32>
        %get3A_692 = arith.constant 0 : i32
        %get3A_693 = arith.index_cast %get3A_692 : i32 to index
        %get3A_694 = arith.index_cast %scan3A_194 : i32 to index
        %get3A_695 = arith.constant 1120 : index
        %get3A_696 = tpu.vector_load %arg4[%get3A_693, %get3A_694, %get3A_695] {strides = array<i32>} : memref<2x8x3072xf32, #tpu.memory_space<vmem>>, vector<1x1x16xf32>,
        %get3A_697 = vector.shape_cast %get3A_696 : vector<1x1x16xf32> to vector<16xf32>
        %add3A_698 = arith.addf %add3A_642, %get3A_697 : vector<16xf32>
        %get3A_699 = arith.constant 0 : i32
        %get3A_700 = arith.index_cast %get3A_699 : i32 to index
        %get3A_701 = arith.index_cast %scan3A_194 : i32 to index
        %get3A_702 = arith.constant 1136 : index
        %get3A_703 = tpu.vector_load %arg4[%get3A_700, %get3A_701, %get3A_702] {strides = array<i32>} : memref<2x8x3072xf32, #tpu.memory_space<vmem>>, vector<1x1x16xf32>,
        %get3A_704 = vector.shape_cast %get3A_703 : vector<1x1x16xf32> to vector<16xf32>
        %add3A_705 = arith.addf %add3A_649, %get3A_704 : vector<16xf32>
        %get3A_706 = arith.constant 0 : i32
        %get3A_707 = arith.index_cast %get3A_706 : i32 to index
        %get3A_708 = arith.index_cast %scan3A_194 : i32 to index
        %get3A_709 = arith.constant 1152 : index
        %get3A_710 = tpu.vector_load %arg4[%get3A_707, %get3A_708, %get3A_709] {strides = array<i32>} : memref<2x8x3072xf32, #tpu.memory_space<vmem>>, vector<1x1x16xf32>,
        %get3A_711 = vector.shape_cast %get3A_710 : vector<1x1x16xf32> to vector<16xf32>
        %add3A_712 = arith.addf %add3A_656, %get3A_711 : vector<16xf32>
        %get3A_713 = arith.constant 0 : i32
        %get3A_714 = arith.index_cast %get3A_713 : i32 to index
        %get3A_715 = arith.index_cast %scan3A_194 : i32 to index
        %get3A_716 = arith.constant 1168 : index
        %get3A_717 = tpu.vector_load %arg4[%get3A_714, %get3A_715, %get3A_716] {strides = array<i32>} : memref<2x8x3072xf32, #tpu.memory_space<vmem>>, vector<1x1x16xf32>,
        %get3A_718 = vector.shape_cast %get3A_717 : vector<1x1x16xf32> to vector<16xf32>
        %add3A_719 = arith.addf %add3A_663, %get3A_718 : vector<16xf32>
        %get3A_720 = arith.constant 0 : i32
        %get3A_721 = arith.index_cast %get3A_720 : i32 to index
        %get3A_722 = arith.index_cast %scan3A_194 : i32 to index
        %get3A_723 = arith.constant 1184 : index
        %get3A_724 = tpu.vector_load %arg4[%get3A_721, %get3A_722, %get3A_723] {strides = array<i32>} : memref<2x8x3072xf32, #tpu.memory_space<vmem>>, vector<1x1x16xf32>,
        %get3A_725 = vector.shape_cast %get3A_724 : vector<1x1x16xf32> to vector<16xf32>
        %add3A_726 = arith.addf %add3A_670, %get3A_725 : vector<16xf32>
        %get3A_727 = arith.constant 0 : i32
        %get3A_728 = arith.index_cast %get3A_727 : i32 to index
        %get3A_729 = arith.index_cast %scan3A_194 : i32 to index
        %get3A_730 = arith.constant 1200 : index
        %get3A_731 = tpu.vector_load %arg4[%get3A_728, %get3A_729, %get3A_730] {strides = array<i32>} : memref<2x8x3072xf32, #tpu.memory_space<vmem>>, vector<1x1x16xf32>,
        %get3A_732 = vector.shape_cast %get3A_731 : vector<1x1x16xf32> to vector<16xf32>
        %add3A_733 = arith.addf %add3A_677, %get3A_732 : vector<16xf32>
        %get3A_734 = arith.constant 0 : i32
        %get3A_735 = arith.index_cast %get3A_734 : i32 to index
        %get3A_736 = arith.index_cast %scan3A_194 : i32 to index
        %get3A_737 = arith.constant 1216 : index
        %get3A_738 = tpu.vector_load %arg4[%get3A_735, %get3A_736, %get3A_737] {strides = array<i32>} : memref<2x8x3072xf32, #tpu.memory_space<vmem>>, vector<1x1x16xf32>,
        %get3A_739 = vector.shape_cast %get3A_738 : vector<1x1x16xf32> to vector<16xf32>
        %add3A_740 = arith.addf %add3A_684, %get3A_739 : vector<16xf32>
        %get3A_741 = arith.constant 0 : i32
        %get3A_742 = arith.index_cast %get3A_741 : i32 to index
        %get3A_743 = arith.index_cast %scan3A_194 : i32 to index
        %get3A_744 = arith.constant 1232 : index
        %get3A_745 = tpu.vector_load %arg4[%get3A_742, %get3A_743, %get3A_744] {strides = array<i32>} : memref<2x8x3072xf32, #tpu.memory_space<vmem>>, vector<1x1x16xf32>,
        %get3A_746 = vector.shape_cast %get3A_745 : vector<1x1x16xf32> to vector<16xf32>
        %add3A_747 = arith.addf %add3A_691, %get3A_746 : vector<16xf32>
        %get3A_748 = arith.constant 0 : i32
        %get3A_749 = arith.index_cast %get3A_748 : i32 to index
        %get3A_750 = arith.index_cast %scan3A_194 : i32 to index
        %get3A_751 = arith.constant 1248 : index
        %get3A_752 = tpu.vector_load %arg4[%get3A_749, %get3A_750, %get3A_751] {strides = array<i32>} : memref<2x8x3072xf32, #tpu.memory_space<vmem>>, vector<1x1x16xf32>,
        %get3A_753 = vector.shape_cast %get3A_752 : vector<1x1x16xf32> to vector<16xf32>
        %add3A_754 = arith.addf %add3A_698, %get3A_753 : vector<16xf32>
        %get3A_755 = arith.constant 0 : i32
        %get3A_756 = arith.index_cast %get3A_755 : i32 to index
        %get3A_757 = arith.index_cast %scan3A_194 : i32 to index
        %get3A_758 = arith.constant 1264 : index
        %get3A_759 = tpu.vector_load %arg4[%get3A_756, %get3A_757, %get3A_758] {strides = array<i32>} : memref<2x8x3072xf32, #tpu.memory_space<vmem>>, vector<1x1x16xf32>,
        %get3A_760 = vector.shape_cast %get3A_759 : vector<1x1x16xf32> to vector<16xf32>
        %add3A_761 = arith.addf %add3A_705, %get3A_760 : vector<16xf32>
        %get3A_762 = arith.constant 0 : i32
        %get3A_763 = arith.index_cast %get3A_762 : i32 to index
        %get3A_764 = arith.index_cast %scan3A_194 : i32 to index
        %get3A_765 = arith.constant 1280 : index
        %get3A_766 = tpu.vector_load %arg4[%get3A_763, %get3A_764, %get3A_765] {strides = array<i32>} : memref<2x8x3072xf32, #tpu.memory_space<vmem>>, vector<1x1x16xf32>,
        %get3A_767 = vector.shape_cast %get3A_766 : vector<1x1x16xf32> to vector<16xf32>
        %add3A_768 = arith.addf %add3A_712, %get3A_767 : vector<16xf32>
        %get3A_769 = arith.constant 0 : i32
        %get3A_770 = arith.index_cast %get3A_769 : i32 to index
        %get3A_771 = arith.index_cast %scan3A_194 : i32 to index
        %get3A_772 = arith.constant 1296 : index
        %get3A_773 = tpu.vector_load %arg4[%get3A_770, %get3A_771, %get3A_772] {strides = array<i32>} : memref<2x8x3072xf32, #tpu.memory_space<vmem>>, vector<1x1x16xf32>,
        %get3A_774 = vector.shape_cast %get3A_773 : vector<1x1x16xf32> to vector<16xf32>
        %add3A_775 = arith.addf %add3A_719, %get3A_774 : vector<16xf32>
        %get3A_776 = arith.constant 0 : i32
        %get3A_777 = arith.index_cast %get3A_776 : i32 to index
        %get3A_778 = arith.index_cast %scan3A_194 : i32 to index
        %get3A_779 = arith.constant 1312 : index
        %get3A_780 = tpu.vector_load %arg4[%get3A_777, %get3A_778, %get3A_779] {strides = array<i32>} : memref<2x8x3072xf32, #tpu.memory_space<vmem>>, vector<1x1x16xf32>,
        %get3A_781 = vector.shape_cast %get3A_780 : vector<1x1x16xf32> to vector<16xf32>
        %add3A_782 = arith.addf %add3A_726, %get3A_781 : vector<16xf32>
        %get3A_783 = arith.constant 0 : i32
        %get3A_784 = arith.index_cast %get3A_783 : i32 to index
        %get3A_785 = arith.index_cast %scan3A_194 : i32 to index
        %get3A_786 = arith.constant 1328 : index
        %get3A_787 = tpu.vector_load %arg4[%get3A_784, %get3A_785, %get3A_786] {strides = array<i32>} : memref<2x8x3072xf32, #tpu.memory_space<vmem>>, vector<1x1x16xf32>,
        %get3A_788 = vector.shape_cast %get3A_787 : vector<1x1x16xf32> to vector<16xf32>
        %add3A_789 = arith.addf %add3A_733, %get3A_788 : vector<16xf32>
        %get3A_790 = arith.constant 0 : i32
        %get3A_791 = arith.index_cast %get3A_790 : i32 to index
        %get3A_792 = arith.index_cast %scan3A_194 : i32 to index
        %get3A_793 = arith.constant 1344 : index
        %get3A_794 = tpu.vector_load %arg4[%get3A_791, %get3A_792, %get3A_793] {strides = array<i32>} : memref<2x8x3072xf32, #tpu.memory_space<vmem>>, vector<1x1x16xf32>,
        %get3A_795 = vector.shape_cast %get3A_794 : vector<1x1x16xf32> to vector<16xf32>
        %add3A_796 = arith.addf %add3A_740, %get3A_795 : vector<16xf32>
        %get3A_797 = arith.constant 0 : i32
        %get3A_798 = arith.index_cast %get3A_797 : i32 to index
        %get3A_799 = arith.index_cast %scan3A_194 : i32 to index
        %get3A_800 = arith.constant 1360 : index
        %get3A_801 = tpu.vector_load %arg4[%get3A_798, %get3A_799, %get3A_800] {strides = array<i32>} : memref<2x8x3072xf32, #tpu.memory_space<vmem>>, vector<1x1x16xf32>,
        %get3A_802 = vector.shape_cast %get3A_801 : vector<1x1x16xf32> to vector<16xf32>
        %add3A_803 = arith.addf %add3A_747, %get3A_802 : vector<16xf32>
        %get3A_804 = arith.constant 0 : i32
        %get3A_805 = arith.index_cast %get3A_804 : i32 to index
        %get3A_806 = arith.index_cast %scan3A_194 : i32 to index
        %get3A_807 = arith.constant 1376 : index
        %get3A_808 = tpu.vector_load %arg4[%get3A_805, %get3A_806, %get3A_807] {strides = array<i32>} : memref<2x8x3072xf32, #tpu.memory_space<vmem>>, vector<1x1x16xf32>,
        %get3A_809 = vector.shape_cast %get3A_808 : vector<1x1x16xf32> to vector<16xf32>
        %add3A_810 = arith.addf %add3A_754, %get3A_809 : vector<16xf32>
        %get3A_811 = arith.constant 0 : i32
        %get3A_812 = arith.index_cast %get3A_811 : i32 to index
        %get3A_813 = arith.index_cast %scan3A_194 : i32 to index
        %get3A_814 = arith.constant 1392 : index
        %get3A_815 = tpu.vector_load %arg4[%get3A_812, %get3A_813, %get3A_814] {strides = array<i32>} : memref<2x8x3072xf32, #tpu.memory_space<vmem>>, vector<1x1x16xf32>,
        %get3A_816 = vector.shape_cast %get3A_815 : vector<1x1x16xf32> to vector<16xf32>
        %add3A_817 = arith.addf %add3A_761, %get3A_816 : vector<16xf32>
        %get3A_818 = arith.constant 0 : i32
        %get3A_819 = arith.index_cast %get3A_818 : i32 to index
        %get3A_820 = arith.index_cast %scan3A_194 : i32 to index
        %get3A_821 = arith.constant 1408 : index
        %get3A_822 = tpu.vector_load %arg4[%get3A_819, %get3A_820, %get3A_821] {strides = array<i32>} : memref<2x8x3072xf32, #tpu.memory_space<vmem>>, vector<1x1x16xf32>,
        %get3A_823 = vector.shape_cast %get3A_822 : vector<1x1x16xf32> to vector<16xf32>
        %add3A_824 = arith.addf %add3A_768, %get3A_823 : vector<16xf32>
        %get3A_825 = arith.constant 0 : i32
        %get3A_826 = arith.index_cast %get3A_825 : i32 to index
        %get3A_827 = arith.index_cast %scan3A_194 : i32 to index
        %get3A_828 = arith.constant 1424 : index
        %get3A_829 = tpu.vector_load %arg4[%get3A_826, %get3A_827, %get3A_828] {strides = array<i32>} : memref<2x8x3072xf32, #tpu.memory_space<vmem>>, vector<1x1x16xf32>,
        %get3A_830 = vector.shape_cast %get3A_829 : vector<1x1x16xf32> to vector<16xf32>
        %add3A_831 = arith.addf %add3A_775, %get3A_830 : vector<16xf32>
        %get3A_832 = arith.constant 0 : i32
        %get3A_833 = arith.index_cast %get3A_832 : i32 to index
        %get3A_834 = arith.index_cast %scan3A_194 : i32 to index
        %get3A_835 = arith.constant 1440 : index
        %get3A_836 = tpu.vector_load %arg4[%get3A_833, %get3A_834, %get3A_835] {strides = array<i32>} : memref<2x8x3072xf32, #tpu.memory_space<vmem>>, vector<1x1x16xf32>,
        %get3A_837 = vector.shape_cast %get3A_836 : vector<1x1x16xf32> to vector<16xf32>
        %add3A_838 = arith.addf %add3A_782, %get3A_837 : vector<16xf32>
        %get3A_839 = arith.constant 0 : i32
        %get3A_840 = arith.index_cast %get3A_839 : i32 to index
        %get3A_841 = arith.index_cast %scan3A_194 : i32 to index
        %get3A_842 = arith.constant 1456 : index
        %get3A_843 = tpu.vector_load %arg4[%get3A_840, %get3A_841, %get3A_842] {strides = array<i32>} : memref<2x8x3072xf32, #tpu.memory_space<vmem>>, vector<1x1x16xf32>,
        %get3A_844 = vector.shape_cast %get3A_843 : vector<1x1x16xf32> to vector<16xf32>
        %add3A_845 = arith.addf %add3A_789, %get3A_844 : vector<16xf32>
        %get3A_846 = arith.constant 0 : i32
        %get3A_847 = arith.index_cast %get3A_846 : i32 to index
        %get3A_848 = arith.index_cast %scan3A_194 : i32 to index
        %get3A_849 = arith.constant 1472 : index
        %get3A_850 = tpu.vector_load %arg4[%get3A_847, %get3A_848, %get3A_849] {strides = array<i32>} : memref<2x8x3072xf32, #tpu.memory_space<vmem>>, vector<1x1x16xf32>,
        %get3A_851 = vector.shape_cast %get3A_850 : vector<1x1x16xf32> to vector<16xf32>
        %add3A_852 = arith.addf %add3A_796, %get3A_851 : vector<16xf32>
        %get3A_853 = arith.constant 0 : i32
        %get3A_854 = arith.index_cast %get3A_853 : i32 to index
        %get3A_855 = arith.index_cast %scan3A_194 : i32 to index
        %get3A_856 = arith.constant 1488 : index
        %get3A_857 = tpu.vector_load %arg4[%get3A_854, %get3A_855, %get3A_856] {strides = array<i32>} : memref<2x8x3072xf32, #tpu.memory_space<vmem>>, vector<1x1x16xf32>,
        %get3A_858 = vector.shape_cast %get3A_857 : vector<1x1x16xf32> to vector<16xf32>
        %add3A_859 = arith.addf %add3A_803, %get3A_858 : vector<16xf32>
        %get3A_860 = arith.constant 0 : i32
        %get3A_861 = arith.index_cast %get3A_860 : i32 to index
        %get3A_862 = arith.index_cast %scan3A_194 : i32 to index
        %get3A_863 = arith.constant 1504 : index
        %get3A_864 = tpu.vector_load %arg4[%get3A_861, %get3A_862, %get3A_863] {strides = array<i32>} : memref<2x8x3072xf32, #tpu.memory_space<vmem>>, vector<1x1x16xf32>,
        %get3A_865 = vector.shape_cast %get3A_864 : vector<1x1x16xf32> to vector<16xf32>
        %add3A_866 = arith.addf %add3A_810, %get3A_865 : vector<16xf32>
        %get3A_867 = arith.constant 0 : i32
        %get3A_868 = arith.index_cast %get3A_867 : i32 to index
        %get3A_869 = arith.index_cast %scan3A_194 : i32 to index
        %get3A_870 = arith.constant 1520 : index
        %get3A_871 = tpu.vector_load %arg4[%get3A_868, %get3A_869, %get3A_870] {strides = array<i32>} : memref<2x8x3072xf32, #tpu.memory_space<vmem>>, vector<1x1x16xf32>,
        %get3A_872 = vector.shape_cast %get3A_871 : vector<1x1x16xf32> to vector<16xf32>
        %add3A_873 = arith.addf %add3A_817, %get3A_872 : vector<16xf32>
        %get3A_874 = arith.constant 0 : i32
        %get3A_875 = arith.index_cast %get3A_874 : i32 to index
        %get3A_876 = arith.index_cast %scan3A_194 : i32 to index
        %get3A_877 = arith.constant 1536 : index
        %get3A_878 = tpu.vector_load %arg4[%get3A_875, %get3A_876, %get3A_877] {strides = array<i32>} : memref<2x8x3072xf32, #tpu.memory_space<vmem>>, vector<1x1x16xf32>,
        %get3A_879 = vector.shape_cast %get3A_878 : vector<1x1x16xf32> to vector<16xf32>
        %add3A_880 = arith.addf %add3A_824, %get3A_879 : vector<16xf32>
        %get3A_881 = arith.constant 0 : i32
        %get3A_882 = arith.index_cast %get3A_881 : i32 to index
        %get3A_883 = arith.index_cast %scan3A_194 : i32 to index
        %get3A_884 = arith.constant 1552 : index
        %get3A_885 = tpu.vector_load %arg4[%get3A_882, %get3A_883, %get3A_884] {strides = array<i32>} : memref<2x8x3072xf32, #tpu.memory_space<vmem>>, vector<1x1x16xf32>,
        %get3A_886 = vector.shape_cast %get3A_885 : vector<1x1x16xf32> to vector<16xf32>
        %add3A_887 = arith.addf %add3A_831, %get3A_886 : vector<16xf32>
        %get3A_888 = arith.constant 0 : i32
        %get3A_889 = arith.index_cast %get3A_888 : i32 to index
        %get3A_890 = arith.index_cast %scan3A_194 : i32 to index
        %get3A_891 = arith.constant 1568 : index
        %get3A_892 = tpu.vector_load %arg4[%get3A_889, %get3A_890, %get3A_891] {strides = array<i32>} : memref<2x8x3072xf32, #tpu.memory_space<vmem>>, vector<1x1x16xf32>,
        %get3A_893 = vector.shape_cast %get3A_892 : vector<1x1x16xf32> to vector<16xf32>
        %add3A_894 = arith.addf %add3A_838, %get3A_893 : vector<16xf32>
        %get3A_895 = arith.constant 0 : i32
        %get3A_896 = arith.index_cast %get3A_895 : i32 to index
        %get3A_897 = arith.index_cast %scan3A_194 : i32 to index
        %get3A_898 = arith.constant 1584 : index
        %get3A_899 = tpu.vector_load %arg4[%get3A_896, %get3A_897, %get3A_898] {strides = array<i32>} : memref<2x8x3072xf32, #tpu.memory_space<vmem>>, vector<1x1x16xf32>,
        %get3A_900 = vector.shape_cast %get3A_899 : vector<1x1x16xf32> to vector<16xf32>
        %add3A_901 = arith.addf %add3A_845, %get3A_900 : vector<16xf32>
        %get3A_902 = arith.constant 0 : i32
        %get3A_903 = arith.index_cast %get3A_902 : i32 to index
        %get3A_904 = arith.index_cast %scan3A_194 : i32 to index
        %get3A_905 = arith.constant 1600 : index
        %get3A_906 = tpu.vector_load %arg4[%get3A_903, %get3A_904, %get3A_905] {strides = array<i32>} : memref<2x8x3072xf32, #tpu.memory_space<vmem>>, vector<1x1x16xf32>,
        %get3A_907 = vector.shape_cast %get3A_906 : vector<1x1x16xf32> to vector<16xf32>
        %add3A_908 = arith.addf %add3A_852, %get3A_907 : vector<16xf32>
        %get3A_909 = arith.constant 0 : i32
        %get3A_910 = arith.index_cast %get3A_909 : i32 to index
        %get3A_911 = arith.index_cast %scan3A_194 : i32 to index
        %get3A_912 = arith.constant 1616 : index
        %get3A_913 = tpu.vector_load %arg4[%get3A_910, %get3A_911, %get3A_912] {strides = array<i32>} : memref<2x8x3072xf32, #tpu.memory_space<vmem>>, vector<1x1x16xf32>,
        %get3A_914 = vector.shape_cast %get3A_913 : vector<1x1x16xf32> to vector<16xf32>
        %add3A_915 = arith.addf %add3A_859, %get3A_914 : vector<16xf32>
        %get3A_916 = arith.constant 0 : i32
        %get3A_917 = arith.index_cast %get3A_916 : i32 to index
        %get3A_918 = arith.index_cast %scan3A_194 : i32 to index
        %get3A_919 = arith.constant 1632 : index
        %get3A_920 = tpu.vector_load %arg4[%get3A_917, %get3A_918, %get3A_919] {strides = array<i32>} : memref<2x8x3072xf32, #tpu.memory_space<vmem>>, vector<1x1x16xf32>,
        %get3A_921 = vector.shape_cast %get3A_920 : vector<1x1x16xf32> to vector<16xf32>
        %add3A_922 = arith.addf %add3A_866, %get3A_921 : vector<16xf32>
        %get3A_923 = arith.constant 0 : i32
        %get3A_924 = arith.index_cast %get3A_923 : i32 to index
        %get3A_925 = arith.index_cast %scan3A_194 : i32 to index
        %get3A_926 = arith.constant 1648 : index
        %get3A_927 = tpu.vector_load %arg4[%get3A_924, %get3A_925, %get3A_926] {strides = array<i32>} : memref<2x8x3072xf32, #tpu.memory_space<vmem>>, vector<1x1x16xf32>,
        %get3A_928 = vector.shape_cast %get3A_927 : vector<1x1x16xf32> to vector<16xf32>
        %add3A_929 = arith.addf %add3A_873, %get3A_928 : vector<16xf32>
        %get3A_930 = arith.constant 0 : i32
        %get3A_931 = arith.index_cast %get3A_930 : i32 to index
        %get3A_932 = arith.index_cast %scan3A_194 : i32 to index
        %get3A_933 = arith.constant 1664 : index
        %get3A_934 = tpu.vector_load %arg4[%get3A_931, %get3A_932, %get3A_933] {strides = array<i32>} : memref<2x8x3072xf32, #tpu.memory_space<vmem>>, vector<1x1x16xf32>,
        %get3A_935 = vector.shape_cast %get3A_934 : vector<1x1x16xf32> to vector<16xf32>
        %add3A_936 = arith.addf %add3A_880, %get3A_935 : vector<16xf32>
        %get3A_937 = arith.constant 0 : i32
        %get3A_938 = arith.index_cast %get3A_937 : i32 to index
        %get3A_939 = arith.index_cast %scan3A_194 : i32 to index
        %get3A_940 = arith.constant 1680 : index
        %get3A_941 = tpu.vector_load %arg4[%get3A_938, %get3A_939, %get3A_940] {strides = array<i32>} : memref<2x8x3072xf32, #tpu.memory_space<vmem>>, vector<1x1x16xf32>,
        %get3A_942 = vector.shape_cast %get3A_941 : vector<1x1x16xf32> to vector<16xf32>
        %add3A_943 = arith.addf %add3A_887, %get3A_942 : vector<16xf32>
        %get3A_944 = arith.constant 0 : i32
        %get3A_945 = arith.index_cast %get3A_944 : i32 to index
        %get3A_946 = arith.index_cast %scan3A_194 : i32 to index
        %get3A_947 = arith.constant 1696 : index
        %get3A_948 = tpu.vector_load %arg4[%get3A_945, %get3A_946, %get3A_947] {strides = array<i32>} : memref<2x8x3072xf32, #tpu.memory_space<vmem>>, vector<1x1x16xf32>,
        %get3A_949 = vector.shape_cast %get3A_948 : vector<1x1x16xf32> to vector<16xf32>
        %add3A_950 = arith.addf %add3A_894, %get3A_949 : vector<16xf32>
        %get3A_951 = arith.constant 0 : i32
        %get3A_952 = arith.index_cast %get3A_951 : i32 to index
        %get3A_953 = arith.index_cast %scan3A_194 : i32 to index
        %get3A_954 = arith.constant 1712 : index
        %get3A_955 = tpu.vector_load %arg4[%get3A_952, %get3A_953, %get3A_954] {strides = array<i32>} : memref<2x8x3072xf32, #tpu.memory_space<vmem>>, vector<1x1x16xf32>,
        %get3A_956 = vector.shape_cast %get3A_955 : vector<1x1x16xf32> to vector<16xf32>
        %add3A_957 = arith.addf %add3A_901, %get3A_956 : vector<16xf32>
        %get3A_958 = arith.constant 0 : i32
        %get3A_959 = arith.index_cast %get3A_958 : i32 to index
        %get3A_960 = arith.index_cast %scan3A_194 : i32 to index
        %get3A_961 = arith.constant 1728 : index
        %get3A_962 = tpu.vector_load %arg4[%get3A_959, %get3A_960, %get3A_961] {strides = array<i32>} : memref<2x8x3072xf32, #tpu.memory_space<vmem>>, vector<1x1x16xf32>,
        %get3A_963 = vector.shape_cast %get3A_962 : vector<1x1x16xf32> to vector<16xf32>
        %add3A_964 = arith.addf %add3A_908, %get3A_963 : vector<16xf32>
        %get3A_965 = arith.constant 0 : i32
        %get3A_966 = arith.index_cast %get3A_965 : i32 to index
        %get3A_967 = arith.index_cast %scan3A_194 : i32 to index
        %get3A_968 = arith.constant 1744 : index
        %get3A_969 = tpu.vector_load %arg4[%get3A_966, %get3A_967, %get3A_968] {strides = array<i32>} : memref<2x8x3072xf32, #tpu.memory_space<vmem>>, vector<1x1x16xf32>,
        %get3A_970 = vector.shape_cast %get3A_969 : vector<1x1x16xf32> to vector<16xf32>
        %add3A_971 = arith.addf %add3A_915, %get3A_970 : vector<16xf32>
        %get3A_972 = arith.constant 0 : i32
        %get3A_973 = arith.index_cast %get3A_972 : i32 to index
        %get3A_974 = arith.index_cast %scan3A_194 : i32 to index
        %get3A_975 = arith.constant 1760 : index
        %get3A_976 = tpu.vector_load %arg4[%get3A_973, %get3A_974, %get3A_975] {strides = array<i32>} : memref<2x8x3072xf32, #tpu.memory_space<vmem>>, vector<1x1x16xf32>,
        %get3A_977 = vector.shape_cast %get3A_976 : vector<1x1x16xf32> to vector<16xf32>
        %add3A_978 = arith.addf %add3A_922, %get3A_977 : vector<16xf32>
        %get3A_979 = arith.constant 0 : i32
        %get3A_980 = arith.index_cast %get3A_979 : i32 to index
        %get3A_981 = arith.index_cast %scan3A_194 : i32 to index
        %get3A_982 = arith.constant 1776 : index
        %get3A_983 = tpu.vector_load %arg4[%get3A_980, %get3A_981, %get3A_982] {strides = array<i32>} : memref<2x8x3072xf32, #tpu.memory_space<vmem>>, vector<1x1x16xf32>,
        %get3A_984 = vector.shape_cast %get3A_983 : vector<1x1x16xf32> to vector<16xf32>
        %add3A_985 = arith.addf %add3A_929, %get3A_984 : vector<16xf32>
        %get3A_986 = arith.constant 0 : i32
        %get3A_987 = arith.index_cast %get3A_986 : i32 to index
        %get3A_988 = arith.index_cast %scan3A_194 : i32 to index
        %get3A_989 = arith.constant 1792 : index
        %get3A_990 = tpu.vector_load %arg4[%get3A_987, %get3A_988, %get3A_989] {strides = array<i32>} : memref<2x8x3072xf32, #tpu.memory_space<vmem>>, vector<1x1x16xf32>,
        %get3A_991 = vector.shape_cast %get3A_990 : vector<1x1x16xf32> to vector<16xf32>
        %add3A_992 = arith.addf %add3A_936, %get3A_991 : vector<16xf32>
        %get3A_993 = arith.constant 0 : i32
        %get3A_994 = arith.index_cast %get3A_993 : i32 to index
        %get3A_995 = arith.index_cast %scan3A_194 : i32 to index
        %get3A_996 = arith.constant 1808 : index
        %get3A_997 = tpu.vector_load %arg4[%get3A_994, %get3A_995, %get3A_996] {strides = array<i32>} : memref<2x8x3072xf32, #tpu.memory_space<vmem>>, vector<1x1x16xf32>,
        %get3A_998 = vector.shape_cast %get3A_997 : vector<1x1x16xf32> to vector<16xf32>
        %add3A_999 = arith.addf %add3A_943, %get3A_998 : vector<16xf32>
        %get3A_1000 = arith.constant 0 : i32
        %get3A_1001 = arith.index_cast %get3A_1000 : i32 to index
        %get3A_1002 = arith.index_cast %scan3A_194 : i32 to index
        %get3A_1003 = arith.constant 1824 : index
        %get3A_1004 = tpu.vector_load %arg4[%get3A_1001, %get3A_1002, %get3A_1003] {strides = array<i32>} : memref<2x8x3072xf32, #tpu.memory_space<vmem>>, vector<1x1x16xf32>,
        %get3A_1005 = vector.shape_cast %get3A_1004 : vector<1x1x16xf32> to vector<16xf32>
        %add3A_1006 = arith.addf %add3A_950, %get3A_1005 : vector<16xf32>
        %get3A_1007 = arith.constant 0 : i32
        %get3A_1008 = arith.index_cast %get3A_1007 : i32 to index
        %get3A_1009 = arith.index_cast %scan3A_194 : i32 to index
        %get3A_1010 = arith.constant 1840 : index
        %get3A_1011 = tpu.vector_load %arg4[%get3A_1008, %get3A_1009, %get3A_1010] {strides = array<i32>} : memref<2x8x3072xf32, #tpu.memory_space<vmem>>, vector<1x1x16xf32>,
        %get3A_1012 = vector.shape_cast %get3A_1011 : vector<1x1x16xf32> to vector<16xf32>
        %add3A_1013 = arith.addf %add3A_957, %get3A_1012 : vector<16xf32>
        %get3A_1014 = arith.constant 0 : i32
        %get3A_1015 = arith.index_cast %get3A_1014 : i32 to index
        %get3A_1016 = arith.index_cast %scan3A_194 : i32 to index
        %get3A_1017 = arith.constant 1856 : index
        %get3A_1018 = tpu.vector_load %arg4[%get3A_1015, %get3A_1016, %get3A_1017] {strides = array<i32>} : memref<2x8x3072xf32, #tpu.memory_space<vmem>>, vector<1x1x16xf32>,
        %get3A_1019 = vector.shape_cast %get3A_1018 : vector<1x1x16xf32> to vector<16xf32>
        %add3A_1020 = arith.addf %add3A_964, %get3A_1019 : vector<16xf32>
        %get3A_1021 = arith.constant 0 : i32
        %get3A_1022 = arith.index_cast %get3A_1021 : i32 to index
        %get3A_1023 = arith.index_cast %scan3A_194 : i32 to index
        %get3A_1024 = arith.constant 1872 : index
        %get3A_1025 = tpu.vector_load %arg4[%get3A_1022, %get3A_1023, %get3A_1024] {strides = array<i32>} : memref<2x8x3072xf32, #tpu.memory_space<vmem>>, vector<1x1x16xf32>,
        %get3A_1026 = vector.shape_cast %get3A_1025 : vector<1x1x16xf32> to vector<16xf32>
        %add3A_1027 = arith.addf %add3A_971, %get3A_1026 : vector<16xf32>
        %get3A_1028 = arith.constant 0 : i32
        %get3A_1029 = arith.index_cast %get3A_1028 : i32 to index
        %get3A_1030 = arith.index_cast %scan3A_194 : i32 to index
        %get3A_1031 = arith.constant 1888 : index
        %get3A_1032 = tpu.vector_load %arg4[%get3A_1029, %get3A_1030, %get3A_1031] {strides = array<i32>} : memref<2x8x3072xf32, #tpu.memory_space<vmem>>, vector<1x1x16xf32>,
        %get3A_1033 = vector.shape_cast %get3A_1032 : vector<1x1x16xf32> to vector<16xf32>
        %add3A_1034 = arith.addf %add3A_978, %get3A_1033 : vector<16xf32>
        %get3A_1035 = arith.constant 0 : i32
        %get3A_1036 = arith.index_cast %get3A_1035 : i32 to index
        %get3A_1037 = arith.index_cast %scan3A_194 : i32 to index
        %get3A_1038 = arith.constant 1904 : index
        %get3A_1039 = tpu.vector_load %arg4[%get3A_1036, %get3A_1037, %get3A_1038] {strides = array<i32>} : memref<2x8x3072xf32, #tpu.memory_space<vmem>>, vector<1x1x16xf32>,
        %get3A_1040 = vector.shape_cast %get3A_1039 : vector<1x1x16xf32> to vector<16xf32>
        %add3A_1041 = arith.addf %add3A_985, %get3A_1040 : vector<16xf32>
        %get3A_1042 = arith.constant 0 : i32
        %get3A_1043 = arith.index_cast %get3A_1042 : i32 to index
        %get3A_1044 = arith.index_cast %scan3A_194 : i32 to index
        %get3A_1045 = arith.constant 1920 : index
        %get3A_1046 = tpu.vector_load %arg4[%get3A_1043, %get3A_1044, %get3A_1045] {strides = array<i32>} : memref<2x8x3072xf32, #tpu.memory_space<vmem>>, vector<1x1x16xf32>,
        %get3A_1047 = vector.shape_cast %get3A_1046 : vector<1x1x16xf32> to vector<16xf32>
        %add3A_1048 = arith.addf %add3A_992, %get3A_1047 : vector<16xf32>
        %get3A_1049 = arith.constant 0 : i32
        %get3A_1050 = arith.index_cast %get3A_1049 : i32 to index
        %get3A_1051 = arith.index_cast %scan3A_194 : i32 to index
        %get3A_1052 = arith.constant 1936 : index
        %get3A_1053 = tpu.vector_load %arg4[%get3A_1050, %get3A_1051, %get3A_1052] {strides = array<i32>} : memref<2x8x3072xf32, #tpu.memory_space<vmem>>, vector<1x1x16xf32>,
        %get3A_1054 = vector.shape_cast %get3A_1053 : vector<1x1x16xf32> to vector<16xf32>
        %add3A_1055 = arith.addf %add3A_999, %get3A_1054 : vector<16xf32>
        %get3A_1056 = arith.constant 0 : i32
        %get3A_1057 = arith.index_cast %get3A_1056 : i32 to index
        %get3A_1058 = arith.index_cast %scan3A_194 : i32 to index
        %get3A_1059 = arith.constant 1952 : index
        %get3A_1060 = tpu.vector_load %arg4[%get3A_1057, %get3A_1058, %get3A_1059] {strides = array<i32>} : memref<2x8x3072xf32, #tpu.memory_space<vmem>>, vector<1x1x16xf32>,
        %get3A_1061 = vector.shape_cast %get3A_1060 : vector<1x1x16xf32> to vector<16xf32>
        %add3A_1062 = arith.addf %add3A_1006, %get3A_1061 : vector<16xf32>
        %get3A_1063 = arith.constant 0 : i32
        %get3A_1064 = arith.index_cast %get3A_1063 : i32 to index
        %get3A_1065 = arith.index_cast %scan3A_194 : i32 to index
        %get3A_1066 = arith.constant 1968 : index
        %get3A_1067 = tpu.vector_load %arg4[%get3A_1064, %get3A_1065, %get3A_1066] {strides = array<i32>} : memref<2x8x3072xf32, #tpu.memory_space<vmem>>, vector<1x1x16xf32>,
        %get3A_1068 = vector.shape_cast %get3A_1067 : vector<1x1x16xf32> to vector<16xf32>
        %add3A_1069 = arith.addf %add3A_1013, %get3A_1068 : vector<16xf32>
        %get3A_1070 = arith.constant 0 : i32
        %get3A_1071 = arith.index_cast %get3A_1070 : i32 to index
        %get3A_1072 = arith.index_cast %scan3A_194 : i32 to index
        %get3A_1073 = arith.constant 1984 : index
        %get3A_1074 = tpu.vector_load %arg4[%get3A_1071, %get3A_1072, %get3A_1073] {strides = array<i32>} : memref<2x8x3072xf32, #tpu.memory_space<vmem>>, vector<1x1x16xf32>,
        %get3A_1075 = vector.shape_cast %get3A_1074 : vector<1x1x16xf32> to vector<16xf32>
        %add3A_1076 = arith.addf %add3A_1020, %get3A_1075 : vector<16xf32>
        %get3A_1077 = arith.constant 0 : i32
        %get3A_1078 = arith.index_cast %get3A_1077 : i32 to index
        %get3A_1079 = arith.index_cast %scan3A_194 : i32 to index
        %get3A_1080 = arith.constant 2000 : index
        %get3A_1081 = tpu.vector_load %arg4[%get3A_1078, %get3A_1079, %get3A_1080] {strides = array<i32>} : memref<2x8x3072xf32, #tpu.memory_space<vmem>>, vector<1x1x16xf32>,
        %get3A_1082 = vector.shape_cast %get3A_1081 : vector<1x1x16xf32> to vector<16xf32>
        %add3A_1083 = arith.addf %add3A_1027, %get3A_1082 : vector<16xf32>
        %get3A_1084 = arith.constant 0 : i32
        %get3A_1085 = arith.index_cast %get3A_1084 : i32 to index
        %get3A_1086 = arith.index_cast %scan3A_194 : i32 to index
        %get3A_1087 = arith.constant 2016 : index
        %get3A_1088 = tpu.vector_load %arg4[%get3A_1085, %get3A_1086, %get3A_1087] {strides = array<i32>} : memref<2x8x3072xf32, #tpu.memory_space<vmem>>, vector<1x1x16xf32>,
        %get3A_1089 = vector.shape_cast %get3A_1088 : vector<1x1x16xf32> to vector<16xf32>
        %add3A_1090 = arith.addf %add3A_1034, %get3A_1089 : vector<16xf32>
        %get3A_1091 = arith.constant 0 : i32
        %get3A_1092 = arith.index_cast %get3A_1091 : i32 to index
        %get3A_1093 = arith.index_cast %scan3A_194 : i32 to index
        %get3A_1094 = arith.constant 2032 : index
        %get3A_1095 = tpu.vector_load %arg4[%get3A_1092, %get3A_1093, %get3A_1094] {strides = array<i32>} : memref<2x8x3072xf32, #tpu.memory_space<vmem>>, vector<1x1x16xf32>,
        %get3A_1096 = vector.shape_cast %get3A_1095 : vector<1x1x16xf32> to vector<16xf32>
        %add3A_1097 = arith.addf %add3A_1041, %get3A_1096 : vector<16xf32>
        %get3A_1098 = arith.constant 0 : i32
        %get3A_1099 = arith.index_cast %get3A_1098 : i32 to index
        %get3A_1100 = arith.index_cast %scan3A_194 : i32 to index
        %get3A_1101 = arith.constant 2048 : index
        %get3A_1102 = tpu.vector_load %arg4[%get3A_1099, %get3A_1100, %get3A_1101] {strides = array<i32>} : memref<2x8x3072xf32, #tpu.memory_space<vmem>>, vector<1x1x16xf32>,
        %get3A_1103 = vector.shape_cast %get3A_1102 : vector<1x1x16xf32> to vector<16xf32>
        %add3A_1104 = arith.addf %add3A_1048, %get3A_1103 : vector<16xf32>
        %get3A_1105 = arith.constant 0 : i32
        %get3A_1106 = arith.index_cast %get3A_1105 : i32 to index
        %get3A_1107 = arith.index_cast %scan3A_194 : i32 to index
        %get3A_1108 = arith.constant 2064 : index
        %get3A_1109 = tpu.vector_load %arg4[%get3A_1106, %get3A_1107, %get3A_1108] {strides = array<i32>} : memref<2x8x3072xf32, #tpu.memory_space<vmem>>, vector<1x1x16xf32>,
        %get3A_1110 = vector.shape_cast %get3A_1109 : vector<1x1x16xf32> to vector<16xf32>
        %add3A_1111 = arith.addf %add3A_1055, %get3A_1110 : vector<16xf32>
        %get3A_1112 = arith.constant 0 : i32
        %get3A_1113 = arith.index_cast %get3A_1112 : i32 to index
        %get3A_1114 = arith.index_cast %scan3A_194 : i32 to index
        %get3A_1115 = arith.constant 2080 : index
        %get3A_1116 = tpu.vector_load %arg4[%get3A_1113, %get3A_1114, %get3A_1115] {strides = array<i32>} : memref<2x8x3072xf32, #tpu.memory_space<vmem>>, vector<1x1x16xf32>,
        %get3A_1117 = vector.shape_cast %get3A_1116 : vector<1x1x16xf32> to vector<16xf32>
        %add3A_1118 = arith.addf %add3A_1062, %get3A_1117 : vector<16xf32>
        %get3A_1119 = arith.constant 0 : i32
        %get3A_1120 = arith.index_cast %get3A_1119 : i32 to index
        %get3A_1121 = arith.index_cast %scan3A_194 : i32 to index
        %get3A_1122 = arith.constant 2096 : index
        %get3A_1123 = tpu.vector_load %arg4[%get3A_1120, %get3A_1121, %get3A_1122] {strides = array<i32>} : memref<2x8x3072xf32, #tpu.memory_space<vmem>>, vector<1x1x16xf32>,
        %get3A_1124 = vector.shape_cast %get3A_1123 : vector<1x1x16xf32> to vector<16xf32>
        %add3A_1125 = arith.addf %add3A_1069, %get3A_1124 : vector<16xf32>
        %get3A_1126 = arith.constant 0 : i32
        %get3A_1127 = arith.index_cast %get3A_1126 : i32 to index
        %get3A_1128 = arith.index_cast %scan3A_194 : i32 to index
        %get3A_1129 = arith.constant 2112 : index
        %get3A_1130 = tpu.vector_load %arg4[%get3A_1127, %get3A_1128, %get3A_1129] {strides = array<i32>} : memref<2x8x3072xf32, #tpu.memory_space<vmem>>, vector<1x1x16xf32>,
        %get3A_1131 = vector.shape_cast %get3A_1130 : vector<1x1x16xf32> to vector<16xf32>
        %add3A_1132 = arith.addf %add3A_1076, %get3A_1131 : vector<16xf32>
        %get3A_1133 = arith.constant 0 : i32
        %get3A_1134 = arith.index_cast %get3A_1133 : i32 to index
        %get3A_1135 = arith.index_cast %scan3A_194 : i32 to index
        %get3A_1136 = arith.constant 2128 : index
        %get3A_1137 = tpu.vector_load %arg4[%get3A_1134, %get3A_1135, %get3A_1136] {strides = array<i32>} : memref<2x8x3072xf32, #tpu.memory_space<vmem>>, vector<1x1x16xf32>,
        %get3A_1138 = vector.shape_cast %get3A_1137 : vector<1x1x16xf32> to vector<16xf32>
        %add3A_1139 = arith.addf %add3A_1083, %get3A_1138 : vector<16xf32>
        %get3A_1140 = arith.constant 0 : i32
        %get3A_1141 = arith.index_cast %get3A_1140 : i32 to index
        %get3A_1142 = arith.index_cast %scan3A_194 : i32 to index
        %get3A_1143 = arith.constant 2144 : index
        %get3A_1144 = tpu.vector_load %arg4[%get3A_1141, %get3A_1142, %get3A_1143] {strides = array<i32>} : memref<2x8x3072xf32, #tpu.memory_space<vmem>>, vector<1x1x16xf32>,
        %get3A_1145 = vector.shape_cast %get3A_1144 : vector<1x1x16xf32> to vector<16xf32>
        %add3A_1146 = arith.addf %add3A_1090, %get3A_1145 : vector<16xf32>
        %get3A_1147 = arith.constant 0 : i32
        %get3A_1148 = arith.index_cast %get3A_1147 : i32 to index
        %get3A_1149 = arith.index_cast %scan3A_194 : i32 to index
        %get3A_1150 = arith.constant 2160 : index
        %get3A_1151 = tpu.vector_load %arg4[%get3A_1148, %get3A_1149, %get3A_1150] {strides = array<i32>} : memref<2x8x3072xf32, #tpu.memory_space<vmem>>, vector<1x1x16xf32>,
        %get3A_1152 = vector.shape_cast %get3A_1151 : vector<1x1x16xf32> to vector<16xf32>
        %add3A_1153 = arith.addf %add3A_1097, %get3A_1152 : vector<16xf32>
        %get3A_1154 = arith.constant 0 : i32
        %get3A_1155 = arith.index_cast %get3A_1154 : i32 to index
        %get3A_1156 = arith.index_cast %scan3A_194 : i32 to index
        %get3A_1157 = arith.constant 2176 : index
        %get3A_1158 = tpu.vector_load %arg4[%get3A_1155, %get3A_1156, %get3A_1157] {strides = array<i32>} : memref<2x8x3072xf32, #tpu.memory_space<vmem>>, vector<1x1x16xf32>,
        %get3A_1159 = vector.shape_cast %get3A_1158 : vector<1x1x16xf32> to vector<16xf32>
        %add3A_1160 = arith.addf %add3A_1104, %get3A_1159 : vector<16xf32>
        %get3A_1161 = arith.constant 0 : i32
        %get3A_1162 = arith.index_cast %get3A_1161 : i32 to index
        %get3A_1163 = arith.index_cast %scan3A_194 : i32 to index
        %get3A_1164 = arith.constant 2192 : index
        %get3A_1165 = tpu.vector_load %arg4[%get3A_1162, %get3A_1163, %get3A_1164] {strides = array<i32>} : memref<2x8x3072xf32, #tpu.memory_space<vmem>>, vector<1x1x16xf32>,
        %get3A_1166 = vector.shape_cast %get3A_1165 : vector<1x1x16xf32> to vector<16xf32>
        %add3A_1167 = arith.addf %add3A_1111, %get3A_1166 : vector<16xf32>
        %get3A_1168 = arith.constant 0 : i32
        %get3A_1169 = arith.index_cast %get3A_1168 : i32 to index
        %get3A_1170 = arith.index_cast %scan3A_194 : i32 to index
        %get3A_1171 = arith.constant 2208 : index
        %get3A_1172 = tpu.vector_load %arg4[%get3A_1169, %get3A_1170, %get3A_1171] {strides = array<i32>} : memref<2x8x3072xf32, #tpu.memory_space<vmem>>, vector<1x1x16xf32>,
        %get3A_1173 = vector.shape_cast %get3A_1172 : vector<1x1x16xf32> to vector<16xf32>
        %add3A_1174 = arith.addf %add3A_1118, %get3A_1173 : vector<16xf32>
        %get3A_1175 = arith.constant 0 : i32
        %get3A_1176 = arith.index_cast %get3A_1175 : i32 to index
        %get3A_1177 = arith.index_cast %scan3A_194 : i32 to index
        %get3A_1178 = arith.constant 2224 : index
        %get3A_1179 = tpu.vector_load %arg4[%get3A_1176, %get3A_1177, %get3A_1178] {strides = array<i32>} : memref<2x8x3072xf32, #tpu.memory_space<vmem>>, vector<1x1x16xf32>,
        %get3A_1180 = vector.shape_cast %get3A_1179 : vector<1x1x16xf32> to vector<16xf32>
        %add3A_1181 = arith.addf %add3A_1125, %get3A_1180 : vector<16xf32>
        %get3A_1182 = arith.constant 0 : i32
        %get3A_1183 = arith.index_cast %get3A_1182 : i32 to index
        %get3A_1184 = arith.index_cast %scan3A_194 : i32 to index
        %get3A_1185 = arith.constant 2240 : index
        %get3A_1186 = tpu.vector_load %arg4[%get3A_1183, %get3A_1184, %get3A_1185] {strides = array<i32>} : memref<2x8x3072xf32, #tpu.memory_space<vmem>>, vector<1x1x16xf32>,
        %get3A_1187 = vector.shape_cast %get3A_1186 : vector<1x1x16xf32> to vector<16xf32>
        %add3A_1188 = arith.addf %add3A_1132, %get3A_1187 : vector<16xf32>
        %get3A_1189 = arith.constant 0 : i32
        %get3A_1190 = arith.index_cast %get3A_1189 : i32 to index
        %get3A_1191 = arith.index_cast %scan3A_194 : i32 to index
        %get3A_1192 = arith.constant 2256 : index
        %get3A_1193 = tpu.vector_load %arg4[%get3A_1190, %get3A_1191, %get3A_1192] {strides = array<i32>} : memref<2x8x3072xf32, #tpu.memory_space<vmem>>, vector<1x1x16xf32>,
        %get3A_1194 = vector.shape_cast %get3A_1193 : vector<1x1x16xf32> to vector<16xf32>
        %add3A_1195 = arith.addf %add3A_1139, %get3A_1194 : vector<16xf32>
        %get3A_1196 = arith.constant 0 : i32
        %get3A_1197 = arith.index_cast %get3A_1196 : i32 to index
        %get3A_1198 = arith.index_cast %scan3A_194 : i32 to index
        %get3A_1199 = arith.constant 2272 : index
        %get3A_1200 = tpu.vector_load %arg4[%get3A_1197, %get3A_1198, %get3A_1199] {strides = array<i32>} : memref<2x8x3072xf32, #tpu.memory_space<vmem>>, vector<1x1x16xf32>,
        %get3A_1201 = vector.shape_cast %get3A_1200 : vector<1x1x16xf32> to vector<16xf32>
        %add3A_1202 = arith.addf %add3A_1146, %get3A_1201 : vector<16xf32>
        %get3A_1203 = arith.constant 0 : i32
        %get3A_1204 = arith.index_cast %get3A_1203 : i32 to index
        %get3A_1205 = arith.index_cast %scan3A_194 : i32 to index
        %get3A_1206 = arith.constant 2288 : index
        %get3A_1207 = tpu.vector_load %arg4[%get3A_1204, %get3A_1205, %get3A_1206] {strides = array<i32>} : memref<2x8x3072xf32, #tpu.memory_space<vmem>>, vector<1x1x16xf32>,
        %get3A_1208 = vector.shape_cast %get3A_1207 : vector<1x1x16xf32> to vector<16xf32>
        %add3A_1209 = arith.addf %add3A_1153, %get3A_1208 : vector<16xf32>
        %get3A_1210 = arith.constant 0 : i32
        %get3A_1211 = arith.index_cast %get3A_1210 : i32 to index
        %get3A_1212 = arith.index_cast %scan3A_194 : i32 to index
        %get3A_1213 = arith.constant 2304 : index
        %get3A_1214 = tpu.vector_load %arg4[%get3A_1211, %get3A_1212, %get3A_1213] {strides = array<i32>} : memref<2x8x3072xf32, #tpu.memory_space<vmem>>, vector<1x1x16xf32>,
        %get3A_1215 = vector.shape_cast %get3A_1214 : vector<1x1x16xf32> to vector<16xf32>
        %add3A_1216 = arith.addf %add3A_1160, %get3A_1215 : vector<16xf32>
        %get3A_1217 = arith.constant 0 : i32
        %get3A_1218 = arith.index_cast %get3A_1217 : i32 to index
        %get3A_1219 = arith.index_cast %scan3A_194 : i32 to index
        %get3A_1220 = arith.constant 2320 : index
        %get3A_1221 = tpu.vector_load %arg4[%get3A_1218, %get3A_1219, %get3A_1220] {strides = array<i32>} : memref<2x8x3072xf32, #tpu.memory_space<vmem>>, vector<1x1x16xf32>,
        %get3A_1222 = vector.shape_cast %get3A_1221 : vector<1x1x16xf32> to vector<16xf32>
        %add3A_1223 = arith.addf %add3A_1167, %get3A_1222 : vector<16xf32>
        %get3A_1224 = arith.constant 0 : i32
        %get3A_1225 = arith.index_cast %get3A_1224 : i32 to index
        %get3A_1226 = arith.index_cast %scan3A_194 : i32 to index
        %get3A_1227 = arith.constant 2336 : index
        %get3A_1228 = tpu.vector_load %arg4[%get3A_1225, %get3A_1226, %get3A_1227] {strides = array<i32>} : memref<2x8x3072xf32, #tpu.memory_space<vmem>>, vector<1x1x16xf32>,
        %get3A_1229 = vector.shape_cast %get3A_1228 : vector<1x1x16xf32> to vector<16xf32>
        %add3A_1230 = arith.addf %add3A_1174, %get3A_1229 : vector<16xf32>
        %get3A_1231 = arith.constant 0 : i32
        %get3A_1232 = arith.index_cast %get3A_1231 : i32 to index
        %get3A_1233 = arith.index_cast %scan3A_194 : i32 to index
        %get3A_1234 = arith.constant 2352 : index
        %get3A_1235 = tpu.vector_load %arg4[%get3A_1232, %get3A_1233, %get3A_1234] {strides = array<i32>} : memref<2x8x3072xf32, #tpu.memory_space<vmem>>, vector<1x1x16xf32>,
        %get3A_1236 = vector.shape_cast %get3A_1235 : vector<1x1x16xf32> to vector<16xf32>
        %add3A_1237 = arith.addf %add3A_1181, %get3A_1236 : vector<16xf32>
        %get3A_1238 = arith.constant 0 : i32
        %get3A_1239 = arith.index_cast %get3A_1238 : i32 to index
        %get3A_1240 = arith.index_cast %scan3A_194 : i32 to index
        %get3A_1241 = arith.constant 2368 : index
        %get3A_1242 = tpu.vector_load %arg4[%get3A_1239, %get3A_1240, %get3A_1241] {strides = array<i32>} : memref<2x8x3072xf32, #tpu.memory_space<vmem>>, vector<1x1x16xf32>,
        %get3A_1243 = vector.shape_cast %get3A_1242 : vector<1x1x16xf32> to vector<16xf32>
        %add3A_1244 = arith.addf %add3A_1188, %get3A_1243 : vector<16xf32>
        %get3A_1245 = arith.constant 0 : i32
        %get3A_1246 = arith.index_cast %get3A_1245 : i32 to index
        %get3A_1247 = arith.index_cast %scan3A_194 : i32 to index
        %get3A_1248 = arith.constant 2384 : index
        %get3A_1249 = tpu.vector_load %arg4[%get3A_1246, %get3A_1247, %get3A_1248] {strides = array<i32>} : memref<2x8x3072xf32, #tpu.memory_space<vmem>>, vector<1x1x16xf32>,
        %get3A_1250 = vector.shape_cast %get3A_1249 : vector<1x1x16xf32> to vector<16xf32>
        %add3A_1251 = arith.addf %add3A_1195, %get3A_1250 : vector<16xf32>
        %get3A_1252 = arith.constant 0 : i32
        %get3A_1253 = arith.index_cast %get3A_1252 : i32 to index
        %get3A_1254 = arith.index_cast %scan3A_194 : i32 to index
        %get3A_1255 = arith.constant 2400 : index
        %get3A_1256 = tpu.vector_load %arg4[%get3A_1253, %get3A_1254, %get3A_1255] {strides = array<i32>} : memref<2x8x3072xf32, #tpu.memory_space<vmem>>, vector<1x1x16xf32>,
        %get3A_1257 = vector.shape_cast %get3A_1256 : vector<1x1x16xf32> to vector<16xf32>
        %add3A_1258 = arith.addf %add3A_1202, %get3A_1257 : vector<16xf32>
        %get3A_1259 = arith.constant 0 : i32
        %get3A_1260 = arith.index_cast %get3A_1259 : i32 to index
        %get3A_1261 = arith.index_cast %scan3A_194 : i32 to index
        %get3A_1262 = arith.constant 2416 : index
        %get3A_1263 = tpu.vector_load %arg4[%get3A_1260, %get3A_1261, %get3A_1262] {strides = array<i32>} : memref<2x8x3072xf32, #tpu.memory_space<vmem>>, vector<1x1x16xf32>,
        %get3A_1264 = vector.shape_cast %get3A_1263 : vector<1x1x16xf32> to vector<16xf32>
        %add3A_1265 = arith.addf %add3A_1209, %get3A_1264 : vector<16xf32>
        %get3A_1266 = arith.constant 0 : i32
        %get3A_1267 = arith.index_cast %get3A_1266 : i32 to index
        %get3A_1268 = arith.index_cast %scan3A_194 : i32 to index
        %get3A_1269 = arith.constant 2432 : index
        %get3A_1270 = tpu.vector_load %arg4[%get3A_1267, %get3A_1268, %get3A_1269] {strides = array<i32>} : memref<2x8x3072xf32, #tpu.memory_space<vmem>>, vector<1x1x16xf32>,
        %get3A_1271 = vector.shape_cast %get3A_1270 : vector<1x1x16xf32> to vector<16xf32>
        %add3A_1272 = arith.addf %add3A_1216, %get3A_1271 : vector<16xf32>
        %get3A_1273 = arith.constant 0 : i32
        %get3A_1274 = arith.index_cast %get3A_1273 : i32 to index
        %get3A_1275 = arith.index_cast %scan3A_194 : i32 to index
        %get3A_1276 = arith.constant 2448 : index
        %get3A_1277 = tpu.vector_load %arg4[%get3A_1274, %get3A_1275, %get3A_1276] {strides = array<i32>} : memref<2x8x3072xf32, #tpu.memory_space<vmem>>, vector<1x1x16xf32>,
        %get3A_1278 = vector.shape_cast %get3A_1277 : vector<1x1x16xf32> to vector<16xf32>
        %add3A_1279 = arith.addf %add3A_1223, %get3A_1278 : vector<16xf32>
        %get3A_1280 = arith.constant 0 : i32
        %get3A_1281 = arith.index_cast %get3A_1280 : i32 to index
        %get3A_1282 = arith.index_cast %scan3A_194 : i32 to index
        %get3A_1283 = arith.constant 2464 : index
        %get3A_1284 = tpu.vector_load %arg4[%get3A_1281, %get3A_1282, %get3A_1283] {strides = array<i32>} : memref<2x8x3072xf32, #tpu.memory_space<vmem>>, vector<1x1x16xf32>,
        %get3A_1285 = vector.shape_cast %get3A_1284 : vector<1x1x16xf32> to vector<16xf32>
        %add3A_1286 = arith.addf %add3A_1230, %get3A_1285 : vector<16xf32>
        %get3A_1287 = arith.constant 0 : i32
        %get3A_1288 = arith.index_cast %get3A_1287 : i32 to index
        %get3A_1289 = arith.index_cast %scan3A_194 : i32 to index
        %get3A_1290 = arith.constant 2480 : index
        %get3A_1291 = tpu.vector_load %arg4[%get3A_1288, %get3A_1289, %get3A_1290] {strides = array<i32>} : memref<2x8x3072xf32, #tpu.memory_space<vmem>>, vector<1x1x16xf32>,
        %get3A_1292 = vector.shape_cast %get3A_1291 : vector<1x1x16xf32> to vector<16xf32>
        %add3A_1293 = arith.addf %add3A_1237, %get3A_1292 : vector<16xf32>
        %get3A_1294 = arith.constant 0 : i32
        %get3A_1295 = arith.index_cast %get3A_1294 : i32 to index
        %get3A_1296 = arith.index_cast %scan3A_194 : i32 to index
        %get3A_1297 = arith.constant 2496 : index
        %get3A_1298 = tpu.vector_load %arg4[%get3A_1295, %get3A_1296, %get3A_1297] {strides = array<i32>} : memref<2x8x3072xf32, #tpu.memory_space<vmem>>, vector<1x1x16xf32>,
        %get3A_1299 = vector.shape_cast %get3A_1298 : vector<1x1x16xf32> to vector<16xf32>
        %add3A_1300 = arith.addf %add3A_1244, %get3A_1299 : vector<16xf32>
        %get3A_1301 = arith.constant 0 : i32
        %get3A_1302 = arith.index_cast %get3A_1301 : i32 to index
        %get3A_1303 = arith.index_cast %scan3A_194 : i32 to index
        %get3A_1304 = arith.constant 2512 : index
        %get3A_1305 = tpu.vector_load %arg4[%get3A_1302, %get3A_1303, %get3A_1304] {strides = array<i32>} : memref<2x8x3072xf32, #tpu.memory_space<vmem>>, vector<1x1x16xf32>,
        %get3A_1306 = vector.shape_cast %get3A_1305 : vector<1x1x16xf32> to vector<16xf32>
        %add3A_1307 = arith.addf %add3A_1251, %get3A_1306 : vector<16xf32>
        %get3A_1308 = arith.constant 0 : i32
        %get3A_1309 = arith.index_cast %get3A_1308 : i32 to index
        %get3A_1310 = arith.index_cast %scan3A_194 : i32 to index
        %get3A_1311 = arith.constant 2528 : index
        %get3A_1312 = tpu.vector_load %arg4[%get3A_1309, %get3A_1310, %get3A_1311] {strides = array<i32>} : memref<2x8x3072xf32, #tpu.memory_space<vmem>>, vector<1x1x16xf32>,
        %get3A_1313 = vector.shape_cast %get3A_1312 : vector<1x1x16xf32> to vector<16xf32>
        %add3A_1314 = arith.addf %add3A_1258, %get3A_1313 : vector<16xf32>
        %get3A_1315 = arith.constant 0 : i32
        %get3A_1316 = arith.index_cast %get3A_1315 : i32 to index
        %get3A_1317 = arith.index_cast %scan3A_194 : i32 to index
        %get3A_1318 = arith.constant 2544 : index
        %get3A_1319 = tpu.vector_load %arg4[%get3A_1316, %get3A_1317, %get3A_1318] {strides = array<i32>} : memref<2x8x3072xf32, #tpu.memory_space<vmem>>, vector<1x1x16xf32>,
        %get3A_1320 = vector.shape_cast %get3A_1319 : vector<1x1x16xf32> to vector<16xf32>
        %add3A_1321 = arith.addf %add3A_1265, %get3A_1320 : vector<16xf32>
        %get3A_1322 = arith.constant 0 : i32
        %get3A_1323 = arith.index_cast %get3A_1322 : i32 to index
        %get3A_1324 = arith.index_cast %scan3A_194 : i32 to index
        %get3A_1325 = arith.constant 2560 : index
        %get3A_1326 = tpu.vector_load %arg4[%get3A_1323, %get3A_1324, %get3A_1325] {strides = array<i32>} : memref<2x8x3072xf32, #tpu.memory_space<vmem>>, vector<1x1x16xf32>,
        %get3A_1327 = vector.shape_cast %get3A_1326 : vector<1x1x16xf32> to vector<16xf32>
        %add3A_1328 = arith.addf %add3A_1272, %get3A_1327 : vector<16xf32>
        %get3A_1329 = arith.constant 0 : i32
        %get3A_1330 = arith.index_cast %get3A_1329 : i32 to index
        %get3A_1331 = arith.index_cast %scan3A_194 : i32 to index
        %get3A_1332 = arith.constant 2576 : index
        %get3A_1333 = tpu.vector_load %arg4[%get3A_1330, %get3A_1331, %get3A_1332] {strides = array<i32>} : memref<2x8x3072xf32, #tpu.memory_space<vmem>>, vector<1x1x16xf32>,
        %get3A_1334 = vector.shape_cast %get3A_1333 : vector<1x1x16xf32> to vector<16xf32>
        %add3A_1335 = arith.addf %add3A_1279, %get3A_1334 : vector<16xf32>
        %get3A_1336 = arith.constant 0 : i32
        %get3A_1337 = arith.index_cast %get3A_1336 : i32 to index
        %get3A_1338 = arith.index_cast %scan3A_194 : i32 to index
        %get3A_1339 = arith.constant 2592 : index
        %get3A_1340 = tpu.vector_load %arg4[%get3A_1337, %get3A_1338, %get3A_1339] {strides = array<i32>} : memref<2x8x3072xf32, #tpu.memory_space<vmem>>, vector<1x1x16xf32>,
        %get3A_1341 = vector.shape_cast %get3A_1340 : vector<1x1x16xf32> to vector<16xf32>
        %add3A_1342 = arith.addf %add3A_1286, %get3A_1341 : vector<16xf32>
        %get3A_1343 = arith.constant 0 : i32
        %get3A_1344 = arith.index_cast %get3A_1343 : i32 to index
        %get3A_1345 = arith.index_cast %scan3A_194 : i32 to index
        %get3A_1346 = arith.constant 2608 : index
        %get3A_1347 = tpu.vector_load %arg4[%get3A_1344, %get3A_1345, %get3A_1346] {strides = array<i32>} : memref<2x8x3072xf32, #tpu.memory_space<vmem>>, vector<1x1x16xf32>,
        %get3A_1348 = vector.shape_cast %get3A_1347 : vector<1x1x16xf32> to vector<16xf32>
        %add3A_1349 = arith.addf %add3A_1293, %get3A_1348 : vector<16xf32>
        %get3A_1350 = arith.constant 0 : i32
        %get3A_1351 = arith.index_cast %get3A_1350 : i32 to index
        %get3A_1352 = arith.index_cast %scan3A_194 : i32 to index
        %get3A_1353 = arith.constant 2624 : index
        %get3A_1354 = tpu.vector_load %arg4[%get3A_1351, %get3A_1352, %get3A_1353] {strides = array<i32>} : memref<2x8x3072xf32, #tpu.memory_space<vmem>>, vector<1x1x16xf32>,
        %get3A_1355 = vector.shape_cast %get3A_1354 : vector<1x1x16xf32> to vector<16xf32>
        %add3A_1356 = arith.addf %add3A_1300, %get3A_1355 : vector<16xf32>
        %get3A_1357 = arith.constant 0 : i32
        %get3A_1358 = arith.index_cast %get3A_1357 : i32 to index
        %get3A_1359 = arith.index_cast %scan3A_194 : i32 to index
        %get3A_1360 = arith.constant 2640 : index
        %get3A_1361 = tpu.vector_load %arg4[%get3A_1358, %get3A_1359, %get3A_1360] {strides = array<i32>} : memref<2x8x3072xf32, #tpu.memory_space<vmem>>, vector<1x1x16xf32>,
        %get3A_1362 = vector.shape_cast %get3A_1361 : vector<1x1x16xf32> to vector<16xf32>
        %add3A_1363 = arith.addf %add3A_1307, %get3A_1362 : vector<16xf32>
        %get3A_1364 = arith.constant 0 : i32
        %get3A_1365 = arith.index_cast %get3A_1364 : i32 to index
        %get3A_1366 = arith.index_cast %scan3A_194 : i32 to index
        %get3A_1367 = arith.constant 2656 : index
        %get3A_1368 = tpu.vector_load %arg4[%get3A_1365, %get3A_1366, %get3A_1367] {strides = array<i32>} : memref<2x8x3072xf32, #tpu.memory_space<vmem>>, vector<1x1x16xf32>,
        %get3A_1369 = vector.shape_cast %get3A_1368 : vector<1x1x16xf32> to vector<16xf32>
        %add3A_1370 = arith.addf %add3A_1314, %get3A_1369 : vector<16xf32>
        %get3A_1371 = arith.constant 0 : i32
        %get3A_1372 = arith.index_cast %get3A_1371 : i32 to index
        %get3A_1373 = arith.index_cast %scan3A_194 : i32 to index
        %get3A_1374 = arith.constant 2672 : index
        %get3A_1375 = tpu.vector_load %arg4[%get3A_1372, %get3A_1373, %get3A_1374] {strides = array<i32>} : memref<2x8x3072xf32, #tpu.memory_space<vmem>>, vector<1x1x16xf32>,
        %get3A_1376 = vector.shape_cast %get3A_1375 : vector<1x1x16xf32> to vector<16xf32>
        %add3A_1377 = arith.addf %add3A_1321, %get3A_1376 : vector<16xf32>
        %get3A_1378 = arith.constant 0 : i32
        %get3A_1379 = arith.index_cast %get3A_1378 : i32 to index
        %get3A_1380 = arith.index_cast %scan3A_194 : i32 to index
        %get3A_1381 = arith.constant 2688 : index
        %get3A_1382 = tpu.vector_load %arg4[%get3A_1379, %get3A_1380, %get3A_1381] {strides = array<i32>} : memref<2x8x3072xf32, #tpu.memory_space<vmem>>, vector<1x1x16xf32>,
        %get3A_1383 = vector.shape_cast %get3A_1382 : vector<1x1x16xf32> to vector<16xf32>
        %add3A_1384 = arith.addf %add3A_1328, %get3A_1383 : vector<16xf32>
        %get3A_1385 = arith.constant 0 : i32
        %get3A_1386 = arith.index_cast %get3A_1385 : i32 to index
        %get3A_1387 = arith.index_cast %scan3A_194 : i32 to index
        %get3A_1388 = arith.constant 2704 : index
        %get3A_1389 = tpu.vector_load %arg4[%get3A_1386, %get3A_1387, %get3A_1388] {strides = array<i32>} : memref<2x8x3072xf32, #tpu.memory_space<vmem>>, vector<1x1x16xf32>,
        %get3A_1390 = vector.shape_cast %get3A_1389 : vector<1x1x16xf32> to vector<16xf32>
        %add3A_1391 = arith.addf %add3A_1335, %get3A_1390 : vector<16xf32>
        %get3A_1392 = arith.constant 0 : i32
        %get3A_1393 = arith.index_cast %get3A_1392 : i32 to index
        %get3A_1394 = arith.index_cast %scan3A_194 : i32 to index
        %get3A_1395 = arith.constant 2720 : index
        %get3A_1396 = tpu.vector_load %arg4[%get3A_1393, %get3A_1394, %get3A_1395] {strides = array<i32>} : memref<2x8x3072xf32, #tpu.memory_space<vmem>>, vector<1x1x16xf32>,
        %get3A_1397 = vector.shape_cast %get3A_1396 : vector<1x1x16xf32> to vector<16xf32>
        %add3A_1398 = arith.addf %add3A_1342, %get3A_1397 : vector<16xf32>
        %get3A_1399 = arith.constant 0 : i32
        %get3A_1400 = arith.index_cast %get3A_1399 : i32 to index
        %get3A_1401 = arith.index_cast %scan3A_194 : i32 to index
        %get3A_1402 = arith.constant 2736 : index
        %get3A_1403 = tpu.vector_load %arg4[%get3A_1400, %get3A_1401, %get3A_1402] {strides = array<i32>} : memref<2x8x3072xf32, #tpu.memory_space<vmem>>, vector<1x1x16xf32>,
        %get3A_1404 = vector.shape_cast %get3A_1403 : vector<1x1x16xf32> to vector<16xf32>
        %add3A_1405 = arith.addf %add3A_1349, %get3A_1404 : vector<16xf32>
        %get3A_1406 = arith.constant 0 : i32
        %get3A_1407 = arith.index_cast %get3A_1406 : i32 to index
        %get3A_1408 = arith.index_cast %scan3A_194 : i32 to index
        %get3A_1409 = arith.constant 2752 : index
        %get3A_1410 = tpu.vector_load %arg4[%get3A_1407, %get3A_1408, %get3A_1409] {strides = array<i32>} : memref<2x8x3072xf32, #tpu.memory_space<vmem>>, vector<1x1x16xf32>,
        %get3A_1411 = vector.shape_cast %get3A_1410 : vector<1x1x16xf32> to vector<16xf32>
        %add3A_1412 = arith.addf %add3A_1356, %get3A_1411 : vector<16xf32>
        %get3A_1413 = arith.constant 0 : i32
        %get3A_1414 = arith.index_cast %get3A_1413 : i32 to index
        %get3A_1415 = arith.index_cast %scan3A_194 : i32 to index
        %get3A_1416 = arith.constant 2768 : index
        %get3A_1417 = tpu.vector_load %arg4[%get3A_1414, %get3A_1415, %get3A_1416] {strides = array<i32>} : memref<2x8x3072xf32, #tpu.memory_space<vmem>>, vector<1x1x16xf32>,
        %get3A_1418 = vector.shape_cast %get3A_1417 : vector<1x1x16xf32> to vector<16xf32>
        %add3A_1419 = arith.addf %add3A_1363, %get3A_1418 : vector<16xf32>
        %get3A_1420 = arith.constant 0 : i32
        %get3A_1421 = arith.index_cast %get3A_1420 : i32 to index
        %get3A_1422 = arith.index_cast %scan3A_194 : i32 to index
        %get3A_1423 = arith.constant 2784 : index
        %get3A_1424 = tpu.vector_load %arg4[%get3A_1421, %get3A_1422, %get3A_1423] {strides = array<i32>} : memref<2x8x3072xf32, #tpu.memory_space<vmem>>, vector<1x1x16xf32>,
        %get3A_1425 = vector.shape_cast %get3A_1424 : vector<1x1x16xf32> to vector<16xf32>
        %add3A_1426 = arith.addf %add3A_1370, %get3A_1425 : vector<16xf32>
        %get3A_1427 = arith.constant 0 : i32
        %get3A_1428 = arith.index_cast %get3A_1427 : i32 to index
        %get3A_1429 = arith.index_cast %scan3A_194 : i32 to index
        %get3A_1430 = arith.constant 2800 : index
        %get3A_1431 = tpu.vector_load %arg4[%get3A_1428, %get3A_1429, %get3A_1430] {strides = array<i32>} : memref<2x8x3072xf32, #tpu.memory_space<vmem>>, vector<1x1x16xf32>,
        %get3A_1432 = vector.shape_cast %get3A_1431 : vector<1x1x16xf32> to vector<16xf32>
        %add3A_1433 = arith.addf %add3A_1377, %get3A_1432 : vector<16xf32>
        %get3A_1434 = arith.constant 0 : i32
        %get3A_1435 = arith.index_cast %get3A_1434 : i32 to index
        %get3A_1436 = arith.index_cast %scan3A_194 : i32 to index
        %get3A_1437 = arith.constant 2816 : index
        %get3A_1438 = tpu.vector_load %arg4[%get3A_1435, %get3A_1436, %get3A_1437] {strides = array<i32>} : memref<2x8x3072xf32, #tpu.memory_space<vmem>>, vector<1x1x16xf32>,
        %get3A_1439 = vector.shape_cast %get3A_1438 : vector<1x1x16xf32> to vector<16xf32>
        %add3A_1440 = arith.addf %add3A_1384, %get3A_1439 : vector<16xf32>
        %get3A_1441 = arith.constant 0 : i32
        %get3A_1442 = arith.index_cast %get3A_1441 : i32 to index
        %get3A_1443 = arith.index_cast %scan3A_194 : i32 to index
        %get3A_1444 = arith.constant 2832 : index
        %get3A_1445 = tpu.vector_load %arg4[%get3A_1442, %get3A_1443, %get3A_1444] {strides = array<i32>} : memref<2x8x3072xf32, #tpu.memory_space<vmem>>, vector<1x1x16xf32>,
        %get3A_1446 = vector.shape_cast %get3A_1445 : vector<1x1x16xf32> to vector<16xf32>
        %add3A_1447 = arith.addf %add3A_1391, %get3A_1446 : vector<16xf32>
        %get3A_1448 = arith.constant 0 : i32
        %get3A_1449 = arith.index_cast %get3A_1448 : i32 to index
        %get3A_1450 = arith.index_cast %scan3A_194 : i32 to index
        %get3A_1451 = arith.constant 2848 : index
        %get3A_1452 = tpu.vector_load %arg4[%get3A_1449, %get3A_1450, %get3A_1451] {strides = array<i32>} : memref<2x8x3072xf32, #tpu.memory_space<vmem>>, vector<1x1x16xf32>,
        %get3A_1453 = vector.shape_cast %get3A_1452 : vector<1x1x16xf32> to vector<16xf32>
        %add3A_1454 = arith.addf %add3A_1398, %get3A_1453 : vector<16xf32>
        %get3A_1455 = arith.constant 0 : i32
        %get3A_1456 = arith.index_cast %get3A_1455 : i32 to index
        %get3A_1457 = arith.index_cast %scan3A_194 : i32 to index
        %get3A_1458 = arith.constant 2864 : index
        %get3A_1459 = tpu.vector_load %arg4[%get3A_1456, %get3A_1457, %get3A_1458] {strides = array<i32>} : memref<2x8x3072xf32, #tpu.memory_space<vmem>>, vector<1x1x16xf32>,
        %get3A_1460 = vector.shape_cast %get3A_1459 : vector<1x1x16xf32> to vector<16xf32>
        %add3A_1461 = arith.addf %add3A_1405, %get3A_1460 : vector<16xf32>
        %get3A_1462 = arith.constant 0 : i32
        %get3A_1463 = arith.index_cast %get3A_1462 : i32 to index
        %get3A_1464 = arith.index_cast %scan3A_194 : i32 to index
        %get3A_1465 = arith.constant 2880 : index
        %get3A_1466 = tpu.vector_load %arg4[%get3A_1463, %get3A_1464, %get3A_1465] {strides = array<i32>} : memref<2x8x3072xf32, #tpu.memory_space<vmem>>, vector<1x1x16xf32>,
        %get3A_1467 = vector.shape_cast %get3A_1466 : vector<1x1x16xf32> to vector<16xf32>
        %add3A_1468 = arith.addf %add3A_1412, %get3A_1467 : vector<16xf32>
        %get3A_1469 = arith.constant 0 : i32
        %get3A_1470 = arith.index_cast %get3A_1469 : i32 to index
        %get3A_1471 = arith.index_cast %scan3A_194 : i32 to index
        %get3A_1472 = arith.constant 2896 : index
        %get3A_1473 = tpu.vector_load %arg4[%get3A_1470, %get3A_1471, %get3A_1472] {strides = array<i32>} : memref<2x8x3072xf32, #tpu.memory_space<vmem>>, vector<1x1x16xf32>,
        %get3A_1474 = vector.shape_cast %get3A_1473 : vector<1x1x16xf32> to vector<16xf32>
        %add3A_1475 = arith.addf %add3A_1419, %get3A_1474 : vector<16xf32>
        %get3A_1476 = arith.constant 0 : i32
        %get3A_1477 = arith.index_cast %get3A_1476 : i32 to index
        %get3A_1478 = arith.index_cast %scan3A_194 : i32 to index
        %get3A_1479 = arith.constant 2912 : index
        %get3A_1480 = tpu.vector_load %arg4[%get3A_1477, %get3A_1478, %get3A_1479] {strides = array<i32>} : memref<2x8x3072xf32, #tpu.memory_space<vmem>>, vector<1x1x16xf32>,
        %get3A_1481 = vector.shape_cast %get3A_1480 : vector<1x1x16xf32> to vector<16xf32>
        %add3A_1482 = arith.addf %add3A_1426, %get3A_1481 : vector<16xf32>
        %get3A_1483 = arith.constant 0 : i32
        %get3A_1484 = arith.index_cast %get3A_1483 : i32 to index
        %get3A_1485 = arith.index_cast %scan3A_194 : i32 to index
        %get3A_1486 = arith.constant 2928 : index
        %get3A_1487 = tpu.vector_load %arg4[%get3A_1484, %get3A_1485, %get3A_1486] {strides = array<i32>} : memref<2x8x3072xf32, #tpu.memory_space<vmem>>, vector<1x1x16xf32>,
        %get3A_1488 = vector.shape_cast %get3A_1487 : vector<1x1x16xf32> to vector<16xf32>
        %add3A_1489 = arith.addf %add3A_1433, %get3A_1488 : vector<16xf32>
        %get3A_1490 = arith.constant 0 : i32
        %get3A_1491 = arith.index_cast %get3A_1490 : i32 to index
        %get3A_1492 = arith.index_cast %scan3A_194 : i32 to index
        %get3A_1493 = arith.constant 2944 : index
        %get3A_1494 = tpu.vector_load %arg4[%get3A_1491, %get3A_1492, %get3A_1493] {strides = array<i32>} : memref<2x8x3072xf32, #tpu.memory_space<vmem>>, vector<1x1x16xf32>,
        %get3A_1495 = vector.shape_cast %get3A_1494 : vector<1x1x16xf32> to vector<16xf32>
        %add3A_1496 = arith.addf %add3A_1440, %get3A_1495 : vector<16xf32>
        %get3A_1497 = arith.constant 0 : i32
        %get3A_1498 = arith.index_cast %get3A_1497 : i32 to index
        %get3A_1499 = arith.index_cast %scan3A_194 : i32 to index
        %get3A_1500 = arith.constant 2960 : index
        %get3A_1501 = tpu.vector_load %arg4[%get3A_1498, %get3A_1499, %get3A_1500] {strides = array<i32>} : memref<2x8x3072xf32, #tpu.memory_space<vmem>>, vector<1x1x16xf32>,
        %get3A_1502 = vector.shape_cast %get3A_1501 : vector<1x1x16xf32> to vector<16xf32>
        %add3A_1503 = arith.addf %add3A_1447, %get3A_1502 : vector<16xf32>
        %get3A_1504 = arith.constant 0 : i32
        %get3A_1505 = arith.index_cast %get3A_1504 : i32 to index
        %get3A_1506 = arith.index_cast %scan3A_194 : i32 to index
        %get3A_1507 = arith.constant 2976 : index
        %get3A_1508 = tpu.vector_load %arg4[%get3A_1505, %get3A_1506, %get3A_1507] {strides = array<i32>} : memref<2x8x3072xf32, #tpu.memory_space<vmem>>, vector<1x1x16xf32>,
        %get3A_1509 = vector.shape_cast %get3A_1508 : vector<1x1x16xf32> to vector<16xf32>
        %add3A_1510 = arith.addf %add3A_1454, %get3A_1509 : vector<16xf32>
        %get3A_1511 = arith.constant 0 : i32
        %get3A_1512 = arith.index_cast %get3A_1511 : i32 to index
        %get3A_1513 = arith.index_cast %scan3A_194 : i32 to index
        %get3A_1514 = arith.constant 2992 : index
        %get3A_1515 = tpu.vector_load %arg4[%get3A_1512, %get3A_1513, %get3A_1514] {strides = array<i32>} : memref<2x8x3072xf32, #tpu.memory_space<vmem>>, vector<1x1x16xf32>,
        %get3A_1516 = vector.shape_cast %get3A_1515 : vector<1x1x16xf32> to vector<16xf32>
        %add3A_1517 = arith.addf %add3A_1461, %get3A_1516 : vector<16xf32>
        %get3A_1518 = arith.constant 0 : i32
        %get3A_1519 = arith.index_cast %get3A_1518 : i32 to index
        %get3A_1520 = arith.index_cast %scan3A_194 : i32 to index
        %get3A_1521 = arith.constant 3008 : index
        %get3A_1522 = tpu.vector_load %arg4[%get3A_1519, %get3A_1520, %get3A_1521] {strides = array<i32>} : memref<2x8x3072xf32, #tpu.memory_space<vmem>>, vector<1x1x16xf32>,
        %get3A_1523 = vector.shape_cast %get3A_1522 : vector<1x1x16xf32> to vector<16xf32>
        %add3A_1524 = arith.addf %add3A_1468, %get3A_1523 : vector<16xf32>
        %get3A_1525 = arith.constant 0 : i32
        %get3A_1526 = arith.index_cast %get3A_1525 : i32 to index
        %get3A_1527 = arith.index_cast %scan3A_194 : i32 to index
        %get3A_1528 = arith.constant 3024 : index
        %get3A_1529 = tpu.vector_load %arg4[%get3A_1526, %get3A_1527, %get3A_1528] {strides = array<i32>} : memref<2x8x3072xf32, #tpu.memory_space<vmem>>, vector<1x1x16xf32>,
        %get3A_1530 = vector.shape_cast %get3A_1529 : vector<1x1x16xf32> to vector<16xf32>
        %add3A_1531 = arith.addf %add3A_1475, %get3A_1530 : vector<16xf32>
        %get3A_1532 = arith.constant 0 : i32
        %get3A_1533 = arith.index_cast %get3A_1532 : i32 to index
        %get3A_1534 = arith.index_cast %scan3A_194 : i32 to index
        %get3A_1535 = arith.constant 3040 : index
        %get3A_1536 = tpu.vector_load %arg4[%get3A_1533, %get3A_1534, %get3A_1535] {strides = array<i32>} : memref<2x8x3072xf32, #tpu.memory_space<vmem>>, vector<1x1x16xf32>,
        %get3A_1537 = vector.shape_cast %get3A_1536 : vector<1x1x16xf32> to vector<16xf32>
        %add3A_1538 = arith.addf %add3A_1482, %get3A_1537 : vector<16xf32>
        %get3A_1539 = arith.constant 0 : i32
        %get3A_1540 = arith.index_cast %get3A_1539 : i32 to index
        %get3A_1541 = arith.index_cast %scan3A_194 : i32 to index
        %get3A_1542 = arith.constant 3056 : index
        %get3A_1543 = tpu.vector_load %arg4[%get3A_1540, %get3A_1541, %get3A_1542] {strides = array<i32>} : memref<2x8x3072xf32, #tpu.memory_space<vmem>>, vector<1x1x16xf32>,
        %get3A_1544 = vector.shape_cast %get3A_1543 : vector<1x1x16xf32> to vector<16xf32>
        %add3A_1545 = arith.addf %add3A_1489, %get3A_1544 : vector<16xf32>
        scf.yield %add3A_1496, %add3A_1503, %add3A_1510, %add3A_1517, %add3A_1524, %add3A_1531, %add3A_1538, %add3A_1545 : vector<16xf32>, vector<16xf32>, vector<16xf32>, vector<16xf32>, vector<16xf32>, vector<16xf32>, vector<16xf32>, vector<16xf32>
      }
      %scan3A_155 = arith.constant 8 : i32
      %mul3A_156 = arith.constant 2 : i32
      %mul3A_157 = arith.muli %mul3A_156, %scan3A_82 : i32
      %add3A_158 = arith.constant 2 : i32
      %add3A_159 = arith.addi %mul3A_157, %add3A_158 : i32
      %lt3A = arith.constant 32 : i32
      %lt3A_160 = arith.cmpi slt, %add3A_159, %lt3A : i32
      %convert_element_type3A = arith.extui %lt3A_160 : i1 to i32
      %cond3A = arith.constant 0 : i32
      %cond3A_161 = arith.cmpi ne, %convert_element_type3A, %cond3A : i32
      scf.if %cond3A_161 {
        %mul3A_194 = arith.constant 2 : i32
        %mul3A_195 = arith.muli %mul3A_194, %scan3A_82 : i32
        %add3A_196 = arith.constant 2 : i32
        %add3A_197 = arith.addi %mul3A_195, %add3A_196 : i32
        %mul3A_198 = arith.constant 8 : i32
        %mul3A_199 = arith.muli %scan3A, %mul3A_198 : i32
        %add3A_200 = arith.addi %mul3A_2, %mul3A_199 : i32
        %multiple_of3A_201 = tpu.assume_multiple %add3A_200, 8 : i32
        %mul3A_202 = arith.constant 3072 : i32
        %mul3A_203 = arith.muli %add3A_197, %mul3A_202 : i32
        %multiple_of3A_204 = tpu.assume_multiple %mul3A_203, 128 : i32
        %dma_start3A_205 = arith.constant 0 : i32
        %dma_start3A_206 = arith.constant 0 : i32
        %dma_start3A_207 = arith.constant 0 : i32
        %dma_start3A_208 = tpu.memref_slice %arg4[%dma_start3A_205, %dma_start3A_206, %dma_start3A_207] : memref<2x8x3072xf32, #tpu.memory_space<vmem>> -> memref<1x8x3072xf32, #tpu.memory_space<vmem>>
        %dma_start3A_209 = tpu.memref_squeeze %dma_start3A_208 : memref<1x8x3072xf32, #tpu.memory_space<vmem>> -> memref<8x3072xf32, #tpu.memory_space<vmem>>
        %dma_start3A_210 = tpu.memref_slice %arg2[%multiple_of3A_201, %multiple_of3A_204] : memref<1024x100000xf32, #tpu.memory_space<hbm>> -> memref<8x3072xf32, #tpu.memory_space<hbm>>
        %dma_start3A_211 = arith.constant 0 : i32
        %dma_start3A_212 = arith.constant 0 : i32
        %dma_start3A_213 = tpu.memref_slice %arg4[%dma_start3A_205, %dma_start3A_211, %dma_start3A_212] : memref<2x8x3072xf32, #tpu.memory_space<vmem>> -> memref<1x8x3072xf32, #tpu.memory_space<vmem>>
        %dma_start3A_214 = tpu.memref_squeeze %dma_start3A_213 : memref<1x8x3072xf32, #tpu.memory_space<vmem>> -> memref<8x3072xf32, #tpu.memory_space<vmem>>
        %dma_start3A_215 = tpu.memref_slice %arg2[%multiple_of3A_201, %multiple_of3A_204] : memref<1024x100000xf32, #tpu.memory_space<hbm>> -> memref<8x3072xf32, #tpu.memory_space<hbm>>
        tpu.enqueue_dma source(%dma_start3A_215 : memref<8x3072xf32, #tpu.memory_space<hbm>>) target(%dma_start3A_214 : memref<8x3072xf32, #tpu.memory_space<vmem>>) target_semaphore(%arg7 : memref<!tpu.dma_semaphore, #tpu.memory_space<semaphore_mem>>)
        %dma_start3A_216 = arith.constant 0 : i32
        %dma_start3A_217 = arith.constant 0 : i32
        %dma_start3A_218 = arith.constant 0 : i32
        %dma_start3A_219 = tpu.memref_slice %arg4[%dma_start3A_216, %dma_start3A_217, %dma_start3A_218] : memref<2x8x3072xf32, #tpu.memory_space<vmem>> -> memref<1x8x3072xf32, #tpu.memory_space<vmem>>
        %dma_start3A_220 = tpu.memref_squeeze %dma_start3A_219 : memref<1x8x3072xf32, #tpu.memory_space<vmem>> -> memref<8x3072xf32, #tpu.memory_space<vmem>>
        %dma_start3A_221 = tpu.memref_slice %arg2[%multiple_of3A_201, %multiple_of3A_204] : memref<1024x100000xf32, #tpu.memory_space<hbm>> -> memref<8x3072xf32, #tpu.memory_space<hbm>>
        %dma_start3A_222 = arith.constant 0 : i32
        %dma_start3A_223 = arith.constant 0 : i32
        %dma_start3A_224 = tpu.memref_slice %arg4[%dma_start3A_216, %dma_start3A_222, %dma_start3A_223] : memref<2x8x3072xf32, #tpu.memory_space<vmem>> -> memref<1x8x3072xf32, #tpu.memory_space<vmem>>
        %dma_start3A_225 = tpu.memref_squeeze %dma_start3A_224 : memref<1x8x3072xf32, #tpu.memory_space<vmem>> -> memref<8x3072xf32, #tpu.memory_space<vmem>>
        %dma_start3A_226 = tpu.memref_slice %arg2[%multiple_of3A_201, %multiple_of3A_204] : memref<1024x100000xf32, #tpu.memory_space<hbm>> -> memref<8x3072xf32, #tpu.memory_space<hbm>>
        tpu.enqueue_dma source(%dma_start3A_226 : memref<8x3072xf32, #tpu.memory_space<hbm>>) target(%dma_start3A_225 : memref<8x3072xf32, #tpu.memory_space<vmem>>) target_semaphore(%arg7 : memref<!tpu.dma_semaphore, #tpu.memory_space<semaphore_mem>>)
      } else {
      }
      %dma_start3A_162 = arith.constant 1 : i32
      %dma_start3A_163 = arith.constant 0 : i32
      %dma_start3A_164 = arith.constant 0 : i32
      %dma_start3A_165 = tpu.memref_slice %arg4[%dma_start3A_162, %dma_start3A_163, %dma_start3A_164] : memref<2x8x3072xf32, #tpu.memory_space<vmem>> -> memref<1x8x3072xf32, #tpu.memory_space<vmem>>
      %dma_start3A_166 = tpu.memref_squeeze %dma_start3A_165 : memref<1x8x3072xf32, #tpu.memory_space<vmem>> -> memref<8x3072xf32, #tpu.memory_space<vmem>>
      %dma_start3A_167 = arith.constant 0 : i32
      %dma_start3A_168 = tpu.memref_slice %arg2[%mul3A_2, %dma_start3A_167] : memref<1024x100000xf32, #tpu.memory_space<hbm>> -> memref<8x3072xf32, #tpu.memory_space<hbm>>
      %dma_start3A_169 = arith.constant 0 : i32
      %dma_start3A_170 = arith.constant 0 : i32
      %dma_start3A_171 = tpu.memref_slice %arg4[%dma_start3A_162, %dma_start3A_169, %dma_start3A_170] : memref<2x8x3072xf32, #tpu.memory_space<vmem>> -> memref<1x8x3072xf32, #tpu.memory_space<vmem>>
      %dma_start3A_172 = tpu.memref_squeeze %dma_start3A_171 : memref<1x8x3072xf32, #tpu.memory_space<vmem>> -> memref<8x3072xf32, #tpu.memory_space<vmem>>
      %dma_start3A_173 = arith.constant 0 : i32
      %dma_start3A_174 = tpu.memref_slice %arg2[%mul3A_2, %dma_start3A_173] : memref<1024x100000xf32, #tpu.memory_space<hbm>> -> memref<8x3072xf32, #tpu.memory_space<hbm>>
      tpu.enqueue_dma source(%dma_start3A_174 : memref<8x3072xf32, #tpu.memory_space<hbm>>) target(%dma_start3A_172 : memref<8x3072xf32, #tpu.memory_space<vmem>>) target_semaphore(%arg8 : memref<!tpu.dma_semaphore, #tpu.memory_space<semaphore_mem>>)
      %dma_wait3A_175 = arith.constant 1 : i32
      %dma_wait3A_176 = arith.constant 0 : i32
      %dma_wait3A_177 = arith.constant 0 : i32
      %dma_wait3A_178 = tpu.memref_slice %arg4[%dma_wait3A_175, %dma_wait3A_176, %dma_wait3A_177] : memref<2x8x3072xf32, #tpu.memory_space<vmem>> -> memref<1x8x3072xf32, #tpu.memory_space<vmem>>
      %dma_wait3A_179 = tpu.memref_squeeze %dma_wait3A_178 : memref<1x8x3072xf32, #tpu.memory_space<vmem>> -> memref<8x3072xf32, #tpu.memory_space<vmem>>
      %dma_wait3A_180 = arith.constant 0 : i32
      %dma_wait3A_181 = tpu.memref_slice %arg2[%mul3A_2, %dma_wait3A_180] : memref<1024x100000xf32, #tpu.memory_space<hbm>> -> memref<8x3072xf32, #tpu.memory_space<hbm>>
      %dma_wait3A_182 = arith.constant 0 : i32
      %dma_wait3A_183 = arith.constant 0 : i32
      %dma_wait3A_184 = tpu.memref_slice %arg4[%dma_wait3A_175, %dma_wait3A_182, %dma_wait3A_183] : memref<2x8x3072xf32, #tpu.memory_space<vmem>> -> memref<1x8x3072xf32, #tpu.memory_space<vmem>>
      %dma_wait3A_185 = tpu.memref_squeeze %dma_wait3A_184 : memref<1x8x3072xf32, #tpu.memory_space<vmem>> -> memref<8x3072xf32, #tpu.memory_space<vmem>>
      %dma_wait3A_186 = arith.constant 0 : i32
      %dma_wait3A_187 = tpu.memref_slice %arg2[%mul3A_2, %dma_wait3A_186] : memref<1024x100000xf32, #tpu.memory_space<hbm>> -> memref<8x3072xf32, #tpu.memory_space<hbm>>
      tpu.wait_dma2 semaphore(%arg8 : memref<!tpu.dma_semaphore, #tpu.memory_space<semaphore_mem>>) src(%dma_wait3A_187 : memref<8x3072xf32, #tpu.memory_space<hbm>>) dst(%dma_wait3A_185 : memref<8x3072xf32, #tpu.memory_space<vmem>>)
      %scan3A_188 = arith.constant 0 : i32
      %scan3A_189 = arith.constant 8 : i32
      %scan3A_190 = arith.addi %scan3A_188, %scan3A_189 : i32
      %scan3A_191 = arith.constant 1 : i32
      %scan3A_192:8 = scf.for %scan3A_194 = %scan3A_188 to %scan3A_190 step %scan3A_191 iter_args(%scan3A_195 = %scan3A_154#0, %scan3A_196 = %scan3A_154#1, %scan3A_197 = %scan3A_154#2, %scan3A_198 = %scan3A_154#3, %scan3A_199 = %scan3A_154#4, %scan3A_200 = %scan3A_154#5, %scan3A_201 = %scan3A_154#6, %scan3A_202 = %scan3A_154#7) -> (vector<16xf32>, vector<16xf32>, vector<16xf32>, vector<16xf32>, vector<16xf32>, vector<16xf32>, vector<16xf32>, vector<16xf32>)  : i32 {
        %get3A = arith.constant 1 : i32
        %get3A_203 = arith.index_cast %get3A : i32 to index
        %get3A_204 = arith.index_cast %scan3A_194 : i32 to index
        %get3A_205 = arith.constant 0 : index
        %get3A_206 = tpu.vector_load %arg4[%get3A_203, %get3A_204, %get3A_205] {strides = array<i32>} : memref<2x8x3072xf32, #tpu.memory_space<vmem>>, vector<1x1x16xf32>,
        %get3A_207 = vector.shape_cast %get3A_206 : vector<1x1x16xf32> to vector<16xf32>
        %add3A_208 = arith.addf %scan3A_195, %get3A_207 : vector<16xf32>
        %get3A_209 = arith.constant 1 : i32
        %get3A_210 = arith.index_cast %get3A_209 : i32 to index
        %get3A_211 = arith.index_cast %scan3A_194 : i32 to index
        %get3A_212 = arith.constant 16 : index
        %get3A_213 = tpu.vector_load %arg4[%get3A_210, %get3A_211, %get3A_212] {strides = array<i32>} : memref<2x8x3072xf32, #tpu.memory_space<vmem>>, vector<1x1x16xf32>,
        %get3A_214 = vector.shape_cast %get3A_213 : vector<1x1x16xf32> to vector<16xf32>
        %add3A_215 = arith.addf %scan3A_196, %get3A_214 : vector<16xf32>
        %get3A_216 = arith.constant 1 : i32
        %get3A_217 = arith.index_cast %get3A_216 : i32 to index
        %get3A_218 = arith.index_cast %scan3A_194 : i32 to index
        %get3A_219 = arith.constant 32 : index
        %get3A_220 = tpu.vector_load %arg4[%get3A_217, %get3A_218, %get3A_219] {strides = array<i32>} : memref<2x8x3072xf32, #tpu.memory_space<vmem>>, vector<1x1x16xf32>,
        %get3A_221 = vector.shape_cast %get3A_220 : vector<1x1x16xf32> to vector<16xf32>
        %add3A_222 = arith.addf %scan3A_197, %get3A_221 : vector<16xf32>
        %get3A_223 = arith.constant 1 : i32
        %get3A_224 = arith.index_cast %get3A_223 : i32 to index
        %get3A_225 = arith.index_cast %scan3A_194 : i32 to index
        %get3A_226 = arith.constant 48 : index
        %get3A_227 = tpu.vector_load %arg4[%get3A_224, %get3A_225, %get3A_226] {strides = array<i32>} : memref<2x8x3072xf32, #tpu.memory_space<vmem>>, vector<1x1x16xf32>,
        %get3A_228 = vector.shape_cast %get3A_227 : vector<1x1x16xf32> to vector<16xf32>
        %add3A_229 = arith.addf %scan3A_198, %get3A_228 : vector<16xf32>
        %get3A_230 = arith.constant 1 : i32
        %get3A_231 = arith.index_cast %get3A_230 : i32 to index
        %get3A_232 = arith.index_cast %scan3A_194 : i32 to index
        %get3A_233 = arith.constant 64 : index
        %get3A_234 = tpu.vector_load %arg4[%get3A_231, %get3A_232, %get3A_233] {strides = array<i32>} : memref<2x8x3072xf32, #tpu.memory_space<vmem>>, vector<1x1x16xf32>,
        %get3A_235 = vector.shape_cast %get3A_234 : vector<1x1x16xf32> to vector<16xf32>
        %add3A_236 = arith.addf %scan3A_199, %get3A_235 : vector<16xf32>
        %get3A_237 = arith.constant 1 : i32
        %get3A_238 = arith.index_cast %get3A_237 : i32 to index
        %get3A_239 = arith.index_cast %scan3A_194 : i32 to index
        %get3A_240 = arith.constant 80 : index
        %get3A_241 = tpu.vector_load %arg4[%get3A_238, %get3A_239, %get3A_240] {strides = array<i32>} : memref<2x8x3072xf32, #tpu.memory_space<vmem>>, vector<1x1x16xf32>,
        %get3A_242 = vector.shape_cast %get3A_241 : vector<1x1x16xf32> to vector<16xf32>
        %add3A_243 = arith.addf %scan3A_200, %get3A_242 : vector<16xf32>
        %get3A_244 = arith.constant 1 : i32
        %get3A_245 = arith.index_cast %get3A_244 : i32 to index
        %get3A_246 = arith.index_cast %scan3A_194 : i32 to index
        %get3A_247 = arith.constant 96 : index
        %get3A_248 = tpu.vector_load %arg4[%get3A_245, %get3A_246, %get3A_247] {strides = array<i32>} : memref<2x8x3072xf32, #tpu.memory_space<vmem>>, vector<1x1x16xf32>,
        %get3A_249 = vector.shape_cast %get3A_248 : vector<1x1x16xf32> to vector<16xf32>
        %add3A_250 = arith.addf %scan3A_201, %get3A_249 : vector<16xf32>
        %get3A_251 = arith.constant 1 : i32
        %get3A_252 = arith.index_cast %get3A_251 : i32 to index
        %get3A_253 = arith.index_cast %scan3A_194 : i32 to index
        %get3A_254 = arith.constant 112 : index
        %get3A_255 = tpu.vector_load %arg4[%get3A_252, %get3A_253, %get3A_254] {strides = array<i32>} : memref<2x8x3072xf32, #tpu.memory_space<vmem>>, vector<1x1x16xf32>,
        %get3A_256 = vector.shape_cast %get3A_255 : vector<1x1x16xf32> to vector<16xf32>
        %add3A_257 = arith.addf %scan3A_202, %get3A_256 : vector<16xf32>
        %get3A_258 = arith.constant 1 : i32
        %get3A_259 = arith.index_cast %get3A_258 : i32 to index
        %get3A_260 = arith.index_cast %scan3A_194 : i32 to index
        %get3A_261 = arith.constant 128 : index
        %get3A_262 = tpu.vector_load %arg4[%get3A_259, %get3A_260, %get3A_261] {strides = array<i32>} : memref<2x8x3072xf32, #tpu.memory_space<vmem>>, vector<1x1x16xf32>,
        %get3A_263 = vector.shape_cast %get3A_262 : vector<1x1x16xf32> to vector<16xf32>
        %add3A_264 = arith.addf %add3A_208, %get3A_263 : vector<16xf32>
        %get3A_265 = arith.constant 1 : i32
        %get3A_266 = arith.index_cast %get3A_265 : i32 to index
        %get3A_267 = arith.index_cast %scan3A_194 : i32 to index
        %get3A_268 = arith.constant 144 : index
        %get3A_269 = tpu.vector_load %arg4[%get3A_266, %get3A_267, %get3A_268] {strides = array<i32>} : memref<2x8x3072xf32, #tpu.memory_space<vmem>>, vector<1x1x16xf32>,
        %get3A_270 = vector.shape_cast %get3A_269 : vector<1x1x16xf32> to vector<16xf32>
        %add3A_271 = arith.addf %add3A_215, %get3A_270 : vector<16xf32>
        %get3A_272 = arith.constant 1 : i32
        %get3A_273 = arith.index_cast %get3A_272 : i32 to index
        %get3A_274 = arith.index_cast %scan3A_194 : i32 to index
        %get3A_275 = arith.constant 160 : index
        %get3A_276 = tpu.vector_load %arg4[%get3A_273, %get3A_274, %get3A_275] {strides = array<i32>} : memref<2x8x3072xf32, #tpu.memory_space<vmem>>, vector<1x1x16xf32>,
        %get3A_277 = vector.shape_cast %get3A_276 : vector<1x1x16xf32> to vector<16xf32>
        %add3A_278 = arith.addf %add3A_222, %get3A_277 : vector<16xf32>
        %get3A_279 = arith.constant 1 : i32
        %get3A_280 = arith.index_cast %get3A_279 : i32 to index
        %get3A_281 = arith.index_cast %scan3A_194 : i32 to index
        %get3A_282 = arith.constant 176 : index
        %get3A_283 = tpu.vector_load %arg4[%get3A_280, %get3A_281, %get3A_282] {strides = array<i32>} : memref<2x8x3072xf32, #tpu.memory_space<vmem>>, vector<1x1x16xf32>,
        %get3A_284 = vector.shape_cast %get3A_283 : vector<1x1x16xf32> to vector<16xf32>
        %add3A_285 = arith.addf %add3A_229, %get3A_284 : vector<16xf32>
        %get3A_286 = arith.constant 1 : i32
        %get3A_287 = arith.index_cast %get3A_286 : i32 to index
        %get3A_288 = arith.index_cast %scan3A_194 : i32 to index
        %get3A_289 = arith.constant 192 : index
        %get3A_290 = tpu.vector_load %arg4[%get3A_287, %get3A_288, %get3A_289] {strides = array<i32>} : memref<2x8x3072xf32, #tpu.memory_space<vmem>>, vector<1x1x16xf32>,
        %get3A_291 = vector.shape_cast %get3A_290 : vector<1x1x16xf32> to vector<16xf32>
        %add3A_292 = arith.addf %add3A_236, %get3A_291 : vector<16xf32>
        %get3A_293 = arith.constant 1 : i32
        %get3A_294 = arith.index_cast %get3A_293 : i32 to index
        %get3A_295 = arith.index_cast %scan3A_194 : i32 to index
        %get3A_296 = arith.constant 208 : index
        %get3A_297 = tpu.vector_load %arg4[%get3A_294, %get3A_295, %get3A_296] {strides = array<i32>} : memref<2x8x3072xf32, #tpu.memory_space<vmem>>, vector<1x1x16xf32>,
        %get3A_298 = vector.shape_cast %get3A_297 : vector<1x1x16xf32> to vector<16xf32>
        %add3A_299 = arith.addf %add3A_243, %get3A_298 : vector<16xf32>
        %get3A_300 = arith.constant 1 : i32
        %get3A_301 = arith.index_cast %get3A_300 : i32 to index
        %get3A_302 = arith.index_cast %scan3A_194 : i32 to index
        %get3A_303 = arith.constant 224 : index
        %get3A_304 = tpu.vector_load %arg4[%get3A_301, %get3A_302, %get3A_303] {strides = array<i32>} : memref<2x8x3072xf32, #tpu.memory_space<vmem>>, vector<1x1x16xf32>,
        %get3A_305 = vector.shape_cast %get3A_304 : vector<1x1x16xf32> to vector<16xf32>
        %add3A_306 = arith.addf %add3A_250, %get3A_305 : vector<16xf32>
        %get3A_307 = arith.constant 1 : i32
        %get3A_308 = arith.index_cast %get3A_307 : i32 to index
        %get3A_309 = arith.index_cast %scan3A_194 : i32 to index
        %get3A_310 = arith.constant 240 : index
        %get3A_311 = tpu.vector_load %arg4[%get3A_308, %get3A_309, %get3A_310] {strides = array<i32>} : memref<2x8x3072xf32, #tpu.memory_space<vmem>>, vector<1x1x16xf32>,
        %get3A_312 = vector.shape_cast %get3A_311 : vector<1x1x16xf32> to vector<16xf32>
        %add3A_313 = arith.addf %add3A_257, %get3A_312 : vector<16xf32>
        %get3A_314 = arith.constant 1 : i32
        %get3A_315 = arith.index_cast %get3A_314 : i32 to index
        %get3A_316 = arith.index_cast %scan3A_194 : i32 to index
        %get3A_317 = arith.constant 256 : index
        %get3A_318 = tpu.vector_load %arg4[%get3A_315, %get3A_316, %get3A_317] {strides = array<i32>} : memref<2x8x3072xf32, #tpu.memory_space<vmem>>, vector<1x1x16xf32>,
        %get3A_319 = vector.shape_cast %get3A_318 : vector<1x1x16xf32> to vector<16xf32>
        %add3A_320 = arith.addf %add3A_264, %get3A_319 : vector<16xf32>
        %get3A_321 = arith.constant 1 : i32
        %get3A_322 = arith.index_cast %get3A_321 : i32 to index
        %get3A_323 = arith.index_cast %scan3A_194 : i32 to index
        %get3A_324 = arith.constant 272 : index
        %get3A_325 = tpu.vector_load %arg4[%get3A_322, %get3A_323, %get3A_324] {strides = array<i32>} : memref<2x8x3072xf32, #tpu.memory_space<vmem>>, vector<1x1x16xf32>,
        %get3A_326 = vector.shape_cast %get3A_325 : vector<1x1x16xf32> to vector<16xf32>
        %add3A_327 = arith.addf %add3A_271, %get3A_326 : vector<16xf32>
        %get3A_328 = arith.constant 1 : i32
        %get3A_329 = arith.index_cast %get3A_328 : i32 to index
        %get3A_330 = arith.index_cast %scan3A_194 : i32 to index
        %get3A_331 = arith.constant 288 : index
        %get3A_332 = tpu.vector_load %arg4[%get3A_329, %get3A_330, %get3A_331] {strides = array<i32>} : memref<2x8x3072xf32, #tpu.memory_space<vmem>>, vector<1x1x16xf32>,
        %get3A_333 = vector.shape_cast %get3A_332 : vector<1x1x16xf32> to vector<16xf32>
        %add3A_334 = arith.addf %add3A_278, %get3A_333 : vector<16xf32>
        %get3A_335 = arith.constant 1 : i32
        %get3A_336 = arith.index_cast %get3A_335 : i32 to index
        %get3A_337 = arith.index_cast %scan3A_194 : i32 to index
        %get3A_338 = arith.constant 304 : index
        %get3A_339 = tpu.vector_load %arg4[%get3A_336, %get3A_337, %get3A_338] {strides = array<i32>} : memref<2x8x3072xf32, #tpu.memory_space<vmem>>, vector<1x1x16xf32>,
        %get3A_340 = vector.shape_cast %get3A_339 : vector<1x1x16xf32> to vector<16xf32>
        %add3A_341 = arith.addf %add3A_285, %get3A_340 : vector<16xf32>
        %get3A_342 = arith.constant 1 : i32
        %get3A_343 = arith.index_cast %get3A_342 : i32 to index
        %get3A_344 = arith.index_cast %scan3A_194 : i32 to index
        %get3A_345 = arith.constant 320 : index
        %get3A_346 = tpu.vector_load %arg4[%get3A_343, %get3A_344, %get3A_345] {strides = array<i32>} : memref<2x8x3072xf32, #tpu.memory_space<vmem>>, vector<1x1x16xf32>,
        %get3A_347 = vector.shape_cast %get3A_346 : vector<1x1x16xf32> to vector<16xf32>
        %add3A_348 = arith.addf %add3A_292, %get3A_347 : vector<16xf32>
        %get3A_349 = arith.constant 1 : i32
        %get3A_350 = arith.index_cast %get3A_349 : i32 to index
        %get3A_351 = arith.index_cast %scan3A_194 : i32 to index
        %get3A_352 = arith.constant 336 : index
        %get3A_353 = tpu.vector_load %arg4[%get3A_350, %get3A_351, %get3A_352] {strides = array<i32>} : memref<2x8x3072xf32, #tpu.memory_space<vmem>>, vector<1x1x16xf32>,
        %get3A_354 = vector.shape_cast %get3A_353 : vector<1x1x16xf32> to vector<16xf32>
        %add3A_355 = arith.addf %add3A_299, %get3A_354 : vector<16xf32>
        %get3A_356 = arith.constant 1 : i32
        %get3A_357 = arith.index_cast %get3A_356 : i32 to index
        %get3A_358 = arith.index_cast %scan3A_194 : i32 to index
        %get3A_359 = arith.constant 352 : index
        %get3A_360 = tpu.vector_load %arg4[%get3A_357, %get3A_358, %get3A_359] {strides = array<i32>} : memref<2x8x3072xf32, #tpu.memory_space<vmem>>, vector<1x1x16xf32>,
        %get3A_361 = vector.shape_cast %get3A_360 : vector<1x1x16xf32> to vector<16xf32>
        %add3A_362 = arith.addf %add3A_306, %get3A_361 : vector<16xf32>
        %get3A_363 = arith.constant 1 : i32
        %get3A_364 = arith.index_cast %get3A_363 : i32 to index
        %get3A_365 = arith.index_cast %scan3A_194 : i32 to index
        %get3A_366 = arith.constant 368 : index
        %get3A_367 = tpu.vector_load %arg4[%get3A_364, %get3A_365, %get3A_366] {strides = array<i32>} : memref<2x8x3072xf32, #tpu.memory_space<vmem>>, vector<1x1x16xf32>,
        %get3A_368 = vector.shape_cast %get3A_367 : vector<1x1x16xf32> to vector<16xf32>
        %add3A_369 = arith.addf %add3A_313, %get3A_368 : vector<16xf32>
        %get3A_370 = arith.constant 1 : i32
        %get3A_371 = arith.index_cast %get3A_370 : i32 to index
        %get3A_372 = arith.index_cast %scan3A_194 : i32 to index
        %get3A_373 = arith.constant 384 : index
        %get3A_374 = tpu.vector_load %arg4[%get3A_371, %get3A_372, %get3A_373] {strides = array<i32>} : memref<2x8x3072xf32, #tpu.memory_space<vmem>>, vector<1x1x16xf32>,
        %get3A_375 = vector.shape_cast %get3A_374 : vector<1x1x16xf32> to vector<16xf32>
        %add3A_376 = arith.addf %add3A_320, %get3A_375 : vector<16xf32>
        %get3A_377 = arith.constant 1 : i32
        %get3A_378 = arith.index_cast %get3A_377 : i32 to index
        %get3A_379 = arith.index_cast %scan3A_194 : i32 to index
        %get3A_380 = arith.constant 400 : index
        %get3A_381 = tpu.vector_load %arg4[%get3A_378, %get3A_379, %get3A_380] {strides = array<i32>} : memref<2x8x3072xf32, #tpu.memory_space<vmem>>, vector<1x1x16xf32>,
        %get3A_382 = vector.shape_cast %get3A_381 : vector<1x1x16xf32> to vector<16xf32>
        %add3A_383 = arith.addf %add3A_327, %get3A_382 : vector<16xf32>
        %get3A_384 = arith.constant 1 : i32
        %get3A_385 = arith.index_cast %get3A_384 : i32 to index
        %get3A_386 = arith.index_cast %scan3A_194 : i32 to index
        %get3A_387 = arith.constant 416 : index
        %get3A_388 = tpu.vector_load %arg4[%get3A_385, %get3A_386, %get3A_387] {strides = array<i32>} : memref<2x8x3072xf32, #tpu.memory_space<vmem>>, vector<1x1x16xf32>,
        %get3A_389 = vector.shape_cast %get3A_388 : vector<1x1x16xf32> to vector<16xf32>
        %add3A_390 = arith.addf %add3A_334, %get3A_389 : vector<16xf32>
        %get3A_391 = arith.constant 1 : i32
        %get3A_392 = arith.index_cast %get3A_391 : i32 to index
        %get3A_393 = arith.index_cast %scan3A_194 : i32 to index
        %get3A_394 = arith.constant 432 : index
        %get3A_395 = tpu.vector_load %arg4[%get3A_392, %get3A_393, %get3A_394] {strides = array<i32>} : memref<2x8x3072xf32, #tpu.memory_space<vmem>>, vector<1x1x16xf32>,
        %get3A_396 = vector.shape_cast %get3A_395 : vector<1x1x16xf32> to vector<16xf32>
        %add3A_397 = arith.addf %add3A_341, %get3A_396 : vector<16xf32>
        %get3A_398 = arith.constant 1 : i32
        %get3A_399 = arith.index_cast %get3A_398 : i32 to index
        %get3A_400 = arith.index_cast %scan3A_194 : i32 to index
        %get3A_401 = arith.constant 448 : index
        %get3A_402 = tpu.vector_load %arg4[%get3A_399, %get3A_400, %get3A_401] {strides = array<i32>} : memref<2x8x3072xf32, #tpu.memory_space<vmem>>, vector<1x1x16xf32>,
        %get3A_403 = vector.shape_cast %get3A_402 : vector<1x1x16xf32> to vector<16xf32>
        %add3A_404 = arith.addf %add3A_348, %get3A_403 : vector<16xf32>
        %get3A_405 = arith.constant 1 : i32
        %get3A_406 = arith.index_cast %get3A_405 : i32 to index
        %get3A_407 = arith.index_cast %scan3A_194 : i32 to index
        %get3A_408 = arith.constant 464 : index
        %get3A_409 = tpu.vector_load %arg4[%get3A_406, %get3A_407, %get3A_408] {strides = array<i32>} : memref<2x8x3072xf32, #tpu.memory_space<vmem>>, vector<1x1x16xf32>,
        %get3A_410 = vector.shape_cast %get3A_409 : vector<1x1x16xf32> to vector<16xf32>
        %add3A_411 = arith.addf %add3A_355, %get3A_410 : vector<16xf32>
        %get3A_412 = arith.constant 1 : i32
        %get3A_413 = arith.index_cast %get3A_412 : i32 to index
        %get3A_414 = arith.index_cast %scan3A_194 : i32 to index
        %get3A_415 = arith.constant 480 : index
        %get3A_416 = tpu.vector_load %arg4[%get3A_413, %get3A_414, %get3A_415] {strides = array<i32>} : memref<2x8x3072xf32, #tpu.memory_space<vmem>>, vector<1x1x16xf32>,
        %get3A_417 = vector.shape_cast %get3A_416 : vector<1x1x16xf32> to vector<16xf32>
        %add3A_418 = arith.addf %add3A_362, %get3A_417 : vector<16xf32>
        %get3A_419 = arith.constant 1 : i32
        %get3A_420 = arith.index_cast %get3A_419 : i32 to index
        %get3A_421 = arith.index_cast %scan3A_194 : i32 to index
        %get3A_422 = arith.constant 496 : index
        %get3A_423 = tpu.vector_load %arg4[%get3A_420, %get3A_421, %get3A_422] {strides = array<i32>} : memref<2x8x3072xf32, #tpu.memory_space<vmem>>, vector<1x1x16xf32>,
        %get3A_424 = vector.shape_cast %get3A_423 : vector<1x1x16xf32> to vector<16xf32>
        %add3A_425 = arith.addf %add3A_369, %get3A_424 : vector<16xf32>
        %get3A_426 = arith.constant 1 : i32
        %get3A_427 = arith.index_cast %get3A_426 : i32 to index
        %get3A_428 = arith.index_cast %scan3A_194 : i32 to index
        %get3A_429 = arith.constant 512 : index
        %get3A_430 = tpu.vector_load %arg4[%get3A_427, %get3A_428, %get3A_429] {strides = array<i32>} : memref<2x8x3072xf32, #tpu.memory_space<vmem>>, vector<1x1x16xf32>,
        %get3A_431 = vector.shape_cast %get3A_430 : vector<1x1x16xf32> to vector<16xf32>
        %add3A_432 = arith.addf %add3A_376, %get3A_431 : vector<16xf32>
        %get3A_433 = arith.constant 1 : i32
        %get3A_434 = arith.index_cast %get3A_433 : i32 to index
        %get3A_435 = arith.index_cast %scan3A_194 : i32 to index
        %get3A_436 = arith.constant 528 : index
        %get3A_437 = tpu.vector_load %arg4[%get3A_434, %get3A_435, %get3A_436] {strides = array<i32>} : memref<2x8x3072xf32, #tpu.memory_space<vmem>>, vector<1x1x16xf32>,
        %get3A_438 = vector.shape_cast %get3A_437 : vector<1x1x16xf32> to vector<16xf32>
        %add3A_439 = arith.addf %add3A_383, %get3A_438 : vector<16xf32>
        %get3A_440 = arith.constant 1 : i32
        %get3A_441 = arith.index_cast %get3A_440 : i32 to index
        %get3A_442 = arith.index_cast %scan3A_194 : i32 to index
        %get3A_443 = arith.constant 544 : index
        %get3A_444 = tpu.vector_load %arg4[%get3A_441, %get3A_442, %get3A_443] {strides = array<i32>} : memref<2x8x3072xf32, #tpu.memory_space<vmem>>, vector<1x1x16xf32>,
        %get3A_445 = vector.shape_cast %get3A_444 : vector<1x1x16xf32> to vector<16xf32>
        %add3A_446 = arith.addf %add3A_390, %get3A_445 : vector<16xf32>
        %get3A_447 = arith.constant 1 : i32
        %get3A_448 = arith.index_cast %get3A_447 : i32 to index
        %get3A_449 = arith.index_cast %scan3A_194 : i32 to index
        %get3A_450 = arith.constant 560 : index
        %get3A_451 = tpu.vector_load %arg4[%get3A_448, %get3A_449, %get3A_450] {strides = array<i32>} : memref<2x8x3072xf32, #tpu.memory_space<vmem>>, vector<1x1x16xf32>,
        %get3A_452 = vector.shape_cast %get3A_451 : vector<1x1x16xf32> to vector<16xf32>
        %add3A_453 = arith.addf %add3A_397, %get3A_452 : vector<16xf32>
        %get3A_454 = arith.constant 1 : i32
        %get3A_455 = arith.index_cast %get3A_454 : i32 to index
        %get3A_456 = arith.index_cast %scan3A_194 : i32 to index
        %get3A_457 = arith.constant 576 : index
        %get3A_458 = tpu.vector_load %arg4[%get3A_455, %get3A_456, %get3A_457] {strides = array<i32>} : memref<2x8x3072xf32, #tpu.memory_space<vmem>>, vector<1x1x16xf32>,
        %get3A_459 = vector.shape_cast %get3A_458 : vector<1x1x16xf32> to vector<16xf32>
        %add3A_460 = arith.addf %add3A_404, %get3A_459 : vector<16xf32>
        %get3A_461 = arith.constant 1 : i32
        %get3A_462 = arith.index_cast %get3A_461 : i32 to index
        %get3A_463 = arith.index_cast %scan3A_194 : i32 to index
        %get3A_464 = arith.constant 592 : index
        %get3A_465 = tpu.vector_load %arg4[%get3A_462, %get3A_463, %get3A_464] {strides = array<i32>} : memref<2x8x3072xf32, #tpu.memory_space<vmem>>, vector<1x1x16xf32>,
        %get3A_466 = vector.shape_cast %get3A_465 : vector<1x1x16xf32> to vector<16xf32>
        %add3A_467 = arith.addf %add3A_411, %get3A_466 : vector<16xf32>
        %get3A_468 = arith.constant 1 : i32
        %get3A_469 = arith.index_cast %get3A_468 : i32 to index
        %get3A_470 = arith.index_cast %scan3A_194 : i32 to index
        %get3A_471 = arith.constant 608 : index
        %get3A_472 = tpu.vector_load %arg4[%get3A_469, %get3A_470, %get3A_471] {strides = array<i32>} : memref<2x8x3072xf32, #tpu.memory_space<vmem>>, vector<1x1x16xf32>,
        %get3A_473 = vector.shape_cast %get3A_472 : vector<1x1x16xf32> to vector<16xf32>
        %add3A_474 = arith.addf %add3A_418, %get3A_473 : vector<16xf32>
        %get3A_475 = arith.constant 1 : i32
        %get3A_476 = arith.index_cast %get3A_475 : i32 to index
        %get3A_477 = arith.index_cast %scan3A_194 : i32 to index
        %get3A_478 = arith.constant 624 : index
        %get3A_479 = tpu.vector_load %arg4[%get3A_476, %get3A_477, %get3A_478] {strides = array<i32>} : memref<2x8x3072xf32, #tpu.memory_space<vmem>>, vector<1x1x16xf32>,
        %get3A_480 = vector.shape_cast %get3A_479 : vector<1x1x16xf32> to vector<16xf32>
        %add3A_481 = arith.addf %add3A_425, %get3A_480 : vector<16xf32>
        %get3A_482 = arith.constant 1 : i32
        %get3A_483 = arith.index_cast %get3A_482 : i32 to index
        %get3A_484 = arith.index_cast %scan3A_194 : i32 to index
        %get3A_485 = arith.constant 640 : index
        %get3A_486 = tpu.vector_load %arg4[%get3A_483, %get3A_484, %get3A_485] {strides = array<i32>} : memref<2x8x3072xf32, #tpu.memory_space<vmem>>, vector<1x1x16xf32>,
        %get3A_487 = vector.shape_cast %get3A_486 : vector<1x1x16xf32> to vector<16xf32>
        %add3A_488 = arith.addf %add3A_432, %get3A_487 : vector<16xf32>
        %get3A_489 = arith.constant 1 : i32
        %get3A_490 = arith.index_cast %get3A_489 : i32 to index
        %get3A_491 = arith.index_cast %scan3A_194 : i32 to index
        %get3A_492 = arith.constant 656 : index
        %get3A_493 = tpu.vector_load %arg4[%get3A_490, %get3A_491, %get3A_492] {strides = array<i32>} : memref<2x8x3072xf32, #tpu.memory_space<vmem>>, vector<1x1x16xf32>,
        %get3A_494 = vector.shape_cast %get3A_493 : vector<1x1x16xf32> to vector<16xf32>
        %add3A_495 = arith.addf %add3A_439, %get3A_494 : vector<16xf32>
        %get3A_496 = arith.constant 1 : i32
        %get3A_497 = arith.index_cast %get3A_496 : i32 to index
        %get3A_498 = arith.index_cast %scan3A_194 : i32 to index
        %get3A_499 = arith.constant 672 : index
        %get3A_500 = tpu.vector_load %arg4[%get3A_497, %get3A_498, %get3A_499] {strides = array<i32>} : memref<2x8x3072xf32, #tpu.memory_space<vmem>>, vector<1x1x16xf32>,
        %get3A_501 = vector.shape_cast %get3A_500 : vector<1x1x16xf32> to vector<16xf32>
        %add3A_502 = arith.addf %add3A_446, %get3A_501 : vector<16xf32>
        %get3A_503 = arith.constant 1 : i32
        %get3A_504 = arith.index_cast %get3A_503 : i32 to index
        %get3A_505 = arith.index_cast %scan3A_194 : i32 to index
        %get3A_506 = arith.constant 688 : index
        %get3A_507 = tpu.vector_load %arg4[%get3A_504, %get3A_505, %get3A_506] {strides = array<i32>} : memref<2x8x3072xf32, #tpu.memory_space<vmem>>, vector<1x1x16xf32>,
        %get3A_508 = vector.shape_cast %get3A_507 : vector<1x1x16xf32> to vector<16xf32>
        %add3A_509 = arith.addf %add3A_453, %get3A_508 : vector<16xf32>
        %get3A_510 = arith.constant 1 : i32
        %get3A_511 = arith.index_cast %get3A_510 : i32 to index
        %get3A_512 = arith.index_cast %scan3A_194 : i32 to index
        %get3A_513 = arith.constant 704 : index
        %get3A_514 = tpu.vector_load %arg4[%get3A_511, %get3A_512, %get3A_513] {strides = array<i32>} : memref<2x8x3072xf32, #tpu.memory_space<vmem>>, vector<1x1x16xf32>,
        %get3A_515 = vector.shape_cast %get3A_514 : vector<1x1x16xf32> to vector<16xf32>
        %add3A_516 = arith.addf %add3A_460, %get3A_515 : vector<16xf32>
        %get3A_517 = arith.constant 1 : i32
        %get3A_518 = arith.index_cast %get3A_517 : i32 to index
        %get3A_519 = arith.index_cast %scan3A_194 : i32 to index
        %get3A_520 = arith.constant 720 : index
        %get3A_521 = tpu.vector_load %arg4[%get3A_518, %get3A_519, %get3A_520] {strides = array<i32>} : memref<2x8x3072xf32, #tpu.memory_space<vmem>>, vector<1x1x16xf32>,
        %get3A_522 = vector.shape_cast %get3A_521 : vector<1x1x16xf32> to vector<16xf32>
        %add3A_523 = arith.addf %add3A_467, %get3A_522 : vector<16xf32>
        %get3A_524 = arith.constant 1 : i32
        %get3A_525 = arith.index_cast %get3A_524 : i32 to index
        %get3A_526 = arith.index_cast %scan3A_194 : i32 to index
        %get3A_527 = arith.constant 736 : index
        %get3A_528 = tpu.vector_load %arg4[%get3A_525, %get3A_526, %get3A_527] {strides = array<i32>} : memref<2x8x3072xf32, #tpu.memory_space<vmem>>, vector<1x1x16xf32>,
        %get3A_529 = vector.shape_cast %get3A_528 : vector<1x1x16xf32> to vector<16xf32>
        %add3A_530 = arith.addf %add3A_474, %get3A_529 : vector<16xf32>
        %get3A_531 = arith.constant 1 : i32
        %get3A_532 = arith.index_cast %get3A_531 : i32 to index
        %get3A_533 = arith.index_cast %scan3A_194 : i32 to index
        %get3A_534 = arith.constant 752 : index
        %get3A_535 = tpu.vector_load %arg4[%get3A_532, %get3A_533, %get3A_534] {strides = array<i32>} : memref<2x8x3072xf32, #tpu.memory_space<vmem>>, vector<1x1x16xf32>,
        %get3A_536 = vector.shape_cast %get3A_535 : vector<1x1x16xf32> to vector<16xf32>
        %add3A_537 = arith.addf %add3A_481, %get3A_536 : vector<16xf32>
        %get3A_538 = arith.constant 1 : i32
        %get3A_539 = arith.index_cast %get3A_538 : i32 to index
        %get3A_540 = arith.index_cast %scan3A_194 : i32 to index
        %get3A_541 = arith.constant 768 : index
        %get3A_542 = tpu.vector_load %arg4[%get3A_539, %get3A_540, %get3A_541] {strides = array<i32>} : memref<2x8x3072xf32, #tpu.memory_space<vmem>>, vector<1x1x16xf32>,
        %get3A_543 = vector.shape_cast %get3A_542 : vector<1x1x16xf32> to vector<16xf32>
        %add3A_544 = arith.addf %add3A_488, %get3A_543 : vector<16xf32>
        %get3A_545 = arith.constant 1 : i32
        %get3A_546 = arith.index_cast %get3A_545 : i32 to index
        %get3A_547 = arith.index_cast %scan3A_194 : i32 to index
        %get3A_548 = arith.constant 784 : index
        %get3A_549 = tpu.vector_load %arg4[%get3A_546, %get3A_547, %get3A_548] {strides = array<i32>} : memref<2x8x3072xf32, #tpu.memory_space<vmem>>, vector<1x1x16xf32>,
        %get3A_550 = vector.shape_cast %get3A_549 : vector<1x1x16xf32> to vector<16xf32>
        %add3A_551 = arith.addf %add3A_495, %get3A_550 : vector<16xf32>
        %get3A_552 = arith.constant 1 : i32
        %get3A_553 = arith.index_cast %get3A_552 : i32 to index
        %get3A_554 = arith.index_cast %scan3A_194 : i32 to index
        %get3A_555 = arith.constant 800 : index
        %get3A_556 = tpu.vector_load %arg4[%get3A_553, %get3A_554, %get3A_555] {strides = array<i32>} : memref<2x8x3072xf32, #tpu.memory_space<vmem>>, vector<1x1x16xf32>,
        %get3A_557 = vector.shape_cast %get3A_556 : vector<1x1x16xf32> to vector<16xf32>
        %add3A_558 = arith.addf %add3A_502, %get3A_557 : vector<16xf32>
        %get3A_559 = arith.constant 1 : i32
        %get3A_560 = arith.index_cast %get3A_559 : i32 to index
        %get3A_561 = arith.index_cast %scan3A_194 : i32 to index
        %get3A_562 = arith.constant 816 : index
        %get3A_563 = tpu.vector_load %arg4[%get3A_560, %get3A_561, %get3A_562] {strides = array<i32>} : memref<2x8x3072xf32, #tpu.memory_space<vmem>>, vector<1x1x16xf32>,
        %get3A_564 = vector.shape_cast %get3A_563 : vector<1x1x16xf32> to vector<16xf32>
        %add3A_565 = arith.addf %add3A_509, %get3A_564 : vector<16xf32>
        %get3A_566 = arith.constant 1 : i32
        %get3A_567 = arith.index_cast %get3A_566 : i32 to index
        %get3A_568 = arith.index_cast %scan3A_194 : i32 to index
        %get3A_569 = arith.constant 832 : index
        %get3A_570 = tpu.vector_load %arg4[%get3A_567, %get3A_568, %get3A_569] {strides = array<i32>} : memref<2x8x3072xf32, #tpu.memory_space<vmem>>, vector<1x1x16xf32>,
        %get3A_571 = vector.shape_cast %get3A_570 : vector<1x1x16xf32> to vector<16xf32>
        %add3A_572 = arith.addf %add3A_516, %get3A_571 : vector<16xf32>
        %get3A_573 = arith.constant 1 : i32
        %get3A_574 = arith.index_cast %get3A_573 : i32 to index
        %get3A_575 = arith.index_cast %scan3A_194 : i32 to index
        %get3A_576 = arith.constant 848 : index
        %get3A_577 = tpu.vector_load %arg4[%get3A_574, %get3A_575, %get3A_576] {strides = array<i32>} : memref<2x8x3072xf32, #tpu.memory_space<vmem>>, vector<1x1x16xf32>,
        %get3A_578 = vector.shape_cast %get3A_577 : vector<1x1x16xf32> to vector<16xf32>
        %add3A_579 = arith.addf %add3A_523, %get3A_578 : vector<16xf32>
        %get3A_580 = arith.constant 1 : i32
        %get3A_581 = arith.index_cast %get3A_580 : i32 to index
        %get3A_582 = arith.index_cast %scan3A_194 : i32 to index
        %get3A_583 = arith.constant 864 : index
        %get3A_584 = tpu.vector_load %arg4[%get3A_581, %get3A_582, %get3A_583] {strides = array<i32>} : memref<2x8x3072xf32, #tpu.memory_space<vmem>>, vector<1x1x16xf32>,
        %get3A_585 = vector.shape_cast %get3A_584 : vector<1x1x16xf32> to vector<16xf32>
        %add3A_586 = arith.addf %add3A_530, %get3A_585 : vector<16xf32>
        %get3A_587 = arith.constant 1 : i32
        %get3A_588 = arith.index_cast %get3A_587 : i32 to index
        %get3A_589 = arith.index_cast %scan3A_194 : i32 to index
        %get3A_590 = arith.constant 880 : index
        %get3A_591 = tpu.vector_load %arg4[%get3A_588, %get3A_589, %get3A_590] {strides = array<i32>} : memref<2x8x3072xf32, #tpu.memory_space<vmem>>, vector<1x1x16xf32>,
        %get3A_592 = vector.shape_cast %get3A_591 : vector<1x1x16xf32> to vector<16xf32>
        %add3A_593 = arith.addf %add3A_537, %get3A_592 : vector<16xf32>
        %get3A_594 = arith.constant 1 : i32
        %get3A_595 = arith.index_cast %get3A_594 : i32 to index
        %get3A_596 = arith.index_cast %scan3A_194 : i32 to index
        %get3A_597 = arith.constant 896 : index
        %get3A_598 = tpu.vector_load %arg4[%get3A_595, %get3A_596, %get3A_597] {strides = array<i32>} : memref<2x8x3072xf32, #tpu.memory_space<vmem>>, vector<1x1x16xf32>,
        %get3A_599 = vector.shape_cast %get3A_598 : vector<1x1x16xf32> to vector<16xf32>
        %add3A_600 = arith.addf %add3A_544, %get3A_599 : vector<16xf32>
        %get3A_601 = arith.constant 1 : i32
        %get3A_602 = arith.index_cast %get3A_601 : i32 to index
        %get3A_603 = arith.index_cast %scan3A_194 : i32 to index
        %get3A_604 = arith.constant 912 : index
        %get3A_605 = tpu.vector_load %arg4[%get3A_602, %get3A_603, %get3A_604] {strides = array<i32>} : memref<2x8x3072xf32, #tpu.memory_space<vmem>>, vector<1x1x16xf32>,
        %get3A_606 = vector.shape_cast %get3A_605 : vector<1x1x16xf32> to vector<16xf32>
        %add3A_607 = arith.addf %add3A_551, %get3A_606 : vector<16xf32>
        %get3A_608 = arith.constant 1 : i32
        %get3A_609 = arith.index_cast %get3A_608 : i32 to index
        %get3A_610 = arith.index_cast %scan3A_194 : i32 to index
        %get3A_611 = arith.constant 928 : index
        %get3A_612 = tpu.vector_load %arg4[%get3A_609, %get3A_610, %get3A_611] {strides = array<i32>} : memref<2x8x3072xf32, #tpu.memory_space<vmem>>, vector<1x1x16xf32>,
        %get3A_613 = vector.shape_cast %get3A_612 : vector<1x1x16xf32> to vector<16xf32>
        %add3A_614 = arith.addf %add3A_558, %get3A_613 : vector<16xf32>
        %get3A_615 = arith.constant 1 : i32
        %get3A_616 = arith.index_cast %get3A_615 : i32 to index
        %get3A_617 = arith.index_cast %scan3A_194 : i32 to index
        %get3A_618 = arith.constant 944 : index
        %get3A_619 = tpu.vector_load %arg4[%get3A_616, %get3A_617, %get3A_618] {strides = array<i32>} : memref<2x8x3072xf32, #tpu.memory_space<vmem>>, vector<1x1x16xf32>,
        %get3A_620 = vector.shape_cast %get3A_619 : vector<1x1x16xf32> to vector<16xf32>
        %add3A_621 = arith.addf %add3A_565, %get3A_620 : vector<16xf32>
        %get3A_622 = arith.constant 1 : i32
        %get3A_623 = arith.index_cast %get3A_622 : i32 to index
        %get3A_624 = arith.index_cast %scan3A_194 : i32 to index
        %get3A_625 = arith.constant 960 : index
        %get3A_626 = tpu.vector_load %arg4[%get3A_623, %get3A_624, %get3A_625] {strides = array<i32>} : memref<2x8x3072xf32, #tpu.memory_space<vmem>>, vector<1x1x16xf32>,
        %get3A_627 = vector.shape_cast %get3A_626 : vector<1x1x16xf32> to vector<16xf32>
        %add3A_628 = arith.addf %add3A_572, %get3A_627 : vector<16xf32>
        %get3A_629 = arith.constant 1 : i32
        %get3A_630 = arith.index_cast %get3A_629 : i32 to index
        %get3A_631 = arith.index_cast %scan3A_194 : i32 to index
        %get3A_632 = arith.constant 976 : index
        %get3A_633 = tpu.vector_load %arg4[%get3A_630, %get3A_631, %get3A_632] {strides = array<i32>} : memref<2x8x3072xf32, #tpu.memory_space<vmem>>, vector<1x1x16xf32>,
        %get3A_634 = vector.shape_cast %get3A_633 : vector<1x1x16xf32> to vector<16xf32>
        %add3A_635 = arith.addf %add3A_579, %get3A_634 : vector<16xf32>
        %get3A_636 = arith.constant 1 : i32
        %get3A_637 = arith.index_cast %get3A_636 : i32 to index
        %get3A_638 = arith.index_cast %scan3A_194 : i32 to index
        %get3A_639 = arith.constant 992 : index
        %get3A_640 = tpu.vector_load %arg4[%get3A_637, %get3A_638, %get3A_639] {strides = array<i32>} : memref<2x8x3072xf32, #tpu.memory_space<vmem>>, vector<1x1x16xf32>,
        %get3A_641 = vector.shape_cast %get3A_640 : vector<1x1x16xf32> to vector<16xf32>
        %add3A_642 = arith.addf %add3A_586, %get3A_641 : vector<16xf32>
        %get3A_643 = arith.constant 1 : i32
        %get3A_644 = arith.index_cast %get3A_643 : i32 to index
        %get3A_645 = arith.index_cast %scan3A_194 : i32 to index
        %get3A_646 = arith.constant 1008 : index
        %get3A_647 = tpu.vector_load %arg4[%get3A_644, %get3A_645, %get3A_646] {strides = array<i32>} : memref<2x8x3072xf32, #tpu.memory_space<vmem>>, vector<1x1x16xf32>,
        %get3A_648 = vector.shape_cast %get3A_647 : vector<1x1x16xf32> to vector<16xf32>
        %add3A_649 = arith.addf %add3A_593, %get3A_648 : vector<16xf32>
        %get3A_650 = arith.constant 1 : i32
        %get3A_651 = arith.index_cast %get3A_650 : i32 to index
        %get3A_652 = arith.index_cast %scan3A_194 : i32 to index
        %get3A_653 = arith.constant 1024 : index
        %get3A_654 = tpu.vector_load %arg4[%get3A_651, %get3A_652, %get3A_653] {strides = array<i32>} : memref<2x8x3072xf32, #tpu.memory_space<vmem>>, vector<1x1x16xf32>,
        %get3A_655 = vector.shape_cast %get3A_654 : vector<1x1x16xf32> to vector<16xf32>
        %add3A_656 = arith.addf %add3A_600, %get3A_655 : vector<16xf32>
        %get3A_657 = arith.constant 1 : i32
        %get3A_658 = arith.index_cast %get3A_657 : i32 to index
        %get3A_659 = arith.index_cast %scan3A_194 : i32 to index
        %get3A_660 = arith.constant 1040 : index
        %get3A_661 = tpu.vector_load %arg4[%get3A_658, %get3A_659, %get3A_660] {strides = array<i32>} : memref<2x8x3072xf32, #tpu.memory_space<vmem>>, vector<1x1x16xf32>,
        %get3A_662 = vector.shape_cast %get3A_661 : vector<1x1x16xf32> to vector<16xf32>
        %add3A_663 = arith.addf %add3A_607, %get3A_662 : vector<16xf32>
        %get3A_664 = arith.constant 1 : i32
        %get3A_665 = arith.index_cast %get3A_664 : i32 to index
        %get3A_666 = arith.index_cast %scan3A_194 : i32 to index
        %get3A_667 = arith.constant 1056 : index
        %get3A_668 = tpu.vector_load %arg4[%get3A_665, %get3A_666, %get3A_667] {strides = array<i32>} : memref<2x8x3072xf32, #tpu.memory_space<vmem>>, vector<1x1x16xf32>,
        %get3A_669 = vector.shape_cast %get3A_668 : vector<1x1x16xf32> to vector<16xf32>
        %add3A_670 = arith.addf %add3A_614, %get3A_669 : vector<16xf32>
        %get3A_671 = arith.constant 1 : i32
        %get3A_672 = arith.index_cast %get3A_671 : i32 to index
        %get3A_673 = arith.index_cast %scan3A_194 : i32 to index
        %get3A_674 = arith.constant 1072 : index
        %get3A_675 = tpu.vector_load %arg4[%get3A_672, %get3A_673, %get3A_674] {strides = array<i32>} : memref<2x8x3072xf32, #tpu.memory_space<vmem>>, vector<1x1x16xf32>,
        %get3A_676 = vector.shape_cast %get3A_675 : vector<1x1x16xf32> to vector<16xf32>
        %add3A_677 = arith.addf %add3A_621, %get3A_676 : vector<16xf32>
        %get3A_678 = arith.constant 1 : i32
        %get3A_679 = arith.index_cast %get3A_678 : i32 to index
        %get3A_680 = arith.index_cast %scan3A_194 : i32 to index
        %get3A_681 = arith.constant 1088 : index
        %get3A_682 = tpu.vector_load %arg4[%get3A_679, %get3A_680, %get3A_681] {strides = array<i32>} : memref<2x8x3072xf32, #tpu.memory_space<vmem>>, vector<1x1x16xf32>,
        %get3A_683 = vector.shape_cast %get3A_682 : vector<1x1x16xf32> to vector<16xf32>
        %add3A_684 = arith.addf %add3A_628, %get3A_683 : vector<16xf32>
        %get3A_685 = arith.constant 1 : i32
        %get3A_686 = arith.index_cast %get3A_685 : i32 to index
        %get3A_687 = arith.index_cast %scan3A_194 : i32 to index
        %get3A_688 = arith.constant 1104 : index
        %get3A_689 = tpu.vector_load %arg4[%get3A_686, %get3A_687, %get3A_688] {strides = array<i32>} : memref<2x8x3072xf32, #tpu.memory_space<vmem>>, vector<1x1x16xf32>,
        %get3A_690 = vector.shape_cast %get3A_689 : vector<1x1x16xf32> to vector<16xf32>
        %add3A_691 = arith.addf %add3A_635, %get3A_690 : vector<16xf32>
        %get3A_692 = arith.constant 1 : i32
        %get3A_693 = arith.index_cast %get3A_692 : i32 to index
        %get3A_694 = arith.index_cast %scan3A_194 : i32 to index
        %get3A_695 = arith.constant 1120 : index
        %get3A_696 = tpu.vector_load %arg4[%get3A_693, %get3A_694, %get3A_695] {strides = array<i32>} : memref<2x8x3072xf32, #tpu.memory_space<vmem>>, vector<1x1x16xf32>,
        %get3A_697 = vector.shape_cast %get3A_696 : vector<1x1x16xf32> to vector<16xf32>
        %add3A_698 = arith.addf %add3A_642, %get3A_697 : vector<16xf32>
        %get3A_699 = arith.constant 1 : i32
        %get3A_700 = arith.index_cast %get3A_699 : i32 to index
        %get3A_701 = arith.index_cast %scan3A_194 : i32 to index
        %get3A_702 = arith.constant 1136 : index
        %get3A_703 = tpu.vector_load %arg4[%get3A_700, %get3A_701, %get3A_702] {strides = array<i32>} : memref<2x8x3072xf32, #tpu.memory_space<vmem>>, vector<1x1x16xf32>,
        %get3A_704 = vector.shape_cast %get3A_703 : vector<1x1x16xf32> to vector<16xf32>
        %add3A_705 = arith.addf %add3A_649, %get3A_704 : vector<16xf32>
        %get3A_706 = arith.constant 1 : i32
        %get3A_707 = arith.index_cast %get3A_706 : i32 to index
        %get3A_708 = arith.index_cast %scan3A_194 : i32 to index
        %get3A_709 = arith.constant 1152 : index
        %get3A_710 = tpu.vector_load %arg4[%get3A_707, %get3A_708, %get3A_709] {strides = array<i32>} : memref<2x8x3072xf32, #tpu.memory_space<vmem>>, vector<1x1x16xf32>,
        %get3A_711 = vector.shape_cast %get3A_710 : vector<1x1x16xf32> to vector<16xf32>
        %add3A_712 = arith.addf %add3A_656, %get3A_711 : vector<16xf32>
        %get3A_713 = arith.constant 1 : i32
        %get3A_714 = arith.index_cast %get3A_713 : i32 to index
        %get3A_715 = arith.index_cast %scan3A_194 : i32 to index
        %get3A_716 = arith.constant 1168 : index
        %get3A_717 = tpu.vector_load %arg4[%get3A_714, %get3A_715, %get3A_716] {strides = array<i32>} : memref<2x8x3072xf32, #tpu.memory_space<vmem>>, vector<1x1x16xf32>,
        %get3A_718 = vector.shape_cast %get3A_717 : vector<1x1x16xf32> to vector<16xf32>
        %add3A_719 = arith.addf %add3A_663, %get3A_718 : vector<16xf32>
        %get3A_720 = arith.constant 1 : i32
        %get3A_721 = arith.index_cast %get3A_720 : i32 to index
        %get3A_722 = arith.index_cast %scan3A_194 : i32 to index
        %get3A_723 = arith.constant 1184 : index
        %get3A_724 = tpu.vector_load %arg4[%get3A_721, %get3A_722, %get3A_723] {strides = array<i32>} : memref<2x8x3072xf32, #tpu.memory_space<vmem>>, vector<1x1x16xf32>,
        %get3A_725 = vector.shape_cast %get3A_724 : vector<1x1x16xf32> to vector<16xf32>
        %add3A_726 = arith.addf %add3A_670, %get3A_725 : vector<16xf32>
        %get3A_727 = arith.constant 1 : i32
        %get3A_728 = arith.index_cast %get3A_727 : i32 to index
        %get3A_729 = arith.index_cast %scan3A_194 : i32 to index
        %get3A_730 = arith.constant 1200 : index
        %get3A_731 = tpu.vector_load %arg4[%get3A_728, %get3A_729, %get3A_730] {strides = array<i32>} : memref<2x8x3072xf32, #tpu.memory_space<vmem>>, vector<1x1x16xf32>,
        %get3A_732 = vector.shape_cast %get3A_731 : vector<1x1x16xf32> to vector<16xf32>
        %add3A_733 = arith.addf %add3A_677, %get3A_732 : vector<16xf32>
        %get3A_734 = arith.constant 1 : i32
        %get3A_735 = arith.index_cast %get3A_734 : i32 to index
        %get3A_736 = arith.index_cast %scan3A_194 : i32 to index
        %get3A_737 = arith.constant 1216 : index
        %get3A_738 = tpu.vector_load %arg4[%get3A_735, %get3A_736, %get3A_737] {strides = array<i32>} : memref<2x8x3072xf32, #tpu.memory_space<vmem>>, vector<1x1x16xf32>,
        %get3A_739 = vector.shape_cast %get3A_738 : vector<1x1x16xf32> to vector<16xf32>
        %add3A_740 = arith.addf %add3A_684, %get3A_739 : vector<16xf32>
        %get3A_741 = arith.constant 1 : i32
        %get3A_742 = arith.index_cast %get3A_741 : i32 to index
        %get3A_743 = arith.index_cast %scan3A_194 : i32 to index
        %get3A_744 = arith.constant 1232 : index
        %get3A_745 = tpu.vector_load %arg4[%get3A_742, %get3A_743, %get3A_744] {strides = array<i32>} : memref<2x8x3072xf32, #tpu.memory_space<vmem>>, vector<1x1x16xf32>,
        %get3A_746 = vector.shape_cast %get3A_745 : vector<1x1x16xf32> to vector<16xf32>
        %add3A_747 = arith.addf %add3A_691, %get3A_746 : vector<16xf32>
        %get3A_748 = arith.constant 1 : i32
        %get3A_749 = arith.index_cast %get3A_748 : i32 to index
        %get3A_750 = arith.index_cast %scan3A_194 : i32 to index
        %get3A_751 = arith.constant 1248 : index
        %get3A_752 = tpu.vector_load %arg4[%get3A_749, %get3A_750, %get3A_751] {strides = array<i32>} : memref<2x8x3072xf32, #tpu.memory_space<vmem>>, vector<1x1x16xf32>,
        %get3A_753 = vector.shape_cast %get3A_752 : vector<1x1x16xf32> to vector<16xf32>
        %add3A_754 = arith.addf %add3A_698, %get3A_753 : vector<16xf32>
        %get3A_755 = arith.constant 1 : i32
        %get3A_756 = arith.index_cast %get3A_755 : i32 to index
        %get3A_757 = arith.index_cast %scan3A_194 : i32 to index
        %get3A_758 = arith.constant 1264 : index
        %get3A_759 = tpu.vector_load %arg4[%get3A_756, %get3A_757, %get3A_758] {strides = array<i32>} : memref<2x8x3072xf32, #tpu.memory_space<vmem>>, vector<1x1x16xf32>,
        %get3A_760 = vector.shape_cast %get3A_759 : vector<1x1x16xf32> to vector<16xf32>
        %add3A_761 = arith.addf %add3A_705, %get3A_760 : vector<16xf32>
        %get3A_762 = arith.constant 1 : i32
        %get3A_763 = arith.index_cast %get3A_762 : i32 to index
        %get3A_764 = arith.index_cast %scan3A_194 : i32 to index
        %get3A_765 = arith.constant 1280 : index
        %get3A_766 = tpu.vector_load %arg4[%get3A_763, %get3A_764, %get3A_765] {strides = array<i32>} : memref<2x8x3072xf32, #tpu.memory_space<vmem>>, vector<1x1x16xf32>,
        %get3A_767 = vector.shape_cast %get3A_766 : vector<1x1x16xf32> to vector<16xf32>
        %add3A_768 = arith.addf %add3A_712, %get3A_767 : vector<16xf32>
        %get3A_769 = arith.constant 1 : i32
        %get3A_770 = arith.index_cast %get3A_769 : i32 to index
        %get3A_771 = arith.index_cast %scan3A_194 : i32 to index
        %get3A_772 = arith.constant 1296 : index
        %get3A_773 = tpu.vector_load %arg4[%get3A_770, %get3A_771, %get3A_772] {strides = array<i32>} : memref<2x8x3072xf32, #tpu.memory_space<vmem>>, vector<1x1x16xf32>,
        %get3A_774 = vector.shape_cast %get3A_773 : vector<1x1x16xf32> to vector<16xf32>
        %add3A_775 = arith.addf %add3A_719, %get3A_774 : vector<16xf32>
        %get3A_776 = arith.constant 1 : i32
        %get3A_777 = arith.index_cast %get3A_776 : i32 to index
        %get3A_778 = arith.index_cast %scan3A_194 : i32 to index
        %get3A_779 = arith.constant 1312 : index
        %get3A_780 = tpu.vector_load %arg4[%get3A_777, %get3A_778, %get3A_779] {strides = array<i32>} : memref<2x8x3072xf32, #tpu.memory_space<vmem>>, vector<1x1x16xf32>,
        %get3A_781 = vector.shape_cast %get3A_780 : vector<1x1x16xf32> to vector<16xf32>
        %add3A_782 = arith.addf %add3A_726, %get3A_781 : vector<16xf32>
        %get3A_783 = arith.constant 1 : i32
        %get3A_784 = arith.index_cast %get3A_783 : i32 to index
        %get3A_785 = arith.index_cast %scan3A_194 : i32 to index
        %get3A_786 = arith.constant 1328 : index
        %get3A_787 = tpu.vector_load %arg4[%get3A_784, %get3A_785, %get3A_786] {strides = array<i32>} : memref<2x8x3072xf32, #tpu.memory_space<vmem>>, vector<1x1x16xf32>,
        %get3A_788 = vector.shape_cast %get3A_787 : vector<1x1x16xf32> to vector<16xf32>
        %add3A_789 = arith.addf %add3A_733, %get3A_788 : vector<16xf32>
        %get3A_790 = arith.constant 1 : i32
        %get3A_791 = arith.index_cast %get3A_790 : i32 to index
        %get3A_792 = arith.index_cast %scan3A_194 : i32 to index
        %get3A_793 = arith.constant 1344 : index
        %get3A_794 = tpu.vector_load %arg4[%get3A_791, %get3A_792, %get3A_793] {strides = array<i32>} : memref<2x8x3072xf32, #tpu.memory_space<vmem>>, vector<1x1x16xf32>,
        %get3A_795 = vector.shape_cast %get3A_794 : vector<1x1x16xf32> to vector<16xf32>
        %add3A_796 = arith.addf %add3A_740, %get3A_795 : vector<16xf32>
        %get3A_797 = arith.constant 1 : i32
        %get3A_798 = arith.index_cast %get3A_797 : i32 to index
        %get3A_799 = arith.index_cast %scan3A_194 : i32 to index
        %get3A_800 = arith.constant 1360 : index
        %get3A_801 = tpu.vector_load %arg4[%get3A_798, %get3A_799, %get3A_800] {strides = array<i32>} : memref<2x8x3072xf32, #tpu.memory_space<vmem>>, vector<1x1x16xf32>,
        %get3A_802 = vector.shape_cast %get3A_801 : vector<1x1x16xf32> to vector<16xf32>
        %add3A_803 = arith.addf %add3A_747, %get3A_802 : vector<16xf32>
        %get3A_804 = arith.constant 1 : i32
        %get3A_805 = arith.index_cast %get3A_804 : i32 to index
        %get3A_806 = arith.index_cast %scan3A_194 : i32 to index
        %get3A_807 = arith.constant 1376 : index
        %get3A_808 = tpu.vector_load %arg4[%get3A_805, %get3A_806, %get3A_807] {strides = array<i32>} : memref<2x8x3072xf32, #tpu.memory_space<vmem>>, vector<1x1x16xf32>,
        %get3A_809 = vector.shape_cast %get3A_808 : vector<1x1x16xf32> to vector<16xf32>
        %add3A_810 = arith.addf %add3A_754, %get3A_809 : vector<16xf32>
        %get3A_811 = arith.constant 1 : i32
        %get3A_812 = arith.index_cast %get3A_811 : i32 to index
        %get3A_813 = arith.index_cast %scan3A_194 : i32 to index
        %get3A_814 = arith.constant 1392 : index
        %get3A_815 = tpu.vector_load %arg4[%get3A_812, %get3A_813, %get3A_814] {strides = array<i32>} : memref<2x8x3072xf32, #tpu.memory_space<vmem>>, vector<1x1x16xf32>,
        %get3A_816 = vector.shape_cast %get3A_815 : vector<1x1x16xf32> to vector<16xf32>
        %add3A_817 = arith.addf %add3A_761, %get3A_816 : vector<16xf32>
        %get3A_818 = arith.constant 1 : i32
        %get3A_819 = arith.index_cast %get3A_818 : i32 to index
        %get3A_820 = arith.index_cast %scan3A_194 : i32 to index
        %get3A_821 = arith.constant 1408 : index
        %get3A_822 = tpu.vector_load %arg4[%get3A_819, %get3A_820, %get3A_821] {strides = array<i32>} : memref<2x8x3072xf32, #tpu.memory_space<vmem>>, vector<1x1x16xf32>,
        %get3A_823 = vector.shape_cast %get3A_822 : vector<1x1x16xf32> to vector<16xf32>
        %add3A_824 = arith.addf %add3A_768, %get3A_823 : vector<16xf32>
        %get3A_825 = arith.constant 1 : i32
        %get3A_826 = arith.index_cast %get3A_825 : i32 to index
        %get3A_827 = arith.index_cast %scan3A_194 : i32 to index
        %get3A_828 = arith.constant 1424 : index
        %get3A_829 = tpu.vector_load %arg4[%get3A_826, %get3A_827, %get3A_828] {strides = array<i32>} : memref<2x8x3072xf32, #tpu.memory_space<vmem>>, vector<1x1x16xf32>,
        %get3A_830 = vector.shape_cast %get3A_829 : vector<1x1x16xf32> to vector<16xf32>
        %add3A_831 = arith.addf %add3A_775, %get3A_830 : vector<16xf32>
        %get3A_832 = arith.constant 1 : i32
        %get3A_833 = arith.index_cast %get3A_832 : i32 to index
        %get3A_834 = arith.index_cast %scan3A_194 : i32 to index
        %get3A_835 = arith.constant 1440 : index
        %get3A_836 = tpu.vector_load %arg4[%get3A_833, %get3A_834, %get3A_835] {strides = array<i32>} : memref<2x8x3072xf32, #tpu.memory_space<vmem>>, vector<1x1x16xf32>,
        %get3A_837 = vector.shape_cast %get3A_836 : vector<1x1x16xf32> to vector<16xf32>
        %add3A_838 = arith.addf %add3A_782, %get3A_837 : vector<16xf32>
        %get3A_839 = arith.constant 1 : i32
        %get3A_840 = arith.index_cast %get3A_839 : i32 to index
        %get3A_841 = arith.index_cast %scan3A_194 : i32 to index
        %get3A_842 = arith.constant 1456 : index
        %get3A_843 = tpu.vector_load %arg4[%get3A_840, %get3A_841, %get3A_842] {strides = array<i32>} : memref<2x8x3072xf32, #tpu.memory_space<vmem>>, vector<1x1x16xf32>,
        %get3A_844 = vector.shape_cast %get3A_843 : vector<1x1x16xf32> to vector<16xf32>
        %add3A_845 = arith.addf %add3A_789, %get3A_844 : vector<16xf32>
        %get3A_846 = arith.constant 1 : i32
        %get3A_847 = arith.index_cast %get3A_846 : i32 to index
        %get3A_848 = arith.index_cast %scan3A_194 : i32 to index
        %get3A_849 = arith.constant 1472 : index
        %get3A_850 = tpu.vector_load %arg4[%get3A_847, %get3A_848, %get3A_849] {strides = array<i32>} : memref<2x8x3072xf32, #tpu.memory_space<vmem>>, vector<1x1x16xf32>,
        %get3A_851 = vector.shape_cast %get3A_850 : vector<1x1x16xf32> to vector<16xf32>
        %add3A_852 = arith.addf %add3A_796, %get3A_851 : vector<16xf32>
        %get3A_853 = arith.constant 1 : i32
        %get3A_854 = arith.index_cast %get3A_853 : i32 to index
        %get3A_855 = arith.index_cast %scan3A_194 : i32 to index
        %get3A_856 = arith.constant 1488 : index
        %get3A_857 = tpu.vector_load %arg4[%get3A_854, %get3A_855, %get3A_856] {strides = array<i32>} : memref<2x8x3072xf32, #tpu.memory_space<vmem>>, vector<1x1x16xf32>,
        %get3A_858 = vector.shape_cast %get3A_857 : vector<1x1x16xf32> to vector<16xf32>
        %add3A_859 = arith.addf %add3A_803, %get3A_858 : vector<16xf32>
        %get3A_860 = arith.constant 1 : i32
        %get3A_861 = arith.index_cast %get3A_860 : i32 to index
        %get3A_862 = arith.index_cast %scan3A_194 : i32 to index
        %get3A_863 = arith.constant 1504 : index
        %get3A_864 = tpu.vector_load %arg4[%get3A_861, %get3A_862, %get3A_863] {strides = array<i32>} : memref<2x8x3072xf32, #tpu.memory_space<vmem>>, vector<1x1x16xf32>,
        %get3A_865 = vector.shape_cast %get3A_864 : vector<1x1x16xf32> to vector<16xf32>
        %add3A_866 = arith.addf %add3A_810, %get3A_865 : vector<16xf32>
        %get3A_867 = arith.constant 1 : i32
        %get3A_868 = arith.index_cast %get3A_867 : i32 to index
        %get3A_869 = arith.index_cast %scan3A_194 : i32 to index
        %get3A_870 = arith.constant 1520 : index
        %get3A_871 = tpu.vector_load %arg4[%get3A_868, %get3A_869, %get3A_870] {strides = array<i32>} : memref<2x8x3072xf32, #tpu.memory_space<vmem>>, vector<1x1x16xf32>,
        %get3A_872 = vector.shape_cast %get3A_871 : vector<1x1x16xf32> to vector<16xf32>
        %add3A_873 = arith.addf %add3A_817, %get3A_872 : vector<16xf32>
        %get3A_874 = arith.constant 1 : i32
        %get3A_875 = arith.index_cast %get3A_874 : i32 to index
        %get3A_876 = arith.index_cast %scan3A_194 : i32 to index
        %get3A_877 = arith.constant 1536 : index
        %get3A_878 = tpu.vector_load %arg4[%get3A_875, %get3A_876, %get3A_877] {strides = array<i32>} : memref<2x8x3072xf32, #tpu.memory_space<vmem>>, vector<1x1x16xf32>,
        %get3A_879 = vector.shape_cast %get3A_878 : vector<1x1x16xf32> to vector<16xf32>
        %add3A_880 = arith.addf %add3A_824, %get3A_879 : vector<16xf32>
        %get3A_881 = arith.constant 1 : i32
        %get3A_882 = arith.index_cast %get3A_881 : i32 to index
        %get3A_883 = arith.index_cast %scan3A_194 : i32 to index
        %get3A_884 = arith.constant 1552 : index
        %get3A_885 = tpu.vector_load %arg4[%get3A_882, %get3A_883, %get3A_884] {strides = array<i32>} : memref<2x8x3072xf32, #tpu.memory_space<vmem>>, vector<1x1x16xf32>,
        %get3A_886 = vector.shape_cast %get3A_885 : vector<1x1x16xf32> to vector<16xf32>
        %add3A_887 = arith.addf %add3A_831, %get3A_886 : vector<16xf32>
        %get3A_888 = arith.constant 1 : i32
        %get3A_889 = arith.index_cast %get3A_888 : i32 to index
        %get3A_890 = arith.index_cast %scan3A_194 : i32 to index
        %get3A_891 = arith.constant 1568 : index
        %get3A_892 = tpu.vector_load %arg4[%get3A_889, %get3A_890, %get3A_891] {strides = array<i32>} : memref<2x8x3072xf32, #tpu.memory_space<vmem>>, vector<1x1x16xf32>,
        %get3A_893 = vector.shape_cast %get3A_892 : vector<1x1x16xf32> to vector<16xf32>
        %add3A_894 = arith.addf %add3A_838, %get3A_893 : vector<16xf32>
        %get3A_895 = arith.constant 1 : i32
        %get3A_896 = arith.index_cast %get3A_895 : i32 to index
        %get3A_897 = arith.index_cast %scan3A_194 : i32 to index
        %get3A_898 = arith.constant 1584 : index
        %get3A_899 = tpu.vector_load %arg4[%get3A_896, %get3A_897, %get3A_898] {strides = array<i32>} : memref<2x8x3072xf32, #tpu.memory_space<vmem>>, vector<1x1x16xf32>,
        %get3A_900 = vector.shape_cast %get3A_899 : vector<1x1x16xf32> to vector<16xf32>
        %add3A_901 = arith.addf %add3A_845, %get3A_900 : vector<16xf32>
        %get3A_902 = arith.constant 1 : i32
        %get3A_903 = arith.index_cast %get3A_902 : i32 to index
        %get3A_904 = arith.index_cast %scan3A_194 : i32 to index
        %get3A_905 = arith.constant 1600 : index
        %get3A_906 = tpu.vector_load %arg4[%get3A_903, %get3A_904, %get3A_905] {strides = array<i32>} : memref<2x8x3072xf32, #tpu.memory_space<vmem>>, vector<1x1x16xf32>,
        %get3A_907 = vector.shape_cast %get3A_906 : vector<1x1x16xf32> to vector<16xf32>
        %add3A_908 = arith.addf %add3A_852, %get3A_907 : vector<16xf32>
        %get3A_909 = arith.constant 1 : i32
        %get3A_910 = arith.index_cast %get3A_909 : i32 to index
        %get3A_911 = arith.index_cast %scan3A_194 : i32 to index
        %get3A_912 = arith.constant 1616 : index
        %get3A_913 = tpu.vector_load %arg4[%get3A_910, %get3A_911, %get3A_912] {strides = array<i32>} : memref<2x8x3072xf32, #tpu.memory_space<vmem>>, vector<1x1x16xf32>,
        %get3A_914 = vector.shape_cast %get3A_913 : vector<1x1x16xf32> to vector<16xf32>
        %add3A_915 = arith.addf %add3A_859, %get3A_914 : vector<16xf32>
        %get3A_916 = arith.constant 1 : i32
        %get3A_917 = arith.index_cast %get3A_916 : i32 to index
        %get3A_918 = arith.index_cast %scan3A_194 : i32 to index
        %get3A_919 = arith.constant 1632 : index
        %get3A_920 = tpu.vector_load %arg4[%get3A_917, %get3A_918, %get3A_919] {strides = array<i32>} : memref<2x8x3072xf32, #tpu.memory_space<vmem>>, vector<1x1x16xf32>,
        %get3A_921 = vector.shape_cast %get3A_920 : vector<1x1x16xf32> to vector<16xf32>
        %add3A_922 = arith.addf %add3A_866, %get3A_921 : vector<16xf32>
        %get3A_923 = arith.constant 1 : i32
        %get3A_924 = arith.index_cast %get3A_923 : i32 to index
        %get3A_925 = arith.index_cast %scan3A_194 : i32 to index
        %get3A_926 = arith.constant 1648 : index
        %get3A_927 = tpu.vector_load %arg4[%get3A_924, %get3A_925, %get3A_926] {strides = array<i32>} : memref<2x8x3072xf32, #tpu.memory_space<vmem>>, vector<1x1x16xf32>,
        %get3A_928 = vector.shape_cast %get3A_927 : vector<1x1x16xf32> to vector<16xf32>
        %add3A_929 = arith.addf %add3A_873, %get3A_928 : vector<16xf32>
        %get3A_930 = arith.constant 1 : i32
        %get3A_931 = arith.index_cast %get3A_930 : i32 to index
        %get3A_932 = arith.index_cast %scan3A_194 : i32 to index
        %get3A_933 = arith.constant 1664 : index
        %get3A_934 = tpu.vector_load %arg4[%get3A_931, %get3A_932, %get3A_933] {strides = array<i32>} : memref<2x8x3072xf32, #tpu.memory_space<vmem>>, vector<1x1x16xf32>,
        %get3A_935 = vector.shape_cast %get3A_934 : vector<1x1x16xf32> to vector<16xf32>
        %add3A_936 = arith.addf %add3A_880, %get3A_935 : vector<16xf32>
        %get3A_937 = arith.constant 1 : i32
        %get3A_938 = arith.index_cast %get3A_937 : i32 to index
        %get3A_939 = arith.index_cast %scan3A_194 : i32 to index
        %get3A_940 = arith.constant 1680 : index
        %get3A_941 = tpu.vector_load %arg4[%get3A_938, %get3A_939, %get3A_940] {strides = array<i32>} : memref<2x8x3072xf32, #tpu.memory_space<vmem>>, vector<1x1x16xf32>,
        %get3A_942 = vector.shape_cast %get3A_941 : vector<1x1x16xf32> to vector<16xf32>
        %add3A_943 = arith.addf %add3A_887, %get3A_942 : vector<16xf32>
        %get3A_944 = arith.constant 1 : i32
        %get3A_945 = arith.index_cast %get3A_944 : i32 to index
        %get3A_946 = arith.index_cast %scan3A_194 : i32 to index
        %get3A_947 = arith.constant 1696 : index
        %get3A_948 = tpu.vector_load %arg4[%get3A_945, %get3A_946, %get3A_947] {strides = array<i32>} : memref<2x8x3072xf32, #tpu.memory_space<vmem>>, vector<1x1x16xf32>,
        %get3A_949 = vector.shape_cast %get3A_948 : vector<1x1x16xf32> to vector<16xf32>
        %add3A_950 = arith.addf %add3A_894, %get3A_949 : vector<16xf32>
        %get3A_951 = arith.constant 1 : i32
        %get3A_952 = arith.index_cast %get3A_951 : i32 to index
        %get3A_953 = arith.index_cast %scan3A_194 : i32 to index
        %get3A_954 = arith.constant 1712 : index
        %get3A_955 = tpu.vector_load %arg4[%get3A_952, %get3A_953, %get3A_954] {strides = array<i32>} : memref<2x8x3072xf32, #tpu.memory_space<vmem>>, vector<1x1x16xf32>,
        %get3A_956 = vector.shape_cast %get3A_955 : vector<1x1x16xf32> to vector<16xf32>
        %add3A_957 = arith.addf %add3A_901, %get3A_956 : vector<16xf32>
        %get3A_958 = arith.constant 1 : i32
        %get3A_959 = arith.index_cast %get3A_958 : i32 to index
        %get3A_960 = arith.index_cast %scan3A_194 : i32 to index
        %get3A_961 = arith.constant 1728 : index
        %get3A_962 = tpu.vector_load %arg4[%get3A_959, %get3A_960, %get3A_961] {strides = array<i32>} : memref<2x8x3072xf32, #tpu.memory_space<vmem>>, vector<1x1x16xf32>,
        %get3A_963 = vector.shape_cast %get3A_962 : vector<1x1x16xf32> to vector<16xf32>
        %add3A_964 = arith.addf %add3A_908, %get3A_963 : vector<16xf32>
        %get3A_965 = arith.constant 1 : i32
        %get3A_966 = arith.index_cast %get3A_965 : i32 to index
        %get3A_967 = arith.index_cast %scan3A_194 : i32 to index
        %get3A_968 = arith.constant 1744 : index
        %get3A_969 = tpu.vector_load %arg4[%get3A_966, %get3A_967, %get3A_968] {strides = array<i32>} : memref<2x8x3072xf32, #tpu.memory_space<vmem>>, vector<1x1x16xf32>,
        %get3A_970 = vector.shape_cast %get3A_969 : vector<1x1x16xf32> to vector<16xf32>
        %add3A_971 = arith.addf %add3A_915, %get3A_970 : vector<16xf32>
        %get3A_972 = arith.constant 1 : i32
        %get3A_973 = arith.index_cast %get3A_972 : i32 to index
        %get3A_974 = arith.index_cast %scan3A_194 : i32 to index
        %get3A_975 = arith.constant 1760 : index
        %get3A_976 = tpu.vector_load %arg4[%get3A_973, %get3A_974, %get3A_975] {strides = array<i32>} : memref<2x8x3072xf32, #tpu.memory_space<vmem>>, vector<1x1x16xf32>,
        %get3A_977 = vector.shape_cast %get3A_976 : vector<1x1x16xf32> to vector<16xf32>
        %add3A_978 = arith.addf %add3A_922, %get3A_977 : vector<16xf32>
        %get3A_979 = arith.constant 1 : i32
        %get3A_980 = arith.index_cast %get3A_979 : i32 to index
        %get3A_981 = arith.index_cast %scan3A_194 : i32 to index
        %get3A_982 = arith.constant 1776 : index
        %get3A_983 = tpu.vector_load %arg4[%get3A_980, %get3A_981, %get3A_982] {strides = array<i32>} : memref<2x8x3072xf32, #tpu.memory_space<vmem>>, vector<1x1x16xf32>,
        %get3A_984 = vector.shape_cast %get3A_983 : vector<1x1x16xf32> to vector<16xf32>
        %add3A_985 = arith.addf %add3A_929, %get3A_984 : vector<16xf32>
        %get3A_986 = arith.constant 1 : i32
        %get3A_987 = arith.index_cast %get3A_986 : i32 to index
        %get3A_988 = arith.index_cast %scan3A_194 : i32 to index
        %get3A_989 = arith.constant 1792 : index
        %get3A_990 = tpu.vector_load %arg4[%get3A_987, %get3A_988, %get3A_989] {strides = array<i32>} : memref<2x8x3072xf32, #tpu.memory_space<vmem>>, vector<1x1x16xf32>,
        %get3A_991 = vector.shape_cast %get3A_990 : vector<1x1x16xf32> to vector<16xf32>
        %add3A_992 = arith.addf %add3A_936, %get3A_991 : vector<16xf32>
        %get3A_993 = arith.constant 1 : i32
        %get3A_994 = arith.index_cast %get3A_993 : i32 to index
        %get3A_995 = arith.index_cast %scan3A_194 : i32 to index
        %get3A_996 = arith.constant 1808 : index
        %get3A_997 = tpu.vector_load %arg4[%get3A_994, %get3A_995, %get3A_996] {strides = array<i32>} : memref<2x8x3072xf32, #tpu.memory_space<vmem>>, vector<1x1x16xf32>,
        %get3A_998 = vector.shape_cast %get3A_997 : vector<1x1x16xf32> to vector<16xf32>
        %add3A_999 = arith.addf %add3A_943, %get3A_998 : vector<16xf32>
        %get3A_1000 = arith.constant 1 : i32
        %get3A_1001 = arith.index_cast %get3A_1000 : i32 to index
        %get3A_1002 = arith.index_cast %scan3A_194 : i32 to index
        %get3A_1003 = arith.constant 1824 : index
        %get3A_1004 = tpu.vector_load %arg4[%get3A_1001, %get3A_1002, %get3A_1003] {strides = array<i32>} : memref<2x8x3072xf32, #tpu.memory_space<vmem>>, vector<1x1x16xf32>,
        %get3A_1005 = vector.shape_cast %get3A_1004 : vector<1x1x16xf32> to vector<16xf32>
        %add3A_1006 = arith.addf %add3A_950, %get3A_1005 : vector<16xf32>
        %get3A_1007 = arith.constant 1 : i32
        %get3A_1008 = arith.index_cast %get3A_1007 : i32 to index
        %get3A_1009 = arith.index_cast %scan3A_194 : i32 to index
        %get3A_1010 = arith.constant 1840 : index
        %get3A_1011 = tpu.vector_load %arg4[%get3A_1008, %get3A_1009, %get3A_1010] {strides = array<i32>} : memref<2x8x3072xf32, #tpu.memory_space<vmem>>, vector<1x1x16xf32>,
        %get3A_1012 = vector.shape_cast %get3A_1011 : vector<1x1x16xf32> to vector<16xf32>
        %add3A_1013 = arith.addf %add3A_957, %get3A_1012 : vector<16xf32>
        %get3A_1014 = arith.constant 1 : i32
        %get3A_1015 = arith.index_cast %get3A_1014 : i32 to index
        %get3A_1016 = arith.index_cast %scan3A_194 : i32 to index
        %get3A_1017 = arith.constant 1856 : index
        %get3A_1018 = tpu.vector_load %arg4[%get3A_1015, %get3A_1016, %get3A_1017] {strides = array<i32>} : memref<2x8x3072xf32, #tpu.memory_space<vmem>>, vector<1x1x16xf32>,
        %get3A_1019 = vector.shape_cast %get3A_1018 : vector<1x1x16xf32> to vector<16xf32>
        %add3A_1020 = arith.addf %add3A_964, %get3A_1019 : vector<16xf32>
        %get3A_1021 = arith.constant 1 : i32
        %get3A_1022 = arith.index_cast %get3A_1021 : i32 to index
        %get3A_1023 = arith.index_cast %scan3A_194 : i32 to index
        %get3A_1024 = arith.constant 1872 : index
        %get3A_1025 = tpu.vector_load %arg4[%get3A_1022, %get3A_1023, %get3A_1024] {strides = array<i32>} : memref<2x8x3072xf32, #tpu.memory_space<vmem>>, vector<1x1x16xf32>,
        %get3A_1026 = vector.shape_cast %get3A_1025 : vector<1x1x16xf32> to vector<16xf32>
        %add3A_1027 = arith.addf %add3A_971, %get3A_1026 : vector<16xf32>
        %get3A_1028 = arith.constant 1 : i32
        %get3A_1029 = arith.index_cast %get3A_1028 : i32 to index
        %get3A_1030 = arith.index_cast %scan3A_194 : i32 to index
        %get3A_1031 = arith.constant 1888 : index
        %get3A_1032 = tpu.vector_load %arg4[%get3A_1029, %get3A_1030, %get3A_1031] {strides = array<i32>} : memref<2x8x3072xf32, #tpu.memory_space<vmem>>, vector<1x1x16xf32>,
        %get3A_1033 = vector.shape_cast %get3A_1032 : vector<1x1x16xf32> to vector<16xf32>
        %add3A_1034 = arith.addf %add3A_978, %get3A_1033 : vector<16xf32>
        %get3A_1035 = arith.constant 1 : i32
        %get3A_1036 = arith.index_cast %get3A_1035 : i32 to index
        %get3A_1037 = arith.index_cast %scan3A_194 : i32 to index
        %get3A_1038 = arith.constant 1904 : index
        %get3A_1039 = tpu.vector_load %arg4[%get3A_1036, %get3A_1037, %get3A_1038] {strides = array<i32>} : memref<2x8x3072xf32, #tpu.memory_space<vmem>>, vector<1x1x16xf32>,
        %get3A_1040 = vector.shape_cast %get3A_1039 : vector<1x1x16xf32> to vector<16xf32>
        %add3A_1041 = arith.addf %add3A_985, %get3A_1040 : vector<16xf32>
        %get3A_1042 = arith.constant 1 : i32
        %get3A_1043 = arith.index_cast %get3A_1042 : i32 to index
        %get3A_1044 = arith.index_cast %scan3A_194 : i32 to index
        %get3A_1045 = arith.constant 1920 : index
        %get3A_1046 = tpu.vector_load %arg4[%get3A_1043, %get3A_1044, %get3A_1045] {strides = array<i32>} : memref<2x8x3072xf32, #tpu.memory_space<vmem>>, vector<1x1x16xf32>,
        %get3A_1047 = vector.shape_cast %get3A_1046 : vector<1x1x16xf32> to vector<16xf32>
        %add3A_1048 = arith.addf %add3A_992, %get3A_1047 : vector<16xf32>
        %get3A_1049 = arith.constant 1 : i32
        %get3A_1050 = arith.index_cast %get3A_1049 : i32 to index
        %get3A_1051 = arith.index_cast %scan3A_194 : i32 to index
        %get3A_1052 = arith.constant 1936 : index
        %get3A_1053 = tpu.vector_load %arg4[%get3A_1050, %get3A_1051, %get3A_1052] {strides = array<i32>} : memref<2x8x3072xf32, #tpu.memory_space<vmem>>, vector<1x1x16xf32>,
        %get3A_1054 = vector.shape_cast %get3A_1053 : vector<1x1x16xf32> to vector<16xf32>
        %add3A_1055 = arith.addf %add3A_999, %get3A_1054 : vector<16xf32>
        %get3A_1056 = arith.constant 1 : i32
        %get3A_1057 = arith.index_cast %get3A_1056 : i32 to index
        %get3A_1058 = arith.index_cast %scan3A_194 : i32 to index
        %get3A_1059 = arith.constant 1952 : index
        %get3A_1060 = tpu.vector_load %arg4[%get3A_1057, %get3A_1058, %get3A_1059] {strides = array<i32>} : memref<2x8x3072xf32, #tpu.memory_space<vmem>>, vector<1x1x16xf32>,
        %get3A_1061 = vector.shape_cast %get3A_1060 : vector<1x1x16xf32> to vector<16xf32>
        %add3A_1062 = arith.addf %add3A_1006, %get3A_1061 : vector<16xf32>
        %get3A_1063 = arith.constant 1 : i32
        %get3A_1064 = arith.index_cast %get3A_1063 : i32 to index
        %get3A_1065 = arith.index_cast %scan3A_194 : i32 to index
        %get3A_1066 = arith.constant 1968 : index
        %get3A_1067 = tpu.vector_load %arg4[%get3A_1064, %get3A_1065, %get3A_1066] {strides = array<i32>} : memref<2x8x3072xf32, #tpu.memory_space<vmem>>, vector<1x1x16xf32>,
        %get3A_1068 = vector.shape_cast %get3A_1067 : vector<1x1x16xf32> to vector<16xf32>
        %add3A_1069 = arith.addf %add3A_1013, %get3A_1068 : vector<16xf32>
        %get3A_1070 = arith.constant 1 : i32
        %get3A_1071 = arith.index_cast %get3A_1070 : i32 to index
        %get3A_1072 = arith.index_cast %scan3A_194 : i32 to index
        %get3A_1073 = arith.constant 1984 : index
        %get3A_1074 = tpu.vector_load %arg4[%get3A_1071, %get3A_1072, %get3A_1073] {strides = array<i32>} : memref<2x8x3072xf32, #tpu.memory_space<vmem>>, vector<1x1x16xf32>,
        %get3A_1075 = vector.shape_cast %get3A_1074 : vector<1x1x16xf32> to vector<16xf32>
        %add3A_1076 = arith.addf %add3A_1020, %get3A_1075 : vector<16xf32>
        %get3A_1077 = arith.constant 1 : i32
        %get3A_1078 = arith.index_cast %get3A_1077 : i32 to index
        %get3A_1079 = arith.index_cast %scan3A_194 : i32 to index
        %get3A_1080 = arith.constant 2000 : index
        %get3A_1081 = tpu.vector_load %arg4[%get3A_1078, %get3A_1079, %get3A_1080] {strides = array<i32>} : memref<2x8x3072xf32, #tpu.memory_space<vmem>>, vector<1x1x16xf32>,
        %get3A_1082 = vector.shape_cast %get3A_1081 : vector<1x1x16xf32> to vector<16xf32>
        %add3A_1083 = arith.addf %add3A_1027, %get3A_1082 : vector<16xf32>
        %get3A_1084 = arith.constant 1 : i32
        %get3A_1085 = arith.index_cast %get3A_1084 : i32 to index
        %get3A_1086 = arith.index_cast %scan3A_194 : i32 to index
        %get3A_1087 = arith.constant 2016 : index
        %get3A_1088 = tpu.vector_load %arg4[%get3A_1085, %get3A_1086, %get3A_1087] {strides = array<i32>} : memref<2x8x3072xf32, #tpu.memory_space<vmem>>, vector<1x1x16xf32>,
        %get3A_1089 = vector.shape_cast %get3A_1088 : vector<1x1x16xf32> to vector<16xf32>
        %add3A_1090 = arith.addf %add3A_1034, %get3A_1089 : vector<16xf32>
        %get3A_1091 = arith.constant 1 : i32
        %get3A_1092 = arith.index_cast %get3A_1091 : i32 to index
        %get3A_1093 = arith.index_cast %scan3A_194 : i32 to index
        %get3A_1094 = arith.constant 2032 : index
        %get3A_1095 = tpu.vector_load %arg4[%get3A_1092, %get3A_1093, %get3A_1094] {strides = array<i32>} : memref<2x8x3072xf32, #tpu.memory_space<vmem>>, vector<1x1x16xf32>,
        %get3A_1096 = vector.shape_cast %get3A_1095 : vector<1x1x16xf32> to vector<16xf32>
        %add3A_1097 = arith.addf %add3A_1041, %get3A_1096 : vector<16xf32>
        %get3A_1098 = arith.constant 1 : i32
        %get3A_1099 = arith.index_cast %get3A_1098 : i32 to index
        %get3A_1100 = arith.index_cast %scan3A_194 : i32 to index
        %get3A_1101 = arith.constant 2048 : index
        %get3A_1102 = tpu.vector_load %arg4[%get3A_1099, %get3A_1100, %get3A_1101] {strides = array<i32>} : memref<2x8x3072xf32, #tpu.memory_space<vmem>>, vector<1x1x16xf32>,
        %get3A_1103 = vector.shape_cast %get3A_1102 : vector<1x1x16xf32> to vector<16xf32>
        %add3A_1104 = arith.addf %add3A_1048, %get3A_1103 : vector<16xf32>
        %get3A_1105 = arith.constant 1 : i32
        %get3A_1106 = arith.index_cast %get3A_1105 : i32 to index
        %get3A_1107 = arith.index_cast %scan3A_194 : i32 to index
        %get3A_1108 = arith.constant 2064 : index
        %get3A_1109 = tpu.vector_load %arg4[%get3A_1106, %get3A_1107, %get3A_1108] {strides = array<i32>} : memref<2x8x3072xf32, #tpu.memory_space<vmem>>, vector<1x1x16xf32>,
        %get3A_1110 = vector.shape_cast %get3A_1109 : vector<1x1x16xf32> to vector<16xf32>
        %add3A_1111 = arith.addf %add3A_1055, %get3A_1110 : vector<16xf32>
        %get3A_1112 = arith.constant 1 : i32
        %get3A_1113 = arith.index_cast %get3A_1112 : i32 to index
        %get3A_1114 = arith.index_cast %scan3A_194 : i32 to index
        %get3A_1115 = arith.constant 2080 : index
        %get3A_1116 = tpu.vector_load %arg4[%get3A_1113, %get3A_1114, %get3A_1115] {strides = array<i32>} : memref<2x8x3072xf32, #tpu.memory_space<vmem>>, vector<1x1x16xf32>,
        %get3A_1117 = vector.shape_cast %get3A_1116 : vector<1x1x16xf32> to vector<16xf32>
        %add3A_1118 = arith.addf %add3A_1062, %get3A_1117 : vector<16xf32>
        %get3A_1119 = arith.constant 1 : i32
        %get3A_1120 = arith.index_cast %get3A_1119 : i32 to index
        %get3A_1121 = arith.index_cast %scan3A_194 : i32 to index
        %get3A_1122 = arith.constant 2096 : index
        %get3A_1123 = tpu.vector_load %arg4[%get3A_1120, %get3A_1121, %get3A_1122] {strides = array<i32>} : memref<2x8x3072xf32, #tpu.memory_space<vmem>>, vector<1x1x16xf32>,
        %get3A_1124 = vector.shape_cast %get3A_1123 : vector<1x1x16xf32> to vector<16xf32>
        %add3A_1125 = arith.addf %add3A_1069, %get3A_1124 : vector<16xf32>
        %get3A_1126 = arith.constant 1 : i32
        %get3A_1127 = arith.index_cast %get3A_1126 : i32 to index
        %get3A_1128 = arith.index_cast %scan3A_194 : i32 to index
        %get3A_1129 = arith.constant 2112 : index
        %get3A_1130 = tpu.vector_load %arg4[%get3A_1127, %get3A_1128, %get3A_1129] {strides = array<i32>} : memref<2x8x3072xf32, #tpu.memory_space<vmem>>, vector<1x1x16xf32>,
        %get3A_1131 = vector.shape_cast %get3A_1130 : vector<1x1x16xf32> to vector<16xf32>
        %add3A_1132 = arith.addf %add3A_1076, %get3A_1131 : vector<16xf32>
        %get3A_1133 = arith.constant 1 : i32
        %get3A_1134 = arith.index_cast %get3A_1133 : i32 to index
        %get3A_1135 = arith.index_cast %scan3A_194 : i32 to index
        %get3A_1136 = arith.constant 2128 : index
        %get3A_1137 = tpu.vector_load %arg4[%get3A_1134, %get3A_1135, %get3A_1136] {strides = array<i32>} : memref<2x8x3072xf32, #tpu.memory_space<vmem>>, vector<1x1x16xf32>,
        %get3A_1138 = vector.shape_cast %get3A_1137 : vector<1x1x16xf32> to vector<16xf32>
        %add3A_1139 = arith.addf %add3A_1083, %get3A_1138 : vector<16xf32>
        %get3A_1140 = arith.constant 1 : i32
        %get3A_1141 = arith.index_cast %get3A_1140 : i32 to index
        %get3A_1142 = arith.index_cast %scan3A_194 : i32 to index
        %get3A_1143 = arith.constant 2144 : index
        %get3A_1144 = tpu.vector_load %arg4[%get3A_1141, %get3A_1142, %get3A_1143] {strides = array<i32>} : memref<2x8x3072xf32, #tpu.memory_space<vmem>>, vector<1x1x16xf32>,
        %get3A_1145 = vector.shape_cast %get3A_1144 : vector<1x1x16xf32> to vector<16xf32>
        %add3A_1146 = arith.addf %add3A_1090, %get3A_1145 : vector<16xf32>
        %get3A_1147 = arith.constant 1 : i32
        %get3A_1148 = arith.index_cast %get3A_1147 : i32 to index
        %get3A_1149 = arith.index_cast %scan3A_194 : i32 to index
        %get3A_1150 = arith.constant 2160 : index
        %get3A_1151 = tpu.vector_load %arg4[%get3A_1148, %get3A_1149, %get3A_1150] {strides = array<i32>} : memref<2x8x3072xf32, #tpu.memory_space<vmem>>, vector<1x1x16xf32>,
        %get3A_1152 = vector.shape_cast %get3A_1151 : vector<1x1x16xf32> to vector<16xf32>
        %add3A_1153 = arith.addf %add3A_1097, %get3A_1152 : vector<16xf32>
        %get3A_1154 = arith.constant 1 : i32
        %get3A_1155 = arith.index_cast %get3A_1154 : i32 to index
        %get3A_1156 = arith.index_cast %scan3A_194 : i32 to index
        %get3A_1157 = arith.constant 2176 : index
        %get3A_1158 = tpu.vector_load %arg4[%get3A_1155, %get3A_1156, %get3A_1157] {strides = array<i32>} : memref<2x8x3072xf32, #tpu.memory_space<vmem>>, vector<1x1x16xf32>,
        %get3A_1159 = vector.shape_cast %get3A_1158 : vector<1x1x16xf32> to vector<16xf32>
        %add3A_1160 = arith.addf %add3A_1104, %get3A_1159 : vector<16xf32>
        %get3A_1161 = arith.constant 1 : i32
        %get3A_1162 = arith.index_cast %get3A_1161 : i32 to index
        %get3A_1163 = arith.index_cast %scan3A_194 : i32 to index
        %get3A_1164 = arith.constant 2192 : index
        %get3A_1165 = tpu.vector_load %arg4[%get3A_1162, %get3A_1163, %get3A_1164] {strides = array<i32>} : memref<2x8x3072xf32, #tpu.memory_space<vmem>>, vector<1x1x16xf32>,
        %get3A_1166 = vector.shape_cast %get3A_1165 : vector<1x1x16xf32> to vector<16xf32>
        %add3A_1167 = arith.addf %add3A_1111, %get3A_1166 : vector<16xf32>
        %get3A_1168 = arith.constant 1 : i32
        %get3A_1169 = arith.index_cast %get3A_1168 : i32 to index
        %get3A_1170 = arith.index_cast %scan3A_194 : i32 to index
        %get3A_1171 = arith.constant 2208 : index
        %get3A_1172 = tpu.vector_load %arg4[%get3A_1169, %get3A_1170, %get3A_1171] {strides = array<i32>} : memref<2x8x3072xf32, #tpu.memory_space<vmem>>, vector<1x1x16xf32>,
        %get3A_1173 = vector.shape_cast %get3A_1172 : vector<1x1x16xf32> to vector<16xf32>
        %add3A_1174 = arith.addf %add3A_1118, %get3A_1173 : vector<16xf32>
        %get3A_1175 = arith.constant 1 : i32
        %get3A_1176 = arith.index_cast %get3A_1175 : i32 to index
        %get3A_1177 = arith.index_cast %scan3A_194 : i32 to index
        %get3A_1178 = arith.constant 2224 : index
        %get3A_1179 = tpu.vector_load %arg4[%get3A_1176, %get3A_1177, %get3A_1178] {strides = array<i32>} : memref<2x8x3072xf32, #tpu.memory_space<vmem>>, vector<1x1x16xf32>,
        %get3A_1180 = vector.shape_cast %get3A_1179 : vector<1x1x16xf32> to vector<16xf32>
        %add3A_1181 = arith.addf %add3A_1125, %get3A_1180 : vector<16xf32>
        %get3A_1182 = arith.constant 1 : i32
        %get3A_1183 = arith.index_cast %get3A_1182 : i32 to index
        %get3A_1184 = arith.index_cast %scan3A_194 : i32 to index
        %get3A_1185 = arith.constant 2240 : index
        %get3A_1186 = tpu.vector_load %arg4[%get3A_1183, %get3A_1184, %get3A_1185] {strides = array<i32>} : memref<2x8x3072xf32, #tpu.memory_space<vmem>>, vector<1x1x16xf32>,
        %get3A_1187 = vector.shape_cast %get3A_1186 : vector<1x1x16xf32> to vector<16xf32>
        %add3A_1188 = arith.addf %add3A_1132, %get3A_1187 : vector<16xf32>
        %get3A_1189 = arith.constant 1 : i32
        %get3A_1190 = arith.index_cast %get3A_1189 : i32 to index
        %get3A_1191 = arith.index_cast %scan3A_194 : i32 to index
        %get3A_1192 = arith.constant 2256 : index
        %get3A_1193 = tpu.vector_load %arg4[%get3A_1190, %get3A_1191, %get3A_1192] {strides = array<i32>} : memref<2x8x3072xf32, #tpu.memory_space<vmem>>, vector<1x1x16xf32>,
        %get3A_1194 = vector.shape_cast %get3A_1193 : vector<1x1x16xf32> to vector<16xf32>
        %add3A_1195 = arith.addf %add3A_1139, %get3A_1194 : vector<16xf32>
        %get3A_1196 = arith.constant 1 : i32
        %get3A_1197 = arith.index_cast %get3A_1196 : i32 to index
        %get3A_1198 = arith.index_cast %scan3A_194 : i32 to index
        %get3A_1199 = arith.constant 2272 : index
        %get3A_1200 = tpu.vector_load %arg4[%get3A_1197, %get3A_1198, %get3A_1199] {strides = array<i32>} : memref<2x8x3072xf32, #tpu.memory_space<vmem>>, vector<1x1x16xf32>,
        %get3A_1201 = vector.shape_cast %get3A_1200 : vector<1x1x16xf32> to vector<16xf32>
        %add3A_1202 = arith.addf %add3A_1146, %get3A_1201 : vector<16xf32>
        %get3A_1203 = arith.constant 1 : i32
        %get3A_1204 = arith.index_cast %get3A_1203 : i32 to index
        %get3A_1205 = arith.index_cast %scan3A_194 : i32 to index
        %get3A_1206 = arith.constant 2288 : index
        %get3A_1207 = tpu.vector_load %arg4[%get3A_1204, %get3A_1205, %get3A_1206] {strides = array<i32>} : memref<2x8x3072xf32, #tpu.memory_space<vmem>>, vector<1x1x16xf32>,
        %get3A_1208 = vector.shape_cast %get3A_1207 : vector<1x1x16xf32> to vector<16xf32>
        %add3A_1209 = arith.addf %add3A_1153, %get3A_1208 : vector<16xf32>
        %get3A_1210 = arith.constant 1 : i32
        %get3A_1211 = arith.index_cast %get3A_1210 : i32 to index
        %get3A_1212 = arith.index_cast %scan3A_194 : i32 to index
        %get3A_1213 = arith.constant 2304 : index
        %get3A_1214 = tpu.vector_load %arg4[%get3A_1211, %get3A_1212, %get3A_1213] {strides = array<i32>} : memref<2x8x3072xf32, #tpu.memory_space<vmem>>, vector<1x1x16xf32>,
        %get3A_1215 = vector.shape_cast %get3A_1214 : vector<1x1x16xf32> to vector<16xf32>
        %add3A_1216 = arith.addf %add3A_1160, %get3A_1215 : vector<16xf32>
        %get3A_1217 = arith.constant 1 : i32
        %get3A_1218 = arith.index_cast %get3A_1217 : i32 to index
        %get3A_1219 = arith.index_cast %scan3A_194 : i32 to index
        %get3A_1220 = arith.constant 2320 : index
        %get3A_1221 = tpu.vector_load %arg4[%get3A_1218, %get3A_1219, %get3A_1220] {strides = array<i32>} : memref<2x8x3072xf32, #tpu.memory_space<vmem>>, vector<1x1x16xf32>,
        %get3A_1222 = vector.shape_cast %get3A_1221 : vector<1x1x16xf32> to vector<16xf32>
        %add3A_1223 = arith.addf %add3A_1167, %get3A_1222 : vector<16xf32>
        %get3A_1224 = arith.constant 1 : i32
        %get3A_1225 = arith.index_cast %get3A_1224 : i32 to index
        %get3A_1226 = arith.index_cast %scan3A_194 : i32 to index
        %get3A_1227 = arith.constant 2336 : index
        %get3A_1228 = tpu.vector_load %arg4[%get3A_1225, %get3A_1226, %get3A_1227] {strides = array<i32>} : memref<2x8x3072xf32, #tpu.memory_space<vmem>>, vector<1x1x16xf32>,
        %get3A_1229 = vector.shape_cast %get3A_1228 : vector<1x1x16xf32> to vector<16xf32>
        %add3A_1230 = arith.addf %add3A_1174, %get3A_1229 : vector<16xf32>
        %get3A_1231 = arith.constant 1 : i32
        %get3A_1232 = arith.index_cast %get3A_1231 : i32 to index
        %get3A_1233 = arith.index_cast %scan3A_194 : i32 to index
        %get3A_1234 = arith.constant 2352 : index
        %get3A_1235 = tpu.vector_load %arg4[%get3A_1232, %get3A_1233, %get3A_1234] {strides = array<i32>} : memref<2x8x3072xf32, #tpu.memory_space<vmem>>, vector<1x1x16xf32>,
        %get3A_1236 = vector.shape_cast %get3A_1235 : vector<1x1x16xf32> to vector<16xf32>
        %add3A_1237 = arith.addf %add3A_1181, %get3A_1236 : vector<16xf32>
        %get3A_1238 = arith.constant 1 : i32
        %get3A_1239 = arith.index_cast %get3A_1238 : i32 to index
        %get3A_1240 = arith.index_cast %scan3A_194 : i32 to index
        %get3A_1241 = arith.constant 2368 : index
        %get3A_1242 = tpu.vector_load %arg4[%get3A_1239, %get3A_1240, %get3A_1241] {strides = array<i32>} : memref<2x8x3072xf32, #tpu.memory_space<vmem>>, vector<1x1x16xf32>,
        %get3A_1243 = vector.shape_cast %get3A_1242 : vector<1x1x16xf32> to vector<16xf32>
        %add3A_1244 = arith.addf %add3A_1188, %get3A_1243 : vector<16xf32>
        %get3A_1245 = arith.constant 1 : i32
        %get3A_1246 = arith.index_cast %get3A_1245 : i32 to index
        %get3A_1247 = arith.index_cast %scan3A_194 : i32 to index
        %get3A_1248 = arith.constant 2384 : index
        %get3A_1249 = tpu.vector_load %arg4[%get3A_1246, %get3A_1247, %get3A_1248] {strides = array<i32>} : memref<2x8x3072xf32, #tpu.memory_space<vmem>>, vector<1x1x16xf32>,
        %get3A_1250 = vector.shape_cast %get3A_1249 : vector<1x1x16xf32> to vector<16xf32>
        %add3A_1251 = arith.addf %add3A_1195, %get3A_1250 : vector<16xf32>
        %get3A_1252 = arith.constant 1 : i32
        %get3A_1253 = arith.index_cast %get3A_1252 : i32 to index
        %get3A_1254 = arith.index_cast %scan3A_194 : i32 to index
        %get3A_1255 = arith.constant 2400 : index
        %get3A_1256 = tpu.vector_load %arg4[%get3A_1253, %get3A_1254, %get3A_1255] {strides = array<i32>} : memref<2x8x3072xf32, #tpu.memory_space<vmem>>, vector<1x1x16xf32>,
        %get3A_1257 = vector.shape_cast %get3A_1256 : vector<1x1x16xf32> to vector<16xf32>
        %add3A_1258 = arith.addf %add3A_1202, %get3A_1257 : vector<16xf32>
        %get3A_1259 = arith.constant 1 : i32
        %get3A_1260 = arith.index_cast %get3A_1259 : i32 to index
        %get3A_1261 = arith.index_cast %scan3A_194 : i32 to index
        %get3A_1262 = arith.constant 2416 : index
        %get3A_1263 = tpu.vector_load %arg4[%get3A_1260, %get3A_1261, %get3A_1262] {strides = array<i32>} : memref<2x8x3072xf32, #tpu.memory_space<vmem>>, vector<1x1x16xf32>,
        %get3A_1264 = vector.shape_cast %get3A_1263 : vector<1x1x16xf32> to vector<16xf32>
        %add3A_1265 = arith.addf %add3A_1209, %get3A_1264 : vector<16xf32>
        %get3A_1266 = arith.constant 1 : i32
        %get3A_1267 = arith.index_cast %get3A_1266 : i32 to index
        %get3A_1268 = arith.index_cast %scan3A_194 : i32 to index
        %get3A_1269 = arith.constant 2432 : index
        %get3A_1270 = tpu.vector_load %arg4[%get3A_1267, %get3A_1268, %get3A_1269] {strides = array<i32>} : memref<2x8x3072xf32, #tpu.memory_space<vmem>>, vector<1x1x16xf32>,
        %get3A_1271 = vector.shape_cast %get3A_1270 : vector<1x1x16xf32> to vector<16xf32>
        %add3A_1272 = arith.addf %add3A_1216, %get3A_1271 : vector<16xf32>
        %get3A_1273 = arith.constant 1 : i32
        %get3A_1274 = arith.index_cast %get3A_1273 : i32 to index
        %get3A_1275 = arith.index_cast %scan3A_194 : i32 to index
        %get3A_1276 = arith.constant 2448 : index
        %get3A_1277 = tpu.vector_load %arg4[%get3A_1274, %get3A_1275, %get3A_1276] {strides = array<i32>} : memref<2x8x3072xf32, #tpu.memory_space<vmem>>, vector<1x1x16xf32>,
        %get3A_1278 = vector.shape_cast %get3A_1277 : vector<1x1x16xf32> to vector<16xf32>
        %add3A_1279 = arith.addf %add3A_1223, %get3A_1278 : vector<16xf32>
        %get3A_1280 = arith.constant 1 : i32
        %get3A_1281 = arith.index_cast %get3A_1280 : i32 to index
        %get3A_1282 = arith.index_cast %scan3A_194 : i32 to index
        %get3A_1283 = arith.constant 2464 : index
        %get3A_1284 = tpu.vector_load %arg4[%get3A_1281, %get3A_1282, %get3A_1283] {strides = array<i32>} : memref<2x8x3072xf32, #tpu.memory_space<vmem>>, vector<1x1x16xf32>,
        %get3A_1285 = vector.shape_cast %get3A_1284 : vector<1x1x16xf32> to vector<16xf32>
        %add3A_1286 = arith.addf %add3A_1230, %get3A_1285 : vector<16xf32>
        %get3A_1287 = arith.constant 1 : i32
        %get3A_1288 = arith.index_cast %get3A_1287 : i32 to index
        %get3A_1289 = arith.index_cast %scan3A_194 : i32 to index
        %get3A_1290 = arith.constant 2480 : index
        %get3A_1291 = tpu.vector_load %arg4[%get3A_1288, %get3A_1289, %get3A_1290] {strides = array<i32>} : memref<2x8x3072xf32, #tpu.memory_space<vmem>>, vector<1x1x16xf32>,
        %get3A_1292 = vector.shape_cast %get3A_1291 : vector<1x1x16xf32> to vector<16xf32>
        %add3A_1293 = arith.addf %add3A_1237, %get3A_1292 : vector<16xf32>
        %get3A_1294 = arith.constant 1 : i32
        %get3A_1295 = arith.index_cast %get3A_1294 : i32 to index
        %get3A_1296 = arith.index_cast %scan3A_194 : i32 to index
        %get3A_1297 = arith.constant 2496 : index
        %get3A_1298 = tpu.vector_load %arg4[%get3A_1295, %get3A_1296, %get3A_1297] {strides = array<i32>} : memref<2x8x3072xf32, #tpu.memory_space<vmem>>, vector<1x1x16xf32>,
        %get3A_1299 = vector.shape_cast %get3A_1298 : vector<1x1x16xf32> to vector<16xf32>
        %add3A_1300 = arith.addf %add3A_1244, %get3A_1299 : vector<16xf32>
        %get3A_1301 = arith.constant 1 : i32
        %get3A_1302 = arith.index_cast %get3A_1301 : i32 to index
        %get3A_1303 = arith.index_cast %scan3A_194 : i32 to index
        %get3A_1304 = arith.constant 2512 : index
        %get3A_1305 = tpu.vector_load %arg4[%get3A_1302, %get3A_1303, %get3A_1304] {strides = array<i32>} : memref<2x8x3072xf32, #tpu.memory_space<vmem>>, vector<1x1x16xf32>,
        %get3A_1306 = vector.shape_cast %get3A_1305 : vector<1x1x16xf32> to vector<16xf32>
        %add3A_1307 = arith.addf %add3A_1251, %get3A_1306 : vector<16xf32>
        %get3A_1308 = arith.constant 1 : i32
        %get3A_1309 = arith.index_cast %get3A_1308 : i32 to index
        %get3A_1310 = arith.index_cast %scan3A_194 : i32 to index
        %get3A_1311 = arith.constant 2528 : index
        %get3A_1312 = tpu.vector_load %arg4[%get3A_1309, %get3A_1310, %get3A_1311] {strides = array<i32>} : memref<2x8x3072xf32, #tpu.memory_space<vmem>>, vector<1x1x16xf32>,
        %get3A_1313 = vector.shape_cast %get3A_1312 : vector<1x1x16xf32> to vector<16xf32>
        %add3A_1314 = arith.addf %add3A_1258, %get3A_1313 : vector<16xf32>
        %get3A_1315 = arith.constant 1 : i32
        %get3A_1316 = arith.index_cast %get3A_1315 : i32 to index
        %get3A_1317 = arith.index_cast %scan3A_194 : i32 to index
        %get3A_1318 = arith.constant 2544 : index
        %get3A_1319 = tpu.vector_load %arg4[%get3A_1316, %get3A_1317, %get3A_1318] {strides = array<i32>} : memref<2x8x3072xf32, #tpu.memory_space<vmem>>, vector<1x1x16xf32>,
        %get3A_1320 = vector.shape_cast %get3A_1319 : vector<1x1x16xf32> to vector<16xf32>
        %add3A_1321 = arith.addf %add3A_1265, %get3A_1320 : vector<16xf32>
        %get3A_1322 = arith.constant 1 : i32
        %get3A_1323 = arith.index_cast %get3A_1322 : i32 to index
        %get3A_1324 = arith.index_cast %scan3A_194 : i32 to index
        %get3A_1325 = arith.constant 2560 : index
        %get3A_1326 = tpu.vector_load %arg4[%get3A_1323, %get3A_1324, %get3A_1325] {strides = array<i32>} : memref<2x8x3072xf32, #tpu.memory_space<vmem>>, vector<1x1x16xf32>,
        %get3A_1327 = vector.shape_cast %get3A_1326 : vector<1x1x16xf32> to vector<16xf32>
        %add3A_1328 = arith.addf %add3A_1272, %get3A_1327 : vector<16xf32>
        %get3A_1329 = arith.constant 1 : i32
        %get3A_1330 = arith.index_cast %get3A_1329 : i32 to index
        %get3A_1331 = arith.index_cast %scan3A_194 : i32 to index
        %get3A_1332 = arith.constant 2576 : index
        %get3A_1333 = tpu.vector_load %arg4[%get3A_1330, %get3A_1331, %get3A_1332] {strides = array<i32>} : memref<2x8x3072xf32, #tpu.memory_space<vmem>>, vector<1x1x16xf32>,
        %get3A_1334 = vector.shape_cast %get3A_1333 : vector<1x1x16xf32> to vector<16xf32>
        %add3A_1335 = arith.addf %add3A_1279, %get3A_1334 : vector<16xf32>
        %get3A_1336 = arith.constant 1 : i32
        %get3A_1337 = arith.index_cast %get3A_1336 : i32 to index
        %get3A_1338 = arith.index_cast %scan3A_194 : i32 to index
        %get3A_1339 = arith.constant 2592 : index
        %get3A_1340 = tpu.vector_load %arg4[%get3A_1337, %get3A_1338, %get3A_1339] {strides = array<i32>} : memref<2x8x3072xf32, #tpu.memory_space<vmem>>, vector<1x1x16xf32>,
        %get3A_1341 = vector.shape_cast %get3A_1340 : vector<1x1x16xf32> to vector<16xf32>
        %add3A_1342 = arith.addf %add3A_1286, %get3A_1341 : vector<16xf32>
        %get3A_1343 = arith.constant 1 : i32
        %get3A_1344 = arith.index_cast %get3A_1343 : i32 to index
        %get3A_1345 = arith.index_cast %scan3A_194 : i32 to index
        %get3A_1346 = arith.constant 2608 : index
        %get3A_1347 = tpu.vector_load %arg4[%get3A_1344, %get3A_1345, %get3A_1346] {strides = array<i32>} : memref<2x8x3072xf32, #tpu.memory_space<vmem>>, vector<1x1x16xf32>,
        %get3A_1348 = vector.shape_cast %get3A_1347 : vector<1x1x16xf32> to vector<16xf32>
        %add3A_1349 = arith.addf %add3A_1293, %get3A_1348 : vector<16xf32>
        %get3A_1350 = arith.constant 1 : i32
        %get3A_1351 = arith.index_cast %get3A_1350 : i32 to index
        %get3A_1352 = arith.index_cast %scan3A_194 : i32 to index
        %get3A_1353 = arith.constant 2624 : index
        %get3A_1354 = tpu.vector_load %arg4[%get3A_1351, %get3A_1352, %get3A_1353] {strides = array<i32>} : memref<2x8x3072xf32, #tpu.memory_space<vmem>>, vector<1x1x16xf32>,
        %get3A_1355 = vector.shape_cast %get3A_1354 : vector<1x1x16xf32> to vector<16xf32>
        %add3A_1356 = arith.addf %add3A_1300, %get3A_1355 : vector<16xf32>
        %get3A_1357 = arith.constant 1 : i32
        %get3A_1358 = arith.index_cast %get3A_1357 : i32 to index
        %get3A_1359 = arith.index_cast %scan3A_194 : i32 to index
        %get3A_1360 = arith.constant 2640 : index
        %get3A_1361 = tpu.vector_load %arg4[%get3A_1358, %get3A_1359, %get3A_1360] {strides = array<i32>} : memref<2x8x3072xf32, #tpu.memory_space<vmem>>, vector<1x1x16xf32>,
        %get3A_1362 = vector.shape_cast %get3A_1361 : vector<1x1x16xf32> to vector<16xf32>
        %add3A_1363 = arith.addf %add3A_1307, %get3A_1362 : vector<16xf32>
        %get3A_1364 = arith.constant 1 : i32
        %get3A_1365 = arith.index_cast %get3A_1364 : i32 to index
        %get3A_1366 = arith.index_cast %scan3A_194 : i32 to index
        %get3A_1367 = arith.constant 2656 : index
        %get3A_1368 = tpu.vector_load %arg4[%get3A_1365, %get3A_1366, %get3A_1367] {strides = array<i32>} : memref<2x8x3072xf32, #tpu.memory_space<vmem>>, vector<1x1x16xf32>,
        %get3A_1369 = vector.shape_cast %get3A_1368 : vector<1x1x16xf32> to vector<16xf32>
        %add3A_1370 = arith.addf %add3A_1314, %get3A_1369 : vector<16xf32>
        %get3A_1371 = arith.constant 1 : i32
        %get3A_1372 = arith.index_cast %get3A_1371 : i32 to index
        %get3A_1373 = arith.index_cast %scan3A_194 : i32 to index
        %get3A_1374 = arith.constant 2672 : index
        %get3A_1375 = tpu.vector_load %arg4[%get3A_1372, %get3A_1373, %get3A_1374] {strides = array<i32>} : memref<2x8x3072xf32, #tpu.memory_space<vmem>>, vector<1x1x16xf32>,
        %get3A_1376 = vector.shape_cast %get3A_1375 : vector<1x1x16xf32> to vector<16xf32>
        %add3A_1377 = arith.addf %add3A_1321, %get3A_1376 : vector<16xf32>
        %get3A_1378 = arith.constant 1 : i32
        %get3A_1379 = arith.index_cast %get3A_1378 : i32 to index
        %get3A_1380 = arith.index_cast %scan3A_194 : i32 to index
        %get3A_1381 = arith.constant 2688 : index
        %get3A_1382 = tpu.vector_load %arg4[%get3A_1379, %get3A_1380, %get3A_1381] {strides = array<i32>} : memref<2x8x3072xf32, #tpu.memory_space<vmem>>, vector<1x1x16xf32>,
        %get3A_1383 = vector.shape_cast %get3A_1382 : vector<1x1x16xf32> to vector<16xf32>
        %add3A_1384 = arith.addf %add3A_1328, %get3A_1383 : vector<16xf32>
        %get3A_1385 = arith.constant 1 : i32
        %get3A_1386 = arith.index_cast %get3A_1385 : i32 to index
        %get3A_1387 = arith.index_cast %scan3A_194 : i32 to index
        %get3A_1388 = arith.constant 2704 : index
        %get3A_1389 = tpu.vector_load %arg4[%get3A_1386, %get3A_1387, %get3A_1388] {strides = array<i32>} : memref<2x8x3072xf32, #tpu.memory_space<vmem>>, vector<1x1x16xf32>,
        %get3A_1390 = vector.shape_cast %get3A_1389 : vector<1x1x16xf32> to vector<16xf32>
        %add3A_1391 = arith.addf %add3A_1335, %get3A_1390 : vector<16xf32>
        %get3A_1392 = arith.constant 1 : i32
        %get3A_1393 = arith.index_cast %get3A_1392 : i32 to index
        %get3A_1394 = arith.index_cast %scan3A_194 : i32 to index
        %get3A_1395 = arith.constant 2720 : index
        %get3A_1396 = tpu.vector_load %arg4[%get3A_1393, %get3A_1394, %get3A_1395] {strides = array<i32>} : memref<2x8x3072xf32, #tpu.memory_space<vmem>>, vector<1x1x16xf32>,
        %get3A_1397 = vector.shape_cast %get3A_1396 : vector<1x1x16xf32> to vector<16xf32>
        %add3A_1398 = arith.addf %add3A_1342, %get3A_1397 : vector<16xf32>
        %get3A_1399 = arith.constant 1 : i32
        %get3A_1400 = arith.index_cast %get3A_1399 : i32 to index
        %get3A_1401 = arith.index_cast %scan3A_194 : i32 to index
        %get3A_1402 = arith.constant 2736 : index
        %get3A_1403 = tpu.vector_load %arg4[%get3A_1400, %get3A_1401, %get3A_1402] {strides = array<i32>} : memref<2x8x3072xf32, #tpu.memory_space<vmem>>, vector<1x1x16xf32>,
        %get3A_1404 = vector.shape_cast %get3A_1403 : vector<1x1x16xf32> to vector<16xf32>
        %add3A_1405 = arith.addf %add3A_1349, %get3A_1404 : vector<16xf32>
        %get3A_1406 = arith.constant 1 : i32
        %get3A_1407 = arith.index_cast %get3A_1406 : i32 to index
        %get3A_1408 = arith.index_cast %scan3A_194 : i32 to index
        %get3A_1409 = arith.constant 2752 : index
        %get3A_1410 = tpu.vector_load %arg4[%get3A_1407, %get3A_1408, %get3A_1409] {strides = array<i32>} : memref<2x8x3072xf32, #tpu.memory_space<vmem>>, vector<1x1x16xf32>,
        %get3A_1411 = vector.shape_cast %get3A_1410 : vector<1x1x16xf32> to vector<16xf32>
        %add3A_1412 = arith.addf %add3A_1356, %get3A_1411 : vector<16xf32>
        %get3A_1413 = arith.constant 1 : i32
        %get3A_1414 = arith.index_cast %get3A_1413 : i32 to index
        %get3A_1415 = arith.index_cast %scan3A_194 : i32 to index
        %get3A_1416 = arith.constant 2768 : index
        %get3A_1417 = tpu.vector_load %arg4[%get3A_1414, %get3A_1415, %get3A_1416] {strides = array<i32>} : memref<2x8x3072xf32, #tpu.memory_space<vmem>>, vector<1x1x16xf32>,
        %get3A_1418 = vector.shape_cast %get3A_1417 : vector<1x1x16xf32> to vector<16xf32>
        %add3A_1419 = arith.addf %add3A_1363, %get3A_1418 : vector<16xf32>
        %get3A_1420 = arith.constant 1 : i32
        %get3A_1421 = arith.index_cast %get3A_1420 : i32 to index
        %get3A_1422 = arith.index_cast %scan3A_194 : i32 to index
        %get3A_1423 = arith.constant 2784 : index
        %get3A_1424 = tpu.vector_load %arg4[%get3A_1421, %get3A_1422, %get3A_1423] {strides = array<i32>} : memref<2x8x3072xf32, #tpu.memory_space<vmem>>, vector<1x1x16xf32>,
        %get3A_1425 = vector.shape_cast %get3A_1424 : vector<1x1x16xf32> to vector<16xf32>
        %add3A_1426 = arith.addf %add3A_1370, %get3A_1425 : vector<16xf32>
        %get3A_1427 = arith.constant 1 : i32
        %get3A_1428 = arith.index_cast %get3A_1427 : i32 to index
        %get3A_1429 = arith.index_cast %scan3A_194 : i32 to index
        %get3A_1430 = arith.constant 2800 : index
        %get3A_1431 = tpu.vector_load %arg4[%get3A_1428, %get3A_1429, %get3A_1430] {strides = array<i32>} : memref<2x8x3072xf32, #tpu.memory_space<vmem>>, vector<1x1x16xf32>,
        %get3A_1432 = vector.shape_cast %get3A_1431 : vector<1x1x16xf32> to vector<16xf32>
        %add3A_1433 = arith.addf %add3A_1377, %get3A_1432 : vector<16xf32>
        %get3A_1434 = arith.constant 1 : i32
        %get3A_1435 = arith.index_cast %get3A_1434 : i32 to index
        %get3A_1436 = arith.index_cast %scan3A_194 : i32 to index
        %get3A_1437 = arith.constant 2816 : index
        %get3A_1438 = tpu.vector_load %arg4[%get3A_1435, %get3A_1436, %get3A_1437] {strides = array<i32>} : memref<2x8x3072xf32, #tpu.memory_space<vmem>>, vector<1x1x16xf32>,
        %get3A_1439 = vector.shape_cast %get3A_1438 : vector<1x1x16xf32> to vector<16xf32>
        %add3A_1440 = arith.addf %add3A_1384, %get3A_1439 : vector<16xf32>
        %get3A_1441 = arith.constant 1 : i32
        %get3A_1442 = arith.index_cast %get3A_1441 : i32 to index
        %get3A_1443 = arith.index_cast %scan3A_194 : i32 to index
        %get3A_1444 = arith.constant 2832 : index
        %get3A_1445 = tpu.vector_load %arg4[%get3A_1442, %get3A_1443, %get3A_1444] {strides = array<i32>} : memref<2x8x3072xf32, #tpu.memory_space<vmem>>, vector<1x1x16xf32>,
        %get3A_1446 = vector.shape_cast %get3A_1445 : vector<1x1x16xf32> to vector<16xf32>
        %add3A_1447 = arith.addf %add3A_1391, %get3A_1446 : vector<16xf32>
        %get3A_1448 = arith.constant 1 : i32
        %get3A_1449 = arith.index_cast %get3A_1448 : i32 to index
        %get3A_1450 = arith.index_cast %scan3A_194 : i32 to index
        %get3A_1451 = arith.constant 2848 : index
        %get3A_1452 = tpu.vector_load %arg4[%get3A_1449, %get3A_1450, %get3A_1451] {strides = array<i32>} : memref<2x8x3072xf32, #tpu.memory_space<vmem>>, vector<1x1x16xf32>,
        %get3A_1453 = vector.shape_cast %get3A_1452 : vector<1x1x16xf32> to vector<16xf32>
        %add3A_1454 = arith.addf %add3A_1398, %get3A_1453 : vector<16xf32>
        %get3A_1455 = arith.constant 1 : i32
        %get3A_1456 = arith.index_cast %get3A_1455 : i32 to index
        %get3A_1457 = arith.index_cast %scan3A_194 : i32 to index
        %get3A_1458 = arith.constant 2864 : index
        %get3A_1459 = tpu.vector_load %arg4[%get3A_1456, %get3A_1457, %get3A_1458] {strides = array<i32>} : memref<2x8x3072xf32, #tpu.memory_space<vmem>>, vector<1x1x16xf32>,
        %get3A_1460 = vector.shape_cast %get3A_1459 : vector<1x1x16xf32> to vector<16xf32>
        %add3A_1461 = arith.addf %add3A_1405, %get3A_1460 : vector<16xf32>
        %get3A_1462 = arith.constant 1 : i32
        %get3A_1463 = arith.index_cast %get3A_1462 : i32 to index
        %get3A_1464 = arith.index_cast %scan3A_194 : i32 to index
        %get3A_1465 = arith.constant 2880 : index
        %get3A_1466 = tpu.vector_load %arg4[%get3A_1463, %get3A_1464, %get3A_1465] {strides = array<i32>} : memref<2x8x3072xf32, #tpu.memory_space<vmem>>, vector<1x1x16xf32>,
        %get3A_1467 = vector.shape_cast %get3A_1466 : vector<1x1x16xf32> to vector<16xf32>
        %add3A_1468 = arith.addf %add3A_1412, %get3A_1467 : vector<16xf32>
        %get3A_1469 = arith.constant 1 : i32
        %get3A_1470 = arith.index_cast %get3A_1469 : i32 to index
        %get3A_1471 = arith.index_cast %scan3A_194 : i32 to index
        %get3A_1472 = arith.constant 2896 : index
        %get3A_1473 = tpu.vector_load %arg4[%get3A_1470, %get3A_1471, %get3A_1472] {strides = array<i32>} : memref<2x8x3072xf32, #tpu.memory_space<vmem>>, vector<1x1x16xf32>,
        %get3A_1474 = vector.shape_cast %get3A_1473 : vector<1x1x16xf32> to vector<16xf32>
        %add3A_1475 = arith.addf %add3A_1419, %get3A_1474 : vector<16xf32>
        %get3A_1476 = arith.constant 1 : i32
        %get3A_1477 = arith.index_cast %get3A_1476 : i32 to index
        %get3A_1478 = arith.index_cast %scan3A_194 : i32 to index
        %get3A_1479 = arith.constant 2912 : index
        %get3A_1480 = tpu.vector_load %arg4[%get3A_1477, %get3A_1478, %get3A_1479] {strides = array<i32>} : memref<2x8x3072xf32, #tpu.memory_space<vmem>>, vector<1x1x16xf32>,
        %get3A_1481 = vector.shape_cast %get3A_1480 : vector<1x1x16xf32> to vector<16xf32>
        %add3A_1482 = arith.addf %add3A_1426, %get3A_1481 : vector<16xf32>
        %get3A_1483 = arith.constant 1 : i32
        %get3A_1484 = arith.index_cast %get3A_1483 : i32 to index
        %get3A_1485 = arith.index_cast %scan3A_194 : i32 to index
        %get3A_1486 = arith.constant 2928 : index
        %get3A_1487 = tpu.vector_load %arg4[%get3A_1484, %get3A_1485, %get3A_1486] {strides = array<i32>} : memref<2x8x3072xf32, #tpu.memory_space<vmem>>, vector<1x1x16xf32>,
        %get3A_1488 = vector.shape_cast %get3A_1487 : vector<1x1x16xf32> to vector<16xf32>
        %add3A_1489 = arith.addf %add3A_1433, %get3A_1488 : vector<16xf32>
        %get3A_1490 = arith.constant 1 : i32
        %get3A_1491 = arith.index_cast %get3A_1490 : i32 to index
        %get3A_1492 = arith.index_cast %scan3A_194 : i32 to index
        %get3A_1493 = arith.constant 2944 : index
        %get3A_1494 = tpu.vector_load %arg4[%get3A_1491, %get3A_1492, %get3A_1493] {strides = array<i32>} : memref<2x8x3072xf32, #tpu.memory_space<vmem>>, vector<1x1x16xf32>,
        %get3A_1495 = vector.shape_cast %get3A_1494 : vector<1x1x16xf32> to vector<16xf32>
        %add3A_1496 = arith.addf %add3A_1440, %get3A_1495 : vector<16xf32>
        %get3A_1497 = arith.constant 1 : i32
        %get3A_1498 = arith.index_cast %get3A_1497 : i32 to index
        %get3A_1499 = arith.index_cast %scan3A_194 : i32 to index
        %get3A_1500 = arith.constant 2960 : index
        %get3A_1501 = tpu.vector_load %arg4[%get3A_1498, %get3A_1499, %get3A_1500] {strides = array<i32>} : memref<2x8x3072xf32, #tpu.memory_space<vmem>>, vector<1x1x16xf32>,
        %get3A_1502 = vector.shape_cast %get3A_1501 : vector<1x1x16xf32> to vector<16xf32>
        %add3A_1503 = arith.addf %add3A_1447, %get3A_1502 : vector<16xf32>
        %get3A_1504 = arith.constant 1 : i32
        %get3A_1505 = arith.index_cast %get3A_1504 : i32 to index
        %get3A_1506 = arith.index_cast %scan3A_194 : i32 to index
        %get3A_1507 = arith.constant 2976 : index
        %get3A_1508 = tpu.vector_load %arg4[%get3A_1505, %get3A_1506, %get3A_1507] {strides = array<i32>} : memref<2x8x3072xf32, #tpu.memory_space<vmem>>, vector<1x1x16xf32>,
        %get3A_1509 = vector.shape_cast %get3A_1508 : vector<1x1x16xf32> to vector<16xf32>
        %add3A_1510 = arith.addf %add3A_1454, %get3A_1509 : vector<16xf32>
        %get3A_1511 = arith.constant 1 : i32
        %get3A_1512 = arith.index_cast %get3A_1511 : i32 to index
        %get3A_1513 = arith.index_cast %scan3A_194 : i32 to index
        %get3A_1514 = arith.constant 2992 : index
        %get3A_1515 = tpu.vector_load %arg4[%get3A_1512, %get3A_1513, %get3A_1514] {strides = array<i32>} : memref<2x8x3072xf32, #tpu.memory_space<vmem>>, vector<1x1x16xf32>,
        %get3A_1516 = vector.shape_cast %get3A_1515 : vector<1x1x16xf32> to vector<16xf32>
        %add3A_1517 = arith.addf %add3A_1461, %get3A_1516 : vector<16xf32>
        %get3A_1518 = arith.constant 1 : i32
        %get3A_1519 = arith.index_cast %get3A_1518 : i32 to index
        %get3A_1520 = arith.index_cast %scan3A_194 : i32 to index
        %get3A_1521 = arith.constant 3008 : index
        %get3A_1522 = tpu.vector_load %arg4[%get3A_1519, %get3A_1520, %get3A_1521] {strides = array<i32>} : memref<2x8x3072xf32, #tpu.memory_space<vmem>>, vector<1x1x16xf32>,
        %get3A_1523 = vector.shape_cast %get3A_1522 : vector<1x1x16xf32> to vector<16xf32>
        %add3A_1524 = arith.addf %add3A_1468, %get3A_1523 : vector<16xf32>
        %get3A_1525 = arith.constant 1 : i32
        %get3A_1526 = arith.index_cast %get3A_1525 : i32 to index
        %get3A_1527 = arith.index_cast %scan3A_194 : i32 to index
        %get3A_1528 = arith.constant 3024 : index
        %get3A_1529 = tpu.vector_load %arg4[%get3A_1526, %get3A_1527, %get3A_1528] {strides = array<i32>} : memref<2x8x3072xf32, #tpu.memory_space<vmem>>, vector<1x1x16xf32>,
        %get3A_1530 = vector.shape_cast %get3A_1529 : vector<1x1x16xf32> to vector<16xf32>
        %add3A_1531 = arith.addf %add3A_1475, %get3A_1530 : vector<16xf32>
        %get3A_1532 = arith.constant 1 : i32
        %get3A_1533 = arith.index_cast %get3A_1532 : i32 to index
        %get3A_1534 = arith.index_cast %scan3A_194 : i32 to index
        %get3A_1535 = arith.constant 3040 : index
        %get3A_1536 = tpu.vector_load %arg4[%get3A_1533, %get3A_1534, %get3A_1535] {strides = array<i32>} : memref<2x8x3072xf32, #tpu.memory_space<vmem>>, vector<1x1x16xf32>,
        %get3A_1537 = vector.shape_cast %get3A_1536 : vector<1x1x16xf32> to vector<16xf32>
        %add3A_1538 = arith.addf %add3A_1482, %get3A_1537 : vector<16xf32>
        %get3A_1539 = arith.constant 1 : i32
        %get3A_1540 = arith.index_cast %get3A_1539 : i32 to index
        %get3A_1541 = arith.index_cast %scan3A_194 : i32 to index
        %get3A_1542 = arith.constant 3056 : index
        %get3A_1543 = tpu.vector_load %arg4[%get3A_1540, %get3A_1541, %get3A_1542] {strides = array<i32>} : memref<2x8x3072xf32, #tpu.memory_space<vmem>>, vector<1x1x16xf32>,
        %get3A_1544 = vector.shape_cast %get3A_1543 : vector<1x1x16xf32> to vector<16xf32>
        %add3A_1545 = arith.addf %add3A_1489, %get3A_1544 : vector<16xf32>
        scf.yield %add3A_1496, %add3A_1503, %add3A_1510, %add3A_1517, %add3A_1524, %add3A_1531, %add3A_1538, %add3A_1545 : vector<16xf32>, vector<16xf32>, vector<16xf32>, vector<16xf32>, vector<16xf32>, vector<16xf32>, vector<16xf32>, vector<16xf32>
      }
      %scan3A_193 = arith.constant 8 : i32
      scf.yield %scan3A_192#0, %scan3A_192#1, %scan3A_192#2, %scan3A_192#3, %scan3A_192#4, %scan3A_192#5, %scan3A_192#6, %scan3A_192#7 : vector<16xf32>, vector<16xf32>, vector<16xf32>, vector<16xf32>, vector<16xf32>, vector<16xf32>, vector<16xf32>, vector<16xf32>
    }
    %scan3A_49 = arith.constant 16 : i32
    %dma_wait3A = arith.constant 98304 : i32
    %dma_wait3A_50 = tpu.memref_slice %arg2[%multiple_of3A_35, %dma_wait3A] : memref<1024x100000xf32, #tpu.memory_space<hbm>> -> memref<8x1664xf32, #tpu.memory_space<hbm>>
    %dma_wait3A_51 = arith.constant 98304 : i32
    %dma_wait3A_52 = tpu.memref_slice %arg2[%multiple_of3A_35, %dma_wait3A_51] : memref<1024x100000xf32, #tpu.memory_space<hbm>> -> memref<8x1664xf32, #tpu.memory_space<hbm>>
    tpu.wait_dma2 semaphore(%arg9 : memref<!tpu.dma_semaphore, #tpu.memory_space<semaphore_mem>>) src(%dma_wait3A_52 : memref<8x1664xf32, #tpu.memory_space<hbm>>) dst(%arg5 : memref<8x1664xf32, #tpu.memory_space<vmem>>)
    %scan3A_53 = arith.constant 0 : i32
    %scan3A_54 = arith.constant 8 : i32
    %scan3A_55 = arith.addi %scan3A_53, %scan3A_54 : i32
    %scan3A_56 = arith.constant 1 : i32
    %scan3A_57:8 = scf.for %scan3A_82 = %scan3A_53 to %scan3A_55 step %scan3A_56 iter_args(%scan3A_83 = %scan3A_48#0, %scan3A_84 = %scan3A_48#1, %scan3A_85 = %scan3A_48#2, %scan3A_86 = %scan3A_48#3, %scan3A_87 = %scan3A_48#4, %scan3A_88 = %scan3A_48#5, %scan3A_89 = %scan3A_48#6, %scan3A_90 = %scan3A_48#7) -> (vector<16xf32>, vector<16xf32>, vector<16xf32>, vector<16xf32>, vector<16xf32>, vector<16xf32>, vector<16xf32>, vector<16xf32>)  : i32 {
      %get3A = arith.index_cast %scan3A_82 : i32 to index
      %get3A_91 = arith.constant 0 : index
      %get3A_92 = tpu.vector_load %arg5[%get3A, %get3A_91] {strides = array<i32>} : memref<8x1664xf32, #tpu.memory_space<vmem>>, vector<1x16xf32>,
      %get3A_93 = vector.shape_cast %get3A_92 : vector<1x16xf32> to vector<16xf32>
      %add3A_94 = arith.addf %scan3A_83, %get3A_93 : vector<16xf32>
      %get3A_95 = arith.index_cast %scan3A_82 : i32 to index
      %get3A_96 = arith.constant 16 : index
      %get3A_97 = tpu.vector_load %arg5[%get3A_95, %get3A_96] {strides = array<i32>} : memref<8x1664xf32, #tpu.memory_space<vmem>>, vector<1x16xf32>,
      %get3A_98 = vector.shape_cast %get3A_97 : vector<1x16xf32> to vector<16xf32>
      %add3A_99 = arith.addf %scan3A_84, %get3A_98 : vector<16xf32>
      %get3A_100 = arith.index_cast %scan3A_82 : i32 to index
      %get3A_101 = arith.constant 32 : index
      %get3A_102 = tpu.vector_load %arg5[%get3A_100, %get3A_101] {strides = array<i32>} : memref<8x1664xf32, #tpu.memory_space<vmem>>, vector<1x16xf32>,
      %get3A_103 = vector.shape_cast %get3A_102 : vector<1x16xf32> to vector<16xf32>
      %add3A_104 = arith.addf %scan3A_85, %get3A_103 : vector<16xf32>
      %get3A_105 = arith.index_cast %scan3A_82 : i32 to index
      %get3A_106 = arith.constant 48 : index
      %get3A_107 = tpu.vector_load %arg5[%get3A_105, %get3A_106] {strides = array<i32>} : memref<8x1664xf32, #tpu.memory_space<vmem>>, vector<1x16xf32>,
      %get3A_108 = vector.shape_cast %get3A_107 : vector<1x16xf32> to vector<16xf32>
      %add3A_109 = arith.addf %scan3A_86, %get3A_108 : vector<16xf32>
      %get3A_110 = arith.index_cast %scan3A_82 : i32 to index
      %get3A_111 = arith.constant 64 : index
      %get3A_112 = tpu.vector_load %arg5[%get3A_110, %get3A_111] {strides = array<i32>} : memref<8x1664xf32, #tpu.memory_space<vmem>>, vector<1x16xf32>,
      %get3A_113 = vector.shape_cast %get3A_112 : vector<1x16xf32> to vector<16xf32>
      %add3A_114 = arith.addf %scan3A_87, %get3A_113 : vector<16xf32>
      %get3A_115 = arith.index_cast %scan3A_82 : i32 to index
      %get3A_116 = arith.constant 80 : index
      %get3A_117 = tpu.vector_load %arg5[%get3A_115, %get3A_116] {strides = array<i32>} : memref<8x1664xf32, #tpu.memory_space<vmem>>, vector<1x16xf32>,
      %get3A_118 = vector.shape_cast %get3A_117 : vector<1x16xf32> to vector<16xf32>
      %add3A_119 = arith.addf %scan3A_88, %get3A_118 : vector<16xf32>
      %get3A_120 = arith.index_cast %scan3A_82 : i32 to index
      %get3A_121 = arith.constant 96 : index
      %get3A_122 = tpu.vector_load %arg5[%get3A_120, %get3A_121] {strides = array<i32>} : memref<8x1664xf32, #tpu.memory_space<vmem>>, vector<1x16xf32>,
      %get3A_123 = vector.shape_cast %get3A_122 : vector<1x16xf32> to vector<16xf32>
      %add3A_124 = arith.addf %scan3A_89, %get3A_123 : vector<16xf32>
      %get3A_125 = arith.index_cast %scan3A_82 : i32 to index
      %get3A_126 = arith.constant 112 : index
      %get3A_127 = tpu.vector_load %arg5[%get3A_125, %get3A_126] {strides = array<i32>} : memref<8x1664xf32, #tpu.memory_space<vmem>>, vector<1x16xf32>,
      %get3A_128 = vector.shape_cast %get3A_127 : vector<1x16xf32> to vector<16xf32>
      %add3A_129 = arith.addf %scan3A_90, %get3A_128 : vector<16xf32>
      %get3A_130 = arith.index_cast %scan3A_82 : i32 to index
      %get3A_131 = arith.constant 128 : index
      %get3A_132 = tpu.vector_load %arg5[%get3A_130, %get3A_131] {strides = array<i32>} : memref<8x1664xf32, #tpu.memory_space<vmem>>, vector<1x16xf32>,
      %get3A_133 = vector.shape_cast %get3A_132 : vector<1x16xf32> to vector<16xf32>
      %add3A_134 = arith.addf %add3A_94, %get3A_133 : vector<16xf32>
      %get3A_135 = arith.index_cast %scan3A_82 : i32 to index
      %get3A_136 = arith.constant 144 : index
      %get3A_137 = tpu.vector_load %arg5[%get3A_135, %get3A_136] {strides = array<i32>} : memref<8x1664xf32, #tpu.memory_space<vmem>>, vector<1x16xf32>,
      %get3A_138 = vector.shape_cast %get3A_137 : vector<1x16xf32> to vector<16xf32>
      %add3A_139 = arith.addf %add3A_99, %get3A_138 : vector<16xf32>
      %get3A_140 = arith.index_cast %scan3A_82 : i32 to index
      %get3A_141 = arith.constant 160 : index
      %get3A_142 = tpu.vector_load %arg5[%get3A_140, %get3A_141] {strides = array<i32>} : memref<8x1664xf32, #tpu.memory_space<vmem>>, vector<1x16xf32>,
      %get3A_143 = vector.shape_cast %get3A_142 : vector<1x16xf32> to vector<16xf32>
      %add3A_144 = arith.addf %add3A_104, %get3A_143 : vector<16xf32>
      %get3A_145 = arith.index_cast %scan3A_82 : i32 to index
      %get3A_146 = arith.constant 176 : index
      %get3A_147 = tpu.vector_load %arg5[%get3A_145, %get3A_146] {strides = array<i32>} : memref<8x1664xf32, #tpu.memory_space<vmem>>, vector<1x16xf32>,
      %get3A_148 = vector.shape_cast %get3A_147 : vector<1x16xf32> to vector<16xf32>
      %add3A_149 = arith.addf %add3A_109, %get3A_148 : vector<16xf32>
      %get3A_150 = arith.index_cast %scan3A_82 : i32 to index
      %get3A_151 = arith.constant 192 : index
      %get3A_152 = tpu.vector_load %arg5[%get3A_150, %get3A_151] {strides = array<i32>} : memref<8x1664xf32, #tpu.memory_space<vmem>>, vector<1x16xf32>,
      %get3A_153 = vector.shape_cast %get3A_152 : vector<1x16xf32> to vector<16xf32>
      %add3A_154 = arith.addf %add3A_114, %get3A_153 : vector<16xf32>
      %get3A_155 = arith.index_cast %scan3A_82 : i32 to index
      %get3A_156 = arith.constant 208 : index
      %get3A_157 = tpu.vector_load %arg5[%get3A_155, %get3A_156] {strides = array<i32>} : memref<8x1664xf32, #tpu.memory_space<vmem>>, vector<1x16xf32>,
      %get3A_158 = vector.shape_cast %get3A_157 : vector<1x16xf32> to vector<16xf32>
      %add3A_159 = arith.addf %add3A_119, %get3A_158 : vector<16xf32>
      %get3A_160 = arith.index_cast %scan3A_82 : i32 to index
      %get3A_161 = arith.constant 224 : index
      %get3A_162 = tpu.vector_load %arg5[%get3A_160, %get3A_161] {strides = array<i32>} : memref<8x1664xf32, #tpu.memory_space<vmem>>, vector<1x16xf32>,
      %get3A_163 = vector.shape_cast %get3A_162 : vector<1x16xf32> to vector<16xf32>
      %add3A_164 = arith.addf %add3A_124, %get3A_163 : vector<16xf32>
      %get3A_165 = arith.index_cast %scan3A_82 : i32 to index
      %get3A_166 = arith.constant 240 : index
      %get3A_167 = tpu.vector_load %arg5[%get3A_165, %get3A_166] {strides = array<i32>} : memref<8x1664xf32, #tpu.memory_space<vmem>>, vector<1x16xf32>,
      %get3A_168 = vector.shape_cast %get3A_167 : vector<1x16xf32> to vector<16xf32>
      %add3A_169 = arith.addf %add3A_129, %get3A_168 : vector<16xf32>
      %get3A_170 = arith.index_cast %scan3A_82 : i32 to index
      %get3A_171 = arith.constant 256 : index
      %get3A_172 = tpu.vector_load %arg5[%get3A_170, %get3A_171] {strides = array<i32>} : memref<8x1664xf32, #tpu.memory_space<vmem>>, vector<1x16xf32>,
      %get3A_173 = vector.shape_cast %get3A_172 : vector<1x16xf32> to vector<16xf32>
      %add3A_174 = arith.addf %add3A_134, %get3A_173 : vector<16xf32>
      %get3A_175 = arith.index_cast %scan3A_82 : i32 to index
      %get3A_176 = arith.constant 272 : index
      %get3A_177 = tpu.vector_load %arg5[%get3A_175, %get3A_176] {strides = array<i32>} : memref<8x1664xf32, #tpu.memory_space<vmem>>, vector<1x16xf32>,
      %get3A_178 = vector.shape_cast %get3A_177 : vector<1x16xf32> to vector<16xf32>
      %add3A_179 = arith.addf %add3A_139, %get3A_178 : vector<16xf32>
      %get3A_180 = arith.index_cast %scan3A_82 : i32 to index
      %get3A_181 = arith.constant 288 : index
      %get3A_182 = tpu.vector_load %arg5[%get3A_180, %get3A_181] {strides = array<i32>} : memref<8x1664xf32, #tpu.memory_space<vmem>>, vector<1x16xf32>,
      %get3A_183 = vector.shape_cast %get3A_182 : vector<1x16xf32> to vector<16xf32>
      %add3A_184 = arith.addf %add3A_144, %get3A_183 : vector<16xf32>
      %get3A_185 = arith.index_cast %scan3A_82 : i32 to index
      %get3A_186 = arith.constant 304 : index
      %get3A_187 = tpu.vector_load %arg5[%get3A_185, %get3A_186] {strides = array<i32>} : memref<8x1664xf32, #tpu.memory_space<vmem>>, vector<1x16xf32>,
      %get3A_188 = vector.shape_cast %get3A_187 : vector<1x16xf32> to vector<16xf32>
      %add3A_189 = arith.addf %add3A_149, %get3A_188 : vector<16xf32>
      %get3A_190 = arith.index_cast %scan3A_82 : i32 to index
      %get3A_191 = arith.constant 320 : index
      %get3A_192 = tpu.vector_load %arg5[%get3A_190, %get3A_191] {strides = array<i32>} : memref<8x1664xf32, #tpu.memory_space<vmem>>, vector<1x16xf32>,
      %get3A_193 = vector.shape_cast %get3A_192 : vector<1x16xf32> to vector<16xf32>
      %add3A_194 = arith.addf %add3A_154, %get3A_193 : vector<16xf32>
      %get3A_195 = arith.index_cast %scan3A_82 : i32 to index
      %get3A_196 = arith.constant 336 : index
      %get3A_197 = tpu.vector_load %arg5[%get3A_195, %get3A_196] {strides = array<i32>} : memref<8x1664xf32, #tpu.memory_space<vmem>>, vector<1x16xf32>,
      %get3A_198 = vector.shape_cast %get3A_197 : vector<1x16xf32> to vector<16xf32>
      %add3A_199 = arith.addf %add3A_159, %get3A_198 : vector<16xf32>
      %get3A_200 = arith.index_cast %scan3A_82 : i32 to index
      %get3A_201 = arith.constant 352 : index
      %get3A_202 = tpu.vector_load %arg5[%get3A_200, %get3A_201] {strides = array<i32>} : memref<8x1664xf32, #tpu.memory_space<vmem>>, vector<1x16xf32>,
      %get3A_203 = vector.shape_cast %get3A_202 : vector<1x16xf32> to vector<16xf32>
      %add3A_204 = arith.addf %add3A_164, %get3A_203 : vector<16xf32>
      %get3A_205 = arith.index_cast %scan3A_82 : i32 to index
      %get3A_206 = arith.constant 368 : index
      %get3A_207 = tpu.vector_load %arg5[%get3A_205, %get3A_206] {strides = array<i32>} : memref<8x1664xf32, #tpu.memory_space<vmem>>, vector<1x16xf32>,
      %get3A_208 = vector.shape_cast %get3A_207 : vector<1x16xf32> to vector<16xf32>
      %add3A_209 = arith.addf %add3A_169, %get3A_208 : vector<16xf32>
      %get3A_210 = arith.index_cast %scan3A_82 : i32 to index
      %get3A_211 = arith.constant 384 : index
      %get3A_212 = tpu.vector_load %arg5[%get3A_210, %get3A_211] {strides = array<i32>} : memref<8x1664xf32, #tpu.memory_space<vmem>>, vector<1x16xf32>,
      %get3A_213 = vector.shape_cast %get3A_212 : vector<1x16xf32> to vector<16xf32>
      %add3A_214 = arith.addf %add3A_174, %get3A_213 : vector<16xf32>
      %get3A_215 = arith.index_cast %scan3A_82 : i32 to index
      %get3A_216 = arith.constant 400 : index
      %get3A_217 = tpu.vector_load %arg5[%get3A_215, %get3A_216] {strides = array<i32>} : memref<8x1664xf32, #tpu.memory_space<vmem>>, vector<1x16xf32>,
      %get3A_218 = vector.shape_cast %get3A_217 : vector<1x16xf32> to vector<16xf32>
      %add3A_219 = arith.addf %add3A_179, %get3A_218 : vector<16xf32>
      %get3A_220 = arith.index_cast %scan3A_82 : i32 to index
      %get3A_221 = arith.constant 416 : index
      %get3A_222 = tpu.vector_load %arg5[%get3A_220, %get3A_221] {strides = array<i32>} : memref<8x1664xf32, #tpu.memory_space<vmem>>, vector<1x16xf32>,
      %get3A_223 = vector.shape_cast %get3A_222 : vector<1x16xf32> to vector<16xf32>
      %add3A_224 = arith.addf %add3A_184, %get3A_223 : vector<16xf32>
      %get3A_225 = arith.index_cast %scan3A_82 : i32 to index
      %get3A_226 = arith.constant 432 : index
      %get3A_227 = tpu.vector_load %arg5[%get3A_225, %get3A_226] {strides = array<i32>} : memref<8x1664xf32, #tpu.memory_space<vmem>>, vector<1x16xf32>,
      %get3A_228 = vector.shape_cast %get3A_227 : vector<1x16xf32> to vector<16xf32>
      %add3A_229 = arith.addf %add3A_189, %get3A_228 : vector<16xf32>
      %get3A_230 = arith.index_cast %scan3A_82 : i32 to index
      %get3A_231 = arith.constant 448 : index
      %get3A_232 = tpu.vector_load %arg5[%get3A_230, %get3A_231] {strides = array<i32>} : memref<8x1664xf32, #tpu.memory_space<vmem>>, vector<1x16xf32>,
      %get3A_233 = vector.shape_cast %get3A_232 : vector<1x16xf32> to vector<16xf32>
      %add3A_234 = arith.addf %add3A_194, %get3A_233 : vector<16xf32>
      %get3A_235 = arith.index_cast %scan3A_82 : i32 to index
      %get3A_236 = arith.constant 464 : index
      %get3A_237 = tpu.vector_load %arg5[%get3A_235, %get3A_236] {strides = array<i32>} : memref<8x1664xf32, #tpu.memory_space<vmem>>, vector<1x16xf32>,
      %get3A_238 = vector.shape_cast %get3A_237 : vector<1x16xf32> to vector<16xf32>
      %add3A_239 = arith.addf %add3A_199, %get3A_238 : vector<16xf32>
      %get3A_240 = arith.index_cast %scan3A_82 : i32 to index
      %get3A_241 = arith.constant 480 : index
      %get3A_242 = tpu.vector_load %arg5[%get3A_240, %get3A_241] {strides = array<i32>} : memref<8x1664xf32, #tpu.memory_space<vmem>>, vector<1x16xf32>,
      %get3A_243 = vector.shape_cast %get3A_242 : vector<1x16xf32> to vector<16xf32>
      %add3A_244 = arith.addf %add3A_204, %get3A_243 : vector<16xf32>
      %get3A_245 = arith.index_cast %scan3A_82 : i32 to index
      %get3A_246 = arith.constant 496 : index
      %get3A_247 = tpu.vector_load %arg5[%get3A_245, %get3A_246] {strides = array<i32>} : memref<8x1664xf32, #tpu.memory_space<vmem>>, vector<1x16xf32>,
      %get3A_248 = vector.shape_cast %get3A_247 : vector<1x16xf32> to vector<16xf32>
      %add3A_249 = arith.addf %add3A_209, %get3A_248 : vector<16xf32>
      %get3A_250 = arith.index_cast %scan3A_82 : i32 to index
      %get3A_251 = arith.constant 512 : index
      %get3A_252 = tpu.vector_load %arg5[%get3A_250, %get3A_251] {strides = array<i32>} : memref<8x1664xf32, #tpu.memory_space<vmem>>, vector<1x16xf32>,
      %get3A_253 = vector.shape_cast %get3A_252 : vector<1x16xf32> to vector<16xf32>
      %add3A_254 = arith.addf %add3A_214, %get3A_253 : vector<16xf32>
      %get3A_255 = arith.index_cast %scan3A_82 : i32 to index
      %get3A_256 = arith.constant 528 : index
      %get3A_257 = tpu.vector_load %arg5[%get3A_255, %get3A_256] {strides = array<i32>} : memref<8x1664xf32, #tpu.memory_space<vmem>>, vector<1x16xf32>,
      %get3A_258 = vector.shape_cast %get3A_257 : vector<1x16xf32> to vector<16xf32>
      %add3A_259 = arith.addf %add3A_219, %get3A_258 : vector<16xf32>
      %get3A_260 = arith.index_cast %scan3A_82 : i32 to index
      %get3A_261 = arith.constant 544 : index
      %get3A_262 = tpu.vector_load %arg5[%get3A_260, %get3A_261] {strides = array<i32>} : memref<8x1664xf32, #tpu.memory_space<vmem>>, vector<1x16xf32>,
      %get3A_263 = vector.shape_cast %get3A_262 : vector<1x16xf32> to vector<16xf32>
      %add3A_264 = arith.addf %add3A_224, %get3A_263 : vector<16xf32>
      %get3A_265 = arith.index_cast %scan3A_82 : i32 to index
      %get3A_266 = arith.constant 560 : index
      %get3A_267 = tpu.vector_load %arg5[%get3A_265, %get3A_266] {strides = array<i32>} : memref<8x1664xf32, #tpu.memory_space<vmem>>, vector<1x16xf32>,
      %get3A_268 = vector.shape_cast %get3A_267 : vector<1x16xf32> to vector<16xf32>
      %add3A_269 = arith.addf %add3A_229, %get3A_268 : vector<16xf32>
      %get3A_270 = arith.index_cast %scan3A_82 : i32 to index
      %get3A_271 = arith.constant 576 : index
      %get3A_272 = tpu.vector_load %arg5[%get3A_270, %get3A_271] {strides = array<i32>} : memref<8x1664xf32, #tpu.memory_space<vmem>>, vector<1x16xf32>,
      %get3A_273 = vector.shape_cast %get3A_272 : vector<1x16xf32> to vector<16xf32>
      %add3A_274 = arith.addf %add3A_234, %get3A_273 : vector<16xf32>
      %get3A_275 = arith.index_cast %scan3A_82 : i32 to index
      %get3A_276 = arith.constant 592 : index
      %get3A_277 = tpu.vector_load %arg5[%get3A_275, %get3A_276] {strides = array<i32>} : memref<8x1664xf32, #tpu.memory_space<vmem>>, vector<1x16xf32>,
      %get3A_278 = vector.shape_cast %get3A_277 : vector<1x16xf32> to vector<16xf32>
      %add3A_279 = arith.addf %add3A_239, %get3A_278 : vector<16xf32>
      %get3A_280 = arith.index_cast %scan3A_82 : i32 to index
      %get3A_281 = arith.constant 608 : index
      %get3A_282 = tpu.vector_load %arg5[%get3A_280, %get3A_281] {strides = array<i32>} : memref<8x1664xf32, #tpu.memory_space<vmem>>, vector<1x16xf32>,
      %get3A_283 = vector.shape_cast %get3A_282 : vector<1x16xf32> to vector<16xf32>
      %add3A_284 = arith.addf %add3A_244, %get3A_283 : vector<16xf32>
      %get3A_285 = arith.index_cast %scan3A_82 : i32 to index
      %get3A_286 = arith.constant 624 : index
      %get3A_287 = tpu.vector_load %arg5[%get3A_285, %get3A_286] {strides = array<i32>} : memref<8x1664xf32, #tpu.memory_space<vmem>>, vector<1x16xf32>,
      %get3A_288 = vector.shape_cast %get3A_287 : vector<1x16xf32> to vector<16xf32>
      %add3A_289 = arith.addf %add3A_249, %get3A_288 : vector<16xf32>
      %get3A_290 = arith.index_cast %scan3A_82 : i32 to index
      %get3A_291 = arith.constant 640 : index
      %get3A_292 = tpu.vector_load %arg5[%get3A_290, %get3A_291] {strides = array<i32>} : memref<8x1664xf32, #tpu.memory_space<vmem>>, vector<1x16xf32>,
      %get3A_293 = vector.shape_cast %get3A_292 : vector<1x16xf32> to vector<16xf32>
      %add3A_294 = arith.addf %add3A_254, %get3A_293 : vector<16xf32>
      %get3A_295 = arith.index_cast %scan3A_82 : i32 to index
      %get3A_296 = arith.constant 656 : index
      %get3A_297 = tpu.vector_load %arg5[%get3A_295, %get3A_296] {strides = array<i32>} : memref<8x1664xf32, #tpu.memory_space<vmem>>, vector<1x16xf32>,
      %get3A_298 = vector.shape_cast %get3A_297 : vector<1x16xf32> to vector<16xf32>
      %add3A_299 = arith.addf %add3A_259, %get3A_298 : vector<16xf32>
      %get3A_300 = arith.index_cast %scan3A_82 : i32 to index
      %get3A_301 = arith.constant 672 : index
      %get3A_302 = tpu.vector_load %arg5[%get3A_300, %get3A_301] {strides = array<i32>} : memref<8x1664xf32, #tpu.memory_space<vmem>>, vector<1x16xf32>,
      %get3A_303 = vector.shape_cast %get3A_302 : vector<1x16xf32> to vector<16xf32>
      %add3A_304 = arith.addf %add3A_264, %get3A_303 : vector<16xf32>
      %get3A_305 = arith.index_cast %scan3A_82 : i32 to index
      %get3A_306 = arith.constant 688 : index
      %get3A_307 = tpu.vector_load %arg5[%get3A_305, %get3A_306] {strides = array<i32>} : memref<8x1664xf32, #tpu.memory_space<vmem>>, vector<1x16xf32>,
      %get3A_308 = vector.shape_cast %get3A_307 : vector<1x16xf32> to vector<16xf32>
      %add3A_309 = arith.addf %add3A_269, %get3A_308 : vector<16xf32>
      %get3A_310 = arith.index_cast %scan3A_82 : i32 to index
      %get3A_311 = arith.constant 704 : index
      %get3A_312 = tpu.vector_load %arg5[%get3A_310, %get3A_311] {strides = array<i32>} : memref<8x1664xf32, #tpu.memory_space<vmem>>, vector<1x16xf32>,
      %get3A_313 = vector.shape_cast %get3A_312 : vector<1x16xf32> to vector<16xf32>
      %add3A_314 = arith.addf %add3A_274, %get3A_313 : vector<16xf32>
      %get3A_315 = arith.index_cast %scan3A_82 : i32 to index
      %get3A_316 = arith.constant 720 : index
      %get3A_317 = tpu.vector_load %arg5[%get3A_315, %get3A_316] {strides = array<i32>} : memref<8x1664xf32, #tpu.memory_space<vmem>>, vector<1x16xf32>,
      %get3A_318 = vector.shape_cast %get3A_317 : vector<1x16xf32> to vector<16xf32>
      %add3A_319 = arith.addf %add3A_279, %get3A_318 : vector<16xf32>
      %get3A_320 = arith.index_cast %scan3A_82 : i32 to index
      %get3A_321 = arith.constant 736 : index
      %get3A_322 = tpu.vector_load %arg5[%get3A_320, %get3A_321] {strides = array<i32>} : memref<8x1664xf32, #tpu.memory_space<vmem>>, vector<1x16xf32>,
      %get3A_323 = vector.shape_cast %get3A_322 : vector<1x16xf32> to vector<16xf32>
      %add3A_324 = arith.addf %add3A_284, %get3A_323 : vector<16xf32>
      %get3A_325 = arith.index_cast %scan3A_82 : i32 to index
      %get3A_326 = arith.constant 752 : index
      %get3A_327 = tpu.vector_load %arg5[%get3A_325, %get3A_326] {strides = array<i32>} : memref<8x1664xf32, #tpu.memory_space<vmem>>, vector<1x16xf32>,
      %get3A_328 = vector.shape_cast %get3A_327 : vector<1x16xf32> to vector<16xf32>
      %add3A_329 = arith.addf %add3A_289, %get3A_328 : vector<16xf32>
      %get3A_330 = arith.index_cast %scan3A_82 : i32 to index
      %get3A_331 = arith.constant 768 : index
      %get3A_332 = tpu.vector_load %arg5[%get3A_330, %get3A_331] {strides = array<i32>} : memref<8x1664xf32, #tpu.memory_space<vmem>>, vector<1x16xf32>,
      %get3A_333 = vector.shape_cast %get3A_332 : vector<1x16xf32> to vector<16xf32>
      %add3A_334 = arith.addf %add3A_294, %get3A_333 : vector<16xf32>
      %get3A_335 = arith.index_cast %scan3A_82 : i32 to index
      %get3A_336 = arith.constant 784 : index
      %get3A_337 = tpu.vector_load %arg5[%get3A_335, %get3A_336] {strides = array<i32>} : memref<8x1664xf32, #tpu.memory_space<vmem>>, vector<1x16xf32>,
      %get3A_338 = vector.shape_cast %get3A_337 : vector<1x16xf32> to vector<16xf32>
      %add3A_339 = arith.addf %add3A_299, %get3A_338 : vector<16xf32>
      %get3A_340 = arith.index_cast %scan3A_82 : i32 to index
      %get3A_341 = arith.constant 800 : index
      %get3A_342 = tpu.vector_load %arg5[%get3A_340, %get3A_341] {strides = array<i32>} : memref<8x1664xf32, #tpu.memory_space<vmem>>, vector<1x16xf32>,
      %get3A_343 = vector.shape_cast %get3A_342 : vector<1x16xf32> to vector<16xf32>
      %add3A_344 = arith.addf %add3A_304, %get3A_343 : vector<16xf32>
      %get3A_345 = arith.index_cast %scan3A_82 : i32 to index
      %get3A_346 = arith.constant 816 : index
      %get3A_347 = tpu.vector_load %arg5[%get3A_345, %get3A_346] {strides = array<i32>} : memref<8x1664xf32, #tpu.memory_space<vmem>>, vector<1x16xf32>,
      %get3A_348 = vector.shape_cast %get3A_347 : vector<1x16xf32> to vector<16xf32>
      %add3A_349 = arith.addf %add3A_309, %get3A_348 : vector<16xf32>
      %get3A_350 = arith.index_cast %scan3A_82 : i32 to index
      %get3A_351 = arith.constant 832 : index
      %get3A_352 = tpu.vector_load %arg5[%get3A_350, %get3A_351] {strides = array<i32>} : memref<8x1664xf32, #tpu.memory_space<vmem>>, vector<1x16xf32>,
      %get3A_353 = vector.shape_cast %get3A_352 : vector<1x16xf32> to vector<16xf32>
      %add3A_354 = arith.addf %add3A_314, %get3A_353 : vector<16xf32>
      %get3A_355 = arith.index_cast %scan3A_82 : i32 to index
      %get3A_356 = arith.constant 848 : index
      %get3A_357 = tpu.vector_load %arg5[%get3A_355, %get3A_356] {strides = array<i32>} : memref<8x1664xf32, #tpu.memory_space<vmem>>, vector<1x16xf32>,
      %get3A_358 = vector.shape_cast %get3A_357 : vector<1x16xf32> to vector<16xf32>
      %add3A_359 = arith.addf %add3A_319, %get3A_358 : vector<16xf32>
      %get3A_360 = arith.index_cast %scan3A_82 : i32 to index
      %get3A_361 = arith.constant 864 : index
      %get3A_362 = tpu.vector_load %arg5[%get3A_360, %get3A_361] {strides = array<i32>} : memref<8x1664xf32, #tpu.memory_space<vmem>>, vector<1x16xf32>,
      %get3A_363 = vector.shape_cast %get3A_362 : vector<1x16xf32> to vector<16xf32>
      %add3A_364 = arith.addf %add3A_324, %get3A_363 : vector<16xf32>
      %get3A_365 = arith.index_cast %scan3A_82 : i32 to index
      %get3A_366 = arith.constant 880 : index
      %get3A_367 = tpu.vector_load %arg5[%get3A_365, %get3A_366] {strides = array<i32>} : memref<8x1664xf32, #tpu.memory_space<vmem>>, vector<1x16xf32>,
      %get3A_368 = vector.shape_cast %get3A_367 : vector<1x16xf32> to vector<16xf32>
      %add3A_369 = arith.addf %add3A_329, %get3A_368 : vector<16xf32>
      %get3A_370 = arith.index_cast %scan3A_82 : i32 to index
      %get3A_371 = arith.constant 896 : index
      %get3A_372 = tpu.vector_load %arg5[%get3A_370, %get3A_371] {strides = array<i32>} : memref<8x1664xf32, #tpu.memory_space<vmem>>, vector<1x16xf32>,
      %get3A_373 = vector.shape_cast %get3A_372 : vector<1x16xf32> to vector<16xf32>
      %add3A_374 = arith.addf %add3A_334, %get3A_373 : vector<16xf32>
      %get3A_375 = arith.index_cast %scan3A_82 : i32 to index
      %get3A_376 = arith.constant 912 : index
      %get3A_377 = tpu.vector_load %arg5[%get3A_375, %get3A_376] {strides = array<i32>} : memref<8x1664xf32, #tpu.memory_space<vmem>>, vector<1x16xf32>,
      %get3A_378 = vector.shape_cast %get3A_377 : vector<1x16xf32> to vector<16xf32>
      %add3A_379 = arith.addf %add3A_339, %get3A_378 : vector<16xf32>
      %get3A_380 = arith.index_cast %scan3A_82 : i32 to index
      %get3A_381 = arith.constant 928 : index
      %get3A_382 = tpu.vector_load %arg5[%get3A_380, %get3A_381] {strides = array<i32>} : memref<8x1664xf32, #tpu.memory_space<vmem>>, vector<1x16xf32>,
      %get3A_383 = vector.shape_cast %get3A_382 : vector<1x16xf32> to vector<16xf32>
      %add3A_384 = arith.addf %add3A_344, %get3A_383 : vector<16xf32>
      %get3A_385 = arith.index_cast %scan3A_82 : i32 to index
      %get3A_386 = arith.constant 944 : index
      %get3A_387 = tpu.vector_load %arg5[%get3A_385, %get3A_386] {strides = array<i32>} : memref<8x1664xf32, #tpu.memory_space<vmem>>, vector<1x16xf32>,
      %get3A_388 = vector.shape_cast %get3A_387 : vector<1x16xf32> to vector<16xf32>
      %add3A_389 = arith.addf %add3A_349, %get3A_388 : vector<16xf32>
      %get3A_390 = arith.index_cast %scan3A_82 : i32 to index
      %get3A_391 = arith.constant 960 : index
      %get3A_392 = tpu.vector_load %arg5[%get3A_390, %get3A_391] {strides = array<i32>} : memref<8x1664xf32, #tpu.memory_space<vmem>>, vector<1x16xf32>,
      %get3A_393 = vector.shape_cast %get3A_392 : vector<1x16xf32> to vector<16xf32>
      %add3A_394 = arith.addf %add3A_354, %get3A_393 : vector<16xf32>
      %get3A_395 = arith.index_cast %scan3A_82 : i32 to index
      %get3A_396 = arith.constant 976 : index
      %get3A_397 = tpu.vector_load %arg5[%get3A_395, %get3A_396] {strides = array<i32>} : memref<8x1664xf32, #tpu.memory_space<vmem>>, vector<1x16xf32>,
      %get3A_398 = vector.shape_cast %get3A_397 : vector<1x16xf32> to vector<16xf32>
      %add3A_399 = arith.addf %add3A_359, %get3A_398 : vector<16xf32>
      %get3A_400 = arith.index_cast %scan3A_82 : i32 to index
      %get3A_401 = arith.constant 992 : index
      %get3A_402 = tpu.vector_load %arg5[%get3A_400, %get3A_401] {strides = array<i32>} : memref<8x1664xf32, #tpu.memory_space<vmem>>, vector<1x16xf32>,
      %get3A_403 = vector.shape_cast %get3A_402 : vector<1x16xf32> to vector<16xf32>
      %add3A_404 = arith.addf %add3A_364, %get3A_403 : vector<16xf32>
      %get3A_405 = arith.index_cast %scan3A_82 : i32 to index
      %get3A_406 = arith.constant 1008 : index
      %get3A_407 = tpu.vector_load %arg5[%get3A_405, %get3A_406] {strides = array<i32>} : memref<8x1664xf32, #tpu.memory_space<vmem>>, vector<1x16xf32>,
      %get3A_408 = vector.shape_cast %get3A_407 : vector<1x16xf32> to vector<16xf32>
      %add3A_409 = arith.addf %add3A_369, %get3A_408 : vector<16xf32>
      %get3A_410 = arith.index_cast %scan3A_82 : i32 to index
      %get3A_411 = arith.constant 1024 : index
      %get3A_412 = tpu.vector_load %arg5[%get3A_410, %get3A_411] {strides = array<i32>} : memref<8x1664xf32, #tpu.memory_space<vmem>>, vector<1x16xf32>,
      %get3A_413 = vector.shape_cast %get3A_412 : vector<1x16xf32> to vector<16xf32>
      %add3A_414 = arith.addf %add3A_374, %get3A_413 : vector<16xf32>
      %get3A_415 = arith.index_cast %scan3A_82 : i32 to index
      %get3A_416 = arith.constant 1040 : index
      %get3A_417 = tpu.vector_load %arg5[%get3A_415, %get3A_416] {strides = array<i32>} : memref<8x1664xf32, #tpu.memory_space<vmem>>, vector<1x16xf32>,
      %get3A_418 = vector.shape_cast %get3A_417 : vector<1x16xf32> to vector<16xf32>
      %add3A_419 = arith.addf %add3A_379, %get3A_418 : vector<16xf32>
      %get3A_420 = arith.index_cast %scan3A_82 : i32 to index
      %get3A_421 = arith.constant 1056 : index
      %get3A_422 = tpu.vector_load %arg5[%get3A_420, %get3A_421] {strides = array<i32>} : memref<8x1664xf32, #tpu.memory_space<vmem>>, vector<1x16xf32>,
      %get3A_423 = vector.shape_cast %get3A_422 : vector<1x16xf32> to vector<16xf32>
      %add3A_424 = arith.addf %add3A_384, %get3A_423 : vector<16xf32>
      %get3A_425 = arith.index_cast %scan3A_82 : i32 to index
      %get3A_426 = arith.constant 1072 : index
      %get3A_427 = tpu.vector_load %arg5[%get3A_425, %get3A_426] {strides = array<i32>} : memref<8x1664xf32, #tpu.memory_space<vmem>>, vector<1x16xf32>,
      %get3A_428 = vector.shape_cast %get3A_427 : vector<1x16xf32> to vector<16xf32>
      %add3A_429 = arith.addf %add3A_389, %get3A_428 : vector<16xf32>
      %get3A_430 = arith.index_cast %scan3A_82 : i32 to index
      %get3A_431 = arith.constant 1088 : index
      %get3A_432 = tpu.vector_load %arg5[%get3A_430, %get3A_431] {strides = array<i32>} : memref<8x1664xf32, #tpu.memory_space<vmem>>, vector<1x16xf32>,
      %get3A_433 = vector.shape_cast %get3A_432 : vector<1x16xf32> to vector<16xf32>
      %add3A_434 = arith.addf %add3A_394, %get3A_433 : vector<16xf32>
      %get3A_435 = arith.index_cast %scan3A_82 : i32 to index
      %get3A_436 = arith.constant 1104 : index
      %get3A_437 = tpu.vector_load %arg5[%get3A_435, %get3A_436] {strides = array<i32>} : memref<8x1664xf32, #tpu.memory_space<vmem>>, vector<1x16xf32>,
      %get3A_438 = vector.shape_cast %get3A_437 : vector<1x16xf32> to vector<16xf32>
      %add3A_439 = arith.addf %add3A_399, %get3A_438 : vector<16xf32>
      %get3A_440 = arith.index_cast %scan3A_82 : i32 to index
      %get3A_441 = arith.constant 1120 : index
      %get3A_442 = tpu.vector_load %arg5[%get3A_440, %get3A_441] {strides = array<i32>} : memref<8x1664xf32, #tpu.memory_space<vmem>>, vector<1x16xf32>,
      %get3A_443 = vector.shape_cast %get3A_442 : vector<1x16xf32> to vector<16xf32>
      %add3A_444 = arith.addf %add3A_404, %get3A_443 : vector<16xf32>
      %get3A_445 = arith.index_cast %scan3A_82 : i32 to index
      %get3A_446 = arith.constant 1136 : index
      %get3A_447 = tpu.vector_load %arg5[%get3A_445, %get3A_446] {strides = array<i32>} : memref<8x1664xf32, #tpu.memory_space<vmem>>, vector<1x16xf32>,
      %get3A_448 = vector.shape_cast %get3A_447 : vector<1x16xf32> to vector<16xf32>
      %add3A_449 = arith.addf %add3A_409, %get3A_448 : vector<16xf32>
      %get3A_450 = arith.index_cast %scan3A_82 : i32 to index
      %get3A_451 = arith.constant 1152 : index
      %get3A_452 = tpu.vector_load %arg5[%get3A_450, %get3A_451] {strides = array<i32>} : memref<8x1664xf32, #tpu.memory_space<vmem>>, vector<1x16xf32>,
      %get3A_453 = vector.shape_cast %get3A_452 : vector<1x16xf32> to vector<16xf32>
      %add3A_454 = arith.addf %add3A_414, %get3A_453 : vector<16xf32>
      %get3A_455 = arith.index_cast %scan3A_82 : i32 to index
      %get3A_456 = arith.constant 1168 : index
      %get3A_457 = tpu.vector_load %arg5[%get3A_455, %get3A_456] {strides = array<i32>} : memref<8x1664xf32, #tpu.memory_space<vmem>>, vector<1x16xf32>,
      %get3A_458 = vector.shape_cast %get3A_457 : vector<1x16xf32> to vector<16xf32>
      %add3A_459 = arith.addf %add3A_419, %get3A_458 : vector<16xf32>
      %get3A_460 = arith.index_cast %scan3A_82 : i32 to index
      %get3A_461 = arith.constant 1184 : index
      %get3A_462 = tpu.vector_load %arg5[%get3A_460, %get3A_461] {strides = array<i32>} : memref<8x1664xf32, #tpu.memory_space<vmem>>, vector<1x16xf32>,
      %get3A_463 = vector.shape_cast %get3A_462 : vector<1x16xf32> to vector<16xf32>
      %add3A_464 = arith.addf %add3A_424, %get3A_463 : vector<16xf32>
      %get3A_465 = arith.index_cast %scan3A_82 : i32 to index
      %get3A_466 = arith.constant 1200 : index
      %get3A_467 = tpu.vector_load %arg5[%get3A_465, %get3A_466] {strides = array<i32>} : memref<8x1664xf32, #tpu.memory_space<vmem>>, vector<1x16xf32>,
      %get3A_468 = vector.shape_cast %get3A_467 : vector<1x16xf32> to vector<16xf32>
      %add3A_469 = arith.addf %add3A_429, %get3A_468 : vector<16xf32>
      %get3A_470 = arith.index_cast %scan3A_82 : i32 to index
      %get3A_471 = arith.constant 1216 : index
      %get3A_472 = tpu.vector_load %arg5[%get3A_470, %get3A_471] {strides = array<i32>} : memref<8x1664xf32, #tpu.memory_space<vmem>>, vector<1x16xf32>,
      %get3A_473 = vector.shape_cast %get3A_472 : vector<1x16xf32> to vector<16xf32>
      %add3A_474 = arith.addf %add3A_434, %get3A_473 : vector<16xf32>
      %get3A_475 = arith.index_cast %scan3A_82 : i32 to index
      %get3A_476 = arith.constant 1232 : index
      %get3A_477 = tpu.vector_load %arg5[%get3A_475, %get3A_476] {strides = array<i32>} : memref<8x1664xf32, #tpu.memory_space<vmem>>, vector<1x16xf32>,
      %get3A_478 = vector.shape_cast %get3A_477 : vector<1x16xf32> to vector<16xf32>
      %add3A_479 = arith.addf %add3A_439, %get3A_478 : vector<16xf32>
      %get3A_480 = arith.index_cast %scan3A_82 : i32 to index
      %get3A_481 = arith.constant 1248 : index
      %get3A_482 = tpu.vector_load %arg5[%get3A_480, %get3A_481] {strides = array<i32>} : memref<8x1664xf32, #tpu.memory_space<vmem>>, vector<1x16xf32>,
      %get3A_483 = vector.shape_cast %get3A_482 : vector<1x16xf32> to vector<16xf32>
      %add3A_484 = arith.addf %add3A_444, %get3A_483 : vector<16xf32>
      %get3A_485 = arith.index_cast %scan3A_82 : i32 to index
      %get3A_486 = arith.constant 1264 : index
      %get3A_487 = tpu.vector_load %arg5[%get3A_485, %get3A_486] {strides = array<i32>} : memref<8x1664xf32, #tpu.memory_space<vmem>>, vector<1x16xf32>,
      %get3A_488 = vector.shape_cast %get3A_487 : vector<1x16xf32> to vector<16xf32>
      %add3A_489 = arith.addf %add3A_449, %get3A_488 : vector<16xf32>
      %get3A_490 = arith.index_cast %scan3A_82 : i32 to index
      %get3A_491 = arith.constant 1280 : index
      %get3A_492 = tpu.vector_load %arg5[%get3A_490, %get3A_491] {strides = array<i32>} : memref<8x1664xf32, #tpu.memory_space<vmem>>, vector<1x16xf32>,
      %get3A_493 = vector.shape_cast %get3A_492 : vector<1x16xf32> to vector<16xf32>
      %add3A_494 = arith.addf %add3A_454, %get3A_493 : vector<16xf32>
      %get3A_495 = arith.index_cast %scan3A_82 : i32 to index
      %get3A_496 = arith.constant 1296 : index
      %get3A_497 = tpu.vector_load %arg5[%get3A_495, %get3A_496] {strides = array<i32>} : memref<8x1664xf32, #tpu.memory_space<vmem>>, vector<1x16xf32>,
      %get3A_498 = vector.shape_cast %get3A_497 : vector<1x16xf32> to vector<16xf32>
      %add3A_499 = arith.addf %add3A_459, %get3A_498 : vector<16xf32>
      %get3A_500 = arith.index_cast %scan3A_82 : i32 to index
      %get3A_501 = arith.constant 1312 : index
      %get3A_502 = tpu.vector_load %arg5[%get3A_500, %get3A_501] {strides = array<i32>} : memref<8x1664xf32, #tpu.memory_space<vmem>>, vector<1x16xf32>,
      %get3A_503 = vector.shape_cast %get3A_502 : vector<1x16xf32> to vector<16xf32>
      %add3A_504 = arith.addf %add3A_464, %get3A_503 : vector<16xf32>
      %get3A_505 = arith.index_cast %scan3A_82 : i32 to index
      %get3A_506 = arith.constant 1328 : index
      %get3A_507 = tpu.vector_load %arg5[%get3A_505, %get3A_506] {strides = array<i32>} : memref<8x1664xf32, #tpu.memory_space<vmem>>, vector<1x16xf32>,
      %get3A_508 = vector.shape_cast %get3A_507 : vector<1x16xf32> to vector<16xf32>
      %add3A_509 = arith.addf %add3A_469, %get3A_508 : vector<16xf32>
      %get3A_510 = arith.index_cast %scan3A_82 : i32 to index
      %get3A_511 = arith.constant 1344 : index
      %get3A_512 = tpu.vector_load %arg5[%get3A_510, %get3A_511] {strides = array<i32>} : memref<8x1664xf32, #tpu.memory_space<vmem>>, vector<1x16xf32>,
      %get3A_513 = vector.shape_cast %get3A_512 : vector<1x16xf32> to vector<16xf32>
      %add3A_514 = arith.addf %add3A_474, %get3A_513 : vector<16xf32>
      %get3A_515 = arith.index_cast %scan3A_82 : i32 to index
      %get3A_516 = arith.constant 1360 : index
      %get3A_517 = tpu.vector_load %arg5[%get3A_515, %get3A_516] {strides = array<i32>} : memref<8x1664xf32, #tpu.memory_space<vmem>>, vector<1x16xf32>,
      %get3A_518 = vector.shape_cast %get3A_517 : vector<1x16xf32> to vector<16xf32>
      %add3A_519 = arith.addf %add3A_479, %get3A_518 : vector<16xf32>
      %get3A_520 = arith.index_cast %scan3A_82 : i32 to index
      %get3A_521 = arith.constant 1376 : index
      %get3A_522 = tpu.vector_load %arg5[%get3A_520, %get3A_521] {strides = array<i32>} : memref<8x1664xf32, #tpu.memory_space<vmem>>, vector<1x16xf32>,
      %get3A_523 = vector.shape_cast %get3A_522 : vector<1x16xf32> to vector<16xf32>
      %add3A_524 = arith.addf %add3A_484, %get3A_523 : vector<16xf32>
      %get3A_525 = arith.index_cast %scan3A_82 : i32 to index
      %get3A_526 = arith.constant 1392 : index
      %get3A_527 = tpu.vector_load %arg5[%get3A_525, %get3A_526] {strides = array<i32>} : memref<8x1664xf32, #tpu.memory_space<vmem>>, vector<1x16xf32>,
      %get3A_528 = vector.shape_cast %get3A_527 : vector<1x16xf32> to vector<16xf32>
      %add3A_529 = arith.addf %add3A_489, %get3A_528 : vector<16xf32>
      %get3A_530 = arith.index_cast %scan3A_82 : i32 to index
      %get3A_531 = arith.constant 1408 : index
      %get3A_532 = tpu.vector_load %arg5[%get3A_530, %get3A_531] {strides = array<i32>} : memref<8x1664xf32, #tpu.memory_space<vmem>>, vector<1x16xf32>,
      %get3A_533 = vector.shape_cast %get3A_532 : vector<1x16xf32> to vector<16xf32>
      %add3A_534 = arith.addf %add3A_494, %get3A_533 : vector<16xf32>
      %get3A_535 = arith.index_cast %scan3A_82 : i32 to index
      %get3A_536 = arith.constant 1424 : index
      %get3A_537 = tpu.vector_load %arg5[%get3A_535, %get3A_536] {strides = array<i32>} : memref<8x1664xf32, #tpu.memory_space<vmem>>, vector<1x16xf32>,
      %get3A_538 = vector.shape_cast %get3A_537 : vector<1x16xf32> to vector<16xf32>
      %add3A_539 = arith.addf %add3A_499, %get3A_538 : vector<16xf32>
      %get3A_540 = arith.index_cast %scan3A_82 : i32 to index
      %get3A_541 = arith.constant 1440 : index
      %get3A_542 = tpu.vector_load %arg5[%get3A_540, %get3A_541] {strides = array<i32>} : memref<8x1664xf32, #tpu.memory_space<vmem>>, vector<1x16xf32>,
      %get3A_543 = vector.shape_cast %get3A_542 : vector<1x16xf32> to vector<16xf32>
      %add3A_544 = arith.addf %add3A_504, %get3A_543 : vector<16xf32>
      %get3A_545 = arith.index_cast %scan3A_82 : i32 to index
      %get3A_546 = arith.constant 1456 : index
      %get3A_547 = tpu.vector_load %arg5[%get3A_545, %get3A_546] {strides = array<i32>} : memref<8x1664xf32, #tpu.memory_space<vmem>>, vector<1x16xf32>,
      %get3A_548 = vector.shape_cast %get3A_547 : vector<1x16xf32> to vector<16xf32>
      %add3A_549 = arith.addf %add3A_509, %get3A_548 : vector<16xf32>
      %get3A_550 = arith.index_cast %scan3A_82 : i32 to index
      %get3A_551 = arith.constant 1472 : index
      %get3A_552 = tpu.vector_load %arg5[%get3A_550, %get3A_551] {strides = array<i32>} : memref<8x1664xf32, #tpu.memory_space<vmem>>, vector<1x16xf32>,
      %get3A_553 = vector.shape_cast %get3A_552 : vector<1x16xf32> to vector<16xf32>
      %add3A_554 = arith.addf %add3A_514, %get3A_553 : vector<16xf32>
      %get3A_555 = arith.index_cast %scan3A_82 : i32 to index
      %get3A_556 = arith.constant 1488 : index
      %get3A_557 = tpu.vector_load %arg5[%get3A_555, %get3A_556] {strides = array<i32>} : memref<8x1664xf32, #tpu.memory_space<vmem>>, vector<1x16xf32>,
      %get3A_558 = vector.shape_cast %get3A_557 : vector<1x16xf32> to vector<16xf32>
      %add3A_559 = arith.addf %add3A_519, %get3A_558 : vector<16xf32>
      %get3A_560 = arith.index_cast %scan3A_82 : i32 to index
      %get3A_561 = arith.constant 1504 : index
      %get3A_562 = tpu.vector_load %arg5[%get3A_560, %get3A_561] {strides = array<i32>} : memref<8x1664xf32, #tpu.memory_space<vmem>>, vector<1x16xf32>,
      %get3A_563 = vector.shape_cast %get3A_562 : vector<1x16xf32> to vector<16xf32>
      %add3A_564 = arith.addf %add3A_524, %get3A_563 : vector<16xf32>
      %get3A_565 = arith.index_cast %scan3A_82 : i32 to index
      %get3A_566 = arith.constant 1520 : index
      %get3A_567 = tpu.vector_load %arg5[%get3A_565, %get3A_566] {strides = array<i32>} : memref<8x1664xf32, #tpu.memory_space<vmem>>, vector<1x16xf32>,
      %get3A_568 = vector.shape_cast %get3A_567 : vector<1x16xf32> to vector<16xf32>
      %add3A_569 = arith.addf %add3A_529, %get3A_568 : vector<16xf32>
      %get3A_570 = arith.index_cast %scan3A_82 : i32 to index
      %get3A_571 = arith.constant 1536 : index
      %get3A_572 = tpu.vector_load %arg5[%get3A_570, %get3A_571] {strides = array<i32>} : memref<8x1664xf32, #tpu.memory_space<vmem>>, vector<1x16xf32>,
      %get3A_573 = vector.shape_cast %get3A_572 : vector<1x16xf32> to vector<16xf32>
      %add3A_574 = arith.addf %add3A_534, %get3A_573 : vector<16xf32>
      %get3A_575 = arith.index_cast %scan3A_82 : i32 to index
      %get3A_576 = arith.constant 1552 : index
      %get3A_577 = tpu.vector_load %arg5[%get3A_575, %get3A_576] {strides = array<i32>} : memref<8x1664xf32, #tpu.memory_space<vmem>>, vector<1x16xf32>,
      %get3A_578 = vector.shape_cast %get3A_577 : vector<1x16xf32> to vector<16xf32>
      %add3A_579 = arith.addf %add3A_539, %get3A_578 : vector<16xf32>
      %get3A_580 = arith.index_cast %scan3A_82 : i32 to index
      %get3A_581 = arith.constant 1568 : index
      %get3A_582 = tpu.vector_load %arg5[%get3A_580, %get3A_581] {strides = array<i32>} : memref<8x1664xf32, #tpu.memory_space<vmem>>, vector<1x16xf32>,
      %get3A_583 = vector.shape_cast %get3A_582 : vector<1x16xf32> to vector<16xf32>
      %add3A_584 = arith.addf %add3A_544, %get3A_583 : vector<16xf32>
      %get3A_585 = arith.index_cast %scan3A_82 : i32 to index
      %get3A_586 = arith.constant 1584 : index
      %get3A_587 = tpu.vector_load %arg5[%get3A_585, %get3A_586] {strides = array<i32>} : memref<8x1664xf32, #tpu.memory_space<vmem>>, vector<1x16xf32>,
      %get3A_588 = vector.shape_cast %get3A_587 : vector<1x16xf32> to vector<16xf32>
      %add3A_589 = arith.addf %add3A_549, %get3A_588 : vector<16xf32>
      %get3A_590 = arith.index_cast %scan3A_82 : i32 to index
      %get3A_591 = arith.constant 1600 : index
      %get3A_592 = tpu.vector_load %arg5[%get3A_590, %get3A_591] {strides = array<i32>} : memref<8x1664xf32, #tpu.memory_space<vmem>>, vector<1x16xf32>,
      %get3A_593 = vector.shape_cast %get3A_592 : vector<1x16xf32> to vector<16xf32>
      %add3A_594 = arith.addf %add3A_554, %get3A_593 : vector<16xf32>
      %get3A_595 = arith.index_cast %scan3A_82 : i32 to index
      %get3A_596 = arith.constant 1616 : index
      %get3A_597 = tpu.vector_load %arg5[%get3A_595, %get3A_596] {strides = array<i32>} : memref<8x1664xf32, #tpu.memory_space<vmem>>, vector<1x16xf32>,
      %get3A_598 = vector.shape_cast %get3A_597 : vector<1x16xf32> to vector<16xf32>
      %add3A_599 = arith.addf %add3A_559, %get3A_598 : vector<16xf32>
      %get3A_600 = arith.index_cast %scan3A_82 : i32 to index
      %get3A_601 = arith.constant 1632 : index
      %get3A_602 = tpu.vector_load %arg5[%get3A_600, %get3A_601] {strides = array<i32>} : memref<8x1664xf32, #tpu.memory_space<vmem>>, vector<1x16xf32>,
      %get3A_603 = vector.shape_cast %get3A_602 : vector<1x16xf32> to vector<16xf32>
      %add3A_604 = arith.addf %add3A_564, %get3A_603 : vector<16xf32>
      %get3A_605 = arith.index_cast %scan3A_82 : i32 to index
      %get3A_606 = arith.constant 1648 : index
      %get3A_607 = tpu.vector_load %arg5[%get3A_605, %get3A_606] {strides = array<i32>} : memref<8x1664xf32, #tpu.memory_space<vmem>>, vector<1x16xf32>,
      %get3A_608 = vector.shape_cast %get3A_607 : vector<1x16xf32> to vector<16xf32>
      %add3A_609 = arith.addf %add3A_569, %get3A_608 : vector<16xf32>
      scf.yield %add3A_574, %add3A_579, %add3A_584, %add3A_589, %add3A_594, %add3A_599, %add3A_604, %add3A_609 : vector<16xf32>, vector<16xf32>, vector<16xf32>, vector<16xf32>, vector<16xf32>, vector<16xf32>, vector<16xf32>, vector<16xf32>
    }
    %scan3A_58 = arith.constant 8 : i32
    %scan3A_59 = arith.constant 0 : i32
    %scan3A_60 = arith.constant 8 : i32
    %scan3A_61 = arith.addi %scan3A_59, %scan3A_60 : i32
    %scan3A_62 = arith.constant 1 : i32
    %scan3A_63 = scf.for %scan3A_82 = %scan3A_59 to %scan3A_61 step %scan3A_62 iter_args(%scan3A_83 = %broadcast_in_dim3A_5) -> (vector<16xf32>)  : i32 {
      %get3A = arith.index_cast %scan3A_82 : i32 to index
      %get3A_84 = arith.constant 1584 : index
      %get3A_85 = tpu.vector_load %arg5[%get3A, %get3A_84] {strides = array<i32>} : memref<8x1664xf32, #tpu.memory_space<vmem>>, vector<1x16xf32>,
      %get3A_86 = vector.shape_cast %get3A_85 : vector<1x16xf32> to vector<16xf32>
      %jit3A = arith.constant 0.000000e+00 : f32
      %broadcast_in_dim3A_87 = vector.broadcast %jit3A : f32 to vector<16xf32>
      %select_n3A = arith.select %eq3A_4, %get3A_86, %broadcast_in_dim3A_87 : vector<16xi1>, vector<16xf32>
      %add3A_88 = arith.addf %scan3A_83, %select_n3A : vector<16xf32>
      scf.yield %add3A_88 : vector<16xf32>
    }
    %scan3A_64 = arith.constant 8 : i32
    %scan3A_65 = arith.constant 1 : i32
    %add3A_66 = arith.addf %scan3A_57#0, %scan3A_57#1 : vector<16xf32>
    %add3A_67 = arith.addf %add3A_66, %scan3A_57#2 : vector<16xf32>
    %add3A_68 = arith.addf %add3A_67, %scan3A_57#3 : vector<16xf32>
    %add3A_69 = arith.addf %add3A_68, %scan3A_57#4 : vector<16xf32>
    %add3A_70 = arith.addf %add3A_69, %scan3A_57#5 : vector<16xf32>
    %add3A_71 = arith.addf %add3A_70, %scan3A_57#6 : vector<16xf32>
    %add3A_72 = arith.addf %add3A_71, %scan3A_57#7 : vector<16xf32>
    %swap3A = arith.constant 0 : index
    %swap3A_73 = tpu.vector_load %arg6[%swap3A] {strides = array<i32>} : memref<16xf32, #tpu.memory_space<vmem>>, vector<16xf32>,
    %swap3A_74 = vector.shape_cast %swap3A_73 : vector<16xf32> to vector<16xf32>
    %swap3A_75 = vector.shape_cast %add3A_72 : vector<16xf32> to vector<16xf32>
    tpu.vector_store %arg6[%swap3A], %swap3A_75 {strides = array<i32>} : memref<16xf32, #tpu.memory_space<vmem>>, vector<16xf32>,
    "tpu.region"() ({
      %run_scoped3A = tpu.sem_alloc : memref<!tpu.dma_semaphore, #tpu.memory_space<semaphore_mem>>
      %dma_start3A_82 = arith.constant 0 : i32
      %dma_start3A_83 = tpu.memref_slice %arg3[%add3A, %dma_start3A_82] : memref<64x16xf32, #tpu.memory_space<hbm>> -> memref<1x16xf32, #tpu.memory_space<hbm>>
      %dma_start3A_84 = tpu.memref_squeeze %dma_start3A_83 : memref<1x16xf32, #tpu.memory_space<hbm>> -> memref<16xf32, #tpu.memory_space<hbm>>
      %dma_start3A_85 = arith.constant 0 : i32
      %dma_start3A_86 = tpu.memref_slice %arg3[%add3A, %dma_start3A_85] : memref<64x16xf32, #tpu.memory_space<hbm>> -> memref<1x16xf32, #tpu.memory_space<hbm>>
      %dma_start3A_87 = tpu.memref_squeeze %dma_start3A_86 : memref<1x16xf32, #tpu.memory_space<hbm>> -> memref<16xf32, #tpu.memory_space<hbm>>
      tpu.enqueue_dma source(%arg6 : memref<16xf32, #tpu.memory_space<vmem>>) target(%dma_start3A_87 : memref<16xf32, #tpu.memory_space<hbm>>) target_semaphore(%run_scoped3A : memref<!tpu.dma_semaphore, #tpu.memory_space<semaphore_mem>>)
      %dma_wait3A_88 = arith.constant 0 : i32
      %dma_wait3A_89 = tpu.memref_slice %arg3[%add3A, %dma_wait3A_88] : memref<64x16xf32, #tpu.memory_space<hbm>> -> memref<1x16xf32, #tpu.memory_space<hbm>>
      %dma_wait3A_90 = tpu.memref_squeeze %dma_wait3A_89 : memref<1x16xf32, #tpu.memory_space<hbm>> -> memref<16xf32, #tpu.memory_space<hbm>>
      %dma_wait3A_91 = arith.constant 0 : i32
      %dma_wait3A_92 = tpu.memref_slice %arg3[%add3A, %dma_wait3A_91] : memref<64x16xf32, #tpu.memory_space<hbm>> -> memref<1x16xf32, #tpu.memory_space<hbm>>
      %dma_wait3A_93 = tpu.memref_squeeze %dma_wait3A_92 : memref<1x16xf32, #tpu.memory_space<hbm>> -> memref<16xf32, #tpu.memory_space<hbm>>
      tpu.wait_dma2 semaphore(%run_scoped3A : memref<!tpu.dma_semaphore, #tpu.memory_space<semaphore_mem>>) src(%arg6 : memref<16xf32, #tpu.memory_space<vmem>>) dst(%dma_wait3A_93 : memref<16xf32, #tpu.memory_space<hbm>>)
      tpu.yield
    }) : () -> ()
    %swap3A_76 = arith.constant 0 : index
    %swap3A_77 = tpu.vector_load %arg6[%swap3A_76] {strides = array<i32>} : memref<16xf32, #tpu.memory_space<vmem>>, vector<16xf32>,
    %swap3A_78 = vector.shape_cast %swap3A_77 : vector<16xf32> to vector<16xf32>
    %swap3A_79 = vector.shape_cast %scan3A_63 : vector<16xf32> to vector<16xf32>
    tpu.vector_store %arg6[%swap3A_76], %swap3A_79 {strides = array<i32>} : memref<16xf32, #tpu.memory_space<vmem>>, vector<16xf32>,
    %add3A_80 = arith.constant 32 : i32
    %add3A_81 = arith.addi %add3A_80, %add3A : i32
    "tpu.region"() ({
      %run_scoped3A = tpu.sem_alloc : memref<!tpu.dma_semaphore, #tpu.memory_space<semaphore_mem>>
      %dma_start3A_82 = arith.constant 0 : i32
      %dma_start3A_83 = tpu.memref_slice %arg3[%add3A_81, %dma_start3A_82] : memref<64x16xf32, #tpu.memory_space<hbm>> -> memref<1x16xf32, #tpu.memory_space<hbm>>
      %dma_start3A_84 = tpu.memref_squeeze %dma_start3A_83 : memref<1x16xf32, #tpu.memory_space<hbm>> -> memref<16xf32, #tpu.memory_space<hbm>>
      %dma_start3A_85 = arith.constant 0 : i32
      %dma_start3A_86 = tpu.memref_slice %arg3[%add3A_81, %dma_start3A_85] : memref<64x16xf32, #tpu.memory_space<hbm>> -> memref<1x16xf32, #tpu.memory_space<hbm>>
      %dma_start3A_87 = tpu.memref_squeeze %dma_start3A_86 : memref<1x16xf32, #tpu.memory_space<hbm>> -> memref<16xf32, #tpu.memory_space<hbm>>
      tpu.enqueue_dma source(%arg6 : memref<16xf32, #tpu.memory_space<vmem>>) target(%dma_start3A_87 : memref<16xf32, #tpu.memory_space<hbm>>) target_semaphore(%run_scoped3A : memref<!tpu.dma_semaphore, #tpu.memory_space<semaphore_mem>>)
      %dma_wait3A_88 = arith.constant 0 : i32
      %dma_wait3A_89 = tpu.memref_slice %arg3[%add3A_81, %dma_wait3A_88] : memref<64x16xf32, #tpu.memory_space<hbm>> -> memref<1x16xf32, #tpu.memory_space<hbm>>
      %dma_wait3A_90 = tpu.memref_squeeze %dma_wait3A_89 : memref<1x16xf32, #tpu.memory_space<hbm>> -> memref<16xf32, #tpu.memory_space<hbm>>
      %dma_wait3A_91 = arith.constant 0 : i32
      %dma_wait3A_92 = tpu.memref_slice %arg3[%add3A_81, %dma_wait3A_91] : memref<64x16xf32, #tpu.memory_space<hbm>> -> memref<1x16xf32, #tpu.memory_space<hbm>>
      %dma_wait3A_93 = tpu.memref_squeeze %dma_wait3A_92 : memref<1x16xf32, #tpu.memory_space<hbm>> -> memref<16xf32, #tpu.memory_space<hbm>>
      tpu.wait_dma2 semaphore(%run_scoped3A : memref<!tpu.dma_semaphore, #tpu.memory_space<semaphore_mem>>) src(%arg6 : memref<16xf32, #tpu.memory_space<vmem>>) dst(%dma_wait3A_93 : memref<16xf32, #tpu.memory_space<hbm>>)
      tpu.yield
    }) : () -> ()
    return
  }
}

module attributes {stable_mosaic.version = 14 : i64} {
  func.func @_tc_body(%arg0: memref<1024x100000xf32, #tpu.memory_space<any>>, %arg1: memref<1024x1xi32, #tpu.memory_space<vmem>>, %arg2: memref<1024x1xf32, #tpu.memory_space<vmem>>, %arg3: memref<2048x128xf32, #tpu.memory_space<vmem>>, %arg4: memref<256x32xf32, #tpu.memory_space<vmem>>, %arg5: memref<256xi32, #tpu.memory_space<smem>>, %arg6: memref<256xi32, #tpu.memory_space<smem>>, %arg7: memref<1x8xf32, #tpu.memory_space<smem>>, %arg8: memref<64x100000xf32, #tpu.memory_space<vmem>>, %arg9: memref<2048x128xf32, #tpu.memory_space<vmem>>, %arg10: memref<256x32xf32, #tpu.memory_space<vmem>>, %arg11: memref<8x!tpu.dma_semaphore, #tpu.memory_space<semaphore_mem>>, %arg12: memref<!tpu.dma_semaphore, #tpu.memory_space<semaphore_mem>>, %arg13: memref<!tpu.dma_semaphore, #tpu.memory_space<semaphore_mem>>) attributes {dimension_semantics = [], scalar_prefetch = 0 : i64, scratch_operands = 6 : i64, tpu.core_type = #tpu.core_type<tc>} {
    %dma_start3A = arith.constant 0 : i32
    %dma_start3A_0 = arith.constant 99968 : i32
    %dma_start3A_1 = tpu.memref_slice %arg0[%dma_start3A, %dma_start3A_0] : memref<1024x100000xf32, #tpu.memory_space<any>> -> memref<256x32xf32, #tpu.memory_space<any>>
    tpu.enqueue_dma source(%dma_start3A_1 : memref<256x32xf32, #tpu.memory_space<any>>) target(%arg10 : memref<256x32xf32, #tpu.memory_space<vmem>>) target_semaphore(%arg13 : memref<!tpu.dma_semaphore, #tpu.memory_space<semaphore_mem>>)
    %scan3A = arith.constant 0 : i32
    %scan3A_2 = arith.constant 256 : i32
    %scan3A_3 = arith.addi %scan3A, %scan3A_2 : i32
    %scan3A_4 = arith.constant 1 : i32
    scf.for %scan3A_150 = %scan3A to %scan3A_3 step %scan3A_4  : i32 {
      %get3A_151 = arith.index_cast %scan3A_150 : i32 to index
      %get3A_152 = memref.load %arg6[%get3A_151] : memref<256xi32, #tpu.memory_space<smem>>
      %multiple_of3A_153 = tpu.assume_multiple %get3A_152, 8 : i32
      %get3A_154 = arith.index_cast %scan3A_150 : i32 to index
      %get3A_155 = memref.load %arg5[%get3A_154] : memref<256xi32, #tpu.memory_space<smem>>
      %multiple_of3A_156 = tpu.assume_multiple %get3A_155, 128 : i32
      %mul3A_157 = arith.constant 8 : i32
      %mul3A_158 = arith.muli %scan3A_150, %mul3A_157 : i32
      %dma_start3A_159 = arith.constant 0 : i32
      %dma_start3A_160 = tpu.memref_slice %arg9[%mul3A_158, %dma_start3A_159] : memref<2048x128xf32, #tpu.memory_space<vmem>> -> memref<8x128xf32, #tpu.memory_space<vmem>>
      %dma_start3A_161 = tpu.memref_slice %arg0[%multiple_of3A_153, %multiple_of3A_156] : memref<1024x100000xf32, #tpu.memory_space<any>> -> memref<8x128xf32, #tpu.memory_space<any>>
      tpu.enqueue_dma source(%dma_start3A_161 : memref<8x128xf32, #tpu.memory_space<any>>) target(%dma_start3A_160 : memref<8x128xf32, #tpu.memory_space<vmem>>) target_semaphore(%arg12 : memref<!tpu.dma_semaphore, #tpu.memory_space<semaphore_mem>>)
    }
    %scan3A_5 = arith.constant 256 : i32
    %multiple_of3A = arith.constant 0 : i32
    %multiple_of3A_6 = tpu.assume_multiple %multiple_of3A, 8 : i32
    %dma_start3A_7 = arith.constant 0 : i32
    %dma_start3A_8 = tpu.memref_slice %arg11[%dma_start3A_7] : memref<8x!tpu.dma_semaphore, #tpu.memory_space<semaphore_mem>> -> memref<1x!tpu.dma_semaphore, #tpu.memory_space<semaphore_mem>>
    %dma_start3A_9 = tpu.memref_squeeze %dma_start3A_8 : memref<1x!tpu.dma_semaphore, #tpu.memory_space<semaphore_mem>> -> memref<!tpu.dma_semaphore, #tpu.memory_space<semaphore_mem>>
    %dma_start3A_10 = arith.constant 0 : i32
    %dma_start3A_11 = tpu.memref_slice %arg8[%multiple_of3A_6, %dma_start3A_10] : memref<64x100000xf32, #tpu.memory_space<vmem>> -> memref<8x100000xf32, #tpu.memory_space<vmem>>
    %dma_start3A_12 = arith.constant 256 : i32
    %dma_start3A_13 = arith.constant 0 : i32
    %dma_start3A_14 = tpu.memref_slice %arg0[%dma_start3A_12, %dma_start3A_13] : memref<1024x100000xf32, #tpu.memory_space<any>> -> memref<8x100000xf32, #tpu.memory_space<any>>
    tpu.enqueue_dma source(%dma_start3A_14 : memref<8x100000xf32, #tpu.memory_space<any>>) target(%dma_start3A_11 : memref<8x100000xf32, #tpu.memory_space<vmem>>) target_semaphore(%dma_start3A_9 : memref<!tpu.dma_semaphore, #tpu.memory_space<semaphore_mem>>)
    %multiple_of3A_15 = arith.constant 8 : i32
    %multiple_of3A_16 = tpu.assume_multiple %multiple_of3A_15, 8 : i32
    %dma_start3A_17 = arith.constant 1 : i32
    %dma_start3A_18 = tpu.memref_slice %arg11[%dma_start3A_17] : memref<8x!tpu.dma_semaphore, #tpu.memory_space<semaphore_mem>> -> memref<1x!tpu.dma_semaphore, #tpu.memory_space<semaphore_mem>>
    %dma_start3A_19 = tpu.memref_squeeze %dma_start3A_18 : memref<1x!tpu.dma_semaphore, #tpu.memory_space<semaphore_mem>> -> memref<!tpu.dma_semaphore, #tpu.memory_space<semaphore_mem>>
    %dma_start3A_20 = arith.constant 0 : i32
    %dma_start3A_21 = tpu.memref_slice %arg8[%multiple_of3A_16, %dma_start3A_20] : memref<64x100000xf32, #tpu.memory_space<vmem>> -> memref<8x100000xf32, #tpu.memory_space<vmem>>
    %dma_start3A_22 = arith.constant 264 : i32
    %dma_start3A_23 = arith.constant 0 : i32
    %dma_start3A_24 = tpu.memref_slice %arg0[%dma_start3A_22, %dma_start3A_23] : memref<1024x100000xf32, #tpu.memory_space<any>> -> memref<8x100000xf32, #tpu.memory_space<any>>
    tpu.enqueue_dma source(%dma_start3A_24 : memref<8x100000xf32, #tpu.memory_space<any>>) target(%dma_start3A_21 : memref<8x100000xf32, #tpu.memory_space<vmem>>) target_semaphore(%dma_start3A_19 : memref<!tpu.dma_semaphore, #tpu.memory_space<semaphore_mem>>)
    %multiple_of3A_25 = arith.constant 16 : i32
    %multiple_of3A_26 = tpu.assume_multiple %multiple_of3A_25, 8 : i32
    %dma_start3A_27 = arith.constant 2 : i32
    %dma_start3A_28 = tpu.memref_slice %arg11[%dma_start3A_27] : memref<8x!tpu.dma_semaphore, #tpu.memory_space<semaphore_mem>> -> memref<1x!tpu.dma_semaphore, #tpu.memory_space<semaphore_mem>>
    %dma_start3A_29 = tpu.memref_squeeze %dma_start3A_28 : memref<1x!tpu.dma_semaphore, #tpu.memory_space<semaphore_mem>> -> memref<!tpu.dma_semaphore, #tpu.memory_space<semaphore_mem>>
    %dma_start3A_30 = arith.constant 0 : i32
    %dma_start3A_31 = tpu.memref_slice %arg8[%multiple_of3A_26, %dma_start3A_30] : memref<64x100000xf32, #tpu.memory_space<vmem>> -> memref<8x100000xf32, #tpu.memory_space<vmem>>
    %dma_start3A_32 = arith.constant 272 : i32
    %dma_start3A_33 = arith.constant 0 : i32
    %dma_start3A_34 = tpu.memref_slice %arg0[%dma_start3A_32, %dma_start3A_33] : memref<1024x100000xf32, #tpu.memory_space<any>> -> memref<8x100000xf32, #tpu.memory_space<any>>
    tpu.enqueue_dma source(%dma_start3A_34 : memref<8x100000xf32, #tpu.memory_space<any>>) target(%dma_start3A_31 : memref<8x100000xf32, #tpu.memory_space<vmem>>) target_semaphore(%dma_start3A_29 : memref<!tpu.dma_semaphore, #tpu.memory_space<semaphore_mem>>)
    %multiple_of3A_35 = arith.constant 24 : i32
    %multiple_of3A_36 = tpu.assume_multiple %multiple_of3A_35, 8 : i32
    %dma_start3A_37 = arith.constant 3 : i32
    %dma_start3A_38 = tpu.memref_slice %arg11[%dma_start3A_37] : memref<8x!tpu.dma_semaphore, #tpu.memory_space<semaphore_mem>> -> memref<1x!tpu.dma_semaphore, #tpu.memory_space<semaphore_mem>>
    %dma_start3A_39 = tpu.memref_squeeze %dma_start3A_38 : memref<1x!tpu.dma_semaphore, #tpu.memory_space<semaphore_mem>> -> memref<!tpu.dma_semaphore, #tpu.memory_space<semaphore_mem>>
    %dma_start3A_40 = arith.constant 0 : i32
    %dma_start3A_41 = tpu.memref_slice %arg8[%multiple_of3A_36, %dma_start3A_40] : memref<64x100000xf32, #tpu.memory_space<vmem>> -> memref<8x100000xf32, #tpu.memory_space<vmem>>
    %dma_start3A_42 = arith.constant 280 : i32
    %dma_start3A_43 = arith.constant 0 : i32
    %dma_start3A_44 = tpu.memref_slice %arg0[%dma_start3A_42, %dma_start3A_43] : memref<1024x100000xf32, #tpu.memory_space<any>> -> memref<8x100000xf32, #tpu.memory_space<any>>
    tpu.enqueue_dma source(%dma_start3A_44 : memref<8x100000xf32, #tpu.memory_space<any>>) target(%dma_start3A_41 : memref<8x100000xf32, #tpu.memory_space<vmem>>) target_semaphore(%dma_start3A_39 : memref<!tpu.dma_semaphore, #tpu.memory_space<semaphore_mem>>)
    %multiple_of3A_45 = arith.constant 32 : i32
    %multiple_of3A_46 = tpu.assume_multiple %multiple_of3A_45, 8 : i32
    %dma_start3A_47 = arith.constant 4 : i32
    %dma_start3A_48 = tpu.memref_slice %arg11[%dma_start3A_47] : memref<8x!tpu.dma_semaphore, #tpu.memory_space<semaphore_mem>> -> memref<1x!tpu.dma_semaphore, #tpu.memory_space<semaphore_mem>>
    %dma_start3A_49 = tpu.memref_squeeze %dma_start3A_48 : memref<1x!tpu.dma_semaphore, #tpu.memory_space<semaphore_mem>> -> memref<!tpu.dma_semaphore, #tpu.memory_space<semaphore_mem>>
    %dma_start3A_50 = arith.constant 0 : i32
    %dma_start3A_51 = tpu.memref_slice %arg8[%multiple_of3A_46, %dma_start3A_50] : memref<64x100000xf32, #tpu.memory_space<vmem>> -> memref<8x100000xf32, #tpu.memory_space<vmem>>
    %dma_start3A_52 = arith.constant 288 : i32
    %dma_start3A_53 = arith.constant 0 : i32
    %dma_start3A_54 = tpu.memref_slice %arg0[%dma_start3A_52, %dma_start3A_53] : memref<1024x100000xf32, #tpu.memory_space<any>> -> memref<8x100000xf32, #tpu.memory_space<any>>
    tpu.enqueue_dma source(%dma_start3A_54 : memref<8x100000xf32, #tpu.memory_space<any>>) target(%dma_start3A_51 : memref<8x100000xf32, #tpu.memory_space<vmem>>) target_semaphore(%dma_start3A_49 : memref<!tpu.dma_semaphore, #tpu.memory_space<semaphore_mem>>)
    %multiple_of3A_55 = arith.constant 40 : i32
    %multiple_of3A_56 = tpu.assume_multiple %multiple_of3A_55, 8 : i32
    %dma_start3A_57 = arith.constant 5 : i32
    %dma_start3A_58 = tpu.memref_slice %arg11[%dma_start3A_57] : memref<8x!tpu.dma_semaphore, #tpu.memory_space<semaphore_mem>> -> memref<1x!tpu.dma_semaphore, #tpu.memory_space<semaphore_mem>>
    %dma_start3A_59 = tpu.memref_squeeze %dma_start3A_58 : memref<1x!tpu.dma_semaphore, #tpu.memory_space<semaphore_mem>> -> memref<!tpu.dma_semaphore, #tpu.memory_space<semaphore_mem>>
    %dma_start3A_60 = arith.constant 0 : i32
    %dma_start3A_61 = tpu.memref_slice %arg8[%multiple_of3A_56, %dma_start3A_60] : memref<64x100000xf32, #tpu.memory_space<vmem>> -> memref<8x100000xf32, #tpu.memory_space<vmem>>
    %dma_start3A_62 = arith.constant 296 : i32
    %dma_start3A_63 = arith.constant 0 : i32
    %dma_start3A_64 = tpu.memref_slice %arg0[%dma_start3A_62, %dma_start3A_63] : memref<1024x100000xf32, #tpu.memory_space<any>> -> memref<8x100000xf32, #tpu.memory_space<any>>
    tpu.enqueue_dma source(%dma_start3A_64 : memref<8x100000xf32, #tpu.memory_space<any>>) target(%dma_start3A_61 : memref<8x100000xf32, #tpu.memory_space<vmem>>) target_semaphore(%dma_start3A_59 : memref<!tpu.dma_semaphore, #tpu.memory_space<semaphore_mem>>)
    %multiple_of3A_65 = arith.constant 48 : i32
    %multiple_of3A_66 = tpu.assume_multiple %multiple_of3A_65, 8 : i32
    %dma_start3A_67 = arith.constant 6 : i32
    %dma_start3A_68 = tpu.memref_slice %arg11[%dma_start3A_67] : memref<8x!tpu.dma_semaphore, #tpu.memory_space<semaphore_mem>> -> memref<1x!tpu.dma_semaphore, #tpu.memory_space<semaphore_mem>>
    %dma_start3A_69 = tpu.memref_squeeze %dma_start3A_68 : memref<1x!tpu.dma_semaphore, #tpu.memory_space<semaphore_mem>> -> memref<!tpu.dma_semaphore, #tpu.memory_space<semaphore_mem>>
    %dma_start3A_70 = arith.constant 0 : i32
    %dma_start3A_71 = tpu.memref_slice %arg8[%multiple_of3A_66, %dma_start3A_70] : memref<64x100000xf32, #tpu.memory_space<vmem>> -> memref<8x100000xf32, #tpu.memory_space<vmem>>
    %dma_start3A_72 = arith.constant 304 : i32
    %dma_start3A_73 = arith.constant 0 : i32
    %dma_start3A_74 = tpu.memref_slice %arg0[%dma_start3A_72, %dma_start3A_73] : memref<1024x100000xf32, #tpu.memory_space<any>> -> memref<8x100000xf32, #tpu.memory_space<any>>
    tpu.enqueue_dma source(%dma_start3A_74 : memref<8x100000xf32, #tpu.memory_space<any>>) target(%dma_start3A_71 : memref<8x100000xf32, #tpu.memory_space<vmem>>) target_semaphore(%dma_start3A_69 : memref<!tpu.dma_semaphore, #tpu.memory_space<semaphore_mem>>)
    %multiple_of3A_75 = arith.constant 56 : i32
    %multiple_of3A_76 = tpu.assume_multiple %multiple_of3A_75, 8 : i32
    %dma_start3A_77 = arith.constant 7 : i32
    %dma_start3A_78 = tpu.memref_slice %arg11[%dma_start3A_77] : memref<8x!tpu.dma_semaphore, #tpu.memory_space<semaphore_mem>> -> memref<1x!tpu.dma_semaphore, #tpu.memory_space<semaphore_mem>>
    %dma_start3A_79 = tpu.memref_squeeze %dma_start3A_78 : memref<1x!tpu.dma_semaphore, #tpu.memory_space<semaphore_mem>> -> memref<!tpu.dma_semaphore, #tpu.memory_space<semaphore_mem>>
    %dma_start3A_80 = arith.constant 0 : i32
    %dma_start3A_81 = tpu.memref_slice %arg8[%multiple_of3A_76, %dma_start3A_80] : memref<64x100000xf32, #tpu.memory_space<vmem>> -> memref<8x100000xf32, #tpu.memory_space<vmem>>
    %dma_start3A_82 = arith.constant 312 : i32
    %dma_start3A_83 = arith.constant 0 : i32
    %dma_start3A_84 = tpu.memref_slice %arg0[%dma_start3A_82, %dma_start3A_83] : memref<1024x100000xf32, #tpu.memory_space<any>> -> memref<8x100000xf32, #tpu.memory_space<any>>
    tpu.enqueue_dma source(%dma_start3A_84 : memref<8x100000xf32, #tpu.memory_space<any>>) target(%dma_start3A_81 : memref<8x100000xf32, #tpu.memory_space<vmem>>) target_semaphore(%dma_start3A_79 : memref<!tpu.dma_semaphore, #tpu.memory_space<semaphore_mem>>)
    %scan3A_85 = arith.constant 0.000000e+00 : f32
    %scan3A_86 = arith.constant 0.000000e+00 : f32
    %scan3A_87 = arith.constant 0.000000e+00 : f32
    %scan3A_88 = arith.constant 0 : i32
    %scan3A_89 = arith.constant 96 : i32
    %scan3A_90 = arith.addi %scan3A_88, %scan3A_89 : i32
    %scan3A_91 = arith.constant 1 : i32
    %scan3A_92:3 = scf.for %scan3A_150 = %scan3A_88 to %scan3A_90 step %scan3A_91 iter_args(%scan3A_151 = %scan3A_85, %scan3A_152 = %scan3A_86, %scan3A_153 = %scan3A_87) -> (f32, f32, f32)  : i32 {
      %rem3A = arith.constant 8 : i32
      %rem3A_154 = arith.remsi %scan3A_150, %rem3A : i32
      %mul3A_155 = arith.constant 8 : i32
      %mul3A_156 = arith.muli %scan3A_150, %mul3A_155 : i32
      %add3A_157 = arith.constant 256 : i32
      %add3A_158 = arith.addi %add3A_157, %mul3A_156 : i32
      %mul3A_159 = arith.constant 8 : i32
      %mul3A_160 = arith.muli %rem3A_154, %mul3A_159 : i32
      %multiple_of3A_161 = tpu.assume_multiple %mul3A_160, 8 : i32
      %dma_wait3A_162 = tpu.memref_slice %arg11[%rem3A_154] : memref<8x!tpu.dma_semaphore, #tpu.memory_space<semaphore_mem>> -> memref<1x!tpu.dma_semaphore, #tpu.memory_space<semaphore_mem>>
      %dma_wait3A_163 = tpu.memref_squeeze %dma_wait3A_162 : memref<1x!tpu.dma_semaphore, #tpu.memory_space<semaphore_mem>> -> memref<!tpu.dma_semaphore, #tpu.memory_space<semaphore_mem>>
      %dma_wait3A_164 = arith.constant 0 : i32
      %dma_wait3A_165 = tpu.memref_slice %arg8[%multiple_of3A_161, %dma_wait3A_164] : memref<64x100000xf32, #tpu.memory_space<vmem>> -> memref<8x100000xf32, #tpu.memory_space<vmem>>
      %dma_wait3A_166 = arith.constant 0 : i32
      %dma_wait3A_167 = tpu.memref_slice %arg0[%add3A_158, %dma_wait3A_166] : memref<1024x100000xf32, #tpu.memory_space<any>> -> memref<8x100000xf32, #tpu.memory_space<any>>
      tpu.wait_dma2 semaphore(%dma_wait3A_163 : memref<!tpu.dma_semaphore, #tpu.memory_space<semaphore_mem>>) src(%dma_wait3A_167 : memref<8x100000xf32, #tpu.memory_space<any>>) dst(%dma_wait3A_165 : memref<8x100000xf32, #tpu.memory_space<vmem>>)
      %mul3A_168 = arith.constant 8 : i32
      %mul3A_169 = arith.muli %rem3A_154, %mul3A_168 : i32
      %multiple_of3A_170 = tpu.assume_multiple %mul3A_169, 8 : i32
      %get3A_171 = arith.index_cast %multiple_of3A_170 : i32 to index
      %get3A_172 = arith.constant 0 : index
      %get3A_173 = vector.load %arg8[%get3A_171, %get3A_172] : memref<64x100000xf32, #tpu.memory_space<vmem>>, vector<8x100000xf32>
      %reduce_sum3A_174 = vector.shape_cast %get3A_173 : vector<8x100000xf32> to vector<1x8x100000xf32>
      %reduce_sum3A_175 = arith.constant dense<0.000000e+00> : vector<1xf32>
      %reduce_sum3A_176 = vector.multi_reduction <add>, %reduce_sum3A_174, %reduce_sum3A_175 [1, 2] : vector<1x8x100000xf32> to vector<1xf32>
      %reduce_sum3A_177 = vector.shape_cast %reduce_sum3A_176 : vector<1xf32> to vector<1x1x1xf32>
      %reduce_sum3A_178 = vector.extract %reduce_sum3A_177[0, 0, 0] : f32 from vector<1x1x1xf32>
      %add3A_179 = arith.addf %scan3A_151, %reduce_sum3A_178 : f32
      %slice3A = vector.extract_strided_slice %get3A_173 {offsets = [0, 99900], sizes = [8, 1], strides = [1, 1]} : vector<8x100000xf32> to vector<8x1xf32>
      %squeeze3A = vector.shape_cast %slice3A : vector<8x1xf32> to vector<8xf32>
      %reduce_sum3A_180 = vector.shape_cast %squeeze3A : vector<8xf32> to vector<1x8xf32>
      %reduce_sum3A_181 = arith.constant dense<0.000000e+00> : vector<1xf32>
      %reduce_sum3A_182 = vector.multi_reduction <add>, %reduce_sum3A_180, %reduce_sum3A_181 [1] : vector<1x8xf32> to vector<1xf32>
      %reduce_sum3A_183 = vector.shape_cast %reduce_sum3A_182 : vector<1xf32> to vector<1x1xf32>
      %reduce_sum3A_184 = vector.extract %reduce_sum3A_183[0, 0] : f32 from vector<1x1xf32>
      %add3A_185 = arith.addf %scan3A_152, %reduce_sum3A_184 : f32
      %mul3A_186 = arith.constant 8 : i32
      %mul3A_187 = arith.muli %scan3A_150, %mul3A_186 : i32
      %add3A_188 = arith.constant 256 : i32
      %add3A_189 = arith.addi %add3A_188, %mul3A_187 : i32
      %multiple_of3A_190 = tpu.assume_multiple %add3A_189, 8 : i32
      %get3A_191 = arith.index_cast %multiple_of3A_190 : i32 to index
      %get3A_192 = arith.constant 0 : index
      %get3A_193 = vector.load %arg1[%get3A_191, %get3A_192] : memref<1024x1xi32, #tpu.memory_space<vmem>>, vector<8x1xi32>
      %get3A_194 = arith.index_cast %multiple_of3A_190 : i32 to index
      %get3A_195 = arith.constant 0 : index
      %get3A_196 = vector.load %arg2[%get3A_194, %get3A_195] : memref<1024x1xf32, #tpu.memory_space<vmem>>, vector<8x1xf32>
      %iota3A = tpu.iota {dimensions = array<i32: 1>} : vector<8x100000xi32>
      %eq3A_197 = vector.broadcast %get3A_193 : vector<8x1xi32> to vector<8x100000xi32>
      %eq3A_198 = arith.cmpi eq, %iota3A, %eq3A_197 : vector<8x100000xi32>
      %jit3A_199 = arith.constant 0.000000e+00 : f32
      %broadcast_in_dim3A_200 = vector.broadcast %jit3A_199 : f32 to vector<8x100000xf32>
      %select_n3A_201 = arith.select %eq3A_198, %get3A_173, %broadcast_in_dim3A_200 : vector<8x100000xi1>, vector<8x100000xf32>
      %reduce_sum3A_202 = arith.constant dense<0.000000e+00> : vector<8xf32>
      %reduce_sum3A_203 = vector.multi_reduction <add>, %select_n3A_201, %reduce_sum3A_202 [1] : vector<8x100000xf32> to vector<8xf32>
      %broadcast_in_dim3A_204 = vector.shape_cast %reduce_sum3A_203 : vector<8xf32> to vector<8x1xf32>
      %mul3A_205 = arith.mulf %broadcast_in_dim3A_204, %get3A_196 : vector<8x1xf32>
      %reduce_sum3A_206 = vector.shape_cast %mul3A_205 : vector<8x1xf32> to vector<1x8x1xf32>
      %reduce_sum3A_207 = arith.constant dense<0.000000e+00> : vector<1xf32>
      %reduce_sum3A_208 = vector.multi_reduction <add>, %reduce_sum3A_206, %reduce_sum3A_207 [1, 2] : vector<1x8x1xf32> to vector<1xf32>
      %reduce_sum3A_209 = vector.shape_cast %reduce_sum3A_208 : vector<1xf32> to vector<1x1x1xf32>
      %reduce_sum3A_210 = vector.extract %reduce_sum3A_209[0, 0, 0] : f32 from vector<1x1x1xf32>
      %add3A_211 = arith.addf %scan3A_153, %reduce_sum3A_210 : f32
      %add3A_212 = arith.constant 8 : i32
      %add3A_213 = arith.addi %scan3A_150, %add3A_212 : i32
      %lt3A = arith.constant 96 : i32
      %lt3A_214 = arith.cmpi slt, %add3A_213, %lt3A : i32
      %convert_element_type3A = arith.extui %lt3A_214 : i1 to i32
      %cond3A = arith.constant 0 : i32
      %cond3A_215 = arith.cmpi ne, %convert_element_type3A, %cond3A : i32
      scf.if %cond3A_215 {
        %add3A_216 = arith.constant 8 : i32
        %add3A_217 = arith.addi %scan3A_150, %add3A_216 : i32
        %mul3A_218 = arith.constant 8 : i32
        %mul3A_219 = arith.muli %add3A_217, %mul3A_218 : i32
        %add3A_220 = arith.constant 256 : i32
        %add3A_221 = arith.addi %add3A_220, %mul3A_219 : i32
        %mul3A_222 = arith.constant 8 : i32
        %mul3A_223 = arith.muli %rem3A_154, %mul3A_222 : i32
        %multiple_of3A_224 = tpu.assume_multiple %mul3A_223, 8 : i32
        %dma_start3A_225 = tpu.memref_slice %arg11[%rem3A_154] : memref<8x!tpu.dma_semaphore, #tpu.memory_space<semaphore_mem>> -> memref<1x!tpu.dma_semaphore, #tpu.memory_space<semaphore_mem>>
        %dma_start3A_226 = tpu.memref_squeeze %dma_start3A_225 : memref<1x!tpu.dma_semaphore, #tpu.memory_space<semaphore_mem>> -> memref<!tpu.dma_semaphore, #tpu.memory_space<semaphore_mem>>
        %dma_start3A_227 = arith.constant 0 : i32
        %dma_start3A_228 = tpu.memref_slice %arg8[%multiple_of3A_224, %dma_start3A_227] : memref<64x100000xf32, #tpu.memory_space<vmem>> -> memref<8x100000xf32, #tpu.memory_space<vmem>>
        %dma_start3A_229 = arith.constant 0 : i32
        %dma_start3A_230 = tpu.memref_slice %arg0[%add3A_221, %dma_start3A_229] : memref<1024x100000xf32, #tpu.memory_space<any>> -> memref<8x100000xf32, #tpu.memory_space<any>>
        tpu.enqueue_dma source(%dma_start3A_230 : memref<8x100000xf32, #tpu.memory_space<any>>) target(%dma_start3A_228 : memref<8x100000xf32, #tpu.memory_space<vmem>>) target_semaphore(%dma_start3A_226 : memref<!tpu.dma_semaphore, #tpu.memory_space<semaphore_mem>>)
      } else {
      }
      scf.yield %add3A_179, %add3A_185, %add3A_211 : f32, f32, f32
    }
    %scan3A_93 = arith.constant 96 : i32
    %dma_wait3A = arith.constant 0 : i32
    %dma_wait3A_94 = arith.constant 0 : i32
    %dma_wait3A_95 = tpu.memref_slice %arg0[%dma_wait3A, %dma_wait3A_94] : memref<1024x100000xf32, #tpu.memory_space<any>> -> memref<2048x128xf32, #tpu.memory_space<any>>
    tpu.wait_dma2 semaphore(%arg12 : memref<!tpu.dma_semaphore, #tpu.memory_space<semaphore_mem>>) src(%dma_wait3A_95 : memref<2048x128xf32, #tpu.memory_space<any>>) dst(%arg9 : memref<2048x128xf32, #tpu.memory_space<vmem>>)
    %get3A = arith.constant 0 : index
    %get3A_96 = arith.constant 0 : index
    %get3A_97 = vector.load %arg9[%get3A, %get3A_96] : memref<2048x128xf32, #tpu.memory_space<vmem>>, vector<2048x128xf32>
    %get3A_98 = arith.constant 0 : index
    %get3A_99 = arith.constant 0 : index
    %get3A_100 = vector.load %arg3[%get3A_98, %get3A_99] : memref<2048x128xf32, #tpu.memory_space<vmem>>, vector<2048x128xf32>
    %mul3A = arith.mulf %get3A_97, %get3A_100 : vector<2048x128xf32>
    %reduce_sum3A = vector.shape_cast %mul3A : vector<2048x128xf32> to vector<1x2048x128xf32>
    %reduce_sum3A_101 = arith.constant dense<0.000000e+00> : vector<1xf32>
    %reduce_sum3A_102 = vector.multi_reduction <add>, %reduce_sum3A, %reduce_sum3A_101 [1, 2] : vector<1x2048x128xf32> to vector<1xf32>
    %reduce_sum3A_103 = vector.shape_cast %reduce_sum3A_102 : vector<1xf32> to vector<1x1x1xf32>
    %reduce_sum3A_104 = vector.extract %reduce_sum3A_103[0, 0, 0] : f32 from vector<1x1x1xf32>
    %add3A = arith.addf %scan3A_92#2, %reduce_sum3A_104 : f32
    %dma_wait3A_105 = arith.constant 0 : i32
    %dma_wait3A_106 = arith.constant 99968 : i32
    %dma_wait3A_107 = tpu.memref_slice %arg0[%dma_wait3A_105, %dma_wait3A_106] : memref<1024x100000xf32, #tpu.memory_space<any>> -> memref<256x32xf32, #tpu.memory_space<any>>
    tpu.wait_dma2 semaphore(%arg13 : memref<!tpu.dma_semaphore, #tpu.memory_space<semaphore_mem>>) src(%dma_wait3A_107 : memref<256x32xf32, #tpu.memory_space<any>>) dst(%arg10 : memref<256x32xf32, #tpu.memory_space<vmem>>)
    %get3A_108 = arith.constant 0 : index
    %get3A_109 = arith.constant 0 : index
    %get3A_110 = vector.load %arg10[%get3A_108, %get3A_109] : memref<256x32xf32, #tpu.memory_space<vmem>>, vector<256x32xf32>
    %reduce_sum3A_111 = vector.shape_cast %get3A_110 : vector<256x32xf32> to vector<1x256x32xf32>
    %reduce_sum3A_112 = arith.constant dense<0.000000e+00> : vector<1xf32>
    %reduce_sum3A_113 = vector.multi_reduction <add>, %reduce_sum3A_111, %reduce_sum3A_112 [1, 2] : vector<1x256x32xf32> to vector<1xf32>
    %reduce_sum3A_114 = vector.shape_cast %reduce_sum3A_113 : vector<1xf32> to vector<1x1x1xf32>
    %reduce_sum3A_115 = vector.extract %reduce_sum3A_114[0, 0, 0] : f32 from vector<1x1x1xf32>
    %add3A_116 = arith.addf %scan3A_92#0, %reduce_sum3A_115 : f32
    %get3A_117 = arith.constant 0 : index
    %get3A_118 = arith.constant 0 : index
    %get3A_119 = vector.load %arg4[%get3A_117, %get3A_118] : memref<256x32xf32, #tpu.memory_space<vmem>>, vector<256x32xf32>
    %mul3A_120 = arith.mulf %get3A_110, %get3A_119 : vector<256x32xf32>
    %reduce_sum3A_121 = vector.shape_cast %mul3A_120 : vector<256x32xf32> to vector<1x256x32xf32>
    %reduce_sum3A_122 = arith.constant dense<0.000000e+00> : vector<1xf32>
    %reduce_sum3A_123 = vector.multi_reduction <add>, %reduce_sum3A_121, %reduce_sum3A_122 [1, 2] : vector<1x256x32xf32> to vector<1xf32>
    %reduce_sum3A_124 = vector.shape_cast %reduce_sum3A_123 : vector<1xf32> to vector<1x1x1xf32>
    %reduce_sum3A_125 = vector.extract %reduce_sum3A_124[0, 0, 0] : f32 from vector<1x1x1xf32>
    %add3A_126 = arith.addf %add3A, %reduce_sum3A_125 : f32
    %get3A_127 = arith.constant 0 : index
    %get3A_128 = arith.constant 0 : index
    %get3A_129 = vector.load %arg1[%get3A_127, %get3A_128] : memref<1024x1xi32, #tpu.memory_space<vmem>>, vector<1024x1xi32>
    %eq3A = arith.constant 99900 : i32
    %eq3A_130 = vector.broadcast %eq3A : i32 to vector<1024x1xi32>
    %eq3A_131 = arith.cmpi eq, %get3A_129, %eq3A_130 : vector<1024x1xi32>
    %jit3A = arith.constant 1.000000e+00 : f32
    %jit3A_132 = arith.constant 0.000000e+00 : f32
    %broadcast_in_dim3A = vector.broadcast %jit3A : f32 to vector<1024x1xf32>
    %broadcast_in_dim3A_133 = vector.broadcast %jit3A_132 : f32 to vector<1024x1xf32>
    %select_n3A = arith.select %eq3A_131, %broadcast_in_dim3A, %broadcast_in_dim3A_133 : vector<1024x1xi1>, vector<1024x1xf32>
    %reduce_sum3A_134 = vector.shape_cast %select_n3A : vector<1024x1xf32> to vector<1x1024x1xf32>
    %reduce_sum3A_135 = arith.constant dense<0.000000e+00> : vector<1xf32>
    %reduce_sum3A_136 = vector.multi_reduction <add>, %reduce_sum3A_134, %reduce_sum3A_135 [1, 2] : vector<1x1024x1xf32> to vector<1xf32>
    %reduce_sum3A_137 = vector.shape_cast %reduce_sum3A_136 : vector<1xf32> to vector<1x1x1xf32>
    %reduce_sum3A_138 = vector.extract %reduce_sum3A_137[0, 0, 0] : f32 from vector<1x1x1xf32>
    %swap3A = arith.constant 0 : index
    %swap3A_139 = arith.constant 0 : index
    %swap3A_140 = memref.load %arg7[%swap3A, %swap3A_139] : memref<1x8xf32, #tpu.memory_space<smem>>
    memref.store %add3A_116, %arg7[%swap3A, %swap3A_139] : memref<1x8xf32, #tpu.memory_space<smem>>
    %swap3A_141 = arith.constant 0 : index
    %swap3A_142 = arith.constant 1 : index
    %swap3A_143 = memref.load %arg7[%swap3A_141, %swap3A_142] : memref<1x8xf32, #tpu.memory_space<smem>>
    memref.store %scan3A_92#1, %arg7[%swap3A_141, %swap3A_142] : memref<1x8xf32, #tpu.memory_space<smem>>
    %swap3A_144 = arith.constant 0 : index
    %swap3A_145 = arith.constant 2 : index
    %swap3A_146 = memref.load %arg7[%swap3A_144, %swap3A_145] : memref<1x8xf32, #tpu.memory_space<smem>>
    memref.store %add3A_126, %arg7[%swap3A_144, %swap3A_145] : memref<1x8xf32, #tpu.memory_space<smem>>
    %swap3A_147 = arith.constant 0 : index
    %swap3A_148 = arith.constant 3 : index
    %swap3A_149 = memref.load %arg7[%swap3A_147, %swap3A_148] : memref<1x8xf32, #tpu.memory_space<smem>>
    memref.store %reduce_sum3A_138, %arg7[%swap3A_147, %swap3A_148] : memref<1x8xf32, #tpu.memory_space<smem>>
    return
  }
}

</mosaic_0001>

<sc_bundles>
// kernel: kernel.4.cloned.1.call-start
scs
__scs_entry_jumppad:
0x0: {  	(pc) =	sbr.rel $0x88, $3  }
0x1: {  	(tag) =	ssettag $0x0;
	lr =	simm.s32 $0x1  }
0x2: {  	[smem:$0x3F9F] =	sst lr;
	_ =	strace $0xD0000000  }
0x3: {  	_ = 	snop  }
0x4: {  	_ = 	snop  }
0x5: {  	_ = 	snop  }
0x6: {  	_ = 	snop  }
0x7: {  	_ = 	snop  }
__scs_overlays_trampoline_lowered:
0x8: {  	[smem:$0x3FAE] =	sst s0  }
0x9: {  	[smem:$0x3FAF] =	sst s1  }
0xa: {  	[smem:$0x3FB0] =	sst s2  }
0xb: {  	[smem:$0x3FB1] =	sst s3  }
0xc: {  	[smem:$0x3FB2] =	sst s4  }
0xd: {  	[smem:$0x3FB3] =	sst s5  }
0xe: {  	[smem:$0x3FB4] =	sst s6  }
0xf: {  	[smem:$0x3FB5] =	sst s7  }
0x10: {  	[smem:$0x3FB6] =	sst s8  }
0x11: {  	[smem:$0x3FB7] =	sst s9;
	s0 =	simm.s32 @!p0 $0x0  }
0x12: {  	s1 =	sld [smem:$0x3F9D];
	s0 =	simm.s32 @p0 $0x1  }
0x13: {  	[smem:$0x3FB8] =	sst s0;
	s0 =	simm.s32 @!p1 $0x0  }
0x14: {  	s2 =	sld [smem:$0x3F9C];
	s0 =	simm.s32 @p1 $0x1  }
0x15: {  	[smem:$0x3FB9] =	sst s0;
	s0 =	simm.s32 @!p2 $0x0  }
0x16: {  	s3 =	sld [smem:$0x3FDB];
	s0 =	simm.s32 @p2 $0x1  }
0x17: {  	s4 =	simm.s32 $0x1BF5;
	[smem:$0x3FBB] =	sst s0  }
0x18: {  	s0 =	sld [smem:$0x3F9E];
	_ =	swait.ge [sflag:s4], $0x0  }
0x19: {  	s7 =	sld [smem:$0x3F9F]  }
0x1a: {  	s8 =	sadd.s32 $0xFFFFE003, lr  }
0x1b: {  	s9 =	sadd.s32 $0xFFFFFEF7, lr;
	s5 =	simm.s32 $0xFFFFFFFF;
	p2 =	slt.u32 s8, $0xFFFFF086  }
0x1c: {  	p1 =	slt.u32 s9, $0xF7A;
	s5 =	simm.s32 @!p2 $0x0  }
0x1d: {  	s5 =	simm.s32 @p1 $0x1;
	p0 =	seq.s32 s7, s2  }
0x1e: {  	s7 =	smul.u32 @!p0 $0xF7A, s2;
	p2 =	seq.s32 @!p0 s5, $0x0  }
0x1f: {  	s9 =	smul.u32 $0xF7A, s1;
	s8 =	simm.s32 @!p0 $0x1BF5;
	p2 =	por !p2, p0  }
0x20: {  	[sflag:s8] =	ssyncset.s32 @!p0 $0xFFFFF086;
	s6 =	sadd.s32 @!p0 s3, s7;
	s7 =	simm.s32 @!p0 $0x108  }
0x21: {  	s3 =	sadd.s32 s3, s9;
	s6 =	sadd.s32 @!p0 $0x88, s6;
	s7 =	simm.s32 @p2 $0x1082  }
0x22: {  	[simem:s7], [sflag:s8] =	dma.local @!p0 [hbm:s6], $0xF7A  }
0x23: {  	s9 =	sor.u32 $0xD0000000, s2;
	s6 =	simm.s32 $0x108;
	_ =	swait.ge @!p0 [sflag:s8], $0x0  }
0x24: {  	s3 =	sadd.s32 $0x88, s3;
	s6 =	simm.s32 @!p1 $0x1082;
	[sflag:s4] =	ssyncset.s32 $0xFFFFF086  }
0x25: {  	[simem:s6], [sflag:s4] =	dma.local [hbm:s3], $0xF7A  }
0x26: {  	[smem:$0x3F9F] =	sst s1;
	(tag) =	ssettag s2;
	_ =	strace s9  }
0x27: {  	s1 =	sld [smem:$0x3FAF]  }
0x28: {  	s2 =	sld [smem:$0x3FB0]  }
0x29: {  	s4 =	sld [smem:$0x3FB2]  }
0x2a: {  	p0 =	seq.s32 s5, $0x0;
	s5 =	sld [smem:$0x3FB3]  }
0x2b: {  	s6 =	sld [smem:$0x3FB4]  }
0x2c: {  	s7 =	sld [smem:$0x3FB5]  }
0x2d: {  	s3 =	simm.s32 $0x108;
	s8 =	sld [smem:$0x3FB6]  }
0x2e: {  	s3 =	simm.s32 @!p0 $0x1082;
	s9 =	sld [smem:$0x3FB7]  }
0x2f: {  	lr =	sadd.s32 s0, s3;
	s0 =	sld [smem:$0x3FAE]  }
0x30: {  	s3 =	sld [smem:$0x3FB1]  }
0x31: {  	[smem:$0x3FBA] =	sst s10  }
0x32: {  	s10 =	sld [smem:$0x3FB8];
	_ =	sdelay $0x3  }
0x33: {  	p0 =	seq.s32 s10, $0x1;
	s10 =	sld [smem:$0x3FBA];
	_ =	sdelay $0x3  }
0x34: {  	[smem:$0x3FBA] =	sst s10  }
0x35: {  	s10 =	sld [smem:$0x3FB9];
	_ =	sdelay $0x3  }
0x36: {  	p1 =	seq.s32 s10, $0x1;
	s10 =	sld [smem:$0x3FBA];
	_ =	sdelay $0x3  }
0x37: {  	[smem:$0x3FBA] =	sst s10  }
0x38: {  	s10 =	sld [smem:$0x3FBB]  }
0x39: {  	_ = 	snop;
	(pc) =	sbr.ind lr, $3  }
0x3a: {  	_ = 	snop  }
0x3b: {  	_ = 	snop  }
0x3c: {  	p2 =	seq.s32 s10, $0x1;
	s10 =	sld [smem:$0x3FBA]  }
0x3d: {  	_ =	shalt  }
0x3e: {  	_ =	shalt  }
0x3f: {  	_ =	shalt  }
0x40: {  	_ =	shalt  }
0x41: {  	_ =	shalt  }
0x42: {  	_ =	shalt  }
0x43: {  	_ =	shalt  }
0x44: {  	_ =	shalt  }
0x45: {  	_ =	shalt  }
0x46: {  	_ =	shalt  }
0x47: {  	_ =	shalt  }
0x48: {  	_ =	shalt  }
0x49: {  	_ =	shalt  }
0x4a: {  	_ =	shalt  }
0x4b: {  	_ =	shalt  }
0x4c: {  	_ =	shalt  }
0x4d: {  	_ =	shalt  }
0x4e: {  	_ =	shalt  }
0x4f: {  	_ =	shalt  }
0x50: {  	_ =	shalt  }
0x51: {  	_ =	shalt  }
0x52: {  	_ =	shalt  }
0x53: {  	_ =	shalt  }
0x54: {  	_ =	shalt  }
0x55: {  	_ =	shalt  }
0x56: {  	_ =	shalt  }
0x57: {  	_ =	shalt  }
0x58: {  	_ =	shalt  }
0x59: {  	_ =	shalt  }
0x5a: {  	_ =	shalt  }
0x5b: {  	_ =	shalt  }
0x5c: {  	_ =	shalt  }
0x5d: {  	_ =	shalt  }
0x5e: {  	_ =	shalt  }
0x5f: {  	_ =	shalt  }
0x60: {  	_ =	shalt  }
0x61: {  	_ =	shalt  }
0x62: {  	_ =	shalt  }
0x63: {  	_ =	shalt  }
0x64: {  	_ =	shalt  }
0x65: {  	_ =	shalt  }
0x66: {  	_ =	shalt  }
0x67: {  	_ =	shalt  }
0x68: {  	_ =	shalt  }
0x69: {  	_ =	shalt  }
0x6a: {  	_ =	shalt  }
0x6b: {  	_ =	shalt  }
0x6c: {  	_ =	shalt  }
0x6d: {  	_ =	shalt  }
0x6e: {  	_ =	shalt  }
0x6f: {  	_ =	shalt  }
0x70: {  	_ =	shalt  }
0x71: {  	_ =	shalt  }
0x72: {  	_ =	shalt  }
0x73: {  	_ =	shalt  }
0x74: {  	_ =	shalt  }
0x75: {  	_ =	shalt  }
0x76: {  	_ =	shalt  }
0x77: {  	_ =	shalt  }
0x78: {  	_ =	shalt  }
0x79: {  	_ =	shalt  }
0x7a: {  	_ =	shalt  }
0x7b: {  	_ =	shalt  }
0x7c: {  	_ =	shalt  }
0x7d: {  	_ =	shalt  }
0x7e: {  	_ =	shalt  }
0x7f: {  	_ =	shalt  }
0x80: {  	_ =	shalt  }
0x81: {  	_ =	shalt  }
0x82: {  	_ =	shalt  }
0x83: {  	_ =	shalt  }
0x84: {  	_ =	shalt  }
0x85: {  	_ =	shalt  }
0x86: {  	_ =	shalt  }
0x87: {  	_ =	shalt  }
.Lfunc_end0:
.L_simem_size_0:
called_computation_lowered:
.L_overlay_start_0:
0x88: {  	s2 =	sld [smem:$0x3FD9]  }
0x89: {  	s3 =	sld [smem:$0x3FFE];
	_ =	sdelay $0x1  }
0x8a: {  	s1 =	srdreg.scid  }
0x8b: {  	s0 =	sand.u32 $0x1, s1  }
0x8c: {  	s16 =	sshll.u32 s0, $0xA;
	s2 =	sadd.s32 s3, s2  }
0x8d: {  	s2 =	sadd.s32 s2, s16  }
0x8e: {  	[smem:$0x3FC6] =	sst s2  }
0x8f: {  	_ = 	snop  }
0x90: {  	(tm) =	ssettm $0x1  }
0x91: {  	s17 =	sld [smem:$0x3FFB];
	_ =	sdelay $0x3  }
0x92: {  	_ =	strace s17  }
0x93: {  	s2 =	sld [smem:$0x3FFC];
	_ =	sdelay $0x3  }
0x94: {  	_ =	strace s2  }
0x95: {  	s2 =	sld [smem:$0x3FFD];
	_ =	sdelay $0x3  }
0x96: {  	_ =	strace s2  }
0x97: {  	_ =	strace $0x8FFFFFFF  }
0x98: {  	s18 =	sld [smem:$0x3FDB];
	_ =	sdelay $0x1  }
0x99: {  	s19 =	simm.s32 $_scs_section_size  }
0x9a: {  	s4 =	simm.s32 $_size__tile_overlayer_lowered;
	s5 =	simm.s32 $_tile_overlayer_lowered  }
0x9b: {  	s22 =	simm.s32 $0x1BFF;
	s21 =	sshll.u32 s5, $0x1;
	s2 =	sadd.s32 s19, s18  }
0x9c: {  	s6 =	simm.s32 $0x0;
	s20 =	sshll.u32 s4, $0x1;
	s4 =	sadd.s32 s21, s2  }
0x9d: {  	[timem:s6], [sflag:s22] =	dma.local [hbm:s4], s20  }
0x9e: {  	_ =	swait.ge [sflag:s22], s20  }
0x9f: {  	s3 =	ssub.s32 $0x0, s20;
	[sflag:s22] =	ssyncset.done $0x0  }
0xa0: {  	[sflag:s22] =	ssyncadd.s32 s3;
	_ =	sdelay $0x1  }
0xa1: {  	s23 =	simm.s32 $0x1B8B  }
0xa2: {  	_ =	swait.ge [sflag:s23], $0x1  }
0xa3: {  	[sflag:s23] =	ssyncset.done $0x0  }
0xa4: {  	s25 =	simm.s32 $0x1B8E;
	s24 =	sld [smem:$0x3FFE];
	[sflag:s23] =	ssyncadd.s32 $0xFFFFFFFF  }
0xa5: {  	s26 =	simm.s32 $execute0_lowered;
	[smem:$0x3FD2] =	sst s25  }
0xa6: {  	s4 =	sshll.u32 s26, $0x1;
	_ =	strace $0x80000046;
	[dreg:$0x1] =	wrdreg $0xFFFFFFFF  }
0xa7: {  	s28 =	simm.s32 $_size_execute0_lowered;
	s2 =	sadd.s32 s2, s4;
	[dreg:$0x0] =	wrdreg $0x0  }
0xa8: {  	s4 =	sshll.u32 s28, $0x1;
	[dreg:$0x2] =	wrdreg s2  }
0xa9: {  	[dreg:$0x3] =	wrdreg s4  }
0xaa: {  	[dreg:$0x4] =	wrdreg $0xC0  }
0xab: {  	_ =	task [dreg:s6], $0x5FFFF  }
0xac: {  	[dreg:$0x1] =	wrdreg $0xFFFFFFFF  }
0xad: {  	[dreg:$0x0] =	wrdreg $0x60  }
0xae: {  	[dreg:$0x2] =	wrdreg s24  }
0xaf: {  	[dreg:$0x3] =	wrdreg $0x9  }
0xb0: {  	_ =	task.clear_ibuf [dreg:s6], $0x4FFFF;
	_ =	strace $0x90000046  }
0xb1: {  	s29 =	simm.s32 $0x9;
	_ =	strace $0x80000048  }
0xb2: {  	_ =	swait.ge [sflag:s29], $0x1  }
0xb3: {  	[sflag:s29] =	ssyncadd.s32 $0xFFFFFFFF  }
0xb4: {  	_ =	strace $0x90000048  }
0xb5: {  	_ =	sfence  }
0xb6: {  	s30 =	sld [smem:$0x0];
	_ =	sdelay $0x2  }
0xb7: {  	s31 =	sshll.u32 s1, $0xD;
	s1 =	sshrl.u32 s1, $0x2  }
0xb8: {  	s3 =	sand.u32 $0x4000, s31;
	s1 =	sadd.s32 s1, s30  }
0xb9: {  	s0 =	sor.u32 s3, s0;
	s1 =	sshll.u32 s1, $0x11  }
0xba: {  	s0 =	sor.u32 s1, s0  }
0xbb: {  	s0 =	sadd.s32 $0x8F2B, s0  }
0xbc: {  	[sflag:s0] =	ssyncadd.remote.s32 $0x1  }
0xbd: {  	_ =	sfence.sel $0xFFFF  }
0xbe: {  	[dreg:$0x0] =	wrdreg $0xFFFFFFFF;
	(pc) =	sbr.abs _section_cstart, $3  }
0xbf: {  	[dreg:$0x1] =	wrdreg $0xFFFFFFFF  }
0xc0: {  	_ =	task.clear_ibuf [dreg:s6], $0x2FFFF;
	_ =	strace $0x9FFFFFFF  }
0xc1: {  	(tm) =	ssettm $0x7FFFFFFF  }
tec
execute0_lowered:
.L_overlay_start_1:
0x0: {  	(tag) =	ssettag $0x1  }
0x1: {  	s1 =	srdreg.scid;
	s0 =	stileid.u32  }
0x2: {  	s2 =	rddreg [dreg:$0x0];
	s3 =	simm.s32 $0x0;
	s11 =	simm.s32 $0xC000  }
0x3: {  	s12 =	simm.s32 $0x6000;
	s13 =	simm.s32 $0x1;
	s14 =	simm.s32 $0x2  }
0x4: {  	s15 =	simm.s32 $0x3;
	s16 =	simm.s32 $0xF400;
	s17 =	simm.s32 $0x4  }
0x5: {  	s4 =	sand.u32 $0x1, s1;
	s5 =	sshll.u32 s0, $0x1;
	s1 =	rddreg [dreg:$0x1]  }
0x6: {  	s18 =	simm.s32 $0x0;
	[smem:$0x7FF] =	sst s3;
	s5 =	sor.u32 s4, s5  }
0x7: {  	s6 =	ssub.s32 $0x2, s4;
	s7 =	smul.u32 $0xC3800, s5;
	s5 =	sshll.u32 s5, $0x4  }
0x8: {  	_ =	strace $0x80000047;
	s31 =	sshrl.u32 s6, $0x1;
	s9 =	sadd.s32 s5, s2  }
0x9: {  	s10 =	ssub.s32 s6, s31;
	s30 =	sshrl.u32 s7, $0x3;
	s6 =	sadd.s32 $0x6000, s7  }
0xa: {  	s7 =	sadd.s32 $0xC000, s7;
	s8 =	sadd.s32 $0xC38000, s9;
	s4 =	sadd.s32 s2, s30  }
0xb: {  	vm0 =	vcmask $0x2F34;
	s9 =	sadd.s32 $0xC38200, s9;
	s10 =	smax.u32 s10, $0x1;
	s5 =	sadd.s32 $0x18000, s4  }
.LBB2_1:
0xc: {  	[tilespmem:s3], [sflag:$0x1] =	stream.linear.gather [hbm4b:s4+s3], $0x6000, $0x38;
	[tilespmem:$0xF480] =	vst v63  }
0xd: {  	_ = 	snop  }
0xe: {  	v0 =	vimm.f32 $0.0e+00;
	[tilespmem:s3], [sflag:$0x1] =	stream.linear.gather [hbm4b:s4+s3], $0x6000, $0x38;
	[tilespmem:$0xF480] =	vst v63  }
0xf: {  	[tilespmem:$0x1FFE0] =	vst v0  }
0x10: {  	v63 =	vimm.f32 $0.0e+00;
	[tilespmem:s11], [sflag:$0x3] =	stream.linear.gather [hbm4b:s5+s3], $0x3400, $0x38;
	[tilespmem:$0xF480] =	vst v63  }
0x11: {  	v7 =	vimm.f32 $0.0e+00;
	v61 =	vimm.f32 $0.0e+00;
	v62 =	vimm.f32 $0.0e+00;
	s19 =	simm.s32 $0x0;
	[tilespmem:$0x1FFF0] =	vst v63  }
0x12: {  	v40 =	vimm.f32 $0.0e+00;
	v27 =	vimm.f32 $0.0e+00;
	v39 =	vimm.f32 $0.0e+00;
	[tilespmem:s11], [sflag:$0x3] =	stream.linear.gather [hbm4b:s5+s3], $0x3400, $0x38;
	[tilespmem:$0xF480] =	vst v63  }
.LBB2_2:
0x13: {  	s20 =	smul.u32 $0xC000, s19;
	_ =	sdelay $0x1  }
0x14: {  	s21 =	sadd.s32 s20, s6  }
0x15: {  	s21 =	sshrl.u32 s21, $0x3  }
0x16: {  	[tilespmem:$0x1FD10] =	vst v62;
	s22 =	simm.s32 $0x0;
	s21 =	sadd.s32 s2, s21  }
0x17: {  	[tilespmem:s12], [sflag:$0x2] =	stream.linear.gather [hbm4b:s21+s22], $0x6000, $0x38;
	[tilespmem:$0xF480] =	vst v63  }
0x18: {  	[tilespmem:$0x1FD20] =	vst v61  }
0x19: {  	[tilespmem:s12], [sflag:$0x2] =	stream.linear.gather [hbm4b:s21+s22], $0x6000, $0x38;
	[tilespmem:$0xF480] =	vst v63  }
0x1a: {  	[tilespmem:$0x1FD30] =	vst v7  }
0x1b: {  	[tilespmem:s22], [sflag:$0x1] =	stream.linear.gather [hbm4b:s4+s22], $0x6000, $0x38;
	[tilespmem:$0xF480] =	vst v63  }
0x1c: {  	_ =	swait.ge [sflag:s13], $0x6000  }
0x1d: {  	[sflag:s13] =	ssyncset.done $0x0  }
0x1e: {  	s21 =	simm.s32 $0x0;
	[sflag:s13] =	ssyncadd.s32 $0xFFFFA000  }
0x1f: {  	v0 =	vld [tilespmem:s21+$0x5C20];
	_ =	sdelay $0x4  }
0x20: {  	[tilespmem:$0x1FD40] =	vst v0;
	v0 =	vld [tilespmem:s21+$0x5C30];
	_ =	sdelay $0x4  }
0x21: {  	[tilespmem:$0x1FD50] =	vst v0;
	v0 =	vld [tilespmem:s21+$0x5400];
	_ =	sdelay $0x4  }
0x22: {  	[tilespmem:$0x1FFC0] =	vst v0;
	v0 =	vld [tilespmem:s21+$0x5410];
	_ =	sdelay $0x4  }
0x23: {  	[tilespmem:$0x1FFD0] =	vst v0;
	v0 =	vld [tilespmem:s21+$0x5450];
	_ =	sdelay $0x4  }
0x24: {  	[tilespmem:$0x1FD60] =	vst v0;
	v0 =	vld [tilespmem:s21+$0x5000];
	_ =	sdelay $0x4  }
0x25: {  	[tilespmem:$0x1FF80] =	vst v0;
	v0 =	vld [tilespmem:s21+$0x5010];
	_ =	sdelay $0x4  }
0x26: {  	[tilespmem:$0x1FF90] =	vst v0;
	v0 =	vld [tilespmem:s21+$0x5020];
	_ =	sdelay $0x4  }
0x27: {  	[tilespmem:$0x1FFA0] =	vst v0;
	v0 =	vld [tilespmem:s21+$0x5030];
	_ =	sdelay $0x4  }
0x28: {  	[tilespmem:$0x1FFB0] =	vst v0;
	v0 =	vld [tilespmem:s21+$0x5040];
	_ =	sdelay $0x4  }
0x29: {  	[tilespmem:$0x1FD70] =	vst v0;
	v0 =	vld [tilespmem:s21+$0x5050];
	_ =	sdelay $0x4  }
0x2a: {  	[tilespmem:$0x1FD80] =	vst v0;
	v0 =	vld [tilespmem:s21+$0x4C00];
	_ =	sdelay $0x4  }
0x2b: {  	[tilespmem:$0x1FF40] =	vst v0;
	v0 =	vld [tilespmem:s21+$0x4C10];
	_ =	sdelay $0x4  }
0x2c: {  	[tilespmem:$0x1FF50] =	vst v0;
	v0 =	vld [tilespmem:s21+$0x4C20];
	_ =	sdelay $0x4  }
0x2d: {  	[tilespmem:$0x1FF60] =	vst v0;
	v0 =	vld [tilespmem:s21+$0x4C30];
	_ =	sdelay $0x4  }
0x2e: {  	[tilespmem:$0x1FF70] =	vst v0;
	v0 =	vld [tilespmem:s21+$0x4C40];
	_ =	sdelay $0x4  }
0x2f: {  	[tilespmem:$0x1FD90] =	vst v0;
	v0 =	vld [tilespmem:s21+$0x4C50];
	_ =	sdelay $0x4  }
0x30: {  	[tilespmem:$0x1FDA0] =	vst v0;
	v0 =	vld [tilespmem:s21+$0x4800];
	_ =	sdelay $0x4  }
0x31: {  	[tilespmem:$0x1FF00] =	vst v0;
	v0 =	vld [tilespmem:s21+$0x4810];
	_ =	sdelay $0x4  }
0x32: {  	[tilespmem:$0x1FF10] =	vst v0;
	v0 =	vld [tilespmem:s21+$0x4820];
	_ =	sdelay $0x4  }
0x33: {  	[tilespmem:$0x1FF20] =	vst v0;
	v0 =	vld [tilespmem:s21+$0x4830];
	_ =	sdelay $0x4  }
0x34: {  	[tilespmem:$0x1FF30] =	vst v0;
	v0 =	vld [tilespmem:s21+$0x4840];
	_ =	sdelay $0x4  }
0x35: {  	[tilespmem:$0x1FDB0] =	vst v0;
	v0 =	vld [tilespmem:s21+$0x4850];
	_ =	sdelay $0x4  }
0x36: {  	[tilespmem:$0x1FDC0] =	vst v0;
	v0 =	vld [tilespmem:s21+$0x4400];
	_ =	sdelay $0x4  }
0x37: {  	[tilespmem:$0x1FEC0] =	vst v0;
	v0 =	vld [tilespmem:s21+$0x4410];
	_ =	sdelay $0x4  }
0x38: {  	[tilespmem:$0x1FED0] =	vst v0;
	v0 =	vld [tilespmem:s21+$0x4420];
	_ =	sdelay $0x4  }
0x39: {  	[tilespmem:$0x1FEE0] =	vst v0;
	v0 =	vld [tilespmem:s21+$0x4430];
	_ =	sdelay $0x4  }
0x3a: {  	[tilespmem:$0x1FEF0] =	vst v0;
	v0 =	vld [tilespmem:s21+$0x4440];
	_ =	sdelay $0x4  }
0x3b: {  	[tilespmem:$0x1FDD0] =	vst v0;
	v0 =	vld [tilespmem:s21+$0x4450];
	_ =	sdelay $0x4  }
0x3c: {  	[tilespmem:$0x1FDE0] =	vst v0;
	v0 =	vld [tilespmem:s21+$0x4010];
	_ =	sdelay $0x4  }
0x3d: {  	[tilespmem:$0x1FE90] =	vst v0;
	v0 =	vld [tilespmem:s21+$0x4020];
	_ =	sdelay $0x4  }
0x3e: {  	[tilespmem:$0x1FEA0] =	vst v0;
	v0 =	vld [tilespmem:s21+$0x4030];
	_ =	sdelay $0x4  }
0x3f: {  	[tilespmem:$0x1FEB0] =	vst v0;
	v0 =	vld [tilespmem:s21+$0x4040];
	_ =	sdelay $0x4  }
0x40: {  	[tilespmem:$0x1FDF0] =	vst v0;
	v0 =	vld [tilespmem:s21+$0x4050];
	_ =	sdelay $0x4  }
0x41: {  	[tilespmem:$0x1FE00] =	vst v0;
	v0 =	vld [tilespmem:s21+$0x3C40];
	_ =	sdelay $0x4  }
0x42: {  	[tilespmem:$0x1FE10] =	vst v0;
	v0 =	vld [tilespmem:s21+$0x3C50];
	_ =	sdelay $0x4  }
0x43: {  	[tilespmem:$0x1FE20] =	vst v0;
	v0 =	vld [tilespmem:s21+$0x3840];
	_ =	sdelay $0x4  }
0x44: {  	[tilespmem:$0x1FE30] =	vst v0;
	v0 =	vld [tilespmem:s21+$0x3850]  }
0x45: {  	v6 =	vld [tilespmem:$0x1FFF0]  }
0x46: {  	v35 =	vld [tilespmem:s21+$0x3C10]  }
0x47: {  	v32 =	vld [tilespmem:s21+$0x3C20]  }
0x48: {  	v48 =	vld [tilespmem:s21+$0x3810]  }
0x49: {  	[tilespmem:$0x1FE40] =	vst v0;
	v0 =	vld [tilespmem:s21+$0x3440]  }
0x4a: {  	v24 =	vld [tilespmem:s21+$0x3820]  }
0x4b: {  	v22 =	vld [tilespmem:s21+$0x3410]  }
0x4c: {  	v49 =	vld [tilespmem:s21+$0x3420]  }
0x4d: {  	v58 =	vld [tilespmem:s21+$0x3430]  }
0x4e: {  	[tilespmem:$0x1FE50] =	vst v0;
	v0 =	vld [tilespmem:s21+$0x3450]  }
0x4f: {  	v15 =	vld [tilespmem:s21+$0x3010]  }
0x50: {  	v59 =	vld [tilespmem:s21+$0x3020]  }
0x51: {  	v63 =	vld [tilespmem:s21+$0x2C10]  }
0x52: {  	v62 =	vld [tilespmem:s21+$0x2810]  }
0x53: {  	[tilespmem:$0x1FE60] =	vst v0;
	v0 =	vld [tilespmem:s21+$0x3040]  }
0x54: {  	v43 =	vld [tilespmem:s21+$0x2410]  }
0x55: {  	v25 =	vld [tilespmem:s21+$0x2010]  }
0x56: {  	v28 =	vld [tilespmem:s21+$0x1C00]  }
0x57: {  	v29 =	vld [tilespmem:s21+$0x1C10]  }
0x58: {  	[tilespmem:$0x1FE70] =	vst v0;
	v0 =	vld [tilespmem:s21+$0x3050]  }
0x59: {  	v30 =	vld [tilespmem:s21+$0x1800]  }
0x5a: {  	v31 =	vld [tilespmem:s21+$0x1810]  }
0x5b: {  	v47 =	vld [tilespmem:s21+$0x1400]  }
0x5c: {  	v56 =	vld [tilespmem:s21+$0x1410]  }
0x5d: {  	[tilespmem:$0x1FE80] =	vst v0;
	v0 =	vld [tilespmem:s21+$0x0]  }
0x5e: {  	v57 =	vld [tilespmem:s21+$0x1000]  }
0x5f: {  	v16 =	vld [tilespmem:s21+$0x1010]  }
0x60: {  	v11 =	vld [tilespmem:s21+$0xC00]  }
0x61: {  	v1 =	vld [tilespmem:s21+$0x10]  }
0x62: {  	v0 =	vadd.f32 v0, v6;
	v6 =	vld [tilespmem:$0x1FFE0]  }
0x63: {  	v10 =	vld [tilespmem:s21+$0xC10]  }
0x64: {  	v8 =	vld [tilespmem:s21+$0x410]  }
0x65: {  	v13 =	vld [tilespmem:s21+$0x800]  }
0x66: {  	v12 =	vld [tilespmem:s21+$0x810]  }
0x67: {  	v2 =	vld [tilespmem:s21+$0x20];
	v1 =	vadd.f32 v1, v6  }
0x68: {  	v3 =	vld [tilespmem:s21+$0x30]  }
0x69: {  	v4 =	vld [tilespmem:s21+$0x420];
	v1 =	vadd.f32 v8, v1  }
0x6a: {  	v5 =	vld [tilespmem:s21+$0x430]  }
0x6b: {  	v19 =	vld [tilespmem:s21+$0x820];
	v1 =	vadd.f32 v12, v1  }
0x6c: {  	v2 =	vadd.f32 v2, v39;
	v6 =	vld [tilespmem:s21+$0x830]  }
0x6d: {  	v7 =	vld [tilespmem:s21+$0xC20];
	v3 =	vadd.f32 v3, v27;
	v1 =	vadd.f32 v10, v1  }
0x6e: {  	v2 =	vadd.f32 v4, v2;
	v8 =	vld [tilespmem:s21+$0xC30]  }
0x6f: {  	v3 =	vadd.f32 v5, v3;
	v4 =	vld [tilespmem:s21+$0x1020];
	v1 =	vadd.f32 v16, v1  }
0x70: {  	v9 =	vld [tilespmem:s21+$0x400];
	v2 =	vadd.f32 v19, v2  }
0x71: {  	v3 =	vadd.f32 v6, v3;
	v6 =	vld [tilespmem:s21+$0x1420];
	v1 =	vadd.f32 v56, v1  }
0x72: {  	v5 =	vld [tilespmem:s21+$0x1030];
	v2 =	vadd.f32 v7, v2  }
0x73: {  	v3 =	vadd.f32 v8, v3;
	v8 =	vld [tilespmem:s21+$0x1820];
	v1 =	vadd.f32 v31, v1  }
0x74: {  	v2 =	vadd.f32 v4, v2;
	v4 =	vld [tilespmem:s21+$0x1C20]  }
0x75: {  	v0 =	vadd.f32 v9, v0;
	v9 =	vld [tilespmem:s21+$0x1430];
	v1 =	vadd.f32 v29, v1  }
0x76: {  	v7 =	vld [tilespmem:s21+$0x1830];
	v2 =	vadd.f32 v6, v2  }
0x77: {  	v0 =	vadd.f32 v13, v0;
	v6 =	vld [tilespmem:s21+$0x2020];
	v1 =	vadd.f32 v25, v1  }
0x78: {  	v3 =	vadd.f32 v5, v3;
	v5 =	vld [tilespmem:s21+$0x1C30];
	v2 =	vadd.f32 v8, v2  }
0x79: {  	v0 =	vadd.f32 v11, v0;
	v8 =	vld [tilespmem:s21+$0x2420];
	v1 =	vadd.f32 v43, v1  }
0x7a: {  	v3 =	vadd.f32 v9, v3;
	v9 =	vld [tilespmem:s21+$0x2030];
	v2 =	vadd.f32 v4, v2  }
0x7b: {  	v0 =	vadd.f32 v57, v0;
	v4 =	vld [tilespmem:s21+$0x2820];
	v1 =	vadd.f32 v62, v1  }
0x7c: {  	v3 =	vadd.f32 v7, v3;
	v7 =	vld [tilespmem:s21+$0x2430];
	v2 =	vadd.f32 v6, v2  }
0x7d: {  	v0 =	vadd.f32 v47, v0;
	v6 =	vld [tilespmem:s21+$0x2C20];
	v1 =	vadd.f32 v63, v1  }
0x7e: {  	v60 =	vld [tilespmem:s21+$0x2400];
	v3 =	vadd.f32 v5, v3;
	v2 =	vadd.f32 v8, v2  }
0x7f: {  	v14 =	vld [tilespmem:s21+$0x2000];
	v0 =	vadd.f32 v30, v0;
	v1 =	vadd.f32 v15, v1  }
0x80: {  	v5 =	vld [tilespmem:s21+$0x2830];
	v3 =	vadd.f32 v9, v3;
	v2 =	vadd.f32 v4, v2  }
0x81: {  	v0 =	vadd.f32 v28, v0;
	v9 =	vld [tilespmem:s21+$0x2C30];
	v1 =	vadd.f32 v22, v1  }
0x82: {  	v3 =	vadd.f32 v7, v3;
	v7 =	vld [tilespmem:$0x1FE90];
	v2 =	vadd.f32 v6, v2  }
0x83: {  	v61 =	vld [tilespmem:s21+$0x2800];
	v1 =	vadd.f32 v48, v1  }
0x84: {  	v20 =	vld [tilespmem:s21+$0x3030];
	v0 =	vadd.f32 v14, v0;
	v2 =	vadd.f32 v59, v2  }
0x85: {  	v17 =	vld [tilespmem:s21+$0x2C00];
	v3 =	vadd.f32 v5, v3;
	v1 =	vadd.f32 v35, v1  }
0x86: {  	v18 =	vld [tilespmem:s21+$0x3000];
	v0 =	vadd.f32 v60, v0;
	v2 =	vadd.f32 v49, v2  }
0x87: {  	v3 =	vadd.f32 v9, v3;
	v1 =	vadd.f32 v7, v1;
	v7 =	vld [tilespmem:$0x1FEA0]  }
0x88: {  	v36 =	vld [tilespmem:s21+$0x3830];
	v0 =	vadd.f32 v61, v0;
	v2 =	vadd.f32 v24, v2  }
0x89: {  	v21 =	vld [tilespmem:s21+$0x3400];
	v3 =	vadd.f32 v20, v3  }
0x8a: {  	v34 =	vld [tilespmem:s21+$0x3C30];
	v0 =	vadd.f32 v17, v0;
	v2 =	vadd.f32 v32, v2  }
0x8b: {  	v23 =	vld [tilespmem:s21+$0x3800];
	v3 =	vadd.f32 v58, v3  }
0x8c: {  	v0 =	vadd.f32 v18, v0;
	v2 =	vadd.f32 v7, v2;
	v7 =	vld [tilespmem:$0x1FEB0]  }
0x8d: {  	v26 =	vld [tilespmem:s21+$0x3C00];
	v3 =	vadd.f32 v36, v3  }
0x8e: {  	v0 =	vadd.f32 v21, v0  }
0x8f: {  	v33 =	vld [tilespmem:s21+$0x4000];
	v6 =	vadd.f32 v34, v3  }
0x90: {  	v0 =	vadd.f32 v23, v0  }
0x91: {  	v6 =	vadd.f32 v7, v6;
	v7 =	vld [tilespmem:$0x1FEC0]  }
0x92: {  	v0 =	vadd.f32 v26, v0;
	_ =	sdelay $0x1  }
0x93: {  	v0 =	vadd.f32 v33, v0;
	_ =	sdelay $0x1  }
0x94: {  	v0 =	vadd.f32 v7, v0;
	v7 =	vld [tilespmem:$0x1FED0];
	_ =	sdelay $0x3  }
0x95: {  	v44 =	vld [tilespmem:s21+$0x5C00]  }
0x96: {  	v11 =	vadd.f32 v7, v1;
	v7 =	vld [tilespmem:$0x1FF00]  }
0x97: {  	v45 =	vld [tilespmem:s21+$0x5C10]  }
0x98: {  	v10 =	vld [tilespmem:$0x1FF40]  }
0x99: {  	v42 =	vld [tilespmem:s21+$0x5C40]  }
0x9a: {  	v46 =	vld [tilespmem:s21+$0x5C50]  }
0x9b: {  	v7 =	vadd.f32 v7, v0;
	v0 =	vld [tilespmem:$0x1FF10]  }
0x9c: {  	v37 =	vld [tilespmem:s21+$0x5800]  }
0x9d: {  	v7 =	vadd.f32 v10, v7;
	v10 =	vld [tilespmem:$0x1FF50]  }
0x9e: {  	v1 =	vld [tilespmem:$0x1FEE0]  }
0x9f: {  	v53 =	vld [tilespmem:s21+$0x5810]  }
0xa0: {  	v11 =	vadd.f32 v0, v11;
	v0 =	vld [tilespmem:$0x1FF20]  }
0xa1: {  	v38 =	vld [tilespmem:s21+$0x5820]  }
0xa2: {  	v11 =	vadd.f32 v10, v11;
	v10 =	vld [tilespmem:$0x1FF60]  }
0xa3: {  	v2 =	vadd.f32 v1, v2;
	v1 =	vld [tilespmem:$0x1FEF0]  }
0xa4: {  	v52 =	vld [tilespmem:s21+$0x5830]  }
0xa5: {  	v2 =	vadd.f32 v0, v2;
	v0 =	vld [tilespmem:$0x1FF30]  }
0xa6: {  	v50 =	vld [tilespmem:s21+$0x5840]  }
0xa7: {  	v2 =	vadd.f32 v10, v2;
	v10 =	vld [tilespmem:$0x1FF70]  }
0xa8: {  	v51 =	vld [tilespmem:s21+$0x5850];
	v6 =	vadd.f32 v1, v6  }
0xa9: {  	v54 =	vld [tilespmem:s21+$0x5420]  }
0xaa: {  	v55 =	vld [tilespmem:s21+$0x5430];
	v6 =	vadd.f32 v0, v6  }
0xab: {  	v41 =	vld [tilespmem:s21+$0x5440]  }
0xac: {  	v6 =	vadd.f32 v10, v6;
	v10 =	vld [tilespmem:$0x1FF80]  }
0xad: {  	v13 =	vld [tilespmem:s21+$0x1C50]  }
0xae: {  	v12 =	vld [tilespmem:s21+$0x1C40]  }
0xaf: {  	v16 =	vld [tilespmem:s21+$0x1840]  }
0xb0: {  	v28 =	vld [tilespmem:s21+$0x850]  }
0xb1: {  	v7 =	vadd.f32 v10, v7;
	v10 =	vld [tilespmem:$0x1FF90]  }
0xb2: {  	v31 =	vld [tilespmem:s21+$0x40]  }
0xb3: {  	v60 =	vld [tilespmem:s21+$0x2C40]  }
0xb4: {  	v29 =	vld [tilespmem:s21+$0x60]  }
0xb5: {  	v61 =	vld [tilespmem:s21+$0x2C50]  }
0xb6: {  	v11 =	vadd.f32 v10, v11;
	v10 =	vld [tilespmem:$0x1FFA0]  }
0xb7: {  	v25 =	vld [tilespmem:s21+$0xC50]  }
0xb8: {  	v17 =	vld [tilespmem:s21+$0x1850]  }
0xb9: {  	v8 =	vld [tilespmem:s21+$0x2040]  }
0xba: {  	v62 =	vld [tilespmem:s21+$0x2840]  }
0xbb: {  	v2 =	vadd.f32 v10, v2;
	v10 =	vld [tilespmem:$0x1FFB0]  }
0xbc: {  	v4 =	vld [tilespmem:s21+$0x2440]  }
0xbd: {  	v5 =	vld [tilespmem:s21+$0x2450]  }
0xbe: {  	v21 =	vld [tilespmem:s21+$0x1040]  }
0xbf: {  	v63 =	vld [tilespmem:s21+$0x2850]  }
0xc0: {  	v6 =	vadd.f32 v10, v6;
	v10 =	vld [tilespmem:$0x1FFC0]  }
0xc1: {  	v9 =	vld [tilespmem:s21+$0x2050]  }
0xc2: {  	v20 =	vld [tilespmem:s21+$0x1450]  }
0xc3: {  	v24 =	vld [tilespmem:s21+$0x1050]  }
0xc4: {  	v32 =	vld [tilespmem:s21+$0x450]  }
0xc5: {  	v47 =	vadd.f32 v10, v7;
	v7 =	vld [tilespmem:$0x1FFD0]  }
0xc6: {  	v35 =	vld [tilespmem:s21+$0x50]  }
0xc7: {  	v3 =	vld [tilespmem:s21+$0x1440]  }
0xc8: {  	v34 =	vld [tilespmem:s21+$0x440]  }
0xc9: {  	v1 =	vld [tilespmem:s21+$0xC40];
	v43 =	vadd.f32 v54, v2  }
0xca: {  	s22 =	simm.s32 $0x200;
	v0 =	vld [tilespmem:s21+$0x840];
	v30 =	vadd.f32 v55, v6;
	v36 =	vadd.f32 v7, v11  }
.LBB2_3:
0xcb: {  	v7 =	vld [tilespmem:$0x1FD40];
	_ =	sdelay $0x2  }
0xcc: {  	v11 =	vadd.f32 v38, v43;
	_ =	sdelay $0x1  }
0xcd: {  	v7 =	vadd.f32 v7, v11;
	_ =	sdelay $0x1  }
0xce: {  	[tilespmem:$0x1FBC0] =	vst v7;
	v7 =	vld [tilespmem:$0x1FD50];
	_ =	sdelay $0x2  }
0xcf: {  	v15 =	vadd.f32 v52, v30;
	_ =	sdelay $0x1  }
0xd0: {  	v7 =	vadd.f32 v7, v15;
	_ =	sdelay $0x1  }
0xd1: {  	v15 =	vadd.f32 v31, v40;
	[tilespmem:$0x1FBD0] =	vst v7;
	v7 =	vld [tilespmem:$0x1FD10];
	_ =	sdelay $0x1  }
0xd2: {  	v15 =	vadd.f32 v34, v15;
	_ =	sdelay $0x1  }
0xd3: {  	v0 =	vadd.f32 v0, v15  }
0xd4: {  	v19 =	vadd.f32 v35, v7  }
0xd5: {  	v0 =	vadd.f32 v1, v0  }
0xd6: {  	v19 =	vadd.f32 v32, v19  }
0xd7: {  	v0 =	vadd.f32 v21, v0  }
0xd8: {  	v7 =	vld [tilespmem:$0x1FD20];
	v15 =	vadd.f32 v28, v19  }
0xd9: {  	v0 =	vadd.f32 v3, v0  }
0xda: {  	v1 =	vadd.f32 v25, v15  }
0xdb: {  	v0 =	vadd.f32 v16, v0  }
0xdc: {  	v2 =	vld [tilespmem:s21+$0x70];
	v1 =	vadd.f32 v24, v1  }
0xdd: {  	v23 =	vadd.f32 v29, v7;
	v7 =	vld [tilespmem:$0x1FD30];
	v0 =	vadd.f32 v12, v0  }
0xde: {  	v1 =	vadd.f32 v20, v1  }
0xdf: {  	v6 =	vadd.f32 v37, v47;
	v14 =	vld [tilespmem:s21+$0x460];
	v0 =	vadd.f32 v8, v0  }
0xe0: {  	v10 =	vadd.f32 v53, v36;
	v18 =	vld [tilespmem:s21+$0x470];
	v1 =	vadd.f32 v17, v1  }
0xe1: {  	v22 =	vld [tilespmem:s21+$0x870];
	v6 =	vadd.f32 v44, v6;
	v0 =	vadd.f32 v4, v0  }
0xe2: {  	v2 =	vadd.f32 v2, v7;
	v7 =	vld [tilespmem:$0x1FE70];
	v1 =	vadd.f32 v13, v1  }
0xe3: {  	v26 =	vld [tilespmem:s21+$0xC60];
	[tilespmem:$0x1FBA0] =	vst v6;
	v6 =	vadd.f32 v45, v10;
	v0 =	vadd.f32 v62, v0  }
0xe4: {  	v27 =	vld [tilespmem:s21+$0xC70];
	v1 =	vadd.f32 v9, v1  }
0xe5: {  	[tilespmem:$0x1FBB0] =	vst v6;
	v6 =	vld [tilespmem:s21+$0x860];
	v0 =	vadd.f32 v60, v0  }
0xe6: {  	v21 =	vld [tilespmem:s21+$0x1870];
	v1 =	vadd.f32 v5, v1  }
0xe7: {  	v0 =	vadd.f32 v7, v0;
	v7 =	vld [tilespmem:$0x1FE80]  }
0xe8: {  	v3 =	vld [tilespmem:s21+$0x1C70];
	v1 =	vadd.f32 v63, v1  }
0xe9: {  	v19 =	vld [tilespmem:s21+$0x1070]  }
0xea: {  	v16 =	vld [tilespmem:s21+$0x2460];
	v2 =	vadd.f32 v18, v2;
	v1 =	vadd.f32 v61, v1  }
0xeb: {  	v14 =	vadd.f32 v14, v23;
	v18 =	vld [tilespmem:s21+$0x1060]  }
0xec: {  	v2 =	vadd.f32 v22, v2;
	v1 =	vadd.f32 v7, v1;
	v7 =	vld [tilespmem:$0x1FE50]  }
0xed: {  	v15 =	vld [tilespmem:s21+$0x1470];
	v6 =	vadd.f32 v6, v14  }
0xee: {  	v14 =	vld [tilespmem:s21+$0x1460];
	v2 =	vadd.f32 v27, v2  }
0xef: {  	v12 =	vld [tilespmem:s21+$0x2470];
	v6 =	vadd.f32 v26, v6  }
0xf0: {  	v22 =	vld [tilespmem:s21+$0x1860];
	v2 =	vadd.f32 v19, v2  }
0xf1: {  	v6 =	vadd.f32 v18, v6;
	v0 =	vadd.f32 v7, v0;
	v7 =	vld [tilespmem:$0x1FE60]  }
0xf2: {  	v18 =	vld [tilespmem:s21+$0x1C60];
	v2 =	vadd.f32 v15, v2  }
0xf3: {  	v6 =	vadd.f32 v14, v6;
	v15 =	vld [tilespmem:s21+$0x2070]  }
0xf4: {  	v14 =	vld [tilespmem:s21+$0x2060];
	v2 =	vadd.f32 v21, v2  }
0xf5: {  	v8 =	vld [tilespmem:s21+$0x2870];
	v6 =	vadd.f32 v22, v6  }
0xf6: {  	v2 =	vadd.f32 v3, v2;
	v1 =	vadd.f32 v7, v1;
	v7 =	vld [tilespmem:$0x1FE30]  }
0xf7: {  	v4 =	vld [tilespmem:s21+$0x2C70];
	v6 =	vadd.f32 v18, v6  }
0xf8: {  	v3 =	vld [tilespmem:s21+$0x2860];
	v2 =	vadd.f32 v15, v2  }
0xf9: {  	v9 =	vld [tilespmem:s21+$0x2C60];
	v6 =	vadd.f32 v14, v6  }
0xfa: {  	v2 =	vadd.f32 v12, v2;
	v12 =	vld [tilespmem:s21+$0x3070]  }
0xfb: {  	v5 =	vadd.f32 v16, v6;
	v0 =	vadd.f32 v7, v0;
	v7 =	vld [tilespmem:$0x1FE40]  }
0xfc: {  	v2 =	vadd.f32 v8, v2  }
0xfd: {  	v3 =	vadd.f32 v3, v5;
	v8 =	vld [tilespmem:s21+$0x3470]  }
0xfe: {  	v2 =	vadd.f32 v4, v2  }
0xff: {  	v3 =	vadd.f32 v9, v3;
	v9 =	vld [tilespmem:s21+$0x3870]  }
0x100: {  	v2 =	vadd.f32 v12, v2;
	v1 =	vadd.f32 v7, v1;
	v7 =	vld [tilespmem:$0x1FE10]  }
0x101: {  	v12 =	vld [tilespmem:s21+$0x3C70]  }
0x102: {  	v2 =	vadd.f32 v8, v2  }
0x103: {  	v8 =	vld [tilespmem:s21+$0x4070]  }
0x104: {  	v2 =	vadd.f32 v9, v2  }
0x105: {  	v0 =	vadd.f32 v7, v0;
	v7 =	vld [tilespmem:$0x1FE20]  }
0x106: {  	v9 =	vld [tilespmem:$0x1FDF0];
	v2 =	vadd.f32 v12, v2;
	_ =	sdelay $0x1  }
0x107: {  	v2 =	vadd.f32 v8, v2;
	v8 =	vld [tilespmem:$0x1FDD0]  }
0x108: {  	v6 =	vld [tilespmem:s21+$0x3060]  }
0x109: {  	v1 =	vadd.f32 v7, v1;
	v7 =	vld [tilespmem:s21+$0x4470]  }
0x10a: {  	v0 =	vadd.f32 v9, v0;
	v9 =	vld [tilespmem:$0x1FE00]  }
0x10b: {  	v5 =	vld [tilespmem:s21+$0x3460]  }
0x10c: {  	v0 =	vadd.f32 v8, v0;
	v8 =	vld [tilespmem:$0x1FDE0]  }
0x10d: {  	v4 =	vld [tilespmem:s21+$0x3860]  }
0x10e: {  	v2 =	vadd.f32 v7, v2;
	v7 =	vld [tilespmem:$0x1FDB0]  }
0x10f: {  	v1 =	vadd.f32 v9, v1;
	v9 =	vld [tilespmem:s21+$0x4870]  }
0x110: {  	v3 =	vadd.f32 v6, v3;
	v6 =	vld [tilespmem:s21+$0x3C60]  }
0x111: {  	v1 =	vadd.f32 v8, v1;
	v8 =	vld [tilespmem:s21+$0x4C70]  }
0x112: {  	v3 =	vadd.f32 v5, v3;
	v5 =	vld [tilespmem:s21+$0x4060]  }
0x113: {  	v0 =	vadd.f32 v7, v0;
	v7 =	vld [tilespmem:$0x1FDC0]  }
0x114: {  	v2 =	vadd.f32 v9, v2;
	v9 =	vld [tilespmem:$0x1FD90]  }
0x115: {  	v3 =	vadd.f32 v4, v3;
	v4 =	vld [tilespmem:s21+$0x4460]  }
0x116: {  	v2 =	vadd.f32 v8, v2;
	v8 =	vld [tilespmem:$0x1FD70]  }
0x117: {  	v3 =	vadd.f32 v6, v3;
	v6 =	vld [tilespmem:s21+$0x4860]  }
0x118: {  	v1 =	vadd.f32 v7, v1;
	v7 =	vld [tilespmem:s21+$0x5070]  }
0x119: {  	v3 =	vadd.f32 v5, v3;
	v0 =	vadd.f32 v9, v0;
	v9 =	vld [tilespmem:$0x1FDA0]  }
0x11a: {  	v5 =	vld [tilespmem:s21+$0x4C60]  }
0x11b: {  	v3 =	vadd.f32 v4, v3;
	v0 =	vadd.f32 v8, v0;
	v8 =	vld [tilespmem:$0x1FD80]  }
0x11c: {  	v4 =	vld [tilespmem:s21+$0x5060]  }
0x11d: {  	v3 =	vadd.f32 v6, v3;
	v2 =	vadd.f32 v7, v2;
	v7 =	vld [tilespmem:$0x1FD60]  }
0x11e: {  	v6 =	vld [tilespmem:s21+$0x5460];
	v1 =	vadd.f32 v9, v1  }
0x11f: {  	v3 =	vadd.f32 v5, v3  }
0x120: {  	v5 =	vld [tilespmem:s21+$0x5860];
	v1 =	vadd.f32 v8, v1  }
0x121: {  	v3 =	vadd.f32 v4, v3;
	v0 =	vadd.f32 v41, v0;
	v9 =	vld [tilespmem:s21+$0x5470]  }
0x122: {  	v4 =	vld [tilespmem:s21+$0x5C60];
	v1 =	vadd.f32 v7, v1  }
0x123: {  	v3 =	vadd.f32 v6, v3;
	v0 =	vadd.f32 v50, v0;
	v8 =	vld [tilespmem:s21+$0x5870]  }
0x124: {  	v1 =	vadd.f32 v51, v1  }
0x125: {  	v3 =	vadd.f32 v5, v3;
	v57 =	vadd.f32 v42, v0;
	v7 =	vld [tilespmem:s21+$0x5C70]  }
0x126: {  	v2 =	vadd.f32 v9, v2;
	v0 =	vadd.f32 v46, v1;
	_ =	sdelay $0x1  }
0x127: {  	v2 =	vadd.f32 v8, v2;
	[tilespmem:$0x1FD10] =	vst v0;
	v0 =	vadd.f32 v4, v3;
	_ =	sdelay $0x1  }
0x128: {  	[tilespmem:$0x1FD20] =	vst v0;
	v0 =	vadd.f32 v7, v2  }
0x129: {  	s21 =	sshra.s32 s22, $0x2  }
0x12a: {  	[tilespmem:$0x1FD30] =	vst v0;
	v0 =	vld [tilespmem:s21+$0x5400];
	_ =	sdelay $0x4  }
0x12b: {  	[tilespmem:$0x1FCD0] =	vst v0;
	v0 =	vld [tilespmem:s21+$0x5410];
	_ =	sdelay $0x4  }
0x12c: {  	[tilespmem:$0x1FCE0] =	vst v0;
	v0 =	vld [tilespmem:s21+$0x5420];
	_ =	sdelay $0x4  }
0x12d: {  	[tilespmem:$0x1FCF0] =	vst v0;
	v0 =	vld [tilespmem:s21+$0x5430];
	_ =	sdelay $0x4  }
0x12e: {  	[tilespmem:$0x1FD00] =	vst v0;
	v0 =	vld [tilespmem:s21+$0x5450];
	_ =	sdelay $0x4  }
0x12f: {  	[tilespmem:$0x1FD60] =	vst v0;
	v0 =	vld [tilespmem:s21+$0x5000];
	_ =	sdelay $0x4  }
0x130: {  	[tilespmem:$0x1FC90] =	vst v0;
	v0 =	vld [tilespmem:s21+$0x5010];
	_ =	sdelay $0x4  }
0x131: {  	[tilespmem:$0x1FCA0] =	vst v0;
	v0 =	vld [tilespmem:s21+$0x5020];
	_ =	sdelay $0x4  }
0x132: {  	[tilespmem:$0x1FCB0] =	vst v0;
	v0 =	vld [tilespmem:s21+$0x5030];
	_ =	sdelay $0x4  }
0x133: {  	[tilespmem:$0x1FCC0] =	vst v0;
	v0 =	vld [tilespmem:s21+$0x5040];
	_ =	sdelay $0x4  }
0x134: {  	[tilespmem:$0x1FD70] =	vst v0;
	v0 =	vld [tilespmem:s21+$0x5050];
	_ =	sdelay $0x4  }
0x135: {  	[tilespmem:$0x1FD80] =	vst v0;
	v0 =	vld [tilespmem:s21+$0x4C00];
	_ =	sdelay $0x4  }
0x136: {  	[tilespmem:$0x1FC50] =	vst v0;
	v0 =	vld [tilespmem:s21+$0x4C10];
	_ =	sdelay $0x4  }
0x137: {  	[tilespmem:$0x1FC60] =	vst v0;
	v0 =	vld [tilespmem:s21+$0x4C20];
	_ =	sdelay $0x4  }
0x138: {  	[tilespmem:$0x1FC70] =	vst v0;
	v0 =	vld [tilespmem:s21+$0x4C30];
	_ =	sdelay $0x4  }
0x139: {  	[tilespmem:$0x1FC80] =	vst v0;
	v0 =	vld [tilespmem:s21+$0x4C40];
	_ =	sdelay $0x4  }
0x13a: {  	[tilespmem:$0x1FD90] =	vst v0;
	v0 =	vld [tilespmem:s21+$0x4C50];
	_ =	sdelay $0x4  }
0x13b: {  	[tilespmem:$0x1FDA0] =	vst v0;
	v0 =	vld [tilespmem:s21+$0x4800];
	_ =	sdelay $0x4  }
0x13c: {  	[tilespmem:$0x1FC10] =	vst v0;
	v0 =	vld [tilespmem:s21+$0x4810];
	_ =	sdelay $0x4  }
0x13d: {  	[tilespmem:$0x1FC20] =	vst v0;
	v0 =	vld [tilespmem:s21+$0x4820];
	_ =	sdelay $0x4  }
0x13e: {  	[tilespmem:$0x1FC30] =	vst v0;
	v0 =	vld [tilespmem:s21+$0x4830];
	_ =	sdelay $0x4  }
0x13f: {  	[tilespmem:$0x1FC40] =	vst v0;
	v0 =	vld [tilespmem:s21+$0x4840];
	_ =	sdelay $0x4  }
0x140: {  	[tilespmem:$0x1FDB0] =	vst v0;
	v0 =	vld [tilespmem:s21+$0x4850];
	_ =	sdelay $0x4  }
0x141: {  	[tilespmem:$0x1FDC0] =	vst v0;
	v0 =	vld [tilespmem:s21+$0x4400];
	_ =	sdelay $0x4  }
0x142: {  	[tilespmem:$0x1FBE0] =	vst v0;
	v0 =	vld [tilespmem:s21+$0x4410];
	_ =	sdelay $0x4  }
0x143: {  	[tilespmem:$0x1FBF0] =	vst v0;
	v0 =	vld [tilespmem:s21+$0x4420];
	_ =	sdelay $0x4  }
0x144: {  	[tilespmem:$0x1FC00] =	vst v0;
	v0 =	vld [tilespmem:s21+$0x4440];
	_ =	sdelay $0x4  }
0x145: {  	[tilespmem:$0x1FDD0] =	vst v0;
	v0 =	vld [tilespmem:s21+$0x4450];
	_ =	sdelay $0x4  }
0x146: {  	[tilespmem:$0x1FDE0] =	vst v0;
	v0 =	vld [tilespmem:s21+$0x4040];
	_ =	sdelay $0x4  }
0x147: {  	[tilespmem:$0x1FDF0] =	vst v0;
	v0 =	vld [tilespmem:s21+$0x4050];
	_ =	sdelay $0x4  }
0x148: {  	[tilespmem:$0x1FE00] =	vst v0;
	v0 =	vld [tilespmem:s21+$0x3C40];
	_ =	sdelay $0x3  }
0x149: {  	v6 =	vld [tilespmem:s21+$0x5C20]  }
0x14a: {  	[tilespmem:$0x1FE10] =	vst v0;
	v0 =	vld [tilespmem:s21+$0x3C50]  }
0x14b: {  	v5 =	vld [tilespmem:s21+$0x5C30]  }
0x14c: {  	v59 =	vld [tilespmem:s21+$0x4430]  }
0x14d: {  	v47 =	vld [tilespmem:s21+$0x4020]  }
0x14e: {  	v30 =	vld [tilespmem:s21+$0x3C20]  }
0x14f: {  	[tilespmem:$0x1FE20] =	vst v0;
	v0 =	vld [tilespmem:s21+$0x3840]  }
0x150: {  	v26 =	vld [tilespmem:s21+$0x3C30]  }
0x151: {  	v21 =	vld [tilespmem:s21+$0x3820]  }
0x152: {  	v29 =	vld [tilespmem:s21+$0x3830]  }
0x153: {  	v13 =	vld [tilespmem:s21+$0x3420]  }
0x154: {  	[tilespmem:$0x1FE30] =	vst v0;
	v0 =	vld [tilespmem:s21+$0x3850]  }
0x155: {  	v33 =	vld [tilespmem:s21+$0x3430]  }
0x156: {  	v9 =	vld [tilespmem:s21+$0x3020]  }
0x157: {  	v61 =	vld [tilespmem:s21+$0x2800]  }
0x158: {  	v62 =	vld [tilespmem:s21+$0x2810]  }
0x159: {  	[tilespmem:$0x1FE40] =	vst v0;
	v0 =	vld [tilespmem:s21+$0x3440]  }
0x15a: {  	v60 =	vld [tilespmem:s21+$0x2400]  }
0x15b: {  	v37 =	vld [tilespmem:s21+$0x2010]  }
0x15c: {  	v39 =	vld [tilespmem:s21+$0x1C00]  }
0x15d: {  	v40 =	vld [tilespmem:s21+$0x1C10]  }
0x15e: {  	[tilespmem:$0x1FE50] =	vst v0;
	v0 =	vld [tilespmem:s21+$0x3450]  }
0x15f: {  	v38 =	vld [tilespmem:s21+$0x1800]  }
0x160: {  	v41 =	vld [tilespmem:s21+$0x1810]  }
0x161: {  	v42 =	vld [tilespmem:s21+$0x1400]  }
0x162: {  	v44 =	vld [tilespmem:s21+$0x1410]  }
0x163: {  	[tilespmem:$0x1FE60] =	vst v0;
	v0 =	vld [tilespmem:s21+$0x3040]  }
0x164: {  	v45 =	vld [tilespmem:s21+$0x1000]  }
0x165: {  	v50 =	vld [tilespmem:s21+$0xC00]  }
0x166: {  	v52 =	vld [tilespmem:s21+$0x800]  }
0x167: {  	v11 =	vld [tilespmem:s21+$0x810]  }
0x168: {  	[tilespmem:$0x1FE70] =	vst v0;
	v0 =	vld [tilespmem:s21+$0x3050]  }
0x169: {  	v15 =	vld [tilespmem:s21+$0x400]  }
0x16a: {  	v18 =	vld [tilespmem:s21+$0x410]  }
0x16b: {  	v19 =	vld [tilespmem:s21+$0x0]  }
0x16c: {  	v10 =	vld [tilespmem:s21+$0x20]  }
0x16d: {  	[tilespmem:$0x1FE80] =	vst v0;
	v0 =	vld [tilespmem:$0x1FBA0]  }
0x16e: {  	v2 =	vld [tilespmem:$0x1FBC0]  }
0x16f: {  	v53 =	vld [tilespmem:s21+$0x10]  }
0x170: {  	v14 =	vld [tilespmem:s21+$0x30]  }
0x171: {  	v54 =	vld [tilespmem:s21+$0x420]  }
0x172: {  	v19 =	vadd.f32 v19, v0;
	v0 =	vld [tilespmem:$0x1FBB0]  }
0x173: {  	v10 =	vadd.f32 v10, v2;
	v2 =	vld [tilespmem:$0x1FBD0]  }
0x174: {  	v55 =	vld [tilespmem:s21+$0x430]  }
0x175: {  	v51 =	vld [tilespmem:s21+$0xC10]  }
0x176: {  	v1 =	vld [tilespmem:s21+$0x820]  }
0x177: {  	v53 =	vadd.f32 v53, v0;
	v0 =	vld [tilespmem:s21+$0x830]  }
0x178: {  	v10 =	vadd.f32 v54, v10;
	v14 =	vadd.f32 v14, v2;
	v2 =	vld [tilespmem:s21+$0xC20]  }
0x179: {  	v15 =	vadd.f32 v15, v19;
	v19 =	vld [tilespmem:s21+$0xC30];
	v18 =	vadd.f32 v18, v53  }
0x17a: {  	v14 =	vadd.f32 v55, v14;
	v53 =	vld [tilespmem:s21+$0x1020]  }
0x17b: {  	v1 =	vadd.f32 v1, v10;
	v11 =	vadd.f32 v11, v18;
	v18 =	vld [tilespmem:s21+$0x1030]  }
0x17c: {  	v10 =	vld [tilespmem:s21+$0x1420];
	v0 =	vadd.f32 v0, v14  }
0x17d: {  	v46 =	vld [tilespmem:s21+$0x1010];
	v1 =	vadd.f32 v2, v1  }
0x17e: {  	v2 =	vld [tilespmem:s21+$0x1820];
	v0 =	vadd.f32 v19, v0  }
0x17f: {  	v7 =	vld [tilespmem:s21+$0x2000];
	v15 =	vadd.f32 v52, v15;
	v1 =	vadd.f32 v53, v1  }
0x180: {  	v0 =	vadd.f32 v18, v0;
	v18 =	vld [tilespmem:s21+$0x1C20]  }
0x181: {  	v14 =	vadd.f32 v50, v15;
	v15 =	vld [tilespmem:s21+$0x1430];
	v1 =	vadd.f32 v10, v1  }
0x182: {  	v11 =	vadd.f32 v51, v11;
	v10 =	vld [tilespmem:s21+$0x2020]  }
0x183: {  	v14 =	vadd.f32 v45, v14;
	v19 =	vld [tilespmem:s21+$0x1830];
	v1 =	vadd.f32 v2, v1  }
0x184: {  	v11 =	vadd.f32 v46, v11;
	v2 =	vld [tilespmem:s21+$0x2420]  }
0x185: {  	v55 =	vld [tilespmem:s21+$0x1C30];
	v14 =	vadd.f32 v42, v14;
	v1 =	vadd.f32 v18, v1  }
0x186: {  	v11 =	vadd.f32 v44, v11;
	v0 =	vadd.f32 v15, v0;
	v18 =	vld [tilespmem:s21+$0x2820]  }
0x187: {  	v14 =	vadd.f32 v38, v14;
	v15 =	vld [tilespmem:s21+$0x2030];
	v1 =	vadd.f32 v10, v1  }
0x188: {  	v11 =	vadd.f32 v41, v11;
	v0 =	vadd.f32 v19, v0;
	v10 =	vld [tilespmem:s21+$0x2C20]  }
0x189: {  	v14 =	vadd.f32 v39, v14;
	v19 =	vld [tilespmem:s21+$0x2430];
	v1 =	vadd.f32 v2, v1  }
0x18a: {  	v63 =	vld [tilespmem:s21+$0x2410];
	v11 =	vadd.f32 v40, v11;
	v0 =	vadd.f32 v55, v0  }
0x18b: {  	v7 =	vadd.f32 v7, v14;
	v14 =	vld [tilespmem:s21+$0x2830];
	v1 =	vadd.f32 v18, v1  }
0x18c: {  	[tilespmem:$0x1FD40] =	vst v6;
	v6 =	vld [tilespmem:s21+$0x3030];
	v0 =	vadd.f32 v15, v0  }
0x18d: {  	v11 =	vadd.f32 v37, v11;
	v15 =	vld [tilespmem:s21+$0x2C30];
	v1 =	vadd.f32 v10, v1  }
0x18e: {  	[tilespmem:$0x1FD50] =	vst v5;
	v5 =	vld [tilespmem:s21+$0x2C10];
	v7 =	vadd.f32 v60, v7;
	v0 =	vadd.f32 v19, v0  }
0x18f: {  	v4 =	vld [tilespmem:s21+$0x2C00];
	v11 =	vadd.f32 v63, v11;
	v1 =	vadd.f32 v9, v1  }
0x190: {  	v36 =	vld [tilespmem:s21+$0x3010];
	v2 =	vadd.f32 v61, v7;
	v0 =	vadd.f32 v14, v0  }
0x191: {  	v8 =	vld [tilespmem:s21+$0x3000];
	v7 =	vadd.f32 v62, v11;
	v1 =	vadd.f32 v13, v1  }
0x192: {  	v32 =	vld [tilespmem:s21+$0x3410];
	v0 =	vadd.f32 v15, v0  }
0x193: {  	v12 =	vld [tilespmem:s21+$0x3400];
	v7 =	vadd.f32 v5, v7;
	v1 =	vadd.f32 v21, v1  }
0x194: {  	v2 =	vadd.f32 v4, v2;
	v10 =	vld [tilespmem:$0x1FC00];
	v0 =	vadd.f32 v6, v0  }
0x195: {  	v20 =	vld [tilespmem:s21+$0x3800];
	v7 =	vadd.f32 v36, v7;
	v1 =	vadd.f32 v30, v1  }
0x196: {  	v11 =	vld [tilespmem:$0x1FC30];
	v2 =	vadd.f32 v8, v2;
	v0 =	vadd.f32 v33, v0  }
0x197: {  	v35 =	vld [tilespmem:s21+$0x4030];
	v6 =	vadd.f32 v32, v7;
	v7 =	vadd.f32 v47, v1  }
0x198: {  	v27 =	vld [tilespmem:s21+$0x3C00];
	v0 =	vadd.f32 v29, v0  }
0x199: {  	v48 =	vld [tilespmem:s21+$0x4000];
	v2 =	vadd.f32 v12, v2;
	v7 =	vadd.f32 v10, v7  }
0x19a: {  	v28 =	vld [tilespmem:s21+$0x3810];
	v0 =	vadd.f32 v26, v0  }
0x19b: {  	v2 =	vadd.f32 v20, v2;
	v7 =	vadd.f32 v11, v7;
	v11 =	vld [tilespmem:$0x1FC40]  }
0x19c: {  	v1 =	vld [tilespmem:$0x1FBE0];
	v0 =	vadd.f32 v35, v0  }
0x19d: {  	v25 =	vld [tilespmem:s21+$0x3C10];
	v2 =	vadd.f32 v27, v2  }
0x19e: {  	v10 =	vadd.f32 v59, v0;
	v0 =	vld [tilespmem:$0x1FC10]  }
0x19f: {  	v43 =	vld [tilespmem:s21+$0x4010];
	v2 =	vadd.f32 v48, v2  }
0x1a0: {  	v6 =	vadd.f32 v28, v6;
	v10 =	vadd.f32 v11, v10;
	v11 =	vld [tilespmem:$0x1FC50]  }
0x1a1: {  	v2 =	vadd.f32 v1, v2;
	v1 =	vld [tilespmem:$0x1FBF0]  }
0x1a2: {  	v6 =	vadd.f32 v25, v6  }
0x1a3: {  	v2 =	vadd.f32 v0, v2;
	v0 =	vld [tilespmem:$0x1FC20]  }
0x1a4: {  	v6 =	vadd.f32 v43, v6  }
0x1a5: {  	v2 =	vadd.f32 v11, v2;
	v11 =	vld [tilespmem:$0x1FC60]  }
0x1a6: {  	v6 =	vadd.f32 v1, v6;
	_ =	sdelay $0x1  }
0x1a7: {  	v6 =	vadd.f32 v0, v6;
	_ =	sdelay $0x1  }
0x1a8: {  	v6 =	vadd.f32 v11, v6;
	v11 =	vld [tilespmem:$0x1FC70];
	_ =	sdelay $0x4  }
0x1a9: {  	v7 =	vadd.f32 v11, v7;
	v11 =	vld [tilespmem:$0x1FC80];
	_ =	sdelay $0x1  }
0x1aa: {  	v49 =	vld [tilespmem:s21+$0x5C00]  }
0x1ab: {  	v34 =	vld [tilespmem:s21+$0x5C10]  }
0x1ac: {  	v58 =	vld [tilespmem:s21+$0x5C40]  }
0x1ad: {  	v10 =	vadd.f32 v11, v10;
	v11 =	vld [tilespmem:$0x1FC90]  }
0x1ae: {  	v24 =	vld [tilespmem:s21+$0x5C50]  }
0x1af: {  	v56 =	vld [tilespmem:s21+$0x5800]  }
0x1b0: {  	v23 =	vld [tilespmem:s21+$0x5810]  }
0x1b1: {  	v31 =	vld [tilespmem:s21+$0x5820]  }
0x1b2: {  	v2 =	vadd.f32 v11, v2;
	v11 =	vld [tilespmem:$0x1FCA0]  }
0x1b3: {  	v3 =	vld [tilespmem:s21+$0x5830]  }
0x1b4: {  	v17 =	vld [tilespmem:s21+$0x5840]  }
0x1b5: {  	v16 =	vld [tilespmem:s21+$0x5850]  }
0x1b6: {  	v22 =	vld [tilespmem:s21+$0x5440]  }
0x1b7: {  	v6 =	vadd.f32 v11, v6;
	v11 =	vld [tilespmem:$0x1FCB0]  }
0x1b8: {  	v52 =	vmov v3;
	v3 =	vld [tilespmem:s21+$0x1440]  }
0x1b9: {  	v50 =	vmov v17;
	v17 =	vld [tilespmem:s21+$0x1850]  }
0x1ba: {  	v51 =	vmov v16;
	v16 =	vld [tilespmem:s21+$0x1840]  }
0x1bb: {  	v45 =	vmov v34;
	v34 =	vld [tilespmem:s21+$0x440]  }
0x1bc: {  	v7 =	vadd.f32 v11, v7;
	v11 =	vld [tilespmem:$0x1FCC0]  }
0x1bd: {  	v46 =	vmov v24;
	v24 =	vld [tilespmem:s21+$0x1050]  }
0x1be: {  	v38 =	vmov v31;
	v31 =	vld [tilespmem:s21+$0x40]  }
0x1bf: {  	v60 =	vld [tilespmem:s21+$0x2C40]  }
0x1c0: {  	v63 =	vld [tilespmem:s21+$0x2850]  }
0x1c1: {  	v10 =	vadd.f32 v11, v10;
	v11 =	vld [tilespmem:$0x1FCD0]  }
0x1c2: {  	v61 =	vld [tilespmem:s21+$0x2C50]  }
0x1c3: {  	v62 =	vld [tilespmem:s21+$0x2840]  }
0x1c4: {  	v4 =	vld [tilespmem:s21+$0x2440]  }
0x1c5: {  	v5 =	vld [tilespmem:s21+$0x2450]  }
0x1c6: {  	v47 =	vadd.f32 v11, v2;
	v2 =	vld [tilespmem:$0x1FCE0]  }
0x1c7: {  	v8 =	vld [tilespmem:s21+$0x2040]  }
0x1c8: {  	v9 =	vld [tilespmem:s21+$0x2050]  }
0x1c9: {  	v12 =	vld [tilespmem:s21+$0x1C40]  }
0x1ca: {  	v13 =	vld [tilespmem:s21+$0x1C50]  }
0x1cb: {  	v36 =	vadd.f32 v2, v6;
	v2 =	vld [tilespmem:$0x1FCF0]  }
0x1cc: {  	v32 =	vld [tilespmem:s21+$0x450]  }
0x1cd: {  	v20 =	vld [tilespmem:s21+$0x1450]  }
0x1ce: {  	v21 =	vld [tilespmem:s21+$0x1040]  }
0x1cf: {  	v28 =	vld [tilespmem:s21+$0x850]  }
0x1d0: {  	p0 =	sne.s32 s22, $0xE00;
	v43 =	vadd.f32 v2, v7;
	v2 =	vld [tilespmem:$0x1FD00]  }
.Ltmp0:
0x1d1: {  	v29 =	vld [tilespmem:s21+$0x60];
	(pc) =	sbr.rel @p0 .LBB2_3-.Ltmp0, $4  }
0x1d2: {  	v25 =	vld [tilespmem:s21+$0xC50]  }
0x1d3: {  	v35 =	vld [tilespmem:s21+$0x50]  }
0x1d4: {  	v53 =	vmov v23;
	v42 =	vmov v58;
	v1 =	vld [tilespmem:s21+$0xC40]  }
0x1d5: {  	s22 =	sadd.s32 $0x200, s22;
	v44 =	vmovc v49;
	v41 =	vmovc v22;
	v40 =	vmov v57;
	v37 =	vmov v56;
	v0 =	vld [tilespmem:s21+$0x840];
	v30 =	vadd.f32 v2, v10  }
0x1d6: {  	v27 =	vld [tilespmem:s21+$0x1C70];
	_ =	sdelay $0x4  }
0x1d7: {  	[tilespmem:$0x1F7C0] =	vst v27;
	v27 =	vld [tilespmem:s21+$0x2060];
	_ =	sdelay $0x4  }
0x1d8: {  	[tilespmem:$0x1F7D0] =	vst v27;
	v27 =	vld [tilespmem:s21+$0x2070];
	_ =	sdelay $0x4  }
0x1d9: {  	[tilespmem:$0x1F7E0] =	vst v27;
	v27 =	vld [tilespmem:s21+$0x2460];
	_ =	sdelay $0x4  }
0x1da: {  	[tilespmem:$0x1F810] =	vst v27;
	v27 =	vld [tilespmem:s21+$0x2470];
	_ =	sdelay $0x4  }
0x1db: {  	[tilespmem:$0x1F820] =	vst v27;
	v27 =	vld [tilespmem:s21+$0x2860];
	_ =	sdelay $0x4  }
0x1dc: {  	[tilespmem:$0x1F830] =	vst v27;
	v27 =	vld [tilespmem:s21+$0x2870];
	_ =	sdelay $0x4  }
0x1dd: {  	[tilespmem:$0x1F840] =	vst v27;
	v27 =	vld [tilespmem:s21+$0x2C60];
	_ =	sdelay $0x4  }
0x1de: {  	[tilespmem:$0x1F850] =	vst v27;
	v27 =	vld [tilespmem:s21+$0x2C70];
	_ =	sdelay $0x4  }
0x1df: {  	[tilespmem:$0x1F860] =	vst v27;
	v27 =	vld [tilespmem:s21+$0x3060];
	_ =	sdelay $0x4  }
0x1e0: {  	[tilespmem:$0x1F870] =	vst v27;
	v27 =	vld [tilespmem:s21+$0x3070];
	_ =	sdelay $0x4  }
0x1e1: {  	[tilespmem:$0x1F880] =	vst v27;
	v27 =	vld [tilespmem:s21+$0x3460];
	_ =	sdelay $0x4  }
0x1e2: {  	[tilespmem:$0x1F890] =	vst v27;
	v27 =	vld [tilespmem:s21+$0x3470];
	_ =	sdelay $0x4  }
0x1e3: {  	[tilespmem:$0x1F8A0] =	vst v27;
	v27 =	vld [tilespmem:s21+$0x3860];
	_ =	sdelay $0x4  }
0x1e4: {  	[tilespmem:$0x1F8B0] =	vst v27;
	v27 =	vld [tilespmem:s21+$0x3870];
	_ =	sdelay $0x4  }
0x1e5: {  	[tilespmem:$0x1F8C0] =	vst v27;
	v27 =	vld [tilespmem:s21+$0x3C60];
	_ =	sdelay $0x4  }
0x1e6: {  	[tilespmem:$0x1F8D0] =	vst v27;
	v27 =	vld [tilespmem:s21+$0x3C70];
	_ =	sdelay $0x4  }
0x1e7: {  	[tilespmem:$0x1F8E0] =	vst v27;
	v27 =	vld [tilespmem:s21+$0x4060];
	_ =	sdelay $0x4  }
0x1e8: {  	[tilespmem:$0x1F8F0] =	vst v27;
	v27 =	vld [tilespmem:s21+$0x4070];
	_ =	sdelay $0x4  }
0x1e9: {  	[tilespmem:$0x1F900] =	vst v27;
	v27 =	vld [tilespmem:s21+$0x4460];
	_ =	sdelay $0x4  }
0x1ea: {  	[tilespmem:$0x1F910] =	vst v27;
	v27 =	vld [tilespmem:s21+$0x4470];
	_ =	sdelay $0x4  }
0x1eb: {  	[tilespmem:$0x1F920] =	vst v27;
	v27 =	vld [tilespmem:s21+$0x4860];
	_ =	sdelay $0x4  }
0x1ec: {  	[tilespmem:$0x1F930] =	vst v27;
	v27 =	vld [tilespmem:s21+$0x4870];
	_ =	sdelay $0x4  }
0x1ed: {  	[tilespmem:$0x1F940] =	vst v27;
	v27 =	vld [tilespmem:s21+$0x4C60];
	_ =	sdelay $0x4  }
0x1ee: {  	[tilespmem:$0x1F950] =	vst v27;
	v27 =	vld [tilespmem:s21+$0x4C70];
	_ =	sdelay $0x4  }
0x1ef: {  	[tilespmem:$0x1F960] =	vst v27;
	v27 =	vld [tilespmem:s21+$0x5060];
	_ =	sdelay $0x4  }
0x1f0: {  	[tilespmem:$0x1F970] =	vst v27;
	v27 =	vld [tilespmem:s21+$0x5070];
	_ =	sdelay $0x4  }
0x1f1: {  	[tilespmem:$0x1F980] =	vst v27;
	v27 =	vld [tilespmem:s21+$0x5460];
	_ =	sdelay $0x4  }
0x1f2: {  	[tilespmem:$0x1F990] =	vst v27;
	v27 =	vld [tilespmem:s21+$0x5470];
	_ =	sdelay $0x2  }
0x1f3: {  	v14 =	vld [tilespmem:s21+$0x70]  }
0x1f4: {  	v2 =	vld [tilespmem:s21+$0x460]  }
0x1f5: {  	[tilespmem:$0x1F9A0] =	vst v27;
	v27 =	vld [tilespmem:s21+$0x5860]  }
0x1f6: {  	v6 =	vld [tilespmem:s21+$0x470]  }
0x1f7: {  	v19 =	vld [tilespmem:s21+$0x860]  }
0x1f8: {  	v7 =	vld [tilespmem:s21+$0x870]  }
0x1f9: {  	v10 =	vld [tilespmem:s21+$0xC60]  }
0x1fa: {  	[tilespmem:$0x1F9B0] =	vst v27;
	v27 =	vld [tilespmem:s21+$0x5870]  }
0x1fb: {  	v11 =	vld [tilespmem:s21+$0xC70]  }
0x1fc: {  	v15 =	vld [tilespmem:s21+$0x1060]  }
0x1fd: {  	v18 =	vld [tilespmem:s21+$0x1070]  }
0x1fe: {  	v22 =	vld [tilespmem:s21+$0x1460]  }
0x1ff: {  	[tilespmem:$0x1F9C0] =	vst v27;
	v27 =	vld [tilespmem:s21+$0x5C60]  }
0x200: {  	v23 =	vld [tilespmem:s21+$0x1470];
	p0 =	seq.s32 s19, $0xF  }
0x201: {  	v26 =	vld [tilespmem:s21+$0x1860];
	s20 =	sadd.s32 @!p0 s20, s7  }
0x202: {  	v39 =	vld [tilespmem:s21+$0x1870];
	s20 =	sshrl.u32 @!p0 s20, $0x3  }
0x203: {  	v33 =	vld [tilespmem:s21+$0x1C60];
	s22 =	simm.s32 @!p0 $0x0;
	s20 =	sadd.s32 @!p0 s2, s20  }
0x204: {  	[tilespmem:$0x1F9D0] =	vst v27;
	v27 =	vld [tilespmem:s21+$0x5C70];
	[tilespmem:s22], [sflag:$0x1] =	stream.linear.gather @!p0 [hbm4b:s20+s22], $0x6000, $0x38  }
0x205: {  	_ = 	snop  }
0x206: {  	[tilespmem:s22], [sflag:$0x1] =	stream.linear.gather @!p0 [hbm4b:s20+s22], $0x6000, $0x38;
	[tilespmem:$0xF480] =	vst v63  }
0x207: {  	s31 =	simm.s32 $0x0  }
0x208: {  	[tilespmem:s12], [sflag:$0x2] =	stream.linear.gather [hbm4b:s4+s31], $0x6000, $0x38;
	[tilespmem:$0xF480] =	vst v63  }
0x209: {  	[tilespmem:$0x1F9E0] =	vst v27  }
0x20a: {  	_ =	swait.ge [sflag:s14], $0x6000  }
0x20b: {  	[sflag:s14] =	ssyncset.done $0x0  }
0x20c: {  	s20 =	simm.s32 $0x0;
	[sflag:s14] =	ssyncadd.s32 $0xFFFFA000  }
0x20d: {  	v27 =	vld [tilespmem:s20+$0xBC00];
	_ =	sdelay $0x4  }
0x20e: {  	[tilespmem:$0x1F660] =	vst v27;
	v27 =	vld [tilespmem:s20+$0xBC10];
	_ =	sdelay $0x4  }
0x20f: {  	[tilespmem:$0x1F670] =	vst v27;
	v27 =	vld [tilespmem:s20+$0xBC20];
	_ =	sdelay $0x4  }
0x210: {  	[tilespmem:$0x1F680] =	vst v27;
	v27 =	vld [tilespmem:s20+$0xBC30];
	_ =	sdelay $0x4  }
0x211: {  	[tilespmem:$0x1F690] =	vst v27;
	v27 =	vld [tilespmem:s20+$0xB800];
	_ =	sdelay $0x4  }
0x212: {  	[tilespmem:$0x1F6A0] =	vst v27;
	v27 =	vld [tilespmem:s20+$0xB810];
	_ =	sdelay $0x4  }
0x213: {  	[tilespmem:$0x1F6B0] =	vst v27;
	v27 =	vld [tilespmem:s20+$0xB820];
	_ =	sdelay $0x4  }
0x214: {  	[tilespmem:$0x1F6C0] =	vst v27;
	v27 =	vld [tilespmem:s20+$0xB830];
	_ =	sdelay $0x4  }
0x215: {  	[tilespmem:$0x1F6D0] =	vst v27;
	v27 =	vld [tilespmem:s20+$0xB400];
	_ =	sdelay $0x4  }
0x216: {  	[tilespmem:$0x1FB60] =	vst v27;
	v27 =	vld [tilespmem:s20+$0xB410];
	_ =	sdelay $0x4  }
0x217: {  	[tilespmem:$0x1FB70] =	vst v27;
	v27 =	vld [tilespmem:s20+$0xB420];
	_ =	sdelay $0x4  }
0x218: {  	[tilespmem:$0x1FB80] =	vst v27;
	v27 =	vld [tilespmem:s20+$0xB430];
	_ =	sdelay $0x4  }
0x219: {  	[tilespmem:$0x1FB90] =	vst v27;
	v27 =	vld [tilespmem:s20+$0xB000];
	_ =	sdelay $0x4  }
0x21a: {  	[tilespmem:$0x1FB20] =	vst v27;
	v27 =	vld [tilespmem:s20+$0xB010];
	_ =	sdelay $0x4  }
0x21b: {  	[tilespmem:$0x1FB30] =	vst v27;
	v27 =	vld [tilespmem:s20+$0xB020];
	_ =	sdelay $0x4  }
0x21c: {  	[tilespmem:$0x1FB40] =	vst v27;
	v27 =	vld [tilespmem:s20+$0xB030];
	_ =	sdelay $0x4  }
0x21d: {  	[tilespmem:$0x1FB50] =	vst v27;
	v27 =	vld [tilespmem:s20+$0xAC00];
	_ =	sdelay $0x4  }
0x21e: {  	[tilespmem:$0x1FAE0] =	vst v27;
	v27 =	vld [tilespmem:s20+$0xAC10];
	_ =	sdelay $0x4  }
0x21f: {  	[tilespmem:$0x1FAF0] =	vst v27;
	v27 =	vld [tilespmem:s20+$0xAC20];
	_ =	sdelay $0x4  }
0x220: {  	[tilespmem:$0x1FB00] =	vst v27;
	v27 =	vld [tilespmem:s20+$0xAC30];
	_ =	sdelay $0x4  }
0x221: {  	[tilespmem:$0x1FB10] =	vst v27;
	v27 =	vld [tilespmem:s20+$0xAC40];
	_ =	sdelay $0x4  }
0x222: {  	[tilespmem:$0x1F6E0] =	vst v27;
	v27 =	vld [tilespmem:s20+$0xAC50];
	_ =	sdelay $0x4  }
0x223: {  	[tilespmem:$0x1F6F0] =	vst v27;
	v27 =	vld [tilespmem:s20+$0xA800];
	_ =	sdelay $0x4  }
0x224: {  	[tilespmem:$0x1FAA0] =	vst v27;
	v27 =	vld [tilespmem:s20+$0xA810];
	_ =	sdelay $0x4  }
0x225: {  	[tilespmem:$0x1FAB0] =	vst v27;
	v27 =	vld [tilespmem:s20+$0xA820];
	_ =	sdelay $0x4  }
0x226: {  	[tilespmem:$0x1FAC0] =	vst v27;
	v27 =	vld [tilespmem:s20+$0xA830];
	_ =	sdelay $0x4  }
0x227: {  	[tilespmem:$0x1FAD0] =	vst v27;
	v27 =	vld [tilespmem:s20+$0xA840];
	_ =	sdelay $0x4  }
0x228: {  	[tilespmem:$0x1F700] =	vst v27;
	v27 =	vld [tilespmem:s20+$0xA850];
	_ =	sdelay $0x4  }
0x229: {  	[tilespmem:$0x1F710] =	vst v27;
	v27 =	vld [tilespmem:s20+$0xA400];
	_ =	sdelay $0x4  }
0x22a: {  	[tilespmem:$0x1FA60] =	vst v27;
	v27 =	vld [tilespmem:s20+$0xA410];
	_ =	sdelay $0x4  }
0x22b: {  	[tilespmem:$0x1FA70] =	vst v27;
	v27 =	vld [tilespmem:s20+$0xA420];
	_ =	sdelay $0x4  }
0x22c: {  	[tilespmem:$0x1FA80] =	vst v27;
	v27 =	vld [tilespmem:s20+$0xA430];
	_ =	sdelay $0x4  }
0x22d: {  	[tilespmem:$0x1FA90] =	vst v27;
	v27 =	vld [tilespmem:s20+$0xA440];
	_ =	sdelay $0x4  }
0x22e: {  	[tilespmem:$0x1F720] =	vst v27;
	v27 =	vld [tilespmem:s20+$0xA450];
	_ =	sdelay $0x4  }
0x22f: {  	[tilespmem:$0x1F730] =	vst v27;
	v27 =	vld [tilespmem:s20+$0xA000];
	_ =	sdelay $0x4  }
0x230: {  	[tilespmem:$0x1FA20] =	vst v27;
	v27 =	vld [tilespmem:s20+$0xA010];
	_ =	sdelay $0x4  }
0x231: {  	[tilespmem:$0x1FA30] =	vst v27;
	v27 =	vld [tilespmem:s20+$0xA020];
	_ =	sdelay $0x4  }
0x232: {  	[tilespmem:$0x1FA40] =	vst v27;
	v27 =	vld [tilespmem:s20+$0xA030];
	_ =	sdelay $0x4  }
0x233: {  	[tilespmem:$0x1FA50] =	vst v27;
	v27 =	vld [tilespmem:s20+$0xA040];
	_ =	sdelay $0x4  }
0x234: {  	[tilespmem:$0x1F740] =	vst v27;
	v27 =	vld [tilespmem:s20+$0xA050];
	_ =	sdelay $0x4  }
0x235: {  	[tilespmem:$0x1F750] =	vst v27;
	v27 =	vld [tilespmem:s20+$0x9C00];
	_ =	sdelay $0x4  }
0x236: {  	[tilespmem:$0x1F9F0] =	vst v27;
	v27 =	vld [tilespmem:s20+$0x9C10];
	_ =	sdelay $0x4  }
0x237: {  	[tilespmem:$0x1FA00] =	vst v27;
	v27 =	vld [tilespmem:s20+$0x9C20];
	_ =	sdelay $0x4  }
0x238: {  	[tilespmem:$0x1FA10] =	vst v27;
	v27 =	vld [tilespmem:$0x1FD40];
	_ =	sdelay $0x2  }
0x239: {  	v37 =	vadd.f32 v37, v47;
	v38 =	vadd.f32 v38, v43  }
0x23a: {  	v30 =	vadd.f32 v52, v30  }
0x23b: {  	v52 =	vadd.f32 v44, v37;
	v44 =	vadd.f32 v27, v38;
	v27 =	vld [tilespmem:$0x1FD50];
	_ =	sdelay $0x4  }
0x23c: {  	v38 =	vadd.f32 v27, v30;
	v27 =	vld [tilespmem:s20+$0x9C40];
	_ =	sdelay $0x4  }
0x23d: {  	[tilespmem:$0x1F760] =	vst v27;
	v27 =	vld [tilespmem:$0x1FD10];
	_ =	sdelay $0x4  }
0x23e: {  	v43 =	vadd.f32 v35, v27;
	v27 =	vld [tilespmem:s20+$0x9C50];
	_ =	sdelay $0x4  }
0x23f: {  	[tilespmem:$0x1F770] =	vst v27;
	v27 =	vld [tilespmem:$0x1FD20];
	_ =	sdelay $0x4  }
0x240: {  	v47 =	vadd.f32 v29, v27;
	v27 =	vld [tilespmem:$0x1FD30];
	_ =	sdelay $0x4  }
0x241: {  	v14 =	vadd.f32 v14, v27;
	_ =	sdelay $0x1  }
0x242: {  	v6 =	vadd.f32 v6, v14;
	_ =	sdelay $0x1  }
0x243: {  	v6 =	vadd.f32 v7, v6;
	v7 =	vld [tilespmem:s20+$0x9840];
	_ =	sdelay $0x1  }
0x244: {  	v40 =	vadd.f32 v31, v40;
	_ =	sdelay $0x1  }
0x245: {  	v30 =	vadd.f32 v34, v40  }
0x246: {  	[tilespmem:$0x1F780] =	vst v7;
	v7 =	vld [tilespmem:s20+$0x9850]  }
0x247: {  	v0 =	vadd.f32 v0, v30;
	_ =	sdelay $0x1  }
0x248: {  	v0 =	vadd.f32 v1, v0;
	_ =	sdelay $0x1  }
0x249: {  	[tilespmem:$0x1F790] =	vst v7;
	v7 =	vadd.f32 v21, v0;
	_ =	sdelay $0x1  }
0x24a: {  	v7 =	vadd.f32 v3, v7;
	v3 =	vld [tilespmem:s20+$0x9440];
	_ =	sdelay $0x4  }
0x24b: {  	[tilespmem:$0x1F7A0] =	vst v3;
	v3 =	vld [tilespmem:s20+$0x9450]  }
0x24c: {  	v2 =	vadd.f32 v2, v47  }
0x24d: {  	v6 =	vadd.f32 v11, v6  }
0x24e: {  	v2 =	vadd.f32 v19, v2  }
0x24f: {  	v6 =	vadd.f32 v18, v6  }
0x250: {  	v2 =	vadd.f32 v10, v2;
	[tilespmem:$0x1F7B0] =	vst v3;
	v3 =	vld [tilespmem:$0x1F7C0]  }
0x251: {  	v6 =	vadd.f32 v23, v6  }
0x252: {  	v2 =	vadd.f32 v15, v2  }
0x253: {  	v6 =	vadd.f32 v39, v6  }
0x254: {  	v2 =	vadd.f32 v22, v2  }
0x255: {  	v6 =	vadd.f32 v3, v6;
	v3 =	vld [tilespmem:$0x1F7D0]  }
0x256: {  	v2 =	vadd.f32 v26, v2;
	_ =	sdelay $0x1  }
0x257: {  	v2 =	vadd.f32 v33, v2;
	_ =	sdelay $0x1  }
0x258: {  	v2 =	vadd.f32 v3, v2;
	v3 =	vld [tilespmem:$0x1F7E0];
	_ =	sdelay $0x4  }
0x259: {  	v6 =	vadd.f32 v3, v6;
	v3 =	vld [tilespmem:s20+$0x9040];
	_ =	sdelay $0x4  }
0x25a: {  	[tilespmem:$0x1F7F0] =	vst v3;
	v3 =	vld [tilespmem:s20+$0x9050]  }
0x25b: {  	v32 =	vadd.f32 v32, v43;
	_ =	sdelay $0x1  }
0x25c: {  	v14 =	vadd.f32 v28, v32  }
0x25d: {  	v7 =	vadd.f32 v16, v7  }
0x25e: {  	v1 =	vadd.f32 v25, v14;
	[tilespmem:$0x1F800] =	vst v3;
	v3 =	vld [tilespmem:$0x1F810]  }
0x25f: {  	v7 =	vadd.f32 v12, v7  }
0x260: {  	v1 =	vadd.f32 v24, v1  }
0x261: {  	v7 =	vadd.f32 v8, v7  }
0x262: {  	v10 =	vadd.f32 v20, v1  }
0x263: {  	v4 =	vadd.f32 v4, v7;
	v7 =	vadd.f32 v3, v2;
	v3 =	vld [tilespmem:$0x1F830];
	_ =	sdelay $0x1  }
0x264: {  	v10 =	vadd.f32 v17, v10  }
0x265: {  	v2 =	vld [tilespmem:$0x1F820]  }
0x266: {  	v10 =	vadd.f32 v13, v10  }
0x267: {  	v7 =	vadd.f32 v3, v7;
	v3 =	vld [tilespmem:$0x1F840]  }
0x268: {  	v8 =	vadd.f32 v9, v10;
	_ =	sdelay $0x1  }
0x269: {  	v5 =	vadd.f32 v5, v8;
	v8 =	vadd.f32 v2, v6;
	_ =	sdelay $0x1  }
0x26a: {  	v8 =	vadd.f32 v3, v8;
	v3 =	vld [tilespmem:$0x1F850];
	_ =	sdelay $0x4  }
0x26b: {  	v7 =	vadd.f32 v3, v7;
	v3 =	vld [tilespmem:$0x1F860];
	_ =	sdelay $0x4  }
0x26c: {  	v8 =	vadd.f32 v3, v8;
	v3 =	vld [tilespmem:$0x1FE70]  }
0x26d: {  	v4 =	vadd.f32 v62, v4;
	_ =	sdelay $0x1  }
0x26e: {  	v4 =	vadd.f32 v60, v4;
	_ =	sdelay $0x1  }
0x26f: {  	v4 =	vadd.f32 v3, v4;
	v3 =	vld [tilespmem:$0x1FE80]  }
0x270: {  	v5 =	vadd.f32 v63, v5;
	_ =	sdelay $0x1  }
0x271: {  	v5 =	vadd.f32 v61, v5;
	_ =	sdelay $0x1  }
0x272: {  	v5 =	vadd.f32 v3, v5;
	v3 =	vld [tilespmem:$0x1F870];
	_ =	sdelay $0x4  }
0x273: {  	v7 =	vadd.f32 v3, v7;
	v3 =	vld [tilespmem:$0x1F880];
	_ =	sdelay $0x4  }
0x274: {  	v8 =	vadd.f32 v3, v8;
	v3 =	vld [tilespmem:$0x1FE50];
	_ =	sdelay $0x4  }
0x275: {  	v4 =	vadd.f32 v3, v4;
	v3 =	vld [tilespmem:$0x1FE60];
	_ =	sdelay $0x4  }
0x276: {  	v5 =	vadd.f32 v3, v5;
	v3 =	vld [tilespmem:$0x1F890];
	_ =	sdelay $0x4  }
0x277: {  	v7 =	vadd.f32 v3, v7;
	v3 =	vld [tilespmem:$0x1F8A0];
	_ =	sdelay $0x4  }
0x278: {  	v8 =	vadd.f32 v3, v8;
	v3 =	vld [tilespmem:$0x1FE30];
	_ =	sdelay $0x4  }
0x279: {  	v4 =	vadd.f32 v3, v4;
	v3 =	vld [tilespmem:$0x1FE40];
	_ =	sdelay $0x4  }
0x27a: {  	v5 =	vadd.f32 v3, v5;
	v3 =	vld [tilespmem:$0x1F8B0];
	_ =	sdelay $0x4  }
0x27b: {  	v7 =	vadd.f32 v3, v7;
	v3 =	vld [tilespmem:$0x1F8C0];
	_ =	sdelay $0x4  }
0x27c: {  	v8 =	vadd.f32 v3, v8;
	v3 =	vld [tilespmem:$0x1FE10];
	_ =	sdelay $0x4  }
0x27d: {  	v4 =	vadd.f32 v3, v4;
	v3 =	vld [tilespmem:$0x1FE20];
	_ =	sdelay $0x4  }
0x27e: {  	v5 =	vadd.f32 v3, v5;
	v3 =	vld [tilespmem:$0x1F8D0];
	_ =	sdelay $0x4  }
0x27f: {  	v7 =	vadd.f32 v3, v7;
	v3 =	vld [tilespmem:$0x1F8E0];
	_ =	sdelay $0x4  }
0x280: {  	v8 =	vadd.f32 v3, v8;
	v3 =	vld [tilespmem:$0x1FDF0];
	_ =	sdelay $0x4  }
0x281: {  	v4 =	vadd.f32 v3, v4;
	v3 =	vld [tilespmem:$0x1FE00];
	_ =	sdelay $0x4  }
0x282: {  	v5 =	vadd.f32 v3, v5;
	v3 =	vld [tilespmem:$0x1F8F0];
	_ =	sdelay $0x4  }
0x283: {  	v7 =	vadd.f32 v3, v7;
	v3 =	vld [tilespmem:$0x1F900];
	_ =	sdelay $0x4  }
0x284: {  	v8 =	vadd.f32 v3, v8;
	v3 =	vld [tilespmem:$0x1FDD0];
	_ =	sdelay $0x4  }
0x285: {  	v4 =	vadd.f32 v3, v4;
	v3 =	vld [tilespmem:$0x1FDE0];
	_ =	sdelay $0x4  }
0x286: {  	v5 =	vadd.f32 v3, v5;
	v3 =	vld [tilespmem:$0x1F910];
	_ =	sdelay $0x4  }
0x287: {  	v7 =	vadd.f32 v3, v7;
	v3 =	vld [tilespmem:$0x1F920];
	_ =	sdelay $0x4  }
0x288: {  	v8 =	vadd.f32 v3, v8;
	v3 =	vld [tilespmem:$0x1FDB0];
	_ =	sdelay $0x1  }
0x289: {  	v9 =	vld [tilespmem:$0x1FD90];
	_ =	sdelay $0x2  }
0x28a: {  	v4 =	vadd.f32 v3, v4;
	v3 =	vld [tilespmem:$0x1FDC0];
	_ =	sdelay $0x1  }
0x28b: {  	v4 =	vadd.f32 v9, v4;
	v9 =	vld [tilespmem:$0x1FDA0];
	_ =	sdelay $0x2  }
0x28c: {  	v5 =	vadd.f32 v3, v5;
	v3 =	vld [tilespmem:$0x1F930];
	_ =	sdelay $0x1  }
0x28d: {  	v5 =	vadd.f32 v9, v5;
	v9 =	vld [tilespmem:$0x1F950];
	_ =	sdelay $0x2  }
0x28e: {  	v7 =	vadd.f32 v3, v7;
	v3 =	vld [tilespmem:$0x1F940];
	_ =	sdelay $0x1  }
0x28f: {  	v7 =	vadd.f32 v9, v7;
	v9 =	vld [tilespmem:$0x1F960];
	_ =	sdelay $0x2  }
0x290: {  	v8 =	vadd.f32 v3, v8;
	_ =	sdelay $0x1  }
0x291: {  	v8 =	vadd.f32 v9, v8;
	v9 =	vld [tilespmem:$0x1FD70];
	_ =	sdelay $0x4  }
0x292: {  	v4 =	vadd.f32 v9, v4;
	v9 =	vld [tilespmem:$0x1FD80];
	_ =	sdelay $0x3  }
0x293: {  	v36 =	vadd.f32 v53, v36  }
0x294: {  	v5 =	vadd.f32 v9, v5;
	v9 =	vld [tilespmem:$0x1F970]  }
0x295: {  	v53 =	vadd.f32 v45, v36;
	v36 =	vld [tilespmem:s20+$0x6810]  }
0x296: {  	v43 =	vld [tilespmem:s20+$0x6000]  }
0x297: {  	v37 =	vld [tilespmem:s20+$0x6400]  }
0x298: {  	v40 =	vld [tilespmem:s20+$0x6010]  }
0x299: {  	v7 =	vadd.f32 v9, v7;
	v9 =	vld [tilespmem:$0x1F980]  }
0x29a: {  	v30 =	vld [tilespmem:s20+$0x7000]  }
0x29b: {  	v35 =	vld [tilespmem:s20+$0x6C10];
	v43 =	vadd.f32 v43, v52  }
0x29c: {  	v52 =	vld [tilespmem:s20+$0x7C30]  }
0x29d: {  	v37 =	vadd.f32 v37, v43;
	v43 =	vld [tilespmem:s20+$0x7830]  }
0x29e: {  	v8 =	vadd.f32 v9, v8;
	v9 =	vld [tilespmem:$0x1FD60]  }
0x29f: {  	v29 =	vld [tilespmem:s20+$0x9800]  }
0x2a0: {  	v47 =	vld [tilespmem:s20+$0x6030]  }
0x2a1: {  	v19 =	vld [tilespmem:s20+$0x8010]  }
0x2a2: {  	v27 =	vld [tilespmem:s20+$0x7410]  }
0x2a3: {  	v5 =	vadd.f32 v9, v5;
	v9 =	vld [tilespmem:$0x1F990]  }
0x2a4: {  	v32 =	vld [tilespmem:s20+$0x7010]  }
0x2a5: {  	v38 =	vadd.f32 v47, v38;
	v47 =	vld [tilespmem:s20+$0x7C20]  }
0x2a6: {  	v15 =	vld [tilespmem:s20+$0x8410]  }
0x2a7: {  	v25 =	vld [tilespmem:s20+$0x9400]  }
0x2a8: {  	v7 =	vadd.f32 v9, v7;
	v9 =	vld [tilespmem:$0x1F9A0]  }
0x2a9: {  	v14 =	vld [tilespmem:s20+$0x8400]  }
0x2aa: {  	v22 =	vld [tilespmem:s20+$0x7800]  }
0x2ab: {  	v26 =	vld [tilespmem:s20+$0x7400]  }
0x2ac: {  	v18 =	vld [tilespmem:s20+$0x8000];
	v4 =	vadd.f32 v41, v4  }
0x2ad: {  	v8 =	vadd.f32 v9, v8;
	v9 =	vld [tilespmem:$0x1F9B0]  }
0x2ae: {  	v20 =	vld [tilespmem:s20+$0x7C00];
	v4 =	vadd.f32 v50, v4  }
0x2af: {  	v33 =	vld [tilespmem:s20+$0x6C00]  }
0x2b0: {  	v50 =	vadd.f32 v42, v4;
	v4 =	vld [tilespmem:$0x1F9D0]  }
0x2b1: {  	v23 =	vld [tilespmem:s20+$0x7810]  }
0x2b2: {  	v7 =	vadd.f32 v9, v7;
	v9 =	vld [tilespmem:$0x1F9C0]  }
0x2b3: {  	v3 =	vld [tilespmem:s20+$0x6800]  }
0x2b4: {  	v41 =	vld [tilespmem:s20+$0x6020]  }
0x2b5: {  	v5 =	vadd.f32 v51, v5;
	v51 =	vadd.f32 v4, v7;
	v4 =	vld [tilespmem:$0x1F9E0]  }
0x2b6: {  	v39 =	vld [tilespmem:s20+$0x6410]  }
0x2b7: {  	v9 =	vadd.f32 v9, v8;
	v8 =	vld [tilespmem:s20+$0x6420]  }
0x2b8: {  	v3 =	vadd.f32 v3, v37;
	v42 =	vld [tilespmem:s20+$0x6430]  }
0x2b9: {  	v46 =	vadd.f32 v46, v5;
	v5 =	vadd.f32 v41, v44;
	v7 =	vld [tilespmem:s20+$0x6820]  }
0x2ba: {  	v63 =	vld [tilespmem:s20+$0x6830];
	v60 =	vadd.f32 v4, v9;
	v4 =	vadd.f32 v40, v53  }
0x2bb: {  	v33 =	vadd.f32 v33, v3;
	v53 =	vld [tilespmem:s20+$0x6C20]  }
0x2bc: {  	v61 =	vld [tilespmem:s20+$0x6C30];
	v39 =	vadd.f32 v39, v4;
	v4 =	vadd.f32 v8, v5  }
0x2bd: {  	v38 =	vadd.f32 v42, v38;
	v5 =	vld [tilespmem:s20+$0x7020]  }
0x2be: {  	v62 =	vld [tilespmem:s20+$0x7030];
	v30 =	vadd.f32 v30, v33;
	v7 =	vadd.f32 v7, v4  }
0x2bf: {  	v38 =	vadd.f32 v63, v38;
	v63 =	vld [tilespmem:s20+$0x7420];
	v36 =	vadd.f32 v36, v39  }
0x2c0: {  	v3 =	vld [tilespmem:s20+$0x7430];
	v26 =	vadd.f32 v26, v30;
	v7 =	vadd.f32 v53, v7  }
0x2c1: {  	v42 =	vld [tilespmem:s20+$0x7820];
	v41 =	vadd.f32 v61, v38;
	v35 =	vadd.f32 v35, v36  }
0x2c2: {  	v21 =	vld [tilespmem:s20+$0x7C10];
	v22 =	vadd.f32 v22, v26;
	v7 =	vadd.f32 v5, v7  }
0x2c3: {  	v10 =	vld [tilespmem:s20+$0x8800];
	v44 =	vadd.f32 v62, v41;
	v32 =	vadd.f32 v32, v35  }
0x2c4: {  	v2 =	vld [tilespmem:s20+$0x8C00];
	v20 =	vadd.f32 v20, v22;
	v7 =	vadd.f32 v63, v7  }
0x2c5: {  	v61 =	vld [tilespmem:s20+$0x8020];
	v53 =	vadd.f32 v3, v44;
	v27 =	vadd.f32 v27, v32  }
0x2c6: {  	v26 =	vld [tilespmem:s20+$0x8030];
	v18 =	vadd.f32 v18, v20;
	v7 =	vadd.f32 v42, v7  }
0x2c7: {  	v62 =	vld [tilespmem:s20+$0x8420];
	v23 =	vadd.f32 v23, v27;
	v27 =	vadd.f32 v43, v53  }
0x2c8: {  	v16 =	vld [tilespmem:s20+$0x9000];
	v14 =	vadd.f32 v14, v18;
	v7 =	vadd.f32 v47, v7  }
0x2c9: {  	v21 =	vadd.f32 v21, v23;
	v23 =	vadd.f32 v52, v27;
	v27 =	vld [tilespmem:s20+$0x8820]  }
0x2ca: {  	v11 =	vld [tilespmem:s20+$0x8810];
	v10 =	vadd.f32 v10, v14;
	v7 =	vadd.f32 v61, v7  }
0x2cb: {  	v20 =	vadd.f32 v26, v23;
	v23 =	vld [tilespmem:s20+$0x8C20]  }
0x2cc: {  	v13 =	vld [tilespmem:s20+$0x9020];
	v2 =	vadd.f32 v2, v10;
	v7 =	vadd.f32 v62, v7  }
0x2cd: {  	v0 =	vld [tilespmem:s20+$0x9420];
	v19 =	vadd.f32 v19, v21  }
0x2ce: {  	v6 =	vld [tilespmem:s20+$0x8C10];
	v2 =	vadd.f32 v16, v2;
	v7 =	vadd.f32 v27, v7  }
0x2cf: {  	v3 =	vld [tilespmem:$0x1F9F0];
	v15 =	vadd.f32 v15, v19  }
0x2d0: {  	v2 =	vadd.f32 v25, v2;
	v7 =	vadd.f32 v23, v7  }
0x2d1: {  	v12 =	vld [tilespmem:s20+$0x9010];
	v11 =	vadd.f32 v11, v15  }
0x2d2: {  	v31 =	vld [tilespmem:s20+$0x9810];
	v2 =	vadd.f32 v29, v2;
	v7 =	vadd.f32 v13, v7  }
0x2d3: {  	v24 =	vld [tilespmem:s20+$0x9410];
	v6 =	vadd.f32 v6, v11  }
0x2d4: {  	v0 =	vadd.f32 v0, v7;
	v7 =	vadd.f32 v3, v2;
	v3 =	vld [tilespmem:$0x1FA20]  }
0x2d5: {  	v34 =	vld [tilespmem:s20+$0x9820]  }
0x2d6: {  	v22 =	vld [tilespmem:s20+$0x8430];
	v6 =	vadd.f32 v12, v6  }
0x2d7: {  	v2 =	vld [tilespmem:$0x1FA00]  }
0x2d8: {  	v63 =	vld [tilespmem:s20+$0x8830];
	v6 =	vadd.f32 v24, v6  }
0x2d9: {  	v7 =	vadd.f32 v3, v7;
	v3 =	vld [tilespmem:$0x1FA30]  }
0x2da: {  	v18 =	vld [tilespmem:s20+$0x8C30];
	v6 =	vadd.f32 v31, v6  }
0x2db: {  	v17 =	vld [tilespmem:s20+$0x9030];
	v19 =	vadd.f32 v22, v20  }
0x2dc: {  	v6 =	vadd.f32 v2, v6;
	v2 =	vld [tilespmem:$0x1FA10]  }
0x2dd: {  	v1 =	vld [tilespmem:s20+$0x9430];
	v14 =	vadd.f32 v63, v19  }
0x2de: {  	v6 =	vadd.f32 v3, v6;
	v3 =	vld [tilespmem:$0x1FA40]  }
0x2df: {  	v10 =	vadd.f32 v18, v14;
	v0 =	vadd.f32 v34, v0;
	_ =	sdelay $0x1  }
0x2e0: {  	v10 =	vadd.f32 v17, v10;
	v0 =	vadd.f32 v2, v0  }
0x2e1: {  	v28 =	vld [tilespmem:s20+$0x9830]  }
0x2e2: {  	v1 =	vadd.f32 v1, v10;
	v10 =	vadd.f32 v3, v0;
	v3 =	vld [tilespmem:$0x1FA80]  }
0x2e3: {  	v45 =	vld [tilespmem:s20+$0x9C30];
	_ =	sdelay $0x1  }
0x2e4: {  	v0 =	vld [tilespmem:$0x1FA50]  }
0x2e5: {  	v1 =	vadd.f32 v28, v1  }
0x2e6: {  	v10 =	vadd.f32 v3, v10;
	v3 =	vld [tilespmem:$0x1FA90]  }
0x2e7: {  	v1 =	vadd.f32 v45, v1;
	_ =	sdelay $0x1  }
0x2e8: {  	v11 =	vadd.f32 v0, v1;
	v1 =	vld [tilespmem:$0x1FA60];
	_ =	sdelay $0x1  }
0x2e9: {  	v11 =	vadd.f32 v3, v11;
	v3 =	vld [tilespmem:$0x1FAA0];
	_ =	sdelay $0x2  }
0x2ea: {  	v7 =	vadd.f32 v1, v7;
	v1 =	vld [tilespmem:$0x1FA70];
	_ =	sdelay $0x1  }
0x2eb: {  	v13 =	vadd.f32 v3, v7;
	v3 =	vld [tilespmem:$0x1FAB0];
	_ =	sdelay $0x2  }
0x2ec: {  	v12 =	vadd.f32 v1, v6;
	_ =	sdelay $0x1  }
0x2ed: {  	v12 =	vadd.f32 v3, v12;
	v3 =	vld [tilespmem:$0x1FAC0];
	_ =	sdelay $0x4  }
0x2ee: {  	v15 =	vadd.f32 v3, v10;
	v3 =	vld [tilespmem:$0x1FAD0];
	_ =	sdelay $0x4  }
0x2ef: {  	v16 =	vadd.f32 v3, v11;
	v3 =	vld [tilespmem:$0x1FAE0];
	_ =	sdelay $0x4  }
0x2f0: {  	v13 =	vadd.f32 v3, v13;
	v3 =	vld [tilespmem:$0x1FAF0];
	_ =	sdelay $0x4  }
0x2f1: {  	v12 =	vadd.f32 v3, v12;
	v3 =	vld [tilespmem:$0x1FB00];
	_ =	sdelay $0x4  }
0x2f2: {  	v17 =	vadd.f32 v3, v15;
	v3 =	vld [tilespmem:$0x1FB10];
	_ =	sdelay $0x4  }
0x2f3: {  	v16 =	vadd.f32 v3, v16;
	v3 =	vld [tilespmem:$0x1FB20]  }
0x2f4: {  	v48 =	vld [tilespmem:s20+$0xBC40]  }
0x2f5: {  	v49 =	vld [tilespmem:s20+$0xBC50]  }
0x2f6: {  	v54 =	vld [tilespmem:s20+$0xB840]  }
0x2f7: {  	v55 =	vld [tilespmem:s20+$0xB850]  }
0x2f8: {  	v13 =	vadd.f32 v3, v13;
	v3 =	vld [tilespmem:$0x1FB30]  }
0x2f9: {  	v56 =	vld [tilespmem:s20+$0xB440]  }
0x2fa: {  	v57 =	vld [tilespmem:s20+$0xB450]  }
0x2fb: {  	v58 =	vld [tilespmem:s20+$0xB040]  }
0x2fc: {  	v59 =	vld [tilespmem:s20+$0xB050]  }
0x2fd: {  	v22 =	vadd.f32 v3, v12;
	v3 =	vld [tilespmem:$0x1FB40]  }
0x2fe: {  	v33 =	vld [tilespmem:s20+$0x8850]  }
0x2ff: {  	v35 =	vld [tilespmem:s20+$0x7850]  }
0x300: {  	v32 =	vld [tilespmem:s20+$0x8840]  }
0x301: {  	v53 =	vld [tilespmem:s20+$0x8450]  }
0x302: {  	v17 =	vadd.f32 v3, v17;
	v3 =	vld [tilespmem:$0x1FB50]  }
0x303: {  	v52 =	vld [tilespmem:s20+$0x8440]  }
0x304: {  	v21 =	vld [tilespmem:s20+$0x8C50]  }
0x305: {  	v26 =	vld [tilespmem:s20+$0x7450]  }
0x306: {  	v20 =	vld [tilespmem:s20+$0x8C40]  }
0x307: {  	v24 =	vadd.f32 v3, v16;
	v3 =	vld [tilespmem:$0x1FB60]  }
0x308: {  	v62 =	vld [tilespmem:s20+$0x8040]  }
0x309: {  	v63 =	vld [tilespmem:s20+$0x8050]  }
0x30a: {  	v19 =	vld [tilespmem:s20+$0x6040]  }
0x30b: {  	v14 =	vld [tilespmem:s20+$0x7C40]  }
0x30c: {  	v12 =	vadd.f32 v3, v13;
	v3 =	vld [tilespmem:$0x1FB70]  }
0x30d: {  	v18 =	vld [tilespmem:s20+$0x6450]  }
0x30e: {  	v23 =	vld [tilespmem:s20+$0x7C50]  }
0x30f: {  	v34 =	vld [tilespmem:s20+$0x7840]  }
0x310: {  	v2 =	vld [tilespmem:s20+$0x7440]  }
0x311: {  	v13 =	vadd.f32 v3, v22;
	v3 =	vld [tilespmem:$0x1FB80]  }
0x312: {  	v0 =	vld [tilespmem:s20+$0x7040]  }
0x313: {  	v1 =	vld [tilespmem:s20+$0x7050]  }
0x314: {  	v6 =	vld [tilespmem:s20+$0x6C40]  }
0x315: {  	v7 =	vld [tilespmem:s20+$0x6C50]  }
0x316: {  	v16 =	vadd.f32 v3, v17;
	v3 =	vld [tilespmem:$0x1FB90]  }
0x317: {  	v10 =	vld [tilespmem:s20+$0x6840]  }
0x318: {  	v11 =	vld [tilespmem:s20+$0x6850]  }
0x319: {  	v15 =	vld [tilespmem:s20+$0x6440]  }
0x31a: {  	v22 =	vld [tilespmem:s20+$0x6050]  }
0x31b: {  	s21 =	simm.s32 $0x200;
	v17 =	vadd.f32 v3, v24;
	v24 =	vld [tilespmem:s20+$0x6060]  }
.LBB2_5:
0x31c: {  	v3 =	vld [tilespmem:$0x1F6A0];
	_ =	sdelay $0x4  }
0x31d: {  	v12 =	vadd.f32 v3, v12;
	v3 =	vld [tilespmem:$0x1F6B0];
	_ =	sdelay $0x4  }
0x31e: {  	v13 =	vadd.f32 v3, v13;
	v3 =	vld [tilespmem:$0x1F6C0];
	_ =	sdelay $0x4  }
0x31f: {  	v16 =	vadd.f32 v3, v16;
	v3 =	vld [tilespmem:$0x1F6D0];
	_ =	sdelay $0x4  }
0x320: {  	v17 =	vadd.f32 v3, v17;
	v3 =	vld [tilespmem:$0x1F660];
	_ =	sdelay $0x3  }
0x321: {  	v25 =	vld [tilespmem:s20+$0x6070]  }
0x322: {  	v27 =	vld [tilespmem:s20+$0x6460];
	v3 =	vadd.f32 v3, v12  }
0x323: {  	v28 =	vld [tilespmem:s20+$0x6470]  }
0x324: {  	[tilespmem:$0x1F4F0] =	vst v3;
	v3 =	vld [tilespmem:$0x1F670]  }
0x325: {  	v29 =	vld [tilespmem:s20+$0x6860];
	v4 =	vadd.f32 v19, v50  }
0x326: {  	v5 =	vadd.f32 v22, v46;
	v19 =	vld [tilespmem:s20+$0x6870];
	v8 =	vadd.f32 v24, v51  }
0x327: {  	v22 =	vld [tilespmem:s20+$0x6C60];
	v9 =	vadd.f32 v25, v60;
	v4 =	vadd.f32 v15, v4  }
0x328: {  	v5 =	vadd.f32 v18, v5;
	v15 =	vld [tilespmem:s20+$0x6C70];
	v8 =	vadd.f32 v27, v8  }
0x329: {  	v18 =	vld [tilespmem:s20+$0x7060];
	v9 =	vadd.f32 v28, v9;
	v3 =	vadd.f32 v3, v13  }
0x32a: {  	v4 =	vadd.f32 v10, v4;
	v5 =	vadd.f32 v11, v5;
	v10 =	vld [tilespmem:s20+$0x7070]  }
0x32b: {  	v8 =	vadd.f32 v29, v8;
	v9 =	vadd.f32 v19, v9;
	[tilespmem:$0x1F500] =	vst v3;
	v3 =	vld [tilespmem:$0x1F680]  }
0x32c: {  	v11 =	vld [tilespmem:s20+$0x7460];
	v4 =	vadd.f32 v6, v4;
	v5 =	vadd.f32 v7, v5  }
0x32d: {  	v6 =	vld [tilespmem:s20+$0x7470];
	v7 =	vadd.f32 v22, v8;
	v8 =	vadd.f32 v15, v9  }
0x32e: {  	v9 =	vld [tilespmem:s20+$0x7860];
	v0 =	vadd.f32 v0, v4;
	v1 =	vadd.f32 v1, v5  }
0x32f: {  	v4 =	vld [tilespmem:s20+$0x7870];
	v5 =	vadd.f32 v18, v7;
	v7 =	vadd.f32 v10, v8  }
0x330: {  	v8 =	vld [tilespmem:s20+$0x7C60];
	v0 =	vadd.f32 v2, v0;
	v3 =	vadd.f32 v3, v16  }
0x331: {  	v10 =	vld [tilespmem:s20+$0x8070]  }
0x332: {  	v0 =	vadd.f32 v34, v0;
	[tilespmem:$0x1F510] =	vst v3;
	v3 =	vld [tilespmem:$0x1F690]  }
0x333: {  	v1 =	vadd.f32 v26, v1;
	v2 =	vld [tilespmem:s20+$0x7C70];
	v5 =	vadd.f32 v11, v5  }
0x334: {  	v6 =	vadd.f32 v6, v7;
	v7 =	vld [tilespmem:s20+$0x8060];
	v0 =	vadd.f32 v14, v0  }
0x335: {  	v1 =	vadd.f32 v35, v1;
	v5 =	vadd.f32 v9, v5;
	v9 =	vld [tilespmem:s20+$0x8470]  }
0x336: {  	v4 =	vadd.f32 v4, v6;
	v6 =	vld [tilespmem:s20+$0x8460];
	v0 =	vadd.f32 v62, v0  }
0x337: {  	v5 =	vadd.f32 v8, v5;
	v8 =	vld [tilespmem:s20+$0x8870];
	v3 =	vadd.f32 v3, v17  }
0x338: {  	v2 =	vadd.f32 v2, v4;
	v4 =	vld [tilespmem:s20+$0x8860];
	v0 =	vadd.f32 v52, v0  }
0x339: {  	v1 =	vadd.f32 v23, v1;
	[tilespmem:$0x1F520] =	vst v3;
	v3 =	vld [tilespmem:$0x1F7F0]  }
0x33a: {  	v5 =	vadd.f32 v7, v5;
	v7 =	vld [tilespmem:s20+$0x8C60];
	v0 =	vadd.f32 v32, v0  }
0x33b: {  	v1 =	vadd.f32 v63, v1;
	v2 =	vadd.f32 v10, v2;
	v10 =	vld [tilespmem:s20+$0x8C70]  }
0x33c: {  	v5 =	vadd.f32 v6, v5;
	v6 =	vld [tilespmem:s20+$0x9060];
	v0 =	vadd.f32 v20, v0  }
0x33d: {  	v1 =	vadd.f32 v53, v1;
	v2 =	vadd.f32 v9, v2;
	v9 =	vld [tilespmem:s20+$0x9070]  }
0x33e: {  	v4 =	vadd.f32 v4, v5;
	v0 =	vadd.f32 v3, v0;
	v3 =	vld [tilespmem:$0x1F800]  }
0x33f: {  	v1 =	vadd.f32 v33, v1;
	v5 =	vld [tilespmem:s20+$0x9460];
	v2 =	vadd.f32 v8, v2  }
0x340: {  	v8 =	vld [tilespmem:s20+$0x9470];
	v4 =	vadd.f32 v7, v4  }
0x341: {  	v1 =	vadd.f32 v21, v1;
	v2 =	vadd.f32 v10, v2  }
0x342: {  	v7 =	vld [tilespmem:s20+$0x9860];
	v4 =	vadd.f32 v6, v4  }
0x343: {  	v2 =	vadd.f32 v9, v2;
	v1 =	vadd.f32 v3, v1;
	v3 =	vld [tilespmem:$0x1F7A0]  }
0x344: {  	v6 =	vld [tilespmem:s20+$0x9C60]  }
0x345: {  	v4 =	vadd.f32 v5, v4;
	v2 =	vadd.f32 v8, v2;
	v8 =	vld [tilespmem:$0x1F780];
	_ =	sdelay $0x1  }
0x346: {  	v9 =	vld [tilespmem:$0x1F760];
	v4 =	vadd.f32 v7, v4  }
0x347: {  	v0 =	vadd.f32 v3, v0;
	v3 =	vld [tilespmem:$0x1F7B0]  }
0x348: {  	v4 =	vadd.f32 v6, v4;
	v6 =	vld [tilespmem:$0x1F740]  }
0x349: {  	v0 =	vadd.f32 v8, v0;
	v8 =	vld [tilespmem:$0x1F790]  }
0x34a: {  	v10 =	vld [tilespmem:s20+$0x9870]  }
0x34b: {  	v0 =	vadd.f32 v9, v0;
	v9 =	vld [tilespmem:$0x1F770]  }
0x34c: {  	v1 =	vadd.f32 v3, v1;
	v3 =	vld [tilespmem:s20+$0x9C70]  }
0x34d: {  	v0 =	vadd.f32 v6, v0;
	v6 =	vld [tilespmem:$0x1F750]  }
0x34e: {  	v1 =	vadd.f32 v8, v1;
	v8 =	vld [tilespmem:s20+$0xA070]  }
0x34f: {  	v2 =	vadd.f32 v10, v2  }
0x350: {  	v1 =	vadd.f32 v9, v1;
	v9 =	vld [tilespmem:s20+$0xA470]  }
0x351: {  	v5 =	vld [tilespmem:s20+$0xA060];
	v2 =	vadd.f32 v3, v2  }
0x352: {  	v1 =	vadd.f32 v6, v1;
	v6 =	vld [tilespmem:s20+$0xA870]  }
0x353: {  	v2 =	vadd.f32 v8, v2;
	v8 =	vld [tilespmem:$0x1F720]  }
0x354: {  	v7 =	vld [tilespmem:s20+$0xA460]  }
0x355: {  	v2 =	vadd.f32 v9, v2;
	v9 =	vld [tilespmem:$0x1F700]  }
0x356: {  	v3 =	vld [tilespmem:s20+$0xA860]  }
0x357: {  	v2 =	vadd.f32 v6, v2;
	v6 =	vld [tilespmem:$0x1F6E0]  }
0x358: {  	v4 =	vadd.f32 v5, v4;
	v0 =	vadd.f32 v8, v0;
	v8 =	vld [tilespmem:$0x1F730]  }
0x359: {  	v5 =	vld [tilespmem:s20+$0xAC60]  }
0x35a: {  	v4 =	vadd.f32 v7, v4;
	v0 =	vadd.f32 v9, v0;
	v9 =	vld [tilespmem:$0x1F710]  }
0x35b: {  	v7 =	vld [tilespmem:s20+$0xB060]  }
0x35c: {  	v3 =	vadd.f32 v3, v4;
	v0 =	vadd.f32 v6, v0;
	v6 =	vld [tilespmem:$0x1F6F0]  }
0x35d: {  	v1 =	vadd.f32 v8, v1;
	v8 =	vld [tilespmem:s20+$0xAC70]  }
0x35e: {  	v4 =	vld [tilespmem:s20+$0xB460];
	v3 =	vadd.f32 v5, v3  }
0x35f: {  	v0 =	vadd.f32 v58, v0;
	v1 =	vadd.f32 v9, v1;
	v9 =	vld [tilespmem:s20+$0xB070]  }
0x360: {  	v5 =	vld [tilespmem:s20+$0xB860]  }
0x361: {  	v3 =	vadd.f32 v7, v3;
	v7 =	vld [tilespmem:s20+$0xBC60];
	v0 =	vadd.f32 v56, v0  }
0x362: {  	v1 =	vadd.f32 v6, v1;
	v6 =	vld [tilespmem:s20+$0xB470];
	v2 =	vadd.f32 v8, v2  }
0x363: {  	v8 =	vld [tilespmem:s20+$0xB870];
	v0 =	vadd.f32 v54, v0  }
0x364: {  	v2 =	vadd.f32 v9, v2;
	v9 =	vld [tilespmem:s20+$0xBC70];
	s20 =	sshra.s32 s21, $0x2  }
0x365: {  	v13 =	vadd.f32 v48, v0;
	v0 =	vld [tilespmem:s20+$0xB800];
	_ =	sdelay $0x4  }
0x366: {  	[tilespmem:$0x1F6A0] =	vst v0;
	v0 =	vld [tilespmem:s20+$0xB810];
	_ =	sdelay $0x4  }
0x367: {  	[tilespmem:$0x1F6B0] =	vst v0;
	v0 =	vld [tilespmem:s20+$0xB820];
	_ =	sdelay $0x4  }
0x368: {  	[tilespmem:$0x1F6C0] =	vst v0;
	v0 =	vld [tilespmem:s20+$0xB830];
	_ =	sdelay $0x4  }
0x369: {  	[tilespmem:$0x1F6D0] =	vst v0;
	v0 =	vld [tilespmem:s20+$0xB400];
	_ =	sdelay $0x4  }
0x36a: {  	[tilespmem:$0x1F620] =	vst v0;
	v0 =	vld [tilespmem:s20+$0xB410];
	_ =	sdelay $0x4  }
0x36b: {  	[tilespmem:$0x1F630] =	vst v0;
	v0 =	vld [tilespmem:s20+$0xB420];
	_ =	sdelay $0x4  }
0x36c: {  	[tilespmem:$0x1F640] =	vst v0;
	v0 =	vld [tilespmem:s20+$0xB430];
	_ =	sdelay $0x4  }
0x36d: {  	[tilespmem:$0x1F650] =	vst v0;
	v0 =	vld [tilespmem:s20+$0xB000];
	_ =	sdelay $0x4  }
0x36e: {  	[tilespmem:$0x1F5E0] =	vst v0;
	v0 =	vld [tilespmem:s20+$0xB010];
	_ =	sdelay $0x4  }
0x36f: {  	[tilespmem:$0x1F5F0] =	vst v0;
	v0 =	vld [tilespmem:s20+$0xB020];
	_ =	sdelay $0x4  }
0x370: {  	[tilespmem:$0x1F600] =	vst v0;
	v0 =	vld [tilespmem:s20+$0xB030];
	_ =	sdelay $0x4  }
0x371: {  	[tilespmem:$0x1F610] =	vst v0;
	v0 =	vld [tilespmem:s20+$0xAC00];
	_ =	sdelay $0x4  }
0x372: {  	[tilespmem:$0x1F5A0] =	vst v0;
	v0 =	vld [tilespmem:s20+$0xAC10];
	_ =	sdelay $0x4  }
0x373: {  	[tilespmem:$0x1F5B0] =	vst v0;
	v0 =	vld [tilespmem:s20+$0xAC20];
	_ =	sdelay $0x4  }
0x374: {  	[tilespmem:$0x1F5C0] =	vst v0;
	v0 =	vld [tilespmem:s20+$0xAC30];
	_ =	sdelay $0x4  }
0x375: {  	[tilespmem:$0x1F5D0] =	vst v0;
	v0 =	vld [tilespmem:s20+$0xAC40];
	_ =	sdelay $0x4  }
0x376: {  	[tilespmem:$0x1F6E0] =	vst v0;
	v0 =	vld [tilespmem:s20+$0xAC50];
	_ =	sdelay $0x1  }
0x377: {  	v60 =	vld [tilespmem:$0x1F4F0];
	v3 =	vadd.f32 v4, v3  }
0x378: {  	v4 =	vld [tilespmem:s20+$0xBC10]  }
0x379: {  	v3 =	vadd.f32 v5, v3;
	v61 =	vld [tilespmem:s20+$0xBC50]  }
0x37a: {  	[tilespmem:$0x1F6F0] =	vst v0;
	v0 =	vld [tilespmem:s20+$0xA800]  }
0x37b: {  	v12 =	vadd.f32 v7, v3;
	v7 =	vld [tilespmem:s20+$0xB850]  }
0x37c: {  	v24 =	vld [tilespmem:s20+$0xA000]  }
0x37d: {  	v19 =	vld [tilespmem:s20+$0xA010]  }
0x37e: {  	v26 =	vld [tilespmem:s20+$0x9C00]  }
0x37f: {  	[tilespmem:$0x1F560] =	vst v0;
	v0 =	vld [tilespmem:s20+$0xA810]  }
0x380: {  	v30 =	vld [tilespmem:s20+$0x9C10]  }
0x381: {  	v34 =	vld [tilespmem:s20+$0x9800]  }
0x382: {  	v38 =	vld [tilespmem:s20+$0x9810]  }
0x383: {  	v14 =	vld [tilespmem:s20+$0x9400]  }
0x384: {  	[tilespmem:$0x1F570] =	vst v0;
	v0 =	vld [tilespmem:s20+$0xA820]  }
0x385: {  	v23 =	vld [tilespmem:s20+$0x9420]  }
0x386: {  	v3 =	vld [tilespmem:s20+$0x9440]  }
0x387: {  	v62 =	vld [tilespmem:s20+$0x9000]  }
0x388: {  	v43 =	vld [tilespmem:s20+$0x9010]  }
0x389: {  	[tilespmem:$0x1F580] =	vst v0;
	v0 =	vld [tilespmem:s20+$0xA830]  }
0x38a: {  	v63 =	vld [tilespmem:s20+$0x9020]  }
0x38b: {  	v52 =	vld [tilespmem:s20+$0x8C00]  }
0x38c: {  	v53 =	vld [tilespmem:s20+$0x8C10]  }
0x38d: {  	v21 =	vld [tilespmem:s20+$0x8800]  }
0x38e: {  	[tilespmem:$0x1F590] =	vst v0;
	v0 =	vld [tilespmem:s20+$0xA840]  }
0x38f: {  	v32 =	vld [tilespmem:s20+$0x8810]  }
0x390: {  	v20 =	vld [tilespmem:s20+$0x8400]  }
0x391: {  	v33 =	vld [tilespmem:s20+$0x8410]  }
0x392: {  	v48 =	vld [tilespmem:s20+$0x8000]  }
0x393: {  	[tilespmem:$0x1F700] =	vst v0;
	v0 =	vld [tilespmem:s20+$0xA850]  }
0x394: {  	v1 =	vadd.f32 v59, v1;
	v56 =	vld [tilespmem:s20+$0x7C10]  }
0x395: {  	v41 =	vld [tilespmem:s20+$0x7800]  }
0x396: {  	v1 =	vadd.f32 v57, v1;
	v57 =	vld [tilespmem:s20+$0x7810]  }
0x397: {  	v58 =	vld [tilespmem:s20+$0x7400]  }
0x398: {  	[tilespmem:$0x1F710] =	vst v0;
	v0 =	vld [tilespmem:s20+$0xA400]  }
0x399: {  	v59 =	vld [tilespmem:s20+$0x7410]  }
0x39a: {  	v42 =	vld [tilespmem:s20+$0x7000]  }
0x39b: {  	v36 =	vld [tilespmem:s20+$0x7010]  }
0x39c: {  	v37 =	vld [tilespmem:s20+$0x6C00]  }
0x39d: {  	[tilespmem:$0x1F530] =	vst v0;
	v0 =	vld [tilespmem:s20+$0xA410]  }
0x39e: {  	v39 =	vld [tilespmem:s20+$0x6C10]  }
0x39f: {  	v40 =	vld [tilespmem:s20+$0x6800]  }
0x3a0: {  	v44 =	vld [tilespmem:s20+$0x6810]  }
0x3a1: {  	v5 =	vld [tilespmem:s20+$0x6410]  }
0x3a2: {  	[tilespmem:$0x1F540] =	vst v0;
	v0 =	vld [tilespmem:s20+$0xA420]  }
0x3a3: {  	v45 =	vld [tilespmem:s20+$0x6020]  }
0x3a4: {  	v46 =	vld [tilespmem:s20+$0x6030]  }
0x3a5: {  	v50 =	vld [tilespmem:s20+$0x6420]  }
0x3a6: {  	v51 =	vld [tilespmem:s20+$0x6430]  }
0x3a7: {  	[tilespmem:$0x1F550] =	vst v0;
	v0 =	vld [tilespmem:s20+$0xA440]  }
0x3a8: {  	v2 =	vadd.f32 v6, v2;
	[tilespmem:$0x1F670] =	vst v4;
	v4 =	vld [tilespmem:s20+$0xBC20]  }
0x3a9: {  	v54 =	vld [tilespmem:s20+$0x6820]  }
0x3aa: {  	v2 =	vadd.f32 v8, v2;
	v8 =	vld [tilespmem:s20+$0x6000]  }
0x3ab: {  	[tilespmem:$0x1F7A0] =	vst v3;
	v3 =	vld [tilespmem:s20+$0x9450]  }
0x3ac: {  	[tilespmem:$0x1F720] =	vst v0;
	v0 =	vld [tilespmem:s20+$0xA450]  }
0x3ad: {  	[tilespmem:$0x1F680] =	vst v4;
	v4 =	vld [tilespmem:s20+$0xBC30]  }
0x3ae: {  	v16 =	vadd.f32 v9, v2;
	v9 =	vld [tilespmem:s20+$0x6010]  }
0x3af: {  	v8 =	vadd.f32 v8, v60;
	v60 =	vld [tilespmem:$0x1F500]  }
0x3b0: {  	[tilespmem:$0x1F7B0] =	vst v3;
	v3 =	vld [tilespmem:s20+$0x9040]  }
0x3b1: {  	[tilespmem:$0x1F730] =	vst v0;
	v0 =	vld [tilespmem:s20+$0xA040]  }
0x3b2: {  	[tilespmem:$0x1F690] =	vst v4;
	v4 =	vld [tilespmem:s20+$0x6400]  }
0x3b3: {  	v6 =	vld [tilespmem:s20+$0xB040]  }
0x3b4: {  	v9 =	vadd.f32 v9, v60;
	v60 =	vld [tilespmem:$0x1F510]  }
0x3b5: {  	v1 =	vadd.f32 v55, v1;
	v55 =	vld [tilespmem:s20+$0x6830]  }
0x3b6: {  	v5 =	vadd.f32 v5, v9;
	[tilespmem:$0x1F740] =	vst v0;
	v0 =	vld [tilespmem:s20+$0xA050]  }
0x3b7: {  	[tilespmem:$0x1F7F0] =	vst v3;
	v3 =	vld [tilespmem:s20+$0x9050];
	v4 =	vadd.f32 v4, v8  }
0x3b8: {  	v18 =	vadd.f32 v49, v1;
	v49 =	vld [tilespmem:s20+$0x8010];
	v5 =	vadd.f32 v44, v5  }
0x3b9: {  	v45 =	vadd.f32 v45, v60;
	v60 =	vld [tilespmem:$0x1F520];
	v4 =	vadd.f32 v40, v4  }
0x3ba: {  	v5 =	vadd.f32 v39, v5;
	v39 =	vld [tilespmem:s20+$0x7820]  }
0x3bb: {  	v4 =	vadd.f32 v37, v4;
	[tilespmem:$0x1F750] =	vst v0;
	v0 =	vld [tilespmem:s20+$0x9C40]  }
0x3bc: {  	[tilespmem:$0x1F800] =	vst v3;
	v3 =	vld [tilespmem:s20+$0x7C00]  }
0x3bd: {  	v8 =	vld [tilespmem:s20+$0x6C30];
	v4 =	vadd.f32 v42, v4  }
0x3be: {  	v5 =	vadd.f32 v36, v5;
	v36 =	vld [tilespmem:s20+$0x7830]  }
0x3bf: {  	v46 =	vadd.f32 v46, v60;
	v60 =	vld [tilespmem:s20+$0x6C20];
	v4 =	vadd.f32 v58, v4  }
0x3c0: {  	v9 =	vadd.f32 v50, v45;
	[tilespmem:$0x1F760] =	vst v0;
	v0 =	vld [tilespmem:s20+$0x9C50]  }
0x3c1: {  	v45 =	vadd.f32 v51, v46;
	v46 =	vld [tilespmem:s20+$0x7020];
	v4 =	vadd.f32 v41, v4  }
0x3c2: {  	v40 =	vld [tilespmem:s20+$0x7030];
	v9 =	vadd.f32 v54, v9  }
0x3c3: {  	v44 =	vadd.f32 v55, v45;
	v45 =	vld [tilespmem:s20+$0x7420];
	v3 =	vadd.f32 v3, v4  }
0x3c4: {  	v5 =	vadd.f32 v59, v5;
	v37 =	vld [tilespmem:s20+$0x7430];
	v9 =	vadd.f32 v60, v9  }
0x3c5: {  	v8 =	vadd.f32 v8, v44;
	v3 =	vadd.f32 v48, v3;
	[tilespmem:$0x1F770] =	vst v0;
	v0 =	vld [tilespmem:s20+$0x9840]  }
0x3c6: {  	v5 =	vadd.f32 v57, v5;
	v42 =	vld [tilespmem:s20+$0x7C30];
	v9 =	vadd.f32 v46, v9  }
0x3c7: {  	v44 =	vld [tilespmem:s20+$0x8830];
	v8 =	vadd.f32 v40, v8;
	v3 =	vadd.f32 v20, v3  }
0x3c8: {  	v40 =	vld [tilespmem:s20+$0x7C20];
	v9 =	vadd.f32 v45, v9;
	v4 =	vadd.f32 v56, v5  }
0x3c9: {  	v8 =	vadd.f32 v37, v8;
	v37 =	vld [tilespmem:s20+$0x8020];
	v3 =	vadd.f32 v21, v3  }
0x3ca: {  	v4 =	vadd.f32 v49, v4;
	[tilespmem:$0x1F780] =	vst v0;
	v0 =	vld [tilespmem:s20+$0x9850]  }
0x3cb: {  	v45 =	vld [tilespmem:s20+$0x8030];
	v9 =	vadd.f32 v39, v9;
	v3 =	vadd.f32 v52, v3  }
0x3cc: {  	v8 =	vadd.f32 v36, v8;
	v36 =	vld [tilespmem:s20+$0x8420];
	v4 =	vadd.f32 v33, v4  }
0x3cd: {  	v5 =	vld [tilespmem:s20+$0x8430];
	v9 =	vadd.f32 v40, v9;
	v3 =	vadd.f32 v62, v3  }
0x3ce: {  	v39 =	vld [tilespmem:s20+$0x8820];
	v8 =	vadd.f32 v42, v8;
	v4 =	vadd.f32 v32, v4  }
0x3cf: {  	v9 =	vadd.f32 v37, v9;
	v3 =	vadd.f32 v14, v3;
	[tilespmem:$0x1F790] =	vst v0;
	v0 =	vld [tilespmem:s20+$0x9410]  }
0x3d0: {  	v8 =	vadd.f32 v45, v8;
	v45 =	vld [tilespmem:s20+$0x8C20];
	v4 =	vadd.f32 v53, v4  }
0x3d1: {  	v49 =	vmov v61;
	v61 =	vld [tilespmem:s20+$0x8C30];
	v9 =	vadd.f32 v36, v9;
	v3 =	vadd.f32 v34, v3  }
0x3d2: {  	v58 =	vmov v6;
	v5 =	vadd.f32 v5, v8;
	v4 =	vadd.f32 v43, v4;
	v6 =	vld [tilespmem:$0x1F530]  }
0x3d3: {  	v47 =	vld [tilespmem:s20+$0x9030];
	v8 =	vadd.f32 v39, v9;
	v3 =	vadd.f32 v26, v3  }
0x3d4: {  	v5 =	vadd.f32 v44, v5;
	v9 =	vld [tilespmem:$0x1F560];
	v0 =	vadd.f32 v0, v4  }
0x3d5: {  	v1 =	vld [tilespmem:s20+$0x9430];
	v8 =	vadd.f32 v45, v8;
	v3 =	vadd.f32 v24, v3  }
0x3d6: {  	v35 =	vld [tilespmem:s20+$0x9820];
	v5 =	vadd.f32 v61, v5;
	v0 =	vadd.f32 v38, v0  }
0x3d7: {  	v8 =	vadd.f32 v63, v8;
	v3 =	vadd.f32 v6, v3;
	v6 =	vld [tilespmem:$0x1F540]  }
0x3d8: {  	v27 =	vld [tilespmem:s20+$0x9C20];
	v5 =	vadd.f32 v47, v5;
	v0 =	vadd.f32 v30, v0  }
0x3d9: {  	v3 =	vadd.f32 v9, v3;
	v9 =	vld [tilespmem:$0x1F570];
	v4 =	vadd.f32 v23, v8  }
0x3da: {  	v25 =	vld [tilespmem:s20+$0xA020];
	v1 =	vadd.f32 v1, v5;
	v5 =	vadd.f32 v19, v0  }
0x3db: {  	v11 =	vld [tilespmem:s20+$0x9830];
	v4 =	vadd.f32 v35, v4  }
0x3dc: {  	v55 =	vmov v7;
	v7 =	vld [tilespmem:$0x1F550];
	v5 =	vadd.f32 v6, v5  }
0x3dd: {  	v31 =	vld [tilespmem:s20+$0x9C30];
	v4 =	vadd.f32 v27, v4  }
0x3de: {  	v5 =	vadd.f32 v9, v5;
	v9 =	vld [tilespmem:$0x1F580]  }
0x3df: {  	v22 =	vld [tilespmem:s20+$0xA030];
	v4 =	vadd.f32 v25, v4  }
0x3e0: {  	v1 =	vadd.f32 v11, v1  }
0x3e1: {  	v29 =	vld [tilespmem:s20+$0xA430];
	v4 =	vadd.f32 v7, v4  }
0x3e2: {  	v1 =	vadd.f32 v31, v1  }
0x3e3: {  	v4 =	vadd.f32 v9, v4;
	v9 =	vld [tilespmem:$0x1F590]  }
0x3e4: {  	v8 =	vadd.f32 v22, v1;
	_ =	sdelay $0x1  }
0x3e5: {  	v8 =	vadd.f32 v29, v8;
	_ =	sdelay $0x1  }
0x3e6: {  	v8 =	vadd.f32 v9, v8;
	v9 =	vld [tilespmem:$0x1F5A0];
	_ =	sdelay $0x4  }
0x3e7: {  	v3 =	vadd.f32 v9, v3;
	v9 =	vld [tilespmem:$0x1F5B0];
	_ =	sdelay $0x4  }
0x3e8: {  	v5 =	vadd.f32 v9, v5;
	v9 =	vld [tilespmem:$0x1F5C0];
	_ =	sdelay $0x4  }
0x3e9: {  	v4 =	vadd.f32 v9, v4;
	v9 =	vld [tilespmem:$0x1F5D0];
	_ =	sdelay $0x4  }
0x3ea: {  	v8 =	vadd.f32 v9, v8;
	v9 =	vld [tilespmem:$0x1F5E0]  }
0x3eb: {  	v10 =	vld [tilespmem:s20+$0xBC00];
	_ =	sdelay $0x2  }
0x3ec: {  	v28 =	vld [tilespmem:s20+$0xBC40]  }
0x3ed: {  	v3 =	vadd.f32 v9, v3;
	v9 =	vld [tilespmem:$0x1F5F0]  }
0x3ee: {  	[tilespmem:$0x1F660] =	vst v10;
	v10 =	vld [tilespmem:s20+$0xB840]  }
0x3ef: {  	v2 =	vld [tilespmem:s20+$0xB050]  }
0x3f0: {  	v15 =	vld [tilespmem:s20+$0xB450]  }
0x3f1: {  	v17 =	vld [tilespmem:s20+$0xB440]  }
0x3f2: {  	v5 =	vadd.f32 v9, v5;
	v9 =	vld [tilespmem:$0x1F600]  }
0x3f3: {  	v54 =	vmov v10;
	v10 =	vld [tilespmem:s20+$0x6840]  }
0x3f4: {  	v59 =	vmov v2;
	v2 =	vld [tilespmem:s20+$0x7440]  }
0x3f5: {  	v57 =	vmov v15;
	v15 =	vld [tilespmem:s20+$0x6440]  }
0x3f6: {  	v46 =	vmov v18;
	v18 =	vld [tilespmem:s20+$0x6450]  }
0x3f7: {  	v4 =	vadd.f32 v9, v4;
	v9 =	vld [tilespmem:$0x1F610]  }
0x3f8: {  	v20 =	vld [tilespmem:s20+$0x8C40]  }
0x3f9: {  	v33 =	vld [tilespmem:s20+$0x8850]  }
0x3fa: {  	v21 =	vld [tilespmem:s20+$0x8C50]  }
0x3fb: {  	v32 =	vld [tilespmem:s20+$0x8840]  }
0x3fc: {  	v8 =	vadd.f32 v9, v8;
	v9 =	vld [tilespmem:$0x1F620]  }
0x3fd: {  	v52 =	vld [tilespmem:s20+$0x8440]  }
0x3fe: {  	v53 =	vld [tilespmem:s20+$0x8450]  }
0x3ff: {  	v62 =	vld [tilespmem:s20+$0x8040]  }
0x400: {  	v14 =	vld [tilespmem:s20+$0x7C40]  }
0x401: {  	v51 =	vmov v12;
	v12 =	vadd.f32 v9, v3;
	v3 =	vld [tilespmem:$0x1F630]  }
0x402: {  	v63 =	vld [tilespmem:s20+$0x8050]  }
0x403: {  	v34 =	vld [tilespmem:s20+$0x7840]  }
0x404: {  	v26 =	vld [tilespmem:s20+$0x7450]  }
0x405: {  	v24 =	vld [tilespmem:s20+$0x6060]  }
0x406: {  	v50 =	vmov v13;
	v13 =	vadd.f32 v3, v5;
	v3 =	vld [tilespmem:$0x1F640]  }
0x407: {  	v11 =	vld [tilespmem:s20+$0x6850]  }
0x408: {  	v23 =	vld [tilespmem:s20+$0x7C50]  }
0x409: {  	v1 =	vld [tilespmem:s20+$0x7050]  }
0x40a: {  	v22 =	vld [tilespmem:s20+$0x6050]  }
0x40b: {  	p0 =	sne.s32 s21, $0xE00;
	v60 =	vmov v16;
	v16 =	vadd.f32 v3, v4;
	v3 =	vld [tilespmem:$0x1F650]  }
.Ltmp1:
0x40c: {  	v35 =	vld [tilespmem:s20+$0x7850];
	(pc) =	sbr.rel @p0 .LBB2_5-.Ltmp1, $4  }
0x40d: {  	v0 =	vld [tilespmem:s20+$0x7040]  }
0x40e: {  	v19 =	vld [tilespmem:s20+$0x6040]  }
0x40f: {  	v6 =	vld [tilespmem:s20+$0x6C40]  }
0x410: {  	s21 =	sadd.s32 $0x200, s21;
	v56 =	vmov v17;
	v48 =	vmov v28;
	v7 =	vld [tilespmem:s20+$0x6C50];
	v17 =	vadd.f32 v3, v8  }
0x411: {  	v3 =	vld [tilespmem:$0x1F6A0]  }
0x412: {  	v4 =	vld [tilespmem:$0x1F6B0]  }
0x413: {  	v45 =	vld [tilespmem:$0x1F660];
	_ =	sdelay $0x1  }
0x414: {  	v47 =	vld [tilespmem:$0x1F670]  }
0x415: {  	v3 =	vadd.f32 v3, v12;
	_ =	sdelay $0x1  }
0x416: {  	v8 =	vld [tilespmem:$0x1F6C0];
	v4 =	vadd.f32 v4, v13;
	v3 =	vadd.f32 v45, v3;
	_ =	sdelay $0x1  }
0x417: {  	[tilespmem:$0x1FFF0] =	vst v3;
	v3 =	vadd.f32 v47, v4;
	v4 =	vld [tilespmem:$0x1F680];
	_ =	sdelay $0x2  }
0x418: {  	v9 =	vld [tilespmem:$0x1F6D0];
	v8 =	vadd.f32 v8, v16  }
0x419: {  	v5 =	vld [tilespmem:s20+$0x6070]  }
0x41a: {  	v39 =	vadd.f32 v4, v8;
	v4 =	vld [tilespmem:$0x1F690];
	_ =	sdelay $0x1  }
0x41b: {  	v61 =	vld [tilespmem:s20+$0x6470]  }
0x41c: {  	v44 =	vld [tilespmem:s20+$0x6460];
	v9 =	vadd.f32 v9, v17  }
0x41d: {  	v31 =	vld [tilespmem:s20+$0x6870];
	v8 =	vadd.f32 v19, v50  }
0x41e: {  	v5 =	vadd.f32 v5, v60;
	v27 =	vadd.f32 v4, v9;
	v4 =	vld [tilespmem:s20+$0x6860]  }
0x41f: {  	v36 =	vadd.f32 v24, v51;
	v38 =	vld [tilespmem:s20+$0x6C70];
	v8 =	vadd.f32 v15, v8  }
0x420: {  	v37 =	vld [tilespmem:s20+$0x6C60];
	[tilespmem:$0x1FFE0] =	vst v3;
	v3 =	vadd.f32 v61, v5  }
0x421: {  	v40 =	vld [tilespmem:s20+$0x7070];
	v12 =	vadd.f32 v44, v36;
	v8 =	vadd.f32 v10, v8  }
0x422: {  	v5 =	vld [tilespmem:s20+$0x7060];
	v3 =	vadd.f32 v31, v3  }
0x423: {  	v6 =	vadd.f32 v6, v8;
	v8 =	vld [tilespmem:s20+$0x7470];
	v4 =	vadd.f32 v4, v12  }
0x424: {  	v41 =	vld [tilespmem:s20+$0x7460];
	v3 =	vadd.f32 v38, v3  }
0x425: {  	v0 =	vadd.f32 v0, v6;
	v6 =	vld [tilespmem:s20+$0x7870];
	v4 =	vadd.f32 v37, v4  }
0x426: {  	v30 =	vadd.f32 v22, v46;
	v42 =	vld [tilespmem:s20+$0x7860];
	v3 =	vadd.f32 v40, v3  }
0x427: {  	v43 =	vld [tilespmem:s20+$0x7C70];
	v4 =	vadd.f32 v5, v4  }
0x428: {  	v9 =	vadd.f32 v18, v30;
	v3 =	vadd.f32 v8, v3;
	v5 =	vld [tilespmem:s20+$0x7C60]  }
0x429: {  	v8 =	vld [tilespmem:s20+$0x8070];
	v4 =	vadd.f32 v41, v4  }
0x42a: {  	v9 =	vadd.f32 v11, v9;
	v3 =	vadd.f32 v6, v3  }
0x42b: {  	v44 =	vld [tilespmem:s20+$0x8470];
	v0 =	vadd.f32 v2, v0;
	v4 =	vadd.f32 v42, v4  }
0x42c: {  	v7 =	vadd.f32 v7, v9;
	v2 =	vadd.f32 v43, v3  }
0x42d: {  	v0 =	vadd.f32 v34, v0;
	v4 =	vadd.f32 v5, v4;
	v5 =	vld [tilespmem:s20+$0x8870]  }
0x42e: {  	v1 =	vadd.f32 v1, v7;
	v2 =	vadd.f32 v8, v2  }
0x42f: {  	v0 =	vadd.f32 v14, v0;
	v8 =	vld [tilespmem:s20+$0x8C70]  }
0x430: {  	v1 =	vadd.f32 v26, v1;
	v2 =	vadd.f32 v44, v2  }
0x431: {  	v0 =	vadd.f32 v62, v0  }
0x432: {  	v1 =	vadd.f32 v35, v1;
	v2 =	vadd.f32 v5, v2  }
0x433: {  	v0 =	vadd.f32 v52, v0  }
0x434: {  	v1 =	vadd.f32 v23, v1;
	v2 =	vadd.f32 v8, v2;
	v8 =	vld [tilespmem:$0x1F7F0]  }
0x435: {  	v0 =	vadd.f32 v32, v0  }
0x436: {  	v1 =	vadd.f32 v63, v1  }
0x437: {  	v0 =	vadd.f32 v20, v0  }
0x438: {  	v46 =	vld [tilespmem:s20+$0x9070];
	v1 =	vadd.f32 v53, v1  }
0x439: {  	v0 =	vadd.f32 v8, v0;
	v8 =	vld [tilespmem:$0x1F800]  }
0x43a: {  	v51 =	vld [tilespmem:s20+$0x9C70];
	v1 =	vadd.f32 v33, v1  }
0x43b: {  	v60 =	vld [tilespmem:s20+$0xA870]  }
0x43c: {  	v1 =	vadd.f32 v21, v1;
	v5 =	vld [tilespmem:s20+$0x9470]  }
0x43d: {  	v45 =	vld [tilespmem:s20+$0x8860]  }
0x43e: {  	v1 =	vadd.f32 v8, v1;
	v8 =	vld [tilespmem:s20+$0x9870]  }
0x43f: {  	v47 =	vld [tilespmem:$0x1F7A0];
	v2 =	vadd.f32 v46, v2  }
0x440: {  	v61 =	vld [tilespmem:$0x1F6E0]  }
0x441: {  	v2 =	vadd.f32 v5, v2;
	v5 =	vld [tilespmem:$0x1F780]  }
0x442: {  	v7 =	vld [tilespmem:s20+$0x8060]  }
0x443: {  	v2 =	vadd.f32 v8, v2;
	v8 =	vld [tilespmem:$0x1F760]  }
0x444: {  	v50 =	vld [tilespmem:$0x1F7B0];
	v0 =	vadd.f32 v47, v0  }
0x445: {  	v6 =	vld [tilespmem:s20+$0x8460]  }
0x446: {  	v0 =	vadd.f32 v5, v0;
	v5 =	vld [tilespmem:$0x1F790]  }
0x447: {  	v52 =	vld [tilespmem:$0x1F740]  }
0x448: {  	v4 =	vadd.f32 v7, v4;
	v0 =	vadd.f32 v8, v0;
	v8 =	vld [tilespmem:$0x1F770]  }
0x449: {  	v7 =	vld [tilespmem:s20+$0x8C60];
	v1 =	vadd.f32 v50, v1  }
0x44a: {  	v4 =	vadd.f32 v6, v4;
	v6 =	vld [tilespmem:s20+$0x9060]  }
0x44b: {  	v1 =	vadd.f32 v5, v1;
	v5 =	vld [tilespmem:s20+$0xA070]  }
0x44c: {  	v3 =	vadd.f32 v45, v4;
	v4 =	vld [tilespmem:s20+$0x9460]  }
0x44d: {  	v1 =	vadd.f32 v8, v1;
	v8 =	vld [tilespmem:s20+$0xA470]  }
0x44e: {  	v53 =	vld [tilespmem:$0x1F750];
	v3 =	vadd.f32 v7, v3;
	v2 =	vadd.f32 v51, v2  }
0x44f: {  	v7 =	vld [tilespmem:s20+$0x9860]  }
0x450: {  	v3 =	vadd.f32 v6, v3;
	v2 =	vadd.f32 v5, v2;
	v5 =	vld [tilespmem:$0x1F720]  }
0x451: {  	v6 =	vld [tilespmem:s20+$0x9C60]  }
0x452: {  	v3 =	vadd.f32 v4, v3;
	v2 =	vadd.f32 v8, v2;
	v8 =	vld [tilespmem:$0x1F700]  }
0x453: {  	v4 =	vld [tilespmem:s20+$0xA060];
	v0 =	vadd.f32 v52, v0  }
0x454: {  	v3 =	vadd.f32 v7, v3;
	v7 =	vld [tilespmem:s20+$0xA460]  }
0x455: {  	v0 =	vadd.f32 v5, v0;
	v5 =	vld [tilespmem:$0x1F730]  }
0x456: {  	v3 =	vadd.f32 v6, v3;
	v6 =	vld [tilespmem:s20+$0xA860]  }
0x457: {  	v0 =	vadd.f32 v8, v0;
	v8 =	vld [tilespmem:$0x1F710]  }
0x458: {  	v62 =	vld [tilespmem:$0x1F6F0];
	v3 =	vadd.f32 v4, v3;
	v1 =	vadd.f32 v53, v1  }
0x459: {  	v4 =	vld [tilespmem:s20+$0xAC60]  }
0x45a: {  	v3 =	vadd.f32 v7, v3;
	v1 =	vadd.f32 v5, v1;
	v5 =	vld [tilespmem:s20+$0xAC70]  }
0x45b: {  	v7 =	vld [tilespmem:s20+$0xB060]  }
0x45c: {  	v3 =	vadd.f32 v6, v3;
	v1 =	vadd.f32 v8, v1;
	v8 =	vld [tilespmem:s20+$0xB070]  }
0x45d: {  	v6 =	vld [tilespmem:s20+$0xB460];
	v2 =	vadd.f32 v60, v2  }
0x45e: {  	v63 =	vld [tilespmem:s20+$0xB470];
	v3 =	vadd.f32 v4, v3;
	v0 =	vadd.f32 v61, v0  }
0x45f: {  	v4 =	vld [tilespmem:s20+$0xB860];
	v2 =	vadd.f32 v5, v2;
	v1 =	vadd.f32 v62, v1  }
0x460: {  	v3 =	vadd.f32 v7, v3;
	v5 =	vld [tilespmem:s20+$0xB870];
	v0 =	vadd.f32 v58, v0  }
0x461: {  	s19 =	sadd.s32 $0x1, s19;
	v7 =	vld [tilespmem:s20+$0xBC60];
	v1 =	vadd.f32 v59, v1;
	v2 =	vadd.f32 v8, v2  }
0x462: {  	p0 =	sne.s32 s19, $0x10;
	v3 =	vadd.f32 v6, v3;
	v0 =	vadd.f32 v56, v0;
	v8 =	vld [tilespmem:s20+$0xBC70]  }
.Ltmp2:
0x463: {  	v1 =	vadd.f32 v57, v1;
	v2 =	vadd.f32 v63, v2;
	(pc) =	sbr.rel @p0 .LBB2_2-.Ltmp2, $4  }
0x464: {  	v3 =	vadd.f32 v4, v3;
	v0 =	vadd.f32 v54, v0  }
0x465: {  	v1 =	vadd.f32 v55, v1;
	v2 =	vadd.f32 v5, v2  }
0x466: {  	v61 =	vadd.f32 v7, v3;
	v40 =	vadd.f32 v48, v0  }
0x467: {  	v62 =	vadd.f32 v49, v1;
	v7 =	vadd.f32 v8, v2  }
0x468: {  	_ =	swait.ge [sflag:s15], $0x3400  }
0x469: {  	[sflag:s15] =	ssyncset.done $0x0  }
0x46a: {  	s19 =	simm.s32 $0xFFFFFC00;
	v57 =	vld [tilespmem:$0x1FFF0];
	[sflag:s15] =	ssyncadd.s32 $0xFFFFCC00  }
0x46b: {  	v30 =	vld [tilespmem:s19+$0xF400]  }
0x46c: {  	v16 =	vld [tilespmem:s19+$0xF410]  }
0x46d: {  	v17 =	vld [tilespmem:s19+$0xF420]  }
0x46e: {  	v19 =	vld [tilespmem:s19+$0xF430]  }
0x46f: {  	v59 =	vld [tilespmem:s19+$0xF440]  }
0x470: {  	v5 =	vld [tilespmem:s19+$0xF450]  }
0x471: {  	v21 =	vld [tilespmem:s19+$0xF000]  }
0x472: {  	v23 =	vld [tilespmem:s19+$0xF010]  }
0x473: {  	v20 =	vld [tilespmem:s19+$0xF020]  }
0x474: {  	v22 =	vld [tilespmem:s19+$0xF030]  }
0x475: {  	v6 =	vld [tilespmem:s19+$0xF040]  }
0x476: {  	v60 =	vld [tilespmem:s19+$0xF050]  }
0x477: {  	v1 =	vld [tilespmem:s19+$0xEC00]  }
0x478: {  	v2 =	vld [tilespmem:s19+$0xEC10]  }
0x479: {  	v3 =	vld [tilespmem:s19+$0xEC20]  }
0x47a: {  	v24 =	vld [tilespmem:s19+$0xEC30]  }
0x47b: {  	v8 =	vld [tilespmem:s19+$0xEC40]  }
0x47c: {  	v9 =	vld [tilespmem:s19+$0xEC50]  }
0x47d: {  	v28 =	vld [tilespmem:s19+$0xE800]  }
0x47e: {  	v29 =	vld [tilespmem:s19+$0xE810]  }
0x47f: {  	v14 =	vld [tilespmem:s19+$0xE820]  }
0x480: {  	v31 =	vld [tilespmem:s19+$0xE830]  }
0x481: {  	v10 =	vld [tilespmem:s19+$0xE840]  }
0x482: {  	v11 =	vld [tilespmem:s19+$0xE850]  }
0x483: {  	v34 =	vld [tilespmem:s19+$0xE400]  }
0x484: {  	v35 =	vld [tilespmem:s19+$0xE410]  }
0x485: {  	v36 =	vld [tilespmem:s19+$0xE420]  }
0x486: {  	v37 =	vld [tilespmem:s19+$0xE430]  }
0x487: {  	v12 =	vld [tilespmem:s19+$0xE440]  }
0x488: {  	v13 =	vld [tilespmem:s19+$0xE450]  }
0x489: {  	v4 =	vmov v40;
	v40 =	vld [tilespmem:s19+$0xE000]  }
0x48a: {  	v41 =	vld [tilespmem:s19+$0xE010]  }
0x48b: {  	v42 =	vld [tilespmem:s19+$0xE020]  }
0x48c: {  	v43 =	vld [tilespmem:s19+$0xE030]  }
0x48d: {  	v15 =	vld [tilespmem:s19+$0xE040]  }
0x48e: {  	v18 =	vld [tilespmem:s19+$0xE050]  }
0x48f: {  	v38 =	vld [tilespmem:s19+$0xDC00]  }
0x490: {  	v63 =	vmov v39;
	v39 =	vld [tilespmem:s19+$0xDC10]  }
0x491: {  	v44 =	vld [tilespmem:s19+$0xDC20]  }
0x492: {  	v45 =	vld [tilespmem:s19+$0xDC30]  }
0x493: {  	v58 =	vmov v27;
	v27 =	vld [tilespmem:s19+$0xD800]  }
0x494: {  	v32 =	vld [tilespmem:s19+$0xD810]  }
0x495: {  	v25 =	vld [tilespmem:s19+$0xD400]  }
0x496: {  	v26 =	vld [tilespmem:s19+$0xD410]  }
0x497: {  	v0 =	vld [tilespmem:s19+$0xD000]  }
0x498: {  	v33 =	vld [tilespmem:s19+$0xD010]  }
0x499: {  	v46 =	vld [tilespmem:s19+$0xCC00]  }
0x49a: {  	v47 =	vld [tilespmem:s19+$0xCC10]  }
0x49b: {  	v50 =	vld [tilespmem:s19+$0xC400]  }
0x49c: {  	v48 =	vld [tilespmem:s19+$0xC800]  }
0x49d: {  	v49 =	vld [tilespmem:s19+$0xC810]  }
0x49e: {  	v51 =	vld [tilespmem:s19+$0xC410]  }
0x49f: {  	v52 =	vld [tilespmem:s19+$0xC420]  }
0x4a0: {  	v50 =	vadd.f32 v50, v57;
	v57 =	vld [tilespmem:$0x1FFE0]  }
0x4a1: {  	v53 =	vld [tilespmem:s19+$0xC430]  }
0x4a2: {  	v54 =	vld [tilespmem:s19+$0xC820]  }
0x4a3: {  	v55 =	vld [tilespmem:s19+$0xC830]  }
0x4a4: {  	v56 =	vld [tilespmem:s19+$0xCC20]  }
0x4a5: {  	v48 =	vadd.f32 v48, v50;
	v51 =	vadd.f32 v51, v57;
	v57 =	vld [tilespmem:s19+$0xCC30]  }
0x4a6: {  	v52 =	vadd.f32 v52, v63;
	v53 =	vadd.f32 v53, v58;
	v58 =	vld [tilespmem:s19+$0xD020]  }
0x4a7: {  	v50 =	vld [tilespmem:s19+$0xD030];
	v46 =	vadd.f32 v46, v48;
	v49 =	vadd.f32 v49, v51  }
0x4a8: {  	v63 =	vadd.f32 v55, v53;
	v53 =	vld [tilespmem:s19+$0xD420];
	v51 =	vadd.f32 v54, v52  }
0x4a9: {  	v48 =	vld [tilespmem:s19+$0xD430];
	v46 =	vadd.f32 v0, v46;
	v47 =	vadd.f32 v47, v49  }
0x4aa: {  	v49 =	vadd.f32 v56, v51;
	v56 =	vld [tilespmem:s19+$0xD820];
	v63 =	vadd.f32 v57, v63  }
0x4ab: {  	v46 =	vadd.f32 v25, v46;
	v57 =	vld [tilespmem:s19+$0xD830];
	v33 =	vadd.f32 v33, v47  }
0x4ac: {  	v0 =	vld [tilespmem:s19+$0xDC40];
	v49 =	vadd.f32 v58, v49;
	v50 =	vadd.f32 v50, v63  }
0x4ad: {  	v25 =	vld [tilespmem:s19+$0xDC50];
	v46 =	vadd.f32 v27, v46;
	v33 =	vadd.f32 v26, v33  }
0x4ae: {  	v27 =	vld [tilespmem:s19+$0xD850];
	v49 =	vadd.f32 v53, v49;
	v48 =	vadd.f32 v48, v50  }
0x4af: {  	v46 =	vadd.f32 v38, v46;
	v38 =	vld [tilespmem:s19+$0xD040];
	v58 =	vadd.f32 v32, v33  }
0x4b0: {  	v26 =	vld [tilespmem:s19+$0xD840];
	v49 =	vadd.f32 v56, v49;
	v47 =	vadd.f32 v57, v48  }
0x4b1: {  	v40 =	vadd.f32 v40, v46;
	v32 =	vld [tilespmem:s19+$0xD440];
	v63 =	vadd.f32 v39, v58  }
0x4b2: {  	v33 =	vld [tilespmem:s19+$0xD450];
	v49 =	vadd.f32 v44, v49;
	v45 =	vadd.f32 v45, v47  }
0x4b3: {  	v34 =	vadd.f32 v34, v40;
	v40 =	vld [tilespmem:s19+$0xC840];
	v41 =	vadd.f32 v41, v63  }
0x4b4: {  	v39 =	vld [tilespmem:s19+$0xD050];
	v42 =	vadd.f32 v42, v49;
	v43 =	vadd.f32 v43, v45  }
0x4b5: {  	v44 =	vld [tilespmem:s19+$0xCC40];
	v28 =	vadd.f32 v28, v34;
	v35 =	vadd.f32 v35, v41  }
0x4b6: {  	v34 =	vld [tilespmem:s19+$0xC440];
	v36 =	vadd.f32 v36, v42;
	v37 =	vadd.f32 v37, v43  }
0x4b7: {  	v45 =	vld [tilespmem:s19+$0xCC50];
	v1 =	vadd.f32 v1, v28;
	v29 =	vadd.f32 v29, v35  }
0x4b8: {  	v28 =	vld [tilespmem:s19+$0xC460];
	v14 =	vadd.f32 v14, v36;
	v31 =	vadd.f32 v31, v37  }
0x4b9: {  	v41 =	vld [tilespmem:s19+$0xC850];
	v2 =	vadd.f32 v2, v29  }
0x4ba: {  	s20 =	simm.s32 $0xFFFFF200;
	v35 =	vld [tilespmem:s19+$0xC450];
	v3 =	vadd.f32 v3, v14;
	v24 =	vadd.f32 v24, v31  }
.LBB2_8:
0x4bb: {  	_ = 	snop  }
0x4bc: {  	v29 =	vld [tilespmem:s19+$0xC470];
	v1 =	vadd.f32 v21, v1;
	v2 =	vadd.f32 v23, v2  }
0x4bd: {  	v21 =	vld [tilespmem:s19+$0xC860];
	v3 =	vadd.f32 v20, v3;
	v20 =	vadd.f32 v22, v24  }
0x4be: {  	v22 =	vld [tilespmem:s19+$0xC870];
	v2 =	vadd.f32 v16, v2  }
0x4bf: {  	v14 =	vld [tilespmem:s19+$0xCC60];
	v3 =	vadd.f32 v17, v3;
	v24 =	vadd.f32 v19, v20  }
0x4c0: {  	v16 =	vadd.f32 v34, v4;
	v17 =	vadd.f32 v35, v62;
	v19 =	vld [tilespmem:s19+$0xCC70]  }
0x4c1: {  	v23 =	vadd.f32 v29, v7;
	v29 =	vld [tilespmem:s19+$0xD070];
	v20 =	vadd.f32 v28, v61  }
0x4c2: {  	v28 =	vld [tilespmem:s19+$0xD060];
	v16 =	vadd.f32 v40, v16;
	v17 =	vadd.f32 v41, v17  }
0x4c3: {  	v20 =	vadd.f32 v21, v20;
	v21 =	vadd.f32 v22, v23;
	v22 =	vld [tilespmem:s19+$0xD460]  }
0x4c4: {  	v23 =	vld [tilespmem:s19+$0xD470];
	v16 =	vadd.f32 v44, v16;
	v17 =	vadd.f32 v45, v17  }
0x4c5: {  	v14 =	vadd.f32 v14, v20;
	v19 =	vadd.f32 v19, v21;
	v20 =	vld [tilespmem:s19+$0xD860]  }
0x4c6: {  	v21 =	vld [tilespmem:s19+$0xD870];
	v16 =	vadd.f32 v38, v16;
	v17 =	vadd.f32 v39, v17  }
0x4c7: {  	v14 =	vadd.f32 v28, v14;
	v19 =	vadd.f32 v29, v19;
	v28 =	vld [tilespmem:s19+$0xDC60]  }
0x4c8: {  	v29 =	vld [tilespmem:s19+$0xDC70];
	v16 =	vadd.f32 v32, v16;
	v17 =	vadd.f32 v33, v17  }
0x4c9: {  	v14 =	vadd.f32 v22, v14;
	v19 =	vadd.f32 v23, v19;
	v22 =	vld [tilespmem:s19+$0xE060]  }
0x4ca: {  	v23 =	vld [tilespmem:s19+$0xE070];
	v16 =	vadd.f32 v26, v16;
	v17 =	vadd.f32 v27, v17  }
0x4cb: {  	v14 =	vadd.f32 v20, v14;
	v19 =	vadd.f32 v21, v19;
	v20 =	vld [tilespmem:s19+$0xE460]  }
0x4cc: {  	v0 =	vadd.f32 v0, v16;
	v16 =	vadd.f32 v25, v17;
	v17 =	vld [tilespmem:s19+$0xE470]  }
0x4cd: {  	v21 =	vld [tilespmem:s19+$0xE860];
	v14 =	vadd.f32 v28, v14;
	v19 =	vadd.f32 v29, v19  }
0x4ce: {  	v0 =	vadd.f32 v15, v0;
	v15 =	vadd.f32 v18, v16;
	v16 =	vld [tilespmem:s19+$0xE870]  }
0x4cf: {  	v14 =	vadd.f32 v22, v14;
	v18 =	vadd.f32 v23, v19;
	v19 =	vld [tilespmem:s19+$0xEC60]  }
0x4d0: {  	v0 =	vadd.f32 v12, v0;
	v12 =	vadd.f32 v13, v15;
	v13 =	vld [tilespmem:s19+$0xEC70]  }
0x4d1: {  	v14 =	vadd.f32 v20, v14;
	v15 =	vadd.f32 v17, v18;
	v18 =	vld [tilespmem:s19+$0xF060]  }
0x4d2: {  	v20 =	vld [tilespmem:s19+$0xF460];
	v0 =	vadd.f32 v10, v0;
	v10 =	vadd.f32 v11, v12  }
0x4d3: {  	v11 =	vld [tilespmem:s19+$0xF070]  }
0x4d4: {  	v0 =	vadd.f32 v8, v0;
	v8 =	vadd.f32 v9, v10;
	v9 =	vld [tilespmem:s19+$0xF470];
	s19 =	sshra.s32 s20, $0x2  }
0x4d5: {  	v1 =	vadd.f32 v30, v1;
	v30 =	vld [tilespmem:s19+$0xF400]  }
0x4d6: {  	v12 =	vadd.f32 v21, v14;
	v15 =	vadd.f32 v16, v15;
	v16 =	vld [tilespmem:s19+$0xF410]  }
0x4d7: {  	v17 =	vld [tilespmem:s19+$0xF420]  }
0x4d8: {  	v10 =	vadd.f32 v19, v12;
	v19 =	vld [tilespmem:s19+$0xF430]  }
0x4d9: {  	v63 =	vld [tilespmem:s19+$0xF440]  }
0x4da: {  	v21 =	vld [tilespmem:s19+$0xF000]  }
0x4db: {  	v23 =	vld [tilespmem:s19+$0xF010]  }
0x4dc: {  	v22 =	vld [tilespmem:s19+$0xF030]  }
0x4dd: {  	v28 =	vld [tilespmem:s19+$0xEC10]  }
0x4de: {  	v29 =	vld [tilespmem:s19+$0xEC20]  }
0x4df: {  	v31 =	vld [tilespmem:s19+$0xEC30]  }
0x4e0: {  	v34 =	vld [tilespmem:s19+$0xE800]  }
0x4e1: {  	v36 =	vld [tilespmem:s19+$0xE810]  }
0x4e2: {  	v35 =	vld [tilespmem:s19+$0xE820]  }
0x4e3: {  	v37 =	vld [tilespmem:s19+$0xE830]  }
0x4e4: {  	v40 =	vld [tilespmem:s19+$0xE400]  }
0x4e5: {  	v42 =	vld [tilespmem:s19+$0xE410]  }
0x4e6: {  	v41 =	vld [tilespmem:s19+$0xE420]  }
0x4e7: {  	v43 =	vld [tilespmem:s19+$0xE430]  }
0x4e8: {  	v12 =	vadd.f32 v13, v15;
	v13 =	vld [tilespmem:s19+$0xE450]  }
0x4e9: {  	v44 =	vld [tilespmem:s19+$0xE000]  }
0x4ea: {  	v45 =	vld [tilespmem:s19+$0xE010]  }
0x4eb: {  	v46 =	vld [tilespmem:s19+$0xE020]  }
0x4ec: {  	v47 =	vld [tilespmem:s19+$0xE030]  }
0x4ed: {  	v15 =	vld [tilespmem:s19+$0xE040]  }
0x4ee: {  	v38 =	vld [tilespmem:s19+$0xDC00]  }
0x4ef: {  	v39 =	vld [tilespmem:s19+$0xDC10]  }
0x4f0: {  	v48 =	vld [tilespmem:s19+$0xDC20]  }
0x4f1: {  	v49 =	vld [tilespmem:s19+$0xDC30]  }
0x4f2: {  	v27 =	vld [tilespmem:s19+$0xD800]  }
0x4f3: {  	v32 =	vld [tilespmem:s19+$0xD810]  }
0x4f4: {  	v25 =	vld [tilespmem:s19+$0xD400]  }
0x4f5: {  	v26 =	vld [tilespmem:s19+$0xD410]  }
0x4f6: {  	v33 =	vld [tilespmem:s19+$0xD010]  }
0x4f7: {  	v50 =	vld [tilespmem:s19+$0xCC00]  }
0x4f8: {  	v51 =	vld [tilespmem:s19+$0xCC10]  }
0x4f9: {  	v52 =	vld [tilespmem:s19+$0xC800]  }
0x4fa: {  	v53 =	vld [tilespmem:s19+$0xC810]  }
0x4fb: {  	v54 =	vld [tilespmem:s19+$0xC400]  }
0x4fc: {  	v55 =	vld [tilespmem:s19+$0xC410]  }
0x4fd: {  	v56 =	vld [tilespmem:s19+$0xC420]  }
0x4fe: {  	v57 =	vld [tilespmem:s19+$0xC430]  }
0x4ff: {  	v58 =	vld [tilespmem:s19+$0xC820]  }
0x500: {  	v0 =	vadd.f32 v6, v0;
	v6 =	vadd.f32 v60, v8;
	v60 =	vld [tilespmem:s19+$0xCC20]  }
0x501: {  	v7 =	vadd.f32 v18, v10;
	v10 =	vld [tilespmem:s19+$0xE840]  }
0x502: {  	v8 =	vadd.f32 v11, v12;
	v11 =	vld [tilespmem:s19+$0xE850]  }
0x503: {  	v12 =	vld [tilespmem:s19+$0xE440]  }
0x504: {  	v18 =	vld [tilespmem:s19+$0xE050]  }
0x505: {  	v14 =	vadd.f32 v5, v6;
	v5 =	vld [tilespmem:s19+$0xF450]  }
0x506: {  	v6 =	vld [tilespmem:s19+$0xF040]  }
0x507: {  	v4 =	vadd.f32 v59, v0;
	v0 =	vld [tilespmem:s19+$0xEC00]  }
0x508: {  	v59 =	vld [tilespmem:s19+$0xC830]  }
0x509: {  	v61 =	vadd.f32 v20, v7;
	v20 =	vld [tilespmem:s19+$0xF020]  }
0x50a: {  	v7 =	vld [tilespmem:s19+$0xF050]  }
0x50b: {  	v62 =	vadd.f32 v9, v8;
	v8 =	vld [tilespmem:s19+$0xEC40]  }
0x50c: {  	v9 =	vld [tilespmem:s19+$0xEC50]  }
0x50d: {  	v1 =	vadd.f32 v54, v1;
	v54 =	vld [tilespmem:s19+$0xCC30]  }
0x50e: {  	v2 =	vadd.f32 v55, v2;
	v55 =	vld [tilespmem:s19+$0xD020]  }
0x50f: {  	v3 =	vadd.f32 v56, v3;
	v56 =	vld [tilespmem:s19+$0xD420]  }
0x510: {  	v24 =	vadd.f32 v57, v24;
	v1 =	vadd.f32 v52, v1;
	v52 =	vld [tilespmem:s19+$0xD030]  }
0x511: {  	v2 =	vadd.f32 v53, v2;
	v3 =	vadd.f32 v58, v3;
	[tilespmem:$0x1F4E0] =	vst v0;
	v0 =	vld [tilespmem:s19+$0xD000]  }
0x512: {  	v57 =	vld [tilespmem:s19+$0xD430];
	v24 =	vadd.f32 v59, v24  }
0x513: {  	v58 =	vld [tilespmem:s19+$0xD820];
	v2 =	vadd.f32 v51, v2;
	v3 =	vadd.f32 v60, v3  }
0x514: {  	v59 =	vmov v63;
	v63 =	vld [tilespmem:s19+$0xD830];
	v1 =	vadd.f32 v50, v1;
	v24 =	vadd.f32 v54, v24  }
0x515: {  	v60 =	vmovc v7;
	v7 =	vmovc v62;
	v62 =	vmov v14;
	v14 =	vld [tilespmem:$0x1F4E0];
	v2 =	vadd.f32 v33, v2;
	v3 =	vadd.f32 v55, v3  }
0x516: {  	v33 =	vld [tilespmem:s19+$0xD450];
	v24 =	vadd.f32 v52, v24;
	v1 =	vadd.f32 v0, v1  }
0x517: {  	v0 =	vld [tilespmem:s19+$0xDC40];
	v2 =	vadd.f32 v26, v2;
	v3 =	vadd.f32 v56, v3  }
0x518: {  	v26 =	vld [tilespmem:s19+$0xD840];
	v24 =	vadd.f32 v57, v24;
	v1 =	vadd.f32 v25, v1  }
0x519: {  	v25 =	vld [tilespmem:s19+$0xDC50];
	v2 =	vadd.f32 v32, v2;
	v3 =	vadd.f32 v58, v3  }
0x51a: {  	v32 =	vld [tilespmem:s19+$0xD440];
	v24 =	vadd.f32 v63, v24;
	v1 =	vadd.f32 v27, v1  }
0x51b: {  	v27 =	vld [tilespmem:s19+$0xD850];
	v2 =	vadd.f32 v39, v2;
	v3 =	vadd.f32 v48, v3  }
0x51c: {  	v39 =	vld [tilespmem:s19+$0xD050];
	v24 =	vadd.f32 v49, v24;
	v1 =	vadd.f32 v38, v1  }
0x51d: {  	v38 =	vld [tilespmem:s19+$0xD040];
	v2 =	vadd.f32 v45, v2;
	v3 =	vadd.f32 v46, v3  }
0x51e: {  	v45 =	vld [tilespmem:s19+$0xCC50];
	v24 =	vadd.f32 v47, v24;
	v1 =	vadd.f32 v44, v1  }
0x51f: {  	p0 =	sne.s32 s20, $0xFFFFFE00;
	v44 =	vld [tilespmem:s19+$0xCC40];
	v2 =	vadd.f32 v42, v2;
	v3 =	vadd.f32 v41, v3  }
.Ltmp3:
0x520: {  	v41 =	vld [tilespmem:s19+$0xC850];
	v24 =	vadd.f32 v43, v24;
	v1 =	vadd.f32 v40, v1;
	(pc) =	sbr.rel @p0 .LBB2_8-.Ltmp3, $4  }
0x521: {  	v40 =	vld [tilespmem:s19+$0xC840];
	v2 =	vadd.f32 v36, v2;
	v3 =	vadd.f32 v35, v3  }
0x522: {  	v35 =	vld [tilespmem:s19+$0xC450];
	v24 =	vadd.f32 v37, v24;
	v1 =	vadd.f32 v34, v1  }
0x523: {  	v34 =	vld [tilespmem:s19+$0xC440];
	v2 =	vadd.f32 v28, v2;
	v3 =	vadd.f32 v29, v3  }
0x524: {  	s20 =	sadd.s32 $0x200, s20;
	v28 =	vld [tilespmem:s19+$0xC460];
	v24 =	vadd.f32 v31, v24;
	v1 =	vadd.f32 v14, v1  }
0x525: {  	v29 =	vld [tilespmem:s19+$0xC470];
	v2 =	vadd.f32 v23, v2;
	v3 =	vadd.f32 v20, v3  }
0x526: {  	v54 =	vld [tilespmem:s19+$0xC860];
	v1 =	vadd.f32 v21, v1;
	v55 =	vadd.f32 v22, v24  }
0x527: {  	v56 =	vld [tilespmem:s19+$0xC870];
	v2 =	vadd.f32 v16, v2;
	v3 =	vadd.f32 v17, v3  }
0x528: {  	v57 =	vld [tilespmem:s19+$0xCC60];
	v63 =	vadd.f32 v35, v62;
	v1 =	vadd.f32 v30, v1  }
0x529: {  	v14 =	vadd.f32 v19, v55;
	v58 =	vadd.f32 v34, v4;
	v34 =	vld [tilespmem:s19+$0xCC70]  }
0x52a: {  	v37 =	vld [tilespmem:s19+$0xD060];
	v35 =	vadd.f32 v28, v61;
	v36 =	vadd.f32 v29, v7  }
0x52b: {  	v42 =	vld [tilespmem:s19+$0xD070];
	v19 =	vadd.f32 v41, v63;
	v17 =	vadd.f32 v40, v58  }
0x52c: {  	v43 =	vld [tilespmem:s19+$0xD460];
	v21 =	vadd.f32 v54, v35;
	v22 =	vadd.f32 v56, v36  }
0x52d: {  	v19 =	vadd.f32 v45, v19;
	v45 =	vld [tilespmem:s19+$0xD470];
	v17 =	vadd.f32 v44, v17  }
0x52e: {  	v46 =	vld [tilespmem:s19+$0xD860];
	v16 =	vadd.f32 v57, v21;
	v20 =	vadd.f32 v34, v22  }
0x52f: {  	v47 =	vld [tilespmem:s19+$0xD870];
	v19 =	vadd.f32 v39, v19;
	v17 =	vadd.f32 v38, v17  }
0x530: {  	v48 =	vld [tilespmem:s19+$0xDC60];
	v16 =	vadd.f32 v37, v16;
	v20 =	vadd.f32 v42, v20  }
0x531: {  	v49 =	vld [tilespmem:s19+$0xDC70];
	v19 =	vadd.f32 v33, v19;
	v17 =	vadd.f32 v32, v17  }
0x532: {  	v50 =	vld [tilespmem:s19+$0xE060];
	v16 =	vadd.f32 v43, v16;
	v20 =	vadd.f32 v45, v20  }
0x533: {  	v51 =	vld [tilespmem:s19+$0xE070];
	v19 =	vadd.f32 v27, v19;
	v17 =	vadd.f32 v26, v17  }
0x534: {  	v52 =	vld [tilespmem:s19+$0xE460];
	v16 =	vadd.f32 v46, v16;
	v20 =	vadd.f32 v47, v20  }
0x535: {  	v54 =	vld [tilespmem:s19+$0xE470];
	v53 =	vadd.f32 v25, v19;
	v0 =	vadd.f32 v0, v17  }
0x536: {  	v55 =	vld [tilespmem:s19+$0xE860];
	v16 =	vadd.f32 v48, v16;
	v20 =	vadd.f32 v49, v20  }
0x537: {  	v56 =	vld [tilespmem:s19+$0xE870];
	v0 =	vadd.f32 v15, v0;
	v15 =	vadd.f32 v18, v53  }
0x538: {  	v58 =	vld [tilespmem:s19+$0xEC60];
	v16 =	vadd.f32 v50, v16;
	v57 =	vadd.f32 v51, v20  }
0x539: {  	v0 =	vadd.f32 v12, v0;
	v12 =	vadd.f32 v13, v15;
	v13 =	vld [tilespmem:s19+$0xEC70]  }
0x53a: {  	v62 =	vld [tilespmem:s19+$0xF060];
	v15 =	vadd.f32 v52, v16;
	v61 =	vadd.f32 v54, v57  }
0x53b: {  	v0 =	vadd.f32 v10, v0;
	v10 =	vadd.f32 v11, v12;
	v11 =	vld [tilespmem:s19+$0xF070]  }
0x53c: {  	v63 =	vld [tilespmem:s19+$0xF460];
	v12 =	vadd.f32 v55, v15;
	v15 =	vadd.f32 v56, v61  }
0x53d: {  	v0 =	vadd.f32 v8, v0;
	v8 =	vadd.f32 v9, v10;
	v9 =	vld [tilespmem:s19+$0xF470]  }
0x53e: {  	v10 =	vadd.f32 v58, v12;
	v12 =	vadd.f32 v13, v15  }
0x53f: {  	v0 =	vadd.f32 v6, v0;
	v6 =	vadd.f32 v60, v8  }
0x540: {  	v7 =	vadd.f32 v62, v10;
	v8 =	vadd.f32 v11, v12  }
0x541: {  	s20 =	simm.s32 $0x0;
	v4 =	vadd.f32 v59, v0;
	v5 =	vadd.f32 v5, v6  }
0x542: {  	s19 =	simm.s32 $0x200;
	v0 =	vimm.f32 $0.0e+00;
	v6 =	vadd.f32 v63, v7;
	v7 =	vadd.f32 v9, v8;
	v8 =	vld [tilespmem:s20+$0xF030]  }
.LBB2_10:
0x543: {  	p0 =	sne.s32 s19, $0xE00  }
.Ltmp4:
0x544: {  	_ = 	snop;
	(pc) =	sbr.rel @p0 .LBB2_10-.Ltmp4, $3  }
0x545: {  	_ =	sdelay $0x1  }
0x546: {  	s20 =	sshra.s32 s19, $0x2;
	s19 =	sadd.s32 $0x200, s19;
	v9 =	vsel vm0, $0x0, v8  }
0x547: {  	v8 =	vld [tilespmem:s20+$0xF030];
	v0 =	vadd.f32 v9, v0  }
0x548: {  	v1 =	vadd.f32 v2, v1;
	_ =	sdelay $0x1  }
0x549: {  	v1 =	vadd.f32 v3, v1;
	_ =	sdelay $0x1  }
0x54a: {  	v1 =	vadd.f32 v14, v1;
	_ =	sdelay $0x1  }
0x54b: {  	v1 =	vadd.f32 v4, v1;
	_ =	sdelay $0x1  }
0x54c: {  	v1 =	vadd.f32 v5, v1;
	_ =	sdelay $0x1  }
0x54d: {  	v1 =	vadd.f32 v6, v1;
	_ =	sdelay $0x1  }
0x54e: {  	v1 =	vadd.f32 v7, v1;
	_ =	sdelay $0x1  }
0x54f: {  	[tilespmem:$0xF400] =	vst v1  }
0x550: {  	[hbm4b:s8+s3] =	stream.linear.scatter [tilespmem:s16], [sflag:$0x4], $0x80, $0x38;
	[tilespmem:$0xF480] =	vst v63  }
0x551: {  	v63 =	vsel vm0, $0x0, v8;
	_ =	swait.ge [sflag:s17], $0x80  }
0x552: {  	s18 =	sadd.s32 $0x1, s18;
	v0 =	vadd.f32 v63, v0;
	[sflag:s17] =	ssyncset.done $0x0  }
0x553: {  	p0 =	sne.s32 s18, s10;
	[sflag:s17] =	ssyncadd.s32 $0xFFFFFF80  }
.Ltmp5:
0x554: {  	[tilespmem:$0xF400] =	vst v0;
	(pc) =	sbr.rel @p0 .LBB2_1-.Ltmp5, $4  }
0x555: {  	[hbm4b:s9+s3] =	stream.linear.scatter [tilespmem:s16], [sflag:$0x4], $0x80, $0x38;
	[tilespmem:$0xF480] =	vst v63  }
0x556: {  	_ =	swait.ge [sflag:s17], $0x80  }
0x557: {  	[sflag:s17] =	ssyncset.done $0x0  }
0x558: {  	[sflag:s17] =	ssyncadd.s32 $0xFFFFFF80  }
0x559: {  	_ =	sfence.sel $0x180000  }
0x55a: {  	[bflag:$0x0] =	sbarrier.arrive $0xFFFF  }
0x55b: {  	p0 =	sne.s32 s0, $0x0;
	_ =	strace $0x90000047  }
0x55c: {  	s0 =	sadd.s32 @!p0 $0x100000, s1;
	[bflag:$0x2] =	sbarrier.arrive $0xFFFF  }
0x55d: {  	[sflag:s0] =	ssyncadd.tile.s32 @!p0 $0x1;
	_ =	shalt  }
.Lfunc_end2:
_tile_overlayer_lowered:
.L_overlay_start_2:
0x55e: {  	(tag) =	ssettag $0x2  }
0x55f: {  	s0 =	rddreg [dreg:$0x0];
	s2 =	stileid.u32  }
0x560: {  	s1 =	rddreg [dreg:$0x1];
	p0 =	sne.s32 s2, $0x0  }
0x561: {  	s3 =	rddreg [dreg:$0x2];
	[bflag:$0x3] =	sbarrier.arrive $0xFFFF;
	s2 =	simm.s32 @!p0 $0x1C04  }
0x562: {  	[timem:s3], [sflag:s2] =	dma.local @!p0 [hbm:s0], s1  }
0x563: {  	s0 =	simm.s32 @!p0 $0x4  }
0x564: {  	_ =	swait.ge @!p0 [sflag:s0], s1  }
0x565: {  	s1 =	ssub.s32 @!p0 $0x0, s1;
	[sflag:s0] =	ssyncset.done @!p0 $0x0  }
0x566: {  	[sflag:s0] =	ssyncadd.s32 @!p0 s1  }
0x567: {  	[bflag:$0x3] =	sbarrier.arrive $0xFFFF  }
0x568: {  	_ =	shalt  }

</sc_bundles>
